<compile_context>
chip_gen: v7x
topology: tpu7x:2x2x1
jax: 0.10.2.dev20260603
libtpu: 0.0.44.dev20260713+nightly
codegen_flags: <defaults>
</compile_context>

<pallas_src>
import functools

import jax
import jax.numpy as jnp
from jax import lax
from jax.experimental import pallas as pl
from jax.experimental.pallas import tpu as pltpu
from jax.experimental.pallas import tpu_sc as plsc

N = 10000
E = 320000
H = 128
G = 64
OUT = 128

BN = 2000
GRID = N // BN

NC = 2
NS = 16
NW = NC * NS
EPW = E // NW
CHUNK = 50
NCHUNK = EPW // CHUNK

F32 = jnp.float32



_sc_mesh = plsc.VectorSubcoreMesh(core_axis_name="c", subcore_axis_name="s")

NBUF = 4
GLEAD = 2

CHUNK = 64
ROWS_BASE = 78
CH_BASE = 2 * ROWS_BASE


@functools.partial(
    pl.kernel,
    mesh=_sc_mesh,
    out_type=jax.ShapeDtypeStruct((NC, N, H), F32),
    scratch_types=[
        pltpu.VMEM((NBUF, CHUNK), jnp.int32),
        pltpu.VMEM((NBUF, CHUNK), jnp.int32),
        pltpu.VMEM((NBUF, CHUNK, H), F32),
        pltpu.VMEM_SHARED((N, H), F32),
    ] + [pltpu.SemaphoreType.DMA] * (2 * NBUF),
)
def _edge_agg(m_hbm, src_hbm, dst_hbm, zero_hbm, out_hbm,
              sidx, didx, rows, accum, *sems):
    isem = sems[:NBUF]
    gsem = sems[NBUF:]
    c = lax.axis_index("c")
    s = lax.axis_index("s")
    wid = s * NC + c
    base = (wid * ROWS_BASE + jnp.minimum(wid, 4)) * 128
    cnt = CH_BASE + 2 * (wid < 4).astype(jnp.int32)

    def fire_idx(k, t):
        pltpu.async_copy(src_hbm.at[pl.ds(base + k * CHUNK, CHUNK)],
                         sidx.at[t], isem[t])
        pltpu.async_copy(dst_hbm.at[pl.ds(base + k * CHUNK, CHUNK)],
                         didx.at[t], isem[t])

    def wait_idx(k, t):
        pltpu.make_async_copy(src_hbm.at[pl.ds(base + k * CHUNK, CHUNK)],
                              sidx.at[t], isem[t]).wait()
        pltpu.make_async_copy(dst_hbm.at[pl.ds(base + k * CHUNK, CHUNK)],
                              didx.at[t], isem[t]).wait()

    def fire_gather(t):
        pltpu.async_copy(m_hbm.at[sidx.at[t]], rows.at[t], gsem[t])

    def wait_gather(t):
        pltpu.make_async_copy(m_hbm.at[sidx.at[t]], rows.at[t],
                              gsem[t]).wait()

    for t in range(NBUF):
        fire_idx(t, t)
    for t in range(GLEAD):
        wait_idx(t, t)
        fire_gather(t)

    @pl.when(s < 10)
    def _():
        pltpu.sync_copy(zero_hbm, accum.at[pl.ds(s * 1000, 1000)])

    plsc.subcore_barrier()

    def slot(k, t):
        tg = (t + GLEAD) % NBUF

        @pl.when(k + GLEAD < cnt)
        def _():
            wait_idx(k + GLEAD, tg)
            fire_gather(tg)

        wait_gather(t)
        pltpu.sync_copy(rows.at[t], accum.at[didx.at[t]], add=True)

        @pl.when(k + NBUF < cnt)
        def _():
            fire_idx(k + NBUF, t)

    def body(j, carry):
        for t in range(NBUF):
            slot(j * NBUF + t, t)
        return carry

    lax.fori_loop(0, CH_BASE // NBUF, body, 0)

    for k in range(CH_BASE, CH_BASE + 2):
        @pl.when(cnt > k)
        def _():
            slot(k, k % NBUF)

    plsc.subcore_barrier()

    @pl.when(s < 10)
    def _():
        pltpu.sync_copy(accum.at[pl.ds(s * 1000, 1000)],
                        out_hbm.at[c, pl.ds(s * 1000, 1000)])




EDGE_ROWS_PAD = 2560
_EB = 16384


def _relay_body(e_ref, so_ref, do_ref):
    eb = e_ref[...]
    so_ref[...] = eb[0].reshape(128, 128)
    do_ref[...] = eb[1].reshape(128, 128)


_relay_call = pl.pallas_call(
    _relay_body,
    grid=(EDGE_ROWS_PAD // 128,),
    in_specs=[
        pl.BlockSpec((2, _EB), lambda i: (0, i)),
    ],
    out_specs=[
        pl.BlockSpec((128, 128), lambda i: (i, 0)),
        pl.BlockSpec((128, 128), lambda i: (i, 0)),
    ],
    out_shape=[
        jax.ShapeDtypeStruct((EDGE_ROWS_PAD, 128), jnp.int32),
        jax.ShapeDtypeStruct((EDGE_ROWS_PAD, 128), jnp.int32),
    ],
)


BF16 = jnp.bfloat16


def _gru(parts0, parts1, gh, h, w_ih_t, b_ih):
    agg = (parts0 + parts1).astype(BF16)
    gi = jnp.dot(agg, w_ih_t, preferred_element_type=F32) + b_ih
    r = jax.nn.sigmoid(gi[:, :H] + gh[:, :H])
    z = jax.nn.sigmoid(gi[:, H:2 * H] + gh[:, H:2 * H])
    n = jnp.tanh(gi[:, 2 * H:] + r * gh[:, 2 * H:])
    return (1.0 - z) * n + z * h


def _entry_body(x_ref, w_in_ref, b_in_ref, g_ref, w_hh_ref, b_hh_ref,
                h_ref, m_ref, gh_ref):
    xb = x_ref[...].astype(BF16)
    h = jnp.dot(xb, w_in_ref[...], preferred_element_type=F32) + b_in_ref[...]
    h_ref[...] = h.astype(BF16)
    hb = h.astype(BF16)
    m_ref[...] = jnp.dot(hb, g_ref[...], preferred_element_type=F32)
    gh_ref[...] = (jnp.dot(hb, w_hh_ref[...], preferred_element_type=F32)
                   + b_hh_ref[...]).astype(BF16)


def _mid_body(parts_ref, gh_ref, h_ref, w_ih_ref, b_ih_ref, g_ref,
              w_hh_ref, b_hh_ref, h_out_ref, m_ref, gh_out_ref):
    h_new = _gru(parts_ref[0], parts_ref[1], gh_ref[...].astype(F32),
                 h_ref[...].astype(F32), w_ih_ref[...], b_ih_ref[...])
    h_out_ref[...] = h_new.astype(BF16)
    hb = h_new.astype(BF16)
    m_ref[...] = jnp.dot(hb, g_ref[...], preferred_element_type=F32)
    gh_out_ref[...] = (jnp.dot(hb, w_hh_ref[...], preferred_element_type=F32)
                       + b_hh_ref[...]).astype(BF16)


def _final_body(parts_ref, gh_ref, h_ref, w_ih_ref, b_ih_ref, batch_ref,
                w_out_ref, b_out_ref, out_ref, sums_ref, cnt_ref):
    i = pl.program_id(0)

    @pl.when(i == 0)
    def _():
        sums_ref[...] = jnp.zeros_like(sums_ref)
        cnt_ref[...] = jnp.zeros_like(cnt_ref)

    h_new = _gru(parts_ref[0], parts_ref[1], gh_ref[...].astype(F32),
                 h_ref[...].astype(F32), w_ih_ref[...], b_ih_ref[...])
    b_blk = batch_ref[0, 0, :]
    oh = (b_blk[:, None] == lax.broadcasted_iota(jnp.int32, (BN, G), 1)).astype(F32)
    sums_ref[...] += lax.dot_general(oh, h_new, (((0,), (0,)), ((), ())),
                                     preferred_element_type=F32)
    cnt_ref[...] += lax.dot_general(oh, jnp.ones((BN, 8), F32),
                                    (((0,), (0,)), ((), ())),
                                    preferred_element_type=F32)

    @pl.when(i == GRID - 1)
    def _():
        pooled = sums_ref[...] / jnp.maximum(cnt_ref[...][:, :1], 1.0)
        out_ref[...] = jnp.dot(pooled, w_out_ref[...],
                               preferred_element_type=F32) + b_out_ref[...]


def _row_spec(width):
    return pl.BlockSpec((BN, width), lambda i: (i, 0))


def _full_spec(rows, cols):
    return pl.BlockSpec((rows, cols), lambda i: (0, 0))


_entry_call = pl.pallas_call(
    _entry_body,
    grid=(GRID,),
    in_specs=[
        _row_spec(H),
        _full_spec(H, H),
        _full_spec(1, H),
        _full_spec(H, H),
        _full_spec(H, 3 * H),
        _full_spec(1, 3 * H),
    ],
    out_specs=[_row_spec(H), _row_spec(H), _row_spec(3 * H)],
    out_shape=[
        jax.ShapeDtypeStruct((N, H), BF16),
        jax.ShapeDtypeStruct((N, H), F32),
        jax.ShapeDtypeStruct((N, 3 * H), BF16),
    ],
)

_mid_call = pl.pallas_call(
    _mid_body,
    grid=(GRID,),
    in_specs=[
        pl.BlockSpec((NC, BN, H), lambda i: (0, i, 0)),
        _row_spec(3 * H),
        _row_spec(H),
        _full_spec(H, 3 * H),
        _full_spec(1, 3 * H),
        _full_spec(H, H),
        _full_spec(H, 3 * H),
        _full_spec(1, 3 * H),
    ],
    out_specs=[_row_spec(H), _row_spec(H), _row_spec(3 * H)],
    out_shape=[
        jax.ShapeDtypeStruct((N, H), BF16),
        jax.ShapeDtypeStruct((N, H), F32),
        jax.ShapeDtypeStruct((N, 3 * H), BF16),
    ],
)

_final_call = pl.pallas_call(
    _final_body,
    grid=(GRID,),
    in_specs=[
        pl.BlockSpec((NC, BN, H), lambda i: (0, i, 0)),
        _row_spec(3 * H),
        _row_spec(H),
        _full_spec(H, 3 * H),
        _full_spec(1, 3 * H),
        pl.BlockSpec((1, 1, BN), lambda i: (i, 0, 0)),
        _full_spec(H, OUT),
        _full_spec(1, OUT),
    ],
    out_specs=pl.BlockSpec((G, OUT), lambda i: (0, 0)),
    out_shape=jax.ShapeDtypeStruct((G, OUT), F32),
    scratch_shapes=[
        pltpu.VMEM((G, OUT), F32),
        pltpu.VMEM((G, 8), F32),
    ],
)


def kernel(node_embed, edge_index, batch, W_in, b_in, ggnn_w, W_ih, W_hh,
           b_ih, b_hh, W_out, b_out):
    src2, dst2 = _relay_call(edge_index)
    src2 = src2.reshape(EDGE_ROWS_PAD * 128)
    dst2 = dst2.reshape(EDGE_ROWS_PAD * 128)
    w_in_t = W_in.T.astype(BF16)
    w_ih_t = W_ih.T.astype(BF16)
    w_hh_t = W_hh.T.astype(BF16)
    w_out_t = W_out.T
    ggnn_w = ggnn_w.astype(BF16)
    b_in2 = b_in.reshape(1, H)
    b_ih2 = b_ih.reshape(1, 3 * H)
    b_hh2 = b_hh.reshape(1, 3 * H)
    b_out2 = b_out.reshape(1, OUT)
    batch3 = batch.reshape(GRID, 1, BN)
    zeros = jnp.zeros((1000, H), F32)

    h, m, gh = _entry_call(node_embed, w_in_t, b_in2, ggnn_w[0], w_hh_t, b_hh2)
    out = None
    for layer in range(3):
        parts = _edge_agg(m, src2, dst2, zeros)
        if layer < 2:
            h, m, gh = _mid_call(parts, gh, h, w_ih_t, b_ih2,
                                 ggnn_w[layer + 1], w_hh_t, b_hh2)
        else:
            out = _final_call(parts, gh, h, w_ih_t, b_ih2, batch3,
                              w_out_t, b_out2)
    return out

# --- scband reference (transcript-rebuilt; emitter-appended) ---
"""Pipeline reference for scband-simple-ggnn-59425167507918 (READ-ONLY COPY).

The authoritative reference and input builder live on the scoring server;
editing this copy changes nothing except your own understanding.
"""

import jax, jax.numpy as jnp
import numpy as np

N = 10000
E = 320000
D = 128
H = 128
L = 3
G = 64
OUT = 128


def setup_inputs(seed: int = 0) -> dict:
    key = jax.random.key(seed)
    ks = jax.random.split(key, 12)
    node_embed = jax.random.normal(ks[0], (N, D), dtype=jnp.float32)
    edge_index = jax.random.randint(ks[1], (2, E), 0, N, dtype=jnp.int32)
    batch = jnp.sort(jax.random.randint(ks[2], (N,), 0, G, dtype=jnp.int32))
    s_in = 1.0 / np.sqrt(D)
    s_h = 1.0 / np.sqrt(H)
    W_in = jax.random.uniform(ks[3], (H, D), jnp.float32, -s_in, s_in)
    b_in = jax.random.uniform(ks[4], (H,), jnp.float32, -s_in, s_in)
    ggnn_w = jax.random.uniform(ks[5], (L, H, H), jnp.float32, -s_h, s_h)
    W_ih = jax.random.uniform(ks[6], (3 * H, H), jnp.float32, -s_h, s_h)
    W_hh = jax.random.uniform(ks[7], (3 * H, H), jnp.float32, -s_h, s_h)
    b_ih = jax.random.uniform(ks[8], (3 * H,), jnp.float32, -s_h, s_h)
    b_hh = jax.random.uniform(ks[9], (3 * H,), jnp.float32, -s_h, s_h)
    W_out = jax.random.uniform(ks[10], (OUT, H), jnp.float32, -s_h, s_h)
    b_out = jax.random.uniform(ks[11], (OUT,), jnp.float32, -s_h, s_h)
    return {"node_embed": node_embed, "edge_index": edge_index, "batch": batch,
            "W_in": W_in, "b_in": b_in, "ggnn_w": ggnn_w,
            "W_ih": W_ih, "W_hh": W_hh, "b_ih": b_ih, "b_hh": b_hh,
            "W_out": W_out, "b_out": b_out}


def reference(node_embed, edge_index, batch, W_in, b_in, ggnn_w, W_ih, W_hh, b_ih, b_hh, W_out, b_out):
    # input_linear
    h = node_embed @ W_in.T + b_in
    src = edge_index[0]
    dst = edge_index[1]
    # GatedGraphConv: per layer, linear transform -> scatter-add message passing -> GRUCell
    for i in range(L):
        m = h @ ggnn_w[i]
        agg = jax.ops.segment_sum(m[src], dst, num_segments=N)
        gi = agg @ W_ih.T + b_ih
        gh = h @ W_hh.T + b_hh
        i_r, i_z, i_n = jnp.split(gi, 3, axis=1)
        h_r, h_z, h_n = jnp.split(gh, 3, axis=1)
        r = jax.nn.sigmoid(i_r + h_r)
        z = jax.nn.sigmoid(i_z + h_z)
        n = jnp.tanh(i_n + r * h_n)
        h = (1.0 - z) * n + z * h
    # global_mean_pool over graphs (segment mean by batch ids)
    sums = jax.ops.segment_sum(h, batch, num_segments=G)
    cnt = jax.ops.segment_sum(jnp.ones((N,), jnp.float32), batch, num_segments=G)
    pooled = sums / jnp.clip(cnt, 1.0)[:, None]
    # dropout p=0.5 is identity in eval mode
    out = pooled @ W_out.T + b_out
    return out

if __name__ == "__main__":
    import jax
    _d = setup_inputs()
    print(jax.jit(kernel)(*tuple(_d.values())))

</pallas_src>

<mosaic_0001>
#map = affine_map<(d0, d1) -> (0, 0)>
#map1 = affine_map<(d0, d1) -> (0)>
#map2 = affine_map<(d0, d1) -> (0, 0, 0)>
module attributes {stable_mosaic.version = 14 : i64} {
  func.func @_edge_agg(%arg0: i32, %arg1: i32, %arg2: memref<10000x128xf32, #tpu.memory_space<hbm>>, %arg3: memref<327680xi32, #tpu.memory_space<hbm>>, %arg4: memref<327680xi32, #tpu.memory_space<hbm>>, %arg5: memref<1000x128xf32, #tpu.memory_space<hbm>>, %arg6: memref<2x10000x128xf32, #tpu.memory_space<hbm>>, %arg7: memref<4x64xi32, #tpu.memory_space<vmem>>, %arg8: memref<4x64xi32, #tpu.memory_space<vmem>>, %arg9: memref<4x64x128xf32, #tpu.memory_space<vmem>>, %arg10: memref<10000x128xf32, #tpu.memory_space<vmem_shared>>, %arg11: memref<!tpu.dma_semaphore, #tpu.memory_space<semaphore_mem>>, %arg12: memref<!tpu.dma_semaphore, #tpu.memory_space<semaphore_mem>>, %arg13: memref<!tpu.dma_semaphore, #tpu.memory_space<semaphore_mem>>, %arg14: memref<!tpu.dma_semaphore, #tpu.memory_space<semaphore_mem>>, %arg15: memref<!tpu.dma_semaphore, #tpu.memory_space<semaphore_mem>>, %arg16: memref<!tpu.dma_semaphore, #tpu.memory_space<semaphore_mem>>, %arg17: memref<!tpu.dma_semaphore, #tpu.memory_space<semaphore_mem>>, %arg18: memref<!tpu.dma_semaphore, #tpu.memory_space<semaphore_mem>>) attributes {dimension_semantics = [#tpu.dimension_semantics<core_parallel>, #tpu.dimension_semantics<subcore_parallel>], iteration_bounds = array<i64: 2, 16>, scalar_prefetch = 0 : i64, scratch_operands = 12 : i64, tpu.core_type = #tpu.core_type<sc_vector_subcore>, window_params = [{transform_indices = #map}, {transform_indices = #map1}, {transform_indices = #map1}, {transform_indices = #map}, {transform_indices = #map2}]} {
    %mul3A = arith.constant 2 : i32
    %mul3A_0 = arith.muli %arg1, %mul3A : i32
    %add3A = arith.addi %mul3A_0, %arg0 : i32
    %mul3A_1 = arith.constant 78 : i32
    %mul3A_2 = arith.muli %add3A, %mul3A_1 : i32
    %min3A = arith.constant 4 : i32
    %min3A_3 = arith.minsi %add3A, %min3A : i32
    %add3A_4 = arith.addi %mul3A_2, %min3A_3 : i32
    %mul3A_5 = arith.constant 128 : i32
    %mul3A_6 = arith.muli %add3A_4, %mul3A_5 : i32
    %lt3A = arith.constant 4 : i32
    %lt3A_7 = arith.cmpi slt, %add3A, %lt3A : i32
    %convert_element_type3A = arith.extui %lt3A_7 : i1 to i32
    %mul3A_8 = arith.constant 2 : i32
    %mul3A_9 = arith.muli %mul3A_8, %convert_element_type3A : i32
    %add3A_10 = arith.constant 156 : i32
    %add3A_11 = arith.addi %add3A_10, %mul3A_9 : i32
    %add3A_12 = arith.constant 0 : i32
    %add3A_13 = arith.addi %mul3A_6, %add3A_12 : i32
    %dma_start3A = arith.constant 0 : i32
    %dma_start3A_14 = arith.constant 0 : i32
    %dma_start3A_15 = tpu.memref_slice %arg7[%dma_start3A, %dma_start3A_14] : memref<4x64xi32, #tpu.memory_space<vmem>> -> memref<1x64xi32, #tpu.memory_space<vmem>>
    %dma_start3A_16 = tpu.memref_squeeze %dma_start3A_15 : memref<1x64xi32, #tpu.memory_space<vmem>> -> memref<64xi32, #tpu.memory_space<vmem>>
    %dma_start3A_17 = tpu.memref_slice %arg3[%add3A_13] : memref<327680xi32, #tpu.memory_space<hbm>> -> memref<64xi32, #tpu.memory_space<hbm>>
    %dma_start3A_18 = arith.constant 0 : i32
    %dma_start3A_19 = tpu.memref_slice %arg7[%dma_start3A, %dma_start3A_18] : memref<4x64xi32, #tpu.memory_space<vmem>> -> memref<1x64xi32, #tpu.memory_space<vmem>>
    %dma_start3A_20 = tpu.memref_squeeze %dma_start3A_19 : memref<1x64xi32, #tpu.memory_space<vmem>> -> memref<64xi32, #tpu.memory_space<vmem>>
    %dma_start3A_21 = tpu.memref_slice %arg3[%add3A_13] : memref<327680xi32, #tpu.memory_space<hbm>> -> memref<64xi32, #tpu.memory_space<hbm>>
    tpu.enqueue_dma source(%dma_start3A_21 : memref<64xi32, #tpu.memory_space<hbm>>) target(%dma_start3A_20 : memref<64xi32, #tpu.memory_space<vmem>>) target_semaphore(%arg11 : memref<!tpu.dma_semaphore, #tpu.memory_space<semaphore_mem>>)
    %add3A_22 = arith.constant 0 : i32
    %add3A_23 = arith.addi %mul3A_6, %add3A_22 : i32
    %dma_start3A_24 = arith.constant 0 : i32
    %dma_start3A_25 = arith.constant 0 : i32
    %dma_start3A_26 = tpu.memref_slice %arg8[%dma_start3A_24, %dma_start3A_25] : memref<4x64xi32, #tpu.memory_space<vmem>> -> memref<1x64xi32, #tpu.memory_space<vmem>>
    %dma_start3A_27 = tpu.memref_squeeze %dma_start3A_26 : memref<1x64xi32, #tpu.memory_space<vmem>> -> memref<64xi32, #tpu.memory_space<vmem>>
    %dma_start3A_28 = tpu.memref_slice %arg4[%add3A_23] : memref<327680xi32, #tpu.memory_space<hbm>> -> memref<64xi32, #tpu.memory_space<hbm>>
    %dma_start3A_29 = arith.constant 0 : i32
    %dma_start3A_30 = tpu.memref_slice %arg8[%dma_start3A_24, %dma_start3A_29] : memref<4x64xi32, #tpu.memory_space<vmem>> -> memref<1x64xi32, #tpu.memory_space<vmem>>
    %dma_start3A_31 = tpu.memref_squeeze %dma_start3A_30 : memref<1x64xi32, #tpu.memory_space<vmem>> -> memref<64xi32, #tpu.memory_space<vmem>>
    %dma_start3A_32 = tpu.memref_slice %arg4[%add3A_23] : memref<327680xi32, #tpu.memory_space<hbm>> -> memref<64xi32, #tpu.memory_space<hbm>>
    tpu.enqueue_dma source(%dma_start3A_32 : memref<64xi32, #tpu.memory_space<hbm>>) target(%dma_start3A_31 : memref<64xi32, #tpu.memory_space<vmem>>) target_semaphore(%arg11 : memref<!tpu.dma_semaphore, #tpu.memory_space<semaphore_mem>>)
    %add3A_33 = arith.constant 64 : i32
    %add3A_34 = arith.addi %mul3A_6, %add3A_33 : i32
    %dma_start3A_35 = arith.constant 1 : i32
    %dma_start3A_36 = arith.constant 0 : i32
    %dma_start3A_37 = tpu.memref_slice %arg7[%dma_start3A_35, %dma_start3A_36] : memref<4x64xi32, #tpu.memory_space<vmem>> -> memref<1x64xi32, #tpu.memory_space<vmem>>
    %dma_start3A_38 = tpu.memref_squeeze %dma_start3A_37 : memref<1x64xi32, #tpu.memory_space<vmem>> -> memref<64xi32, #tpu.memory_space<vmem>>
    %dma_start3A_39 = tpu.memref_slice %arg3[%add3A_34] : memref<327680xi32, #tpu.memory_space<hbm>> -> memref<64xi32, #tpu.memory_space<hbm>>
    %dma_start3A_40 = arith.constant 0 : i32
    %dma_start3A_41 = tpu.memref_slice %arg7[%dma_start3A_35, %dma_start3A_40] : memref<4x64xi32, #tpu.memory_space<vmem>> -> memref<1x64xi32, #tpu.memory_space<vmem>>
    %dma_start3A_42 = tpu.memref_squeeze %dma_start3A_41 : memref<1x64xi32, #tpu.memory_space<vmem>> -> memref<64xi32, #tpu.memory_space<vmem>>
    %dma_start3A_43 = tpu.memref_slice %arg3[%add3A_34] : memref<327680xi32, #tpu.memory_space<hbm>> -> memref<64xi32, #tpu.memory_space<hbm>>
    tpu.enqueue_dma source(%dma_start3A_43 : memref<64xi32, #tpu.memory_space<hbm>>) target(%dma_start3A_42 : memref<64xi32, #tpu.memory_space<vmem>>) target_semaphore(%arg12 : memref<!tpu.dma_semaphore, #tpu.memory_space<semaphore_mem>>)
    %add3A_44 = arith.constant 64 : i32
    %add3A_45 = arith.addi %mul3A_6, %add3A_44 : i32
    %dma_start3A_46 = arith.constant 1 : i32
    %dma_start3A_47 = arith.constant 0 : i32
    %dma_start3A_48 = tpu.memref_slice %arg8[%dma_start3A_46, %dma_start3A_47] : memref<4x64xi32, #tpu.memory_space<vmem>> -> memref<1x64xi32, #tpu.memory_space<vmem>>
    %dma_start3A_49 = tpu.memref_squeeze %dma_start3A_48 : memref<1x64xi32, #tpu.memory_space<vmem>> -> memref<64xi32, #tpu.memory_space<vmem>>
    %dma_start3A_50 = tpu.memref_slice %arg4[%add3A_45] : memref<327680xi32, #tpu.memory_space<hbm>> -> memref<64xi32, #tpu.memory_space<hbm>>
    %dma_start3A_51 = arith.constant 0 : i32
    %dma_start3A_52 = tpu.memref_slice %arg8[%dma_start3A_46, %dma_start3A_51] : memref<4x64xi32, #tpu.memory_space<vmem>> -> memref<1x64xi32, #tpu.memory_space<vmem>>
    %dma_start3A_53 = tpu.memref_squeeze %dma_start3A_52 : memref<1x64xi32, #tpu.memory_space<vmem>> -> memref<64xi32, #tpu.memory_space<vmem>>
    %dma_start3A_54 = tpu.memref_slice %arg4[%add3A_45] : memref<327680xi32, #tpu.memory_space<hbm>> -> memref<64xi32, #tpu.memory_space<hbm>>
    tpu.enqueue_dma source(%dma_start3A_54 : memref<64xi32, #tpu.memory_space<hbm>>) target(%dma_start3A_53 : memref<64xi32, #tpu.memory_space<vmem>>) target_semaphore(%arg12 : memref<!tpu.dma_semaphore, #tpu.memory_space<semaphore_mem>>)
    %add3A_55 = arith.constant 128 : i32
    %add3A_56 = arith.addi %mul3A_6, %add3A_55 : i32
    %dma_start3A_57 = arith.constant 2 : i32
    %dma_start3A_58 = arith.constant 0 : i32
    %dma_start3A_59 = tpu.memref_slice %arg7[%dma_start3A_57, %dma_start3A_58] : memref<4x64xi32, #tpu.memory_space<vmem>> -> memref<1x64xi32, #tpu.memory_space<vmem>>
    %dma_start3A_60 = tpu.memref_squeeze %dma_start3A_59 : memref<1x64xi32, #tpu.memory_space<vmem>> -> memref<64xi32, #tpu.memory_space<vmem>>
    %dma_start3A_61 = tpu.memref_slice %arg3[%add3A_56] : memref<327680xi32, #tpu.memory_space<hbm>> -> memref<64xi32, #tpu.memory_space<hbm>>
    %dma_start3A_62 = arith.constant 0 : i32
    %dma_start3A_63 = tpu.memref_slice %arg7[%dma_start3A_57, %dma_start3A_62] : memref<4x64xi32, #tpu.memory_space<vmem>> -> memref<1x64xi32, #tpu.memory_space<vmem>>
    %dma_start3A_64 = tpu.memref_squeeze %dma_start3A_63 : memref<1x64xi32, #tpu.memory_space<vmem>> -> memref<64xi32, #tpu.memory_space<vmem>>
    %dma_start3A_65 = tpu.memref_slice %arg3[%add3A_56] : memref<327680xi32, #tpu.memory_space<hbm>> -> memref<64xi32, #tpu.memory_space<hbm>>
    tpu.enqueue_dma source(%dma_start3A_65 : memref<64xi32, #tpu.memory_space<hbm>>) target(%dma_start3A_64 : memref<64xi32, #tpu.memory_space<vmem>>) target_semaphore(%arg13 : memref<!tpu.dma_semaphore, #tpu.memory_space<semaphore_mem>>)
    %add3A_66 = arith.constant 128 : i32
    %add3A_67 = arith.addi %mul3A_6, %add3A_66 : i32
    %dma_start3A_68 = arith.constant 2 : i32
    %dma_start3A_69 = arith.constant 0 : i32
    %dma_start3A_70 = tpu.memref_slice %arg8[%dma_start3A_68, %dma_start3A_69] : memref<4x64xi32, #tpu.memory_space<vmem>> -> memref<1x64xi32, #tpu.memory_space<vmem>>
    %dma_start3A_71 = tpu.memref_squeeze %dma_start3A_70 : memref<1x64xi32, #tpu.memory_space<vmem>> -> memref<64xi32, #tpu.memory_space<vmem>>
    %dma_start3A_72 = tpu.memref_slice %arg4[%add3A_67] : memref<327680xi32, #tpu.memory_space<hbm>> -> memref<64xi32, #tpu.memory_space<hbm>>
    %dma_start3A_73 = arith.constant 0 : i32
    %dma_start3A_74 = tpu.memref_slice %arg8[%dma_start3A_68, %dma_start3A_73] : memref<4x64xi32, #tpu.memory_space<vmem>> -> memref<1x64xi32, #tpu.memory_space<vmem>>
    %dma_start3A_75 = tpu.memref_squeeze %dma_start3A_74 : memref<1x64xi32, #tpu.memory_space<vmem>> -> memref<64xi32, #tpu.memory_space<vmem>>
    %dma_start3A_76 = tpu.memref_slice %arg4[%add3A_67] : memref<327680xi32, #tpu.memory_space<hbm>> -> memref<64xi32, #tpu.memory_space<hbm>>
    tpu.enqueue_dma source(%dma_start3A_76 : memref<64xi32, #tpu.memory_space<hbm>>) target(%dma_start3A_75 : memref<64xi32, #tpu.memory_space<vmem>>) target_semaphore(%arg13 : memref<!tpu.dma_semaphore, #tpu.memory_space<semaphore_mem>>)
    %add3A_77 = arith.constant 192 : i32
    %add3A_78 = arith.addi %mul3A_6, %add3A_77 : i32
    %dma_start3A_79 = arith.constant 3 : i32
    %dma_start3A_80 = arith.constant 0 : i32
    %dma_start3A_81 = tpu.memref_slice %arg7[%dma_start3A_79, %dma_start3A_80] : memref<4x64xi32, #tpu.memory_space<vmem>> -> memref<1x64xi32, #tpu.memory_space<vmem>>
    %dma_start3A_82 = tpu.memref_squeeze %dma_start3A_81 : memref<1x64xi32, #tpu.memory_space<vmem>> -> memref<64xi32, #tpu.memory_space<vmem>>
    %dma_start3A_83 = tpu.memref_slice %arg3[%add3A_78] : memref<327680xi32, #tpu.memory_space<hbm>> -> memref<64xi32, #tpu.memory_space<hbm>>
    %dma_start3A_84 = arith.constant 0 : i32
    %dma_start3A_85 = tpu.memref_slice %arg7[%dma_start3A_79, %dma_start3A_84] : memref<4x64xi32, #tpu.memory_space<vmem>> -> memref<1x64xi32, #tpu.memory_space<vmem>>
    %dma_start3A_86 = tpu.memref_squeeze %dma_start3A_85 : memref<1x64xi32, #tpu.memory_space<vmem>> -> memref<64xi32, #tpu.memory_space<vmem>>
    %dma_start3A_87 = tpu.memref_slice %arg3[%add3A_78] : memref<327680xi32, #tpu.memory_space<hbm>> -> memref<64xi32, #tpu.memory_space<hbm>>
    tpu.enqueue_dma source(%dma_start3A_87 : memref<64xi32, #tpu.memory_space<hbm>>) target(%dma_start3A_86 : memref<64xi32, #tpu.memory_space<vmem>>) target_semaphore(%arg14 : memref<!tpu.dma_semaphore, #tpu.memory_space<semaphore_mem>>)
    %add3A_88 = arith.constant 192 : i32
    %add3A_89 = arith.addi %mul3A_6, %add3A_88 : i32
    %dma_start3A_90 = arith.constant 3 : i32
    %dma_start3A_91 = arith.constant 0 : i32
    %dma_start3A_92 = tpu.memref_slice %arg8[%dma_start3A_90, %dma_start3A_91] : memref<4x64xi32, #tpu.memory_space<vmem>> -> memref<1x64xi32, #tpu.memory_space<vmem>>
    %dma_start3A_93 = tpu.memref_squeeze %dma_start3A_92 : memref<1x64xi32, #tpu.memory_space<vmem>> -> memref<64xi32, #tpu.memory_space<vmem>>
    %dma_start3A_94 = tpu.memref_slice %arg4[%add3A_89] : memref<327680xi32, #tpu.memory_space<hbm>> -> memref<64xi32, #tpu.memory_space<hbm>>
    %dma_start3A_95 = arith.constant 0 : i32
    %dma_start3A_96 = tpu.memref_slice %arg8[%dma_start3A_90, %dma_start3A_95] : memref<4x64xi32, #tpu.memory_space<vmem>> -> memref<1x64xi32, #tpu.memory_space<vmem>>
    %dma_start3A_97 = tpu.memref_squeeze %dma_start3A_96 : memref<1x64xi32, #tpu.memory_space<vmem>> -> memref<64xi32, #tpu.memory_space<vmem>>
    %dma_start3A_98 = tpu.memref_slice %arg4[%add3A_89] : memref<327680xi32, #tpu.memory_space<hbm>> -> memref<64xi32, #tpu.memory_space<hbm>>
    tpu.enqueue_dma source(%dma_start3A_98 : memref<64xi32, #tpu.memory_space<hbm>>) target(%dma_start3A_97 : memref<64xi32, #tpu.memory_space<vmem>>) target_semaphore(%arg14 : memref<!tpu.dma_semaphore, #tpu.memory_space<semaphore_mem>>)
    %add3A_99 = arith.constant 0 : i32
    %add3A_100 = arith.addi %mul3A_6, %add3A_99 : i32
    %dma_wait3A = arith.constant 0 : i32
    %dma_wait3A_101 = arith.constant 0 : i32
    %dma_wait3A_102 = tpu.memref_slice %arg7[%dma_wait3A, %dma_wait3A_101] : memref<4x64xi32, #tpu.memory_space<vmem>> -> memref<1x64xi32, #tpu.memory_space<vmem>>
    %dma_wait3A_103 = tpu.memref_squeeze %dma_wait3A_102 : memref<1x64xi32, #tpu.memory_space<vmem>> -> memref<64xi32, #tpu.memory_space<vmem>>
    %dma_wait3A_104 = tpu.memref_slice %arg3[%add3A_100] : memref<327680xi32, #tpu.memory_space<hbm>> -> memref<64xi32, #tpu.memory_space<hbm>>
    %dma_wait3A_105 = arith.constant 0 : i32
    %dma_wait3A_106 = tpu.memref_slice %arg7[%dma_wait3A, %dma_wait3A_105] : memref<4x64xi32, #tpu.memory_space<vmem>> -> memref<1x64xi32, #tpu.memory_space<vmem>>
    %dma_wait3A_107 = tpu.memref_squeeze %dma_wait3A_106 : memref<1x64xi32, #tpu.memory_space<vmem>> -> memref<64xi32, #tpu.memory_space<vmem>>
    %dma_wait3A_108 = tpu.memref_slice %arg3[%add3A_100] : memref<327680xi32, #tpu.memory_space<hbm>> -> memref<64xi32, #tpu.memory_space<hbm>>
    tpu.wait_dma2 semaphore(%arg11 : memref<!tpu.dma_semaphore, #tpu.memory_space<semaphore_mem>>) src(%dma_wait3A_108 : memref<64xi32, #tpu.memory_space<hbm>>) dst(%dma_wait3A_107 : memref<64xi32, #tpu.memory_space<vmem>>)
    %add3A_109 = arith.constant 0 : i32
    %add3A_110 = arith.addi %mul3A_6, %add3A_109 : i32
    %dma_wait3A_111 = arith.constant 0 : i32
    %dma_wait3A_112 = arith.constant 0 : i32
    %dma_wait3A_113 = tpu.memref_slice %arg8[%dma_wait3A_111, %dma_wait3A_112] : memref<4x64xi32, #tpu.memory_space<vmem>> -> memref<1x64xi32, #tpu.memory_space<vmem>>
    %dma_wait3A_114 = tpu.memref_squeeze %dma_wait3A_113 : memref<1x64xi32, #tpu.memory_space<vmem>> -> memref<64xi32, #tpu.memory_space<vmem>>
    %dma_wait3A_115 = tpu.memref_slice %arg4[%add3A_110] : memref<327680xi32, #tpu.memory_space<hbm>> -> memref<64xi32, #tpu.memory_space<hbm>>
    %dma_wait3A_116 = arith.constant 0 : i32
    %dma_wait3A_117 = tpu.memref_slice %arg8[%dma_wait3A_111, %dma_wait3A_116] : memref<4x64xi32, #tpu.memory_space<vmem>> -> memref<1x64xi32, #tpu.memory_space<vmem>>
    %dma_wait3A_118 = tpu.memref_squeeze %dma_wait3A_117 : memref<1x64xi32, #tpu.memory_space<vmem>> -> memref<64xi32, #tpu.memory_space<vmem>>
    %dma_wait3A_119 = tpu.memref_slice %arg4[%add3A_110] : memref<327680xi32, #tpu.memory_space<hbm>> -> memref<64xi32, #tpu.memory_space<hbm>>
    tpu.wait_dma2 semaphore(%arg11 : memref<!tpu.dma_semaphore, #tpu.memory_space<semaphore_mem>>) src(%dma_wait3A_119 : memref<64xi32, #tpu.memory_space<hbm>>) dst(%dma_wait3A_118 : memref<64xi32, #tpu.memory_space<vmem>>)
    %dma_start3A_120 = arith.constant 0 : i32
    %dma_start3A_121 = arith.constant 0 : i32
    %dma_start3A_122 = arith.constant 0 : i32
    %dma_start3A_123 = arith.constant 0 : i32
    %dma_start3A_124 = tpu.memref_slice %arg9[%dma_start3A_121, %dma_start3A_122, %dma_start3A_123] : memref<4x64x128xf32, #tpu.memory_space<vmem>> -> memref<1x64x128xf32, #tpu.memory_space<vmem>>
    %dma_start3A_125 = tpu.memref_squeeze %dma_start3A_124 : memref<1x64x128xf32, #tpu.memory_space<vmem>> -> memref<64x128xf32, #tpu.memory_space<vmem>>
    %dma_start3A_126 = arith.constant 0 : i32
    %dma_start3A_127 = tpu.memref_slice %arg7[%dma_start3A_120, %dma_start3A_126] : memref<4x64xi32, #tpu.memory_space<vmem>> -> memref<1x64xi32, #tpu.memory_space<vmem>>
    %dma_start3A_128 = tpu.memref_squeeze %dma_start3A_127 : memref<1x64xi32, #tpu.memory_space<vmem>> -> memref<64xi32, #tpu.memory_space<vmem>>
    %dma_start3A_129 = arith.constant 0 : i32
    %dma_start3A_130 = arith.constant 0 : i32
    %dma_start3A_131 = tpu.memref_slice %arg2[%dma_start3A_129, %dma_start3A_130] : memref<10000x128xf32, #tpu.memory_space<hbm>> -> memref<10000x128xf32, #tpu.memory_space<hbm>>
    tpu.enqueue_indirect_dma source(%dma_start3A_131 : memref<10000x128xf32, #tpu.memory_space<hbm>>) target(%dma_start3A_125 : memref<64x128xf32, #tpu.memory_space<vmem>>) offsets(%dma_start3A_128 : memref<64xi32, #tpu.memory_space<vmem>>) semaphore(%arg15 : memref<!tpu.dma_semaphore, #tpu.memory_space<semaphore_mem>>)
    %add3A_132 = arith.constant 64 : i32
    %add3A_133 = arith.addi %mul3A_6, %add3A_132 : i32
    %dma_wait3A_134 = arith.constant 1 : i32
    %dma_wait3A_135 = arith.constant 0 : i32
    %dma_wait3A_136 = tpu.memref_slice %arg7[%dma_wait3A_134, %dma_wait3A_135] : memref<4x64xi32, #tpu.memory_space<vmem>> -> memref<1x64xi32, #tpu.memory_space<vmem>>
    %dma_wait3A_137 = tpu.memref_squeeze %dma_wait3A_136 : memref<1x64xi32, #tpu.memory_space<vmem>> -> memref<64xi32, #tpu.memory_space<vmem>>
    %dma_wait3A_138 = tpu.memref_slice %arg3[%add3A_133] : memref<327680xi32, #tpu.memory_space<hbm>> -> memref<64xi32, #tpu.memory_space<hbm>>
    %dma_wait3A_139 = arith.constant 0 : i32
    %dma_wait3A_140 = tpu.memref_slice %arg7[%dma_wait3A_134, %dma_wait3A_139] : memref<4x64xi32, #tpu.memory_space<vmem>> -> memref<1x64xi32, #tpu.memory_space<vmem>>
    %dma_wait3A_141 = tpu.memref_squeeze %dma_wait3A_140 : memref<1x64xi32, #tpu.memory_space<vmem>> -> memref<64xi32, #tpu.memory_space<vmem>>
    %dma_wait3A_142 = tpu.memref_slice %arg3[%add3A_133] : memref<327680xi32, #tpu.memory_space<hbm>> -> memref<64xi32, #tpu.memory_space<hbm>>
    tpu.wait_dma2 semaphore(%arg12 : memref<!tpu.dma_semaphore, #tpu.memory_space<semaphore_mem>>) src(%dma_wait3A_142 : memref<64xi32, #tpu.memory_space<hbm>>) dst(%dma_wait3A_141 : memref<64xi32, #tpu.memory_space<vmem>>)
    %add3A_143 = arith.constant 64 : i32
    %add3A_144 = arith.addi %mul3A_6, %add3A_143 : i32
    %dma_wait3A_145 = arith.constant 1 : i32
    %dma_wait3A_146 = arith.constant 0 : i32
    %dma_wait3A_147 = tpu.memref_slice %arg8[%dma_wait3A_145, %dma_wait3A_146] : memref<4x64xi32, #tpu.memory_space<vmem>> -> memref<1x64xi32, #tpu.memory_space<vmem>>
    %dma_wait3A_148 = tpu.memref_squeeze %dma_wait3A_147 : memref<1x64xi32, #tpu.memory_space<vmem>> -> memref<64xi32, #tpu.memory_space<vmem>>
    %dma_wait3A_149 = tpu.memref_slice %arg4[%add3A_144] : memref<327680xi32, #tpu.memory_space<hbm>> -> memref<64xi32, #tpu.memory_space<hbm>>
    %dma_wait3A_150 = arith.constant 0 : i32
    %dma_wait3A_151 = tpu.memref_slice %arg8[%dma_wait3A_145, %dma_wait3A_150] : memref<4x64xi32, #tpu.memory_space<vmem>> -> memref<1x64xi32, #tpu.memory_space<vmem>>
    %dma_wait3A_152 = tpu.memref_squeeze %dma_wait3A_151 : memref<1x64xi32, #tpu.memory_space<vmem>> -> memref<64xi32, #tpu.memory_space<vmem>>
    %dma_wait3A_153 = tpu.memref_slice %arg4[%add3A_144] : memref<327680xi32, #tpu.memory_space<hbm>> -> memref<64xi32, #tpu.memory_space<hbm>>
    tpu.wait_dma2 semaphore(%arg12 : memref<!tpu.dma_semaphore, #tpu.memory_space<semaphore_mem>>) src(%dma_wait3A_153 : memref<64xi32, #tpu.memory_space<hbm>>) dst(%dma_wait3A_152 : memref<64xi32, #tpu.memory_space<vmem>>)
    %dma_start3A_154 = arith.constant 1 : i32
    %dma_start3A_155 = arith.constant 1 : i32
    %dma_start3A_156 = arith.constant 0 : i32
    %dma_start3A_157 = arith.constant 0 : i32
    %dma_start3A_158 = tpu.memref_slice %arg9[%dma_start3A_155, %dma_start3A_156, %dma_start3A_157] : memref<4x64x128xf32, #tpu.memory_space<vmem>> -> memref<1x64x128xf32, #tpu.memory_space<vmem>>
    %dma_start3A_159 = tpu.memref_squeeze %dma_start3A_158 : memref<1x64x128xf32, #tpu.memory_space<vmem>> -> memref<64x128xf32, #tpu.memory_space<vmem>>
    %dma_start3A_160 = arith.constant 0 : i32
    %dma_start3A_161 = tpu.memref_slice %arg7[%dma_start3A_154, %dma_start3A_160] : memref<4x64xi32, #tpu.memory_space<vmem>> -> memref<1x64xi32, #tpu.memory_space<vmem>>
    %dma_start3A_162 = tpu.memref_squeeze %dma_start3A_161 : memref<1x64xi32, #tpu.memory_space<vmem>> -> memref<64xi32, #tpu.memory_space<vmem>>
    %dma_start3A_163 = arith.constant 0 : i32
    %dma_start3A_164 = arith.constant 0 : i32
    %dma_start3A_165 = tpu.memref_slice %arg2[%dma_start3A_163, %dma_start3A_164] : memref<10000x128xf32, #tpu.memory_space<hbm>> -> memref<10000x128xf32, #tpu.memory_space<hbm>>
    tpu.enqueue_indirect_dma source(%dma_start3A_165 : memref<10000x128xf32, #tpu.memory_space<hbm>>) target(%dma_start3A_159 : memref<64x128xf32, #tpu.memory_space<vmem>>) offsets(%dma_start3A_162 : memref<64xi32, #tpu.memory_space<vmem>>) semaphore(%arg16 : memref<!tpu.dma_semaphore, #tpu.memory_space<semaphore_mem>>)
    %lt3A_166 = arith.constant 10 : i32
    %lt3A_167 = arith.cmpi slt, %arg1, %lt3A_166 : i32
    %convert_element_type3A_168 = arith.extui %lt3A_167 : i1 to i32
    %cond3A = arith.constant 0 : i32
    %cond3A_169 = arith.cmpi ne, %convert_element_type3A_168, %cond3A : i32
    scf.if %cond3A_169 {
      %mul3A_190 = arith.constant 1000 : i32
      %mul3A_191 = arith.muli %arg1, %mul3A_190 : i32
      "tpu.region"() ({
        %run_scoped3A = tpu.sem_alloc : memref<!tpu.dma_semaphore, #tpu.memory_space<semaphore_mem>>
        %dma_start3A_192 = arith.constant 0 : i32
        %dma_start3A_193 = tpu.memref_slice %arg10[%mul3A_191, %dma_start3A_192] : memref<10000x128xf32, #tpu.memory_space<vmem_shared>> -> memref<1000x128xf32, #tpu.memory_space<vmem_shared>>
        tpu.enqueue_dma source(%arg5 : memref<1000x128xf32, #tpu.memory_space<hbm>>) target(%dma_start3A_193 : memref<1000x128xf32, #tpu.memory_space<vmem_shared>>) target_semaphore(%run_scoped3A : memref<!tpu.dma_semaphore, #tpu.memory_space<semaphore_mem>>)
        %dma_wait3A_194 = arith.constant 0 : i32
        %dma_wait3A_195 = tpu.memref_slice %arg10[%mul3A_191, %dma_wait3A_194] : memref<10000x128xf32, #tpu.memory_space<vmem_shared>> -> memref<1000x128xf32, #tpu.memory_space<vmem_shared>>
        tpu.wait_dma2 semaphore(%run_scoped3A : memref<!tpu.dma_semaphore, #tpu.memory_space<semaphore_mem>>) src(%arg5 : memref<1000x128xf32, #tpu.memory_space<hbm>>) dst(%dma_wait3A_195 : memref<1000x128xf32, #tpu.memory_space<vmem_shared>>)
        tpu.yield
      }) : () -> ()
    } else {
    }
    %barrier3A = arith.constant 0 : index
    tpu.barrier barrier_id(%barrier3A)
    %scan3A = arith.constant 0 : i32
    %scan3A_170 = arith.constant 0 : i32
    %scan3A_171 = arith.constant 39 : i32
    %scan3A_172 = arith.addi %scan3A_170, %scan3A_171 : i32
    %scan3A_173 = arith.constant 1 : i32
    scf.for %scan3A_190 = %scan3A_170 to %scan3A_172 step %scan3A_173  : i32 {
      %mul3A_191 = arith.constant 4 : i32
      %mul3A_192 = arith.muli %scan3A_190, %mul3A_191 : i32
      %add3A_193 = arith.constant 0 : i32
      %add3A_194 = arith.addi %mul3A_192, %add3A_193 : i32
      %add3A_195 = arith.constant 2 : i32
      %add3A_196 = arith.addi %add3A_194, %add3A_195 : i32
      %lt3A_197 = arith.cmpi slt, %add3A_196, %add3A_11 : i32
      %convert_element_type3A_198 = arith.extui %lt3A_197 : i1 to i32
      %cond3A_199 = arith.constant 0 : i32
      %cond3A_200 = arith.cmpi ne, %convert_element_type3A_198, %cond3A_199 : i32
      scf.if %cond3A_200 {
        %add3A_310 = arith.constant 2 : i32
        %add3A_311 = arith.addi %add3A_194, %add3A_310 : i32
        %mul3A_312 = arith.constant 64 : i32
        %mul3A_313 = arith.muli %add3A_311, %mul3A_312 : i32
        %add3A_314 = arith.addi %mul3A_6, %mul3A_313 : i32
        %dma_wait3A_315 = arith.constant 2 : i32
        %dma_wait3A_316 = arith.constant 0 : i32
        %dma_wait3A_317 = tpu.memref_slice %arg7[%dma_wait3A_315, %dma_wait3A_316] : memref<4x64xi32, #tpu.memory_space<vmem>> -> memref<1x64xi32, #tpu.memory_space<vmem>>
        %dma_wait3A_318 = tpu.memref_squeeze %dma_wait3A_317 : memref<1x64xi32, #tpu.memory_space<vmem>> -> memref<64xi32, #tpu.memory_space<vmem>>
        %dma_wait3A_319 = tpu.memref_slice %arg3[%add3A_314] : memref<327680xi32, #tpu.memory_space<hbm>> -> memref<64xi32, #tpu.memory_space<hbm>>
        %dma_wait3A_320 = arith.constant 0 : i32
        %dma_wait3A_321 = tpu.memref_slice %arg7[%dma_wait3A_315, %dma_wait3A_320] : memref<4x64xi32, #tpu.memory_space<vmem>> -> memref<1x64xi32, #tpu.memory_space<vmem>>
        %dma_wait3A_322 = tpu.memref_squeeze %dma_wait3A_321 : memref<1x64xi32, #tpu.memory_space<vmem>> -> memref<64xi32, #tpu.memory_space<vmem>>
        %dma_wait3A_323 = tpu.memref_slice %arg3[%add3A_314] : memref<327680xi32, #tpu.memory_space<hbm>> -> memref<64xi32, #tpu.memory_space<hbm>>
        tpu.wait_dma2 semaphore(%arg13 : memref<!tpu.dma_semaphore, #tpu.memory_space<semaphore_mem>>) src(%dma_wait3A_323 : memref<64xi32, #tpu.memory_space<hbm>>) dst(%dma_wait3A_322 : memref<64xi32, #tpu.memory_space<vmem>>)
        %mul3A_324 = arith.constant 64 : i32
        %mul3A_325 = arith.muli %add3A_311, %mul3A_324 : i32
        %add3A_326 = arith.addi %mul3A_6, %mul3A_325 : i32
        %dma_wait3A_327 = arith.constant 2 : i32
        %dma_wait3A_328 = arith.constant 0 : i32
        %dma_wait3A_329 = tpu.memref_slice %arg8[%dma_wait3A_327, %dma_wait3A_328] : memref<4x64xi32, #tpu.memory_space<vmem>> -> memref<1x64xi32, #tpu.memory_space<vmem>>
        %dma_wait3A_330 = tpu.memref_squeeze %dma_wait3A_329 : memref<1x64xi32, #tpu.memory_space<vmem>> -> memref<64xi32, #tpu.memory_space<vmem>>
        %dma_wait3A_331 = tpu.memref_slice %arg4[%add3A_326] : memref<327680xi32, #tpu.memory_space<hbm>> -> memref<64xi32, #tpu.memory_space<hbm>>
        %dma_wait3A_332 = arith.constant 0 : i32
        %dma_wait3A_333 = tpu.memref_slice %arg8[%dma_wait3A_327, %dma_wait3A_332] : memref<4x64xi32, #tpu.memory_space<vmem>> -> memref<1x64xi32, #tpu.memory_space<vmem>>
        %dma_wait3A_334 = tpu.memref_squeeze %dma_wait3A_333 : memref<1x64xi32, #tpu.memory_space<vmem>> -> memref<64xi32, #tpu.memory_space<vmem>>
        %dma_wait3A_335 = tpu.memref_slice %arg4[%add3A_326] : memref<327680xi32, #tpu.memory_space<hbm>> -> memref<64xi32, #tpu.memory_space<hbm>>
        tpu.wait_dma2 semaphore(%arg13 : memref<!tpu.dma_semaphore, #tpu.memory_space<semaphore_mem>>) src(%dma_wait3A_335 : memref<64xi32, #tpu.memory_space<hbm>>) dst(%dma_wait3A_334 : memref<64xi32, #tpu.memory_space<vmem>>)
        %dma_start3A_336 = arith.constant 2 : i32
        %dma_start3A_337 = arith.constant 2 : i32
        %dma_start3A_338 = arith.constant 0 : i32
        %dma_start3A_339 = arith.constant 0 : i32
        %dma_start3A_340 = tpu.memref_slice %arg9[%dma_start3A_337, %dma_start3A_338, %dma_start3A_339] : memref<4x64x128xf32, #tpu.memory_space<vmem>> -> memref<1x64x128xf32, #tpu.memory_space<vmem>>
        %dma_start3A_341 = tpu.memref_squeeze %dma_start3A_340 : memref<1x64x128xf32, #tpu.memory_space<vmem>> -> memref<64x128xf32, #tpu.memory_space<vmem>>
        %dma_start3A_342 = arith.constant 0 : i32
        %dma_start3A_343 = tpu.memref_slice %arg7[%dma_start3A_336, %dma_start3A_342] : memref<4x64xi32, #tpu.memory_space<vmem>> -> memref<1x64xi32, #tpu.memory_space<vmem>>
        %dma_start3A_344 = tpu.memref_squeeze %dma_start3A_343 : memref<1x64xi32, #tpu.memory_space<vmem>> -> memref<64xi32, #tpu.memory_space<vmem>>
        %dma_start3A_345 = arith.constant 0 : i32
        %dma_start3A_346 = arith.constant 0 : i32
        %dma_start3A_347 = tpu.memref_slice %arg2[%dma_start3A_345, %dma_start3A_346] : memref<10000x128xf32, #tpu.memory_space<hbm>> -> memref<10000x128xf32, #tpu.memory_space<hbm>>
        tpu.enqueue_indirect_dma source(%dma_start3A_347 : memref<10000x128xf32, #tpu.memory_space<hbm>>) target(%dma_start3A_341 : memref<64x128xf32, #tpu.memory_space<vmem>>) offsets(%dma_start3A_344 : memref<64xi32, #tpu.memory_space<vmem>>) semaphore(%arg17 : memref<!tpu.dma_semaphore, #tpu.memory_space<semaphore_mem>>)
      } else {
      }
      %dma_wait3A_201 = arith.constant 0 : i32
      %dma_wait3A_202 = arith.constant 0 : i32
      %dma_wait3A_203 = arith.constant 0 : i32
      %dma_wait3A_204 = arith.constant 0 : i32
      %dma_wait3A_205 = tpu.memref_slice %arg9[%dma_wait3A_202, %dma_wait3A_203, %dma_wait3A_204] : memref<4x64x128xf32, #tpu.memory_space<vmem>> -> memref<1x64x128xf32, #tpu.memory_space<vmem>>
      %dma_wait3A_206 = tpu.memref_squeeze %dma_wait3A_205 : memref<1x64x128xf32, #tpu.memory_space<vmem>> -> memref<64x128xf32, #tpu.memory_space<vmem>>
      %dma_wait3A_207 = arith.constant 0 : i32
      %dma_wait3A_208 = tpu.memref_slice %arg7[%dma_wait3A_201, %dma_wait3A_207] : memref<4x64xi32, #tpu.memory_space<vmem>> -> memref<1x64xi32, #tpu.memory_space<vmem>>
      %dma_wait3A_209 = tpu.memref_squeeze %dma_wait3A_208 : memref<1x64xi32, #tpu.memory_space<vmem>> -> memref<64xi32, #tpu.memory_space<vmem>>
      %dma_wait3A_210 = arith.constant 0 : i32
      %dma_wait3A_211 = arith.constant 0 : i32
      %dma_wait3A_212 = tpu.memref_slice %arg2[%dma_wait3A_210, %dma_wait3A_211] : memref<10000x128xf32, #tpu.memory_space<hbm>> -> memref<10000x128xf32, #tpu.memory_space<hbm>>
      tpu.wait_indirect_dma semaphore(%arg15 : memref<!tpu.dma_semaphore, #tpu.memory_space<semaphore_mem>>) src(%dma_wait3A_212 : memref<10000x128xf32, #tpu.memory_space<hbm>>) dst(%dma_wait3A_206 : memref<64x128xf32, #tpu.memory_space<vmem>>)
      %run_scoped3A = arith.constant 0 : i32
      %run_scoped3A_213 = arith.constant 0 : i32
      "tpu.region"() ({
        %run_scoped3A_310 = tpu.sem_alloc : memref<!tpu.dma_semaphore, #tpu.memory_space<semaphore_mem>>
        %dma_start3A_311 = arith.constant 0 : i32
        %dma_start3A_312 = arith.constant 0 : i32
        %dma_start3A_313 = tpu.memref_slice %arg9[%run_scoped3A, %dma_start3A_311, %dma_start3A_312] : memref<4x64x128xf32, #tpu.memory_space<vmem>> -> memref<1x64x128xf32, #tpu.memory_space<vmem>>
        %dma_start3A_314 = tpu.memref_squeeze %dma_start3A_313 : memref<1x64x128xf32, #tpu.memory_space<vmem>> -> memref<64x128xf32, #tpu.memory_space<vmem>>
        %dma_start3A_315 = arith.constant 0 : i32
        %dma_start3A_316 = tpu.memref_slice %arg8[%run_scoped3A_213, %dma_start3A_315] : memref<4x64xi32, #tpu.memory_space<vmem>> -> memref<1x64xi32, #tpu.memory_space<vmem>>
        %dma_start3A_317 = tpu.memref_squeeze %dma_start3A_316 : memref<1x64xi32, #tpu.memory_space<vmem>> -> memref<64xi32, #tpu.memory_space<vmem>>
        %dma_start3A_318 = arith.constant 0 : i32
        %dma_start3A_319 = arith.constant 0 : i32
        %dma_start3A_320 = tpu.memref_slice %arg10[%dma_start3A_318, %dma_start3A_319] : memref<10000x128xf32, #tpu.memory_space<vmem_shared>> -> memref<10000x128xf32, #tpu.memory_space<vmem_shared>>
        tpu.enqueue_indirect_dma source(%dma_start3A_314 : memref<64x128xf32, #tpu.memory_space<vmem>>) target(%dma_start3A_320 : memref<10000x128xf32, #tpu.memory_space<vmem_shared>>) offsets(%dma_start3A_317 : memref<64xi32, #tpu.memory_space<vmem>>) semaphore(%run_scoped3A_310 : memref<!tpu.dma_semaphore, #tpu.memory_space<semaphore_mem>>) {add = true}
        %dma_wait3A_321 = arith.constant 0 : i32
        %dma_wait3A_322 = arith.constant 0 : i32
        %dma_wait3A_323 = tpu.memref_slice %arg9[%run_scoped3A, %dma_wait3A_321, %dma_wait3A_322] : memref<4x64x128xf32, #tpu.memory_space<vmem>> -> memref<1x64x128xf32, #tpu.memory_space<vmem>>
        %dma_wait3A_324 = tpu.memref_squeeze %dma_wait3A_323 : memref<1x64x128xf32, #tpu.memory_space<vmem>> -> memref<64x128xf32, #tpu.memory_space<vmem>>
        %dma_wait3A_325 = arith.constant 0 : i32
        %dma_wait3A_326 = tpu.memref_slice %arg8[%run_scoped3A_213, %dma_wait3A_325] : memref<4x64xi32, #tpu.memory_space<vmem>> -> memref<1x64xi32, #tpu.memory_space<vmem>>
        %dma_wait3A_327 = tpu.memref_squeeze %dma_wait3A_326 : memref<1x64xi32, #tpu.memory_space<vmem>> -> memref<64xi32, #tpu.memory_space<vmem>>
        %dma_wait3A_328 = arith.constant 0 : i32
        %dma_wait3A_329 = arith.constant 0 : i32
        %dma_wait3A_330 = tpu.memref_slice %arg10[%dma_wait3A_328, %dma_wait3A_329] : memref<10000x128xf32, #tpu.memory_space<vmem_shared>> -> memref<10000x128xf32, #tpu.memory_space<vmem_shared>>
        tpu.wait_indirect_dma semaphore(%run_scoped3A_310 : memref<!tpu.dma_semaphore, #tpu.memory_space<semaphore_mem>>) src(%dma_wait3A_324 : memref<64x128xf32, #tpu.memory_space<vmem>>) dst(%dma_wait3A_330 : memref<10000x128xf32, #tpu.memory_space<vmem_shared>>)
        tpu.yield
      }) : () -> ()
      %add3A_214 = arith.constant 4 : i32
      %add3A_215 = arith.addi %add3A_194, %add3A_214 : i32
      %lt3A_216 = arith.cmpi slt, %add3A_215, %add3A_11 : i32
      %convert_element_type3A_217 = arith.extui %lt3A_216 : i1 to i32
      %cond3A_218 = arith.constant 0 : i32
      %cond3A_219 = arith.cmpi ne, %convert_element_type3A_217, %cond3A_218 : i32
      scf.if %cond3A_219 {
        %add3A_310 = arith.constant 4 : i32
        %add3A_311 = arith.addi %add3A_194, %add3A_310 : i32
        %mul3A_312 = arith.constant 64 : i32
        %mul3A_313 = arith.muli %add3A_311, %mul3A_312 : i32
        %add3A_314 = arith.addi %mul3A_6, %mul3A_313 : i32
        %dma_start3A_315 = arith.constant 0 : i32
        %dma_start3A_316 = arith.constant 0 : i32
        %dma_start3A_317 = tpu.memref_slice %arg7[%dma_start3A_315, %dma_start3A_316] : memref<4x64xi32, #tpu.memory_space<vmem>> -> memref<1x64xi32, #tpu.memory_space<vmem>>
        %dma_start3A_318 = tpu.memref_squeeze %dma_start3A_317 : memref<1x64xi32, #tpu.memory_space<vmem>> -> memref<64xi32, #tpu.memory_space<vmem>>
        %dma_start3A_319 = tpu.memref_slice %arg3[%add3A_314] : memref<327680xi32, #tpu.memory_space<hbm>> -> memref<64xi32, #tpu.memory_space<hbm>>
        %dma_start3A_320 = arith.constant 0 : i32
        %dma_start3A_321 = tpu.memref_slice %arg7[%dma_start3A_315, %dma_start3A_320] : memref<4x64xi32, #tpu.memory_space<vmem>> -> memref<1x64xi32, #tpu.memory_space<vmem>>
        %dma_start3A_322 = tpu.memref_squeeze %dma_start3A_321 : memref<1x64xi32, #tpu.memory_space<vmem>> -> memref<64xi32, #tpu.memory_space<vmem>>
        %dma_start3A_323 = tpu.memref_slice %arg3[%add3A_314] : memref<327680xi32, #tpu.memory_space<hbm>> -> memref<64xi32, #tpu.memory_space<hbm>>
        tpu.enqueue_dma source(%dma_start3A_323 : memref<64xi32, #tpu.memory_space<hbm>>) target(%dma_start3A_322 : memref<64xi32, #tpu.memory_space<vmem>>) target_semaphore(%arg11 : memref<!tpu.dma_semaphore, #tpu.memory_space<semaphore_mem>>)
        %mul3A_324 = arith.constant 64 : i32
        %mul3A_325 = arith.muli %add3A_311, %mul3A_324 : i32
        %add3A_326 = arith.addi %mul3A_6, %mul3A_325 : i32
        %dma_start3A_327 = arith.constant 0 : i32
        %dma_start3A_328 = arith.constant 0 : i32
        %dma_start3A_329 = tpu.memref_slice %arg8[%dma_start3A_327, %dma_start3A_328] : memref<4x64xi32, #tpu.memory_space<vmem>> -> memref<1x64xi32, #tpu.memory_space<vmem>>
        %dma_start3A_330 = tpu.memref_squeeze %dma_start3A_329 : memref<1x64xi32, #tpu.memory_space<vmem>> -> memref<64xi32, #tpu.memory_space<vmem>>
        %dma_start3A_331 = tpu.memref_slice %arg4[%add3A_326] : memref<327680xi32, #tpu.memory_space<hbm>> -> memref<64xi32, #tpu.memory_space<hbm>>
        %dma_start3A_332 = arith.constant 0 : i32
        %dma_start3A_333 = tpu.memref_slice %arg8[%dma_start3A_327, %dma_start3A_332] : memref<4x64xi32, #tpu.memory_space<vmem>> -> memref<1x64xi32, #tpu.memory_space<vmem>>
        %dma_start3A_334 = tpu.memref_squeeze %dma_start3A_333 : memref<1x64xi32, #tpu.memory_space<vmem>> -> memref<64xi32, #tpu.memory_space<vmem>>
        %dma_start3A_335 = tpu.memref_slice %arg4[%add3A_326] : memref<327680xi32, #tpu.memory_space<hbm>> -> memref<64xi32, #tpu.memory_space<hbm>>
        tpu.enqueue_dma source(%dma_start3A_335 : memref<64xi32, #tpu.memory_space<hbm>>) target(%dma_start3A_334 : memref<64xi32, #tpu.memory_space<vmem>>) target_semaphore(%arg11 : memref<!tpu.dma_semaphore, #tpu.memory_space<semaphore_mem>>)
      } else {
      }
      %mul3A_220 = arith.constant 4 : i32
      %mul3A_221 = arith.muli %scan3A_190, %mul3A_220 : i32
      %add3A_222 = arith.constant 1 : i32
      %add3A_223 = arith.addi %mul3A_221, %add3A_222 : i32
      %add3A_224 = arith.constant 2 : i32
      %add3A_225 = arith.addi %add3A_223, %add3A_224 : i32
      %lt3A_226 = arith.cmpi slt, %add3A_225, %add3A_11 : i32
      %convert_element_type3A_227 = arith.extui %lt3A_226 : i1 to i32
      %cond3A_228 = arith.constant 0 : i32
      %cond3A_229 = arith.cmpi ne, %convert_element_type3A_227, %cond3A_228 : i32
      scf.if %cond3A_229 {
        %add3A_310 = arith.constant 2 : i32
        %add3A_311 = arith.addi %add3A_223, %add3A_310 : i32
        %mul3A_312 = arith.constant 64 : i32
        %mul3A_313 = arith.muli %add3A_311, %mul3A_312 : i32
        %add3A_314 = arith.addi %mul3A_6, %mul3A_313 : i32
        %dma_wait3A_315 = arith.constant 3 : i32
        %dma_wait3A_316 = arith.constant 0 : i32
        %dma_wait3A_317 = tpu.memref_slice %arg7[%dma_wait3A_315, %dma_wait3A_316] : memref<4x64xi32, #tpu.memory_space<vmem>> -> memref<1x64xi32, #tpu.memory_space<vmem>>
        %dma_wait3A_318 = tpu.memref_squeeze %dma_wait3A_317 : memref<1x64xi32, #tpu.memory_space<vmem>> -> memref<64xi32, #tpu.memory_space<vmem>>
        %dma_wait3A_319 = tpu.memref_slice %arg3[%add3A_314] : memref<327680xi32, #tpu.memory_space<hbm>> -> memref<64xi32, #tpu.memory_space<hbm>>
        %dma_wait3A_320 = arith.constant 0 : i32
        %dma_wait3A_321 = tpu.memref_slice %arg7[%dma_wait3A_315, %dma_wait3A_320] : memref<4x64xi32, #tpu.memory_space<vmem>> -> memref<1x64xi32, #tpu.memory_space<vmem>>
        %dma_wait3A_322 = tpu.memref_squeeze %dma_wait3A_321 : memref<1x64xi32, #tpu.memory_space<vmem>> -> memref<64xi32, #tpu.memory_space<vmem>>
        %dma_wait3A_323 = tpu.memref_slice %arg3[%add3A_314] : memref<327680xi32, #tpu.memory_space<hbm>> -> memref<64xi32, #tpu.memory_space<hbm>>
        tpu.wait_dma2 semaphore(%arg14 : memref<!tpu.dma_semaphore, #tpu.memory_space<semaphore_mem>>) src(%dma_wait3A_323 : memref<64xi32, #tpu.memory_space<hbm>>) dst(%dma_wait3A_322 : memref<64xi32, #tpu.memory_space<vmem>>)
        %mul3A_324 = arith.constant 64 : i32
        %mul3A_325 = arith.muli %add3A_311, %mul3A_324 : i32
        %add3A_326 = arith.addi %mul3A_6, %mul3A_325 : i32
        %dma_wait3A_327 = arith.constant 3 : i32
        %dma_wait3A_328 = arith.constant 0 : i32
        %dma_wait3A_329 = tpu.memref_slice %arg8[%dma_wait3A_327, %dma_wait3A_328] : memref<4x64xi32, #tpu.memory_space<vmem>> -> memref<1x64xi32, #tpu.memory_space<vmem>>
        %dma_wait3A_330 = tpu.memref_squeeze %dma_wait3A_329 : memref<1x64xi32, #tpu.memory_space<vmem>> -> memref<64xi32, #tpu.memory_space<vmem>>
        %dma_wait3A_331 = tpu.memref_slice %arg4[%add3A_326] : memref<327680xi32, #tpu.memory_space<hbm>> -> memref<64xi32, #tpu.memory_space<hbm>>
        %dma_wait3A_332 = arith.constant 0 : i32
        %dma_wait3A_333 = tpu.memref_slice %arg8[%dma_wait3A_327, %dma_wait3A_332] : memref<4x64xi32, #tpu.memory_space<vmem>> -> memref<1x64xi32, #tpu.memory_space<vmem>>
        %dma_wait3A_334 = tpu.memref_squeeze %dma_wait3A_333 : memref<1x64xi32, #tpu.memory_space<vmem>> -> memref<64xi32, #tpu.memory_space<vmem>>
        %dma_wait3A_335 = tpu.memref_slice %arg4[%add3A_326] : memref<327680xi32, #tpu.memory_space<hbm>> -> memref<64xi32, #tpu.memory_space<hbm>>
        tpu.wait_dma2 semaphore(%arg14 : memref<!tpu.dma_semaphore, #tpu.memory_space<semaphore_mem>>) src(%dma_wait3A_335 : memref<64xi32, #tpu.memory_space<hbm>>) dst(%dma_wait3A_334 : memref<64xi32, #tpu.memory_space<vmem>>)
        %dma_start3A_336 = arith.constant 3 : i32
        %dma_start3A_337 = arith.constant 3 : i32
        %dma_start3A_338 = arith.constant 0 : i32
        %dma_start3A_339 = arith.constant 0 : i32
        %dma_start3A_340 = tpu.memref_slice %arg9[%dma_start3A_337, %dma_start3A_338, %dma_start3A_339] : memref<4x64x128xf32, #tpu.memory_space<vmem>> -> memref<1x64x128xf32, #tpu.memory_space<vmem>>
        %dma_start3A_341 = tpu.memref_squeeze %dma_start3A_340 : memref<1x64x128xf32, #tpu.memory_space<vmem>> -> memref<64x128xf32, #tpu.memory_space<vmem>>
        %dma_start3A_342 = arith.constant 0 : i32
        %dma_start3A_343 = tpu.memref_slice %arg7[%dma_start3A_336, %dma_start3A_342] : memref<4x64xi32, #tpu.memory_space<vmem>> -> memref<1x64xi32, #tpu.memory_space<vmem>>
        %dma_start3A_344 = tpu.memref_squeeze %dma_start3A_343 : memref<1x64xi32, #tpu.memory_space<vmem>> -> memref<64xi32, #tpu.memory_space<vmem>>
        %dma_start3A_345 = arith.constant 0 : i32
        %dma_start3A_346 = arith.constant 0 : i32
        %dma_start3A_347 = tpu.memref_slice %arg2[%dma_start3A_345, %dma_start3A_346] : memref<10000x128xf32, #tpu.memory_space<hbm>> -> memref<10000x128xf32, #tpu.memory_space<hbm>>
        tpu.enqueue_indirect_dma source(%dma_start3A_347 : memref<10000x128xf32, #tpu.memory_space<hbm>>) target(%dma_start3A_341 : memref<64x128xf32, #tpu.memory_space<vmem>>) offsets(%dma_start3A_344 : memref<64xi32, #tpu.memory_space<vmem>>) semaphore(%arg18 : memref<!tpu.dma_semaphore, #tpu.memory_space<semaphore_mem>>)
      } else {
      }
      %dma_wait3A_230 = arith.constant 1 : i32
      %dma_wait3A_231 = arith.constant 1 : i32
      %dma_wait3A_232 = arith.constant 0 : i32
      %dma_wait3A_233 = arith.constant 0 : i32
      %dma_wait3A_234 = tpu.memref_slice %arg9[%dma_wait3A_231, %dma_wait3A_232, %dma_wait3A_233] : memref<4x64x128xf32, #tpu.memory_space<vmem>> -> memref<1x64x128xf32, #tpu.memory_space<vmem>>
      %dma_wait3A_235 = tpu.memref_squeeze %dma_wait3A_234 : memref<1x64x128xf32, #tpu.memory_space<vmem>> -> memref<64x128xf32, #tpu.memory_space<vmem>>
      %dma_wait3A_236 = arith.constant 0 : i32
      %dma_wait3A_237 = tpu.memref_slice %arg7[%dma_wait3A_230, %dma_wait3A_236] : memref<4x64xi32, #tpu.memory_space<vmem>> -> memref<1x64xi32, #tpu.memory_space<vmem>>
      %dma_wait3A_238 = tpu.memref_squeeze %dma_wait3A_237 : memref<1x64xi32, #tpu.memory_space<vmem>> -> memref<64xi32, #tpu.memory_space<vmem>>
      %dma_wait3A_239 = arith.constant 0 : i32
      %dma_wait3A_240 = arith.constant 0 : i32
      %dma_wait3A_241 = tpu.memref_slice %arg2[%dma_wait3A_239, %dma_wait3A_240] : memref<10000x128xf32, #tpu.memory_space<hbm>> -> memref<10000x128xf32, #tpu.memory_space<hbm>>
      tpu.wait_indirect_dma semaphore(%arg16 : memref<!tpu.dma_semaphore, #tpu.memory_space<semaphore_mem>>) src(%dma_wait3A_241 : memref<10000x128xf32, #tpu.memory_space<hbm>>) dst(%dma_wait3A_235 : memref<64x128xf32, #tpu.memory_space<vmem>>)
      %run_scoped3A_242 = arith.constant 1 : i32
      %run_scoped3A_243 = arith.constant 1 : i32
      "tpu.region"() ({
        %run_scoped3A_310 = tpu.sem_alloc : memref<!tpu.dma_semaphore, #tpu.memory_space<semaphore_mem>>
        %dma_start3A_311 = arith.constant 0 : i32
        %dma_start3A_312 = arith.constant 0 : i32
        %dma_start3A_313 = tpu.memref_slice %arg9[%run_scoped3A_242, %dma_start3A_311, %dma_start3A_312] : memref<4x64x128xf32, #tpu.memory_space<vmem>> -> memref<1x64x128xf32, #tpu.memory_space<vmem>>
        %dma_start3A_314 = tpu.memref_squeeze %dma_start3A_313 : memref<1x64x128xf32, #tpu.memory_space<vmem>> -> memref<64x128xf32, #tpu.memory_space<vmem>>
        %dma_start3A_315 = arith.constant 0 : i32
        %dma_start3A_316 = tpu.memref_slice %arg8[%run_scoped3A_243, %dma_start3A_315] : memref<4x64xi32, #tpu.memory_space<vmem>> -> memref<1x64xi32, #tpu.memory_space<vmem>>
        %dma_start3A_317 = tpu.memref_squeeze %dma_start3A_316 : memref<1x64xi32, #tpu.memory_space<vmem>> -> memref<64xi32, #tpu.memory_space<vmem>>
        %dma_start3A_318 = arith.constant 0 : i32
        %dma_start3A_319 = arith.constant 0 : i32
        %dma_start3A_320 = tpu.memref_slice %arg10[%dma_start3A_318, %dma_start3A_319] : memref<10000x128xf32, #tpu.memory_space<vmem_shared>> -> memref<10000x128xf32, #tpu.memory_space<vmem_shared>>
        tpu.enqueue_indirect_dma source(%dma_start3A_314 : memref<64x128xf32, #tpu.memory_space<vmem>>) target(%dma_start3A_320 : memref<10000x128xf32, #tpu.memory_space<vmem_shared>>) offsets(%dma_start3A_317 : memref<64xi32, #tpu.memory_space<vmem>>) semaphore(%run_scoped3A_310 : memref<!tpu.dma_semaphore, #tpu.memory_space<semaphore_mem>>) {add = true}
        %dma_wait3A_321 = arith.constant 0 : i32
        %dma_wait3A_322 = arith.constant 0 : i32
        %dma_wait3A_323 = tpu.memref_slice %arg9[%run_scoped3A_242, %dma_wait3A_321, %dma_wait3A_322] : memref<4x64x128xf32, #tpu.memory_space<vmem>> -> memref<1x64x128xf32, #tpu.memory_space<vmem>>
        %dma_wait3A_324 = tpu.memref_squeeze %dma_wait3A_323 : memref<1x64x128xf32, #tpu.memory_space<vmem>> -> memref<64x128xf32, #tpu.memory_space<vmem>>
        %dma_wait3A_325 = arith.constant 0 : i32
        %dma_wait3A_326 = tpu.memref_slice %arg8[%run_scoped3A_243, %dma_wait3A_325] : memref<4x64xi32, #tpu.memory_space<vmem>> -> memref<1x64xi32, #tpu.memory_space<vmem>>
        %dma_wait3A_327 = tpu.memref_squeeze %dma_wait3A_326 : memref<1x64xi32, #tpu.memory_space<vmem>> -> memref<64xi32, #tpu.memory_space<vmem>>
        %dma_wait3A_328 = arith.constant 0 : i32
        %dma_wait3A_329 = arith.constant 0 : i32
        %dma_wait3A_330 = tpu.memref_slice %arg10[%dma_wait3A_328, %dma_wait3A_329] : memref<10000x128xf32, #tpu.memory_space<vmem_shared>> -> memref<10000x128xf32, #tpu.memory_space<vmem_shared>>
        tpu.wait_indirect_dma semaphore(%run_scoped3A_310 : memref<!tpu.dma_semaphore, #tpu.memory_space<semaphore_mem>>) src(%dma_wait3A_324 : memref<64x128xf32, #tpu.memory_space<vmem>>) dst(%dma_wait3A_330 : memref<10000x128xf32, #tpu.memory_space<vmem_shared>>)
        tpu.yield
      }) : () -> ()
      %add3A_244 = arith.constant 4 : i32
      %add3A_245 = arith.addi %add3A_223, %add3A_244 : i32
      %lt3A_246 = arith.cmpi slt, %add3A_245, %add3A_11 : i32
      %convert_element_type3A_247 = arith.extui %lt3A_246 : i1 to i32
      %cond3A_248 = arith.constant 0 : i32
      %cond3A_249 = arith.cmpi ne, %convert_element_type3A_247, %cond3A_248 : i32
      scf.if %cond3A_249 {
        %add3A_310 = arith.constant 4 : i32
        %add3A_311 = arith.addi %add3A_223, %add3A_310 : i32
        %mul3A_312 = arith.constant 64 : i32
        %mul3A_313 = arith.muli %add3A_311, %mul3A_312 : i32
        %add3A_314 = arith.addi %mul3A_6, %mul3A_313 : i32
        %dma_start3A_315 = arith.constant 1 : i32
        %dma_start3A_316 = arith.constant 0 : i32
        %dma_start3A_317 = tpu.memref_slice %arg7[%dma_start3A_315, %dma_start3A_316] : memref<4x64xi32, #tpu.memory_space<vmem>> -> memref<1x64xi32, #tpu.memory_space<vmem>>
        %dma_start3A_318 = tpu.memref_squeeze %dma_start3A_317 : memref<1x64xi32, #tpu.memory_space<vmem>> -> memref<64xi32, #tpu.memory_space<vmem>>
        %dma_start3A_319 = tpu.memref_slice %arg3[%add3A_314] : memref<327680xi32, #tpu.memory_space<hbm>> -> memref<64xi32, #tpu.memory_space<hbm>>
        %dma_start3A_320 = arith.constant 0 : i32
        %dma_start3A_321 = tpu.memref_slice %arg7[%dma_start3A_315, %dma_start3A_320] : memref<4x64xi32, #tpu.memory_space<vmem>> -> memref<1x64xi32, #tpu.memory_space<vmem>>
        %dma_start3A_322 = tpu.memref_squeeze %dma_start3A_321 : memref<1x64xi32, #tpu.memory_space<vmem>> -> memref<64xi32, #tpu.memory_space<vmem>>
        %dma_start3A_323 = tpu.memref_slice %arg3[%add3A_314] : memref<327680xi32, #tpu.memory_space<hbm>> -> memref<64xi32, #tpu.memory_space<hbm>>
        tpu.enqueue_dma source(%dma_start3A_323 : memref<64xi32, #tpu.memory_space<hbm>>) target(%dma_start3A_322 : memref<64xi32, #tpu.memory_space<vmem>>) target_semaphore(%arg12 : memref<!tpu.dma_semaphore, #tpu.memory_space<semaphore_mem>>)
        %mul3A_324 = arith.constant 64 : i32
        %mul3A_325 = arith.muli %add3A_311, %mul3A_324 : i32
        %add3A_326 = arith.addi %mul3A_6, %mul3A_325 : i32
        %dma_start3A_327 = arith.constant 1 : i32
        %dma_start3A_328 = arith.constant 0 : i32
        %dma_start3A_329 = tpu.memref_slice %arg8[%dma_start3A_327, %dma_start3A_328] : memref<4x64xi32, #tpu.memory_space<vmem>> -> memref<1x64xi32, #tpu.memory_space<vmem>>
        %dma_start3A_330 = tpu.memref_squeeze %dma_start3A_329 : memref<1x64xi32, #tpu.memory_space<vmem>> -> memref<64xi32, #tpu.memory_space<vmem>>
        %dma_start3A_331 = tpu.memref_slice %arg4[%add3A_326] : memref<327680xi32, #tpu.memory_space<hbm>> -> memref<64xi32, #tpu.memory_space<hbm>>
        %dma_start3A_332 = arith.constant 0 : i32
        %dma_start3A_333 = tpu.memref_slice %arg8[%dma_start3A_327, %dma_start3A_332] : memref<4x64xi32, #tpu.memory_space<vmem>> -> memref<1x64xi32, #tpu.memory_space<vmem>>
        %dma_start3A_334 = tpu.memref_squeeze %dma_start3A_333 : memref<1x64xi32, #tpu.memory_space<vmem>> -> memref<64xi32, #tpu.memory_space<vmem>>
        %dma_start3A_335 = tpu.memref_slice %arg4[%add3A_326] : memref<327680xi32, #tpu.memory_space<hbm>> -> memref<64xi32, #tpu.memory_space<hbm>>
        tpu.enqueue_dma source(%dma_start3A_335 : memref<64xi32, #tpu.memory_space<hbm>>) target(%dma_start3A_334 : memref<64xi32, #tpu.memory_space<vmem>>) target_semaphore(%arg12 : memref<!tpu.dma_semaphore, #tpu.memory_space<semaphore_mem>>)
      } else {
      }
      %mul3A_250 = arith.constant 4 : i32
      %mul3A_251 = arith.muli %scan3A_190, %mul3A_250 : i32
      %add3A_252 = arith.constant 2 : i32
      %add3A_253 = arith.addi %mul3A_251, %add3A_252 : i32
      %add3A_254 = arith.constant 2 : i32
      %add3A_255 = arith.addi %add3A_253, %add3A_254 : i32
      %lt3A_256 = arith.cmpi slt, %add3A_255, %add3A_11 : i32
      %convert_element_type3A_257 = arith.extui %lt3A_256 : i1 to i32
      %cond3A_258 = arith.constant 0 : i32
      %cond3A_259 = arith.cmpi ne, %convert_element_type3A_257, %cond3A_258 : i32
      scf.if %cond3A_259 {
        %add3A_310 = arith.constant 2 : i32
        %add3A_311 = arith.addi %add3A_253, %add3A_310 : i32
        %mul3A_312 = arith.constant 64 : i32
        %mul3A_313 = arith.muli %add3A_311, %mul3A_312 : i32
        %add3A_314 = arith.addi %mul3A_6, %mul3A_313 : i32
        %dma_wait3A_315 = arith.constant 0 : i32
        %dma_wait3A_316 = arith.constant 0 : i32
        %dma_wait3A_317 = tpu.memref_slice %arg7[%dma_wait3A_315, %dma_wait3A_316] : memref<4x64xi32, #tpu.memory_space<vmem>> -> memref<1x64xi32, #tpu.memory_space<vmem>>
        %dma_wait3A_318 = tpu.memref_squeeze %dma_wait3A_317 : memref<1x64xi32, #tpu.memory_space<vmem>> -> memref<64xi32, #tpu.memory_space<vmem>>
        %dma_wait3A_319 = tpu.memref_slice %arg3[%add3A_314] : memref<327680xi32, #tpu.memory_space<hbm>> -> memref<64xi32, #tpu.memory_space<hbm>>
        %dma_wait3A_320 = arith.constant 0 : i32
        %dma_wait3A_321 = tpu.memref_slice %arg7[%dma_wait3A_315, %dma_wait3A_320] : memref<4x64xi32, #tpu.memory_space<vmem>> -> memref<1x64xi32, #tpu.memory_space<vmem>>
        %dma_wait3A_322 = tpu.memref_squeeze %dma_wait3A_321 : memref<1x64xi32, #tpu.memory_space<vmem>> -> memref<64xi32, #tpu.memory_space<vmem>>
        %dma_wait3A_323 = tpu.memref_slice %arg3[%add3A_314] : memref<327680xi32, #tpu.memory_space<hbm>> -> memref<64xi32, #tpu.memory_space<hbm>>
        tpu.wait_dma2 semaphore(%arg11 : memref<!tpu.dma_semaphore, #tpu.memory_space<semaphore_mem>>) src(%dma_wait3A_323 : memref<64xi32, #tpu.memory_space<hbm>>) dst(%dma_wait3A_322 : memref<64xi32, #tpu.memory_space<vmem>>)
        %mul3A_324 = arith.constant 64 : i32
        %mul3A_325 = arith.muli %add3A_311, %mul3A_324 : i32
        %add3A_326 = arith.addi %mul3A_6, %mul3A_325 : i32
        %dma_wait3A_327 = arith.constant 0 : i32
        %dma_wait3A_328 = arith.constant 0 : i32
        %dma_wait3A_329 = tpu.memref_slice %arg8[%dma_wait3A_327, %dma_wait3A_328] : memref<4x64xi32, #tpu.memory_space<vmem>> -> memref<1x64xi32, #tpu.memory_space<vmem>>
        %dma_wait3A_330 = tpu.memref_squeeze %dma_wait3A_329 : memref<1x64xi32, #tpu.memory_space<vmem>> -> memref<64xi32, #tpu.memory_space<vmem>>
        %dma_wait3A_331 = tpu.memref_slice %arg4[%add3A_326] : memref<327680xi32, #tpu.memory_space<hbm>> -> memref<64xi32, #tpu.memory_space<hbm>>
        %dma_wait3A_332 = arith.constant 0 : i32
        %dma_wait3A_333 = tpu.memref_slice %arg8[%dma_wait3A_327, %dma_wait3A_332] : memref<4x64xi32, #tpu.memory_space<vmem>> -> memref<1x64xi32, #tpu.memory_space<vmem>>
        %dma_wait3A_334 = tpu.memref_squeeze %dma_wait3A_333 : memref<1x64xi32, #tpu.memory_space<vmem>> -> memref<64xi32, #tpu.memory_space<vmem>>
        %dma_wait3A_335 = tpu.memref_slice %arg4[%add3A_326] : memref<327680xi32, #tpu.memory_space<hbm>> -> memref<64xi32, #tpu.memory_space<hbm>>
        tpu.wait_dma2 semaphore(%arg11 : memref<!tpu.dma_semaphore, #tpu.memory_space<semaphore_mem>>) src(%dma_wait3A_335 : memref<64xi32, #tpu.memory_space<hbm>>) dst(%dma_wait3A_334 : memref<64xi32, #tpu.memory_space<vmem>>)
        %dma_start3A_336 = arith.constant 0 : i32
        %dma_start3A_337 = arith.constant 0 : i32
        %dma_start3A_338 = arith.constant 0 : i32
        %dma_start3A_339 = arith.constant 0 : i32
        %dma_start3A_340 = tpu.memref_slice %arg9[%dma_start3A_337, %dma_start3A_338, %dma_start3A_339] : memref<4x64x128xf32, #tpu.memory_space<vmem>> -> memref<1x64x128xf32, #tpu.memory_space<vmem>>
        %dma_start3A_341 = tpu.memref_squeeze %dma_start3A_340 : memref<1x64x128xf32, #tpu.memory_space<vmem>> -> memref<64x128xf32, #tpu.memory_space<vmem>>
        %dma_start3A_342 = arith.constant 0 : i32
        %dma_start3A_343 = tpu.memref_slice %arg7[%dma_start3A_336, %dma_start3A_342] : memref<4x64xi32, #tpu.memory_space<vmem>> -> memref<1x64xi32, #tpu.memory_space<vmem>>
        %dma_start3A_344 = tpu.memref_squeeze %dma_start3A_343 : memref<1x64xi32, #tpu.memory_space<vmem>> -> memref<64xi32, #tpu.memory_space<vmem>>
        %dma_start3A_345 = arith.constant 0 : i32
        %dma_start3A_346 = arith.constant 0 : i32
        %dma_start3A_347 = tpu.memref_slice %arg2[%dma_start3A_345, %dma_start3A_346] : memref<10000x128xf32, #tpu.memory_space<hbm>> -> memref<10000x128xf32, #tpu.memory_space<hbm>>
        tpu.enqueue_indirect_dma source(%dma_start3A_347 : memref<10000x128xf32, #tpu.memory_space<hbm>>) target(%dma_start3A_341 : memref<64x128xf32, #tpu.memory_space<vmem>>) offsets(%dma_start3A_344 : memref<64xi32, #tpu.memory_space<vmem>>) semaphore(%arg15 : memref<!tpu.dma_semaphore, #tpu.memory_space<semaphore_mem>>)
      } else {
      }
      %dma_wait3A_260 = arith.constant 2 : i32
      %dma_wait3A_261 = arith.constant 2 : i32
      %dma_wait3A_262 = arith.constant 0 : i32
      %dma_wait3A_263 = arith.constant 0 : i32
      %dma_wait3A_264 = tpu.memref_slice %arg9[%dma_wait3A_261, %dma_wait3A_262, %dma_wait3A_263] : memref<4x64x128xf32, #tpu.memory_space<vmem>> -> memref<1x64x128xf32, #tpu.memory_space<vmem>>
      %dma_wait3A_265 = tpu.memref_squeeze %dma_wait3A_264 : memref<1x64x128xf32, #tpu.memory_space<vmem>> -> memref<64x128xf32, #tpu.memory_space<vmem>>
      %dma_wait3A_266 = arith.constant 0 : i32
      %dma_wait3A_267 = tpu.memref_slice %arg7[%dma_wait3A_260, %dma_wait3A_266] : memref<4x64xi32, #tpu.memory_space<vmem>> -> memref<1x64xi32, #tpu.memory_space<vmem>>
      %dma_wait3A_268 = tpu.memref_squeeze %dma_wait3A_267 : memref<1x64xi32, #tpu.memory_space<vmem>> -> memref<64xi32, #tpu.memory_space<vmem>>
      %dma_wait3A_269 = arith.constant 0 : i32
      %dma_wait3A_270 = arith.constant 0 : i32
      %dma_wait3A_271 = tpu.memref_slice %arg2[%dma_wait3A_269, %dma_wait3A_270] : memref<10000x128xf32, #tpu.memory_space<hbm>> -> memref<10000x128xf32, #tpu.memory_space<hbm>>
      tpu.wait_indirect_dma semaphore(%arg17 : memref<!tpu.dma_semaphore, #tpu.memory_space<semaphore_mem>>) src(%dma_wait3A_271 : memref<10000x128xf32, #tpu.memory_space<hbm>>) dst(%dma_wait3A_265 : memref<64x128xf32, #tpu.memory_space<vmem>>)
      %run_scoped3A_272 = arith.constant 2 : i32
      %run_scoped3A_273 = arith.constant 2 : i32
      "tpu.region"() ({
        %run_scoped3A_310 = tpu.sem_alloc : memref<!tpu.dma_semaphore, #tpu.memory_space<semaphore_mem>>
        %dma_start3A_311 = arith.constant 0 : i32
        %dma_start3A_312 = arith.constant 0 : i32
        %dma_start3A_313 = tpu.memref_slice %arg9[%run_scoped3A_272, %dma_start3A_311, %dma_start3A_312] : memref<4x64x128xf32, #tpu.memory_space<vmem>> -> memref<1x64x128xf32, #tpu.memory_space<vmem>>
        %dma_start3A_314 = tpu.memref_squeeze %dma_start3A_313 : memref<1x64x128xf32, #tpu.memory_space<vmem>> -> memref<64x128xf32, #tpu.memory_space<vmem>>
        %dma_start3A_315 = arith.constant 0 : i32
        %dma_start3A_316 = tpu.memref_slice %arg8[%run_scoped3A_273, %dma_start3A_315] : memref<4x64xi32, #tpu.memory_space<vmem>> -> memref<1x64xi32, #tpu.memory_space<vmem>>
        %dma_start3A_317 = tpu.memref_squeeze %dma_start3A_316 : memref<1x64xi32, #tpu.memory_space<vmem>> -> memref<64xi32, #tpu.memory_space<vmem>>
        %dma_start3A_318 = arith.constant 0 : i32
        %dma_start3A_319 = arith.constant 0 : i32
        %dma_start3A_320 = tpu.memref_slice %arg10[%dma_start3A_318, %dma_start3A_319] : memref<10000x128xf32, #tpu.memory_space<vmem_shared>> -> memref<10000x128xf32, #tpu.memory_space<vmem_shared>>
        tpu.enqueue_indirect_dma source(%dma_start3A_314 : memref<64x128xf32, #tpu.memory_space<vmem>>) target(%dma_start3A_320 : memref<10000x128xf32, #tpu.memory_space<vmem_shared>>) offsets(%dma_start3A_317 : memref<64xi32, #tpu.memory_space<vmem>>) semaphore(%run_scoped3A_310 : memref<!tpu.dma_semaphore, #tpu.memory_space<semaphore_mem>>) {add = true}
        %dma_wait3A_321 = arith.constant 0 : i32
        %dma_wait3A_322 = arith.constant 0 : i32
        %dma_wait3A_323 = tpu.memref_slice %arg9[%run_scoped3A_272, %dma_wait3A_321, %dma_wait3A_322] : memref<4x64x128xf32, #tpu.memory_space<vmem>> -> memref<1x64x128xf32, #tpu.memory_space<vmem>>
        %dma_wait3A_324 = tpu.memref_squeeze %dma_wait3A_323 : memref<1x64x128xf32, #tpu.memory_space<vmem>> -> memref<64x128xf32, #tpu.memory_space<vmem>>
        %dma_wait3A_325 = arith.constant 0 : i32
        %dma_wait3A_326 = tpu.memref_slice %arg8[%run_scoped3A_273, %dma_wait3A_325] : memref<4x64xi32, #tpu.memory_space<vmem>> -> memref<1x64xi32, #tpu.memory_space<vmem>>
        %dma_wait3A_327 = tpu.memref_squeeze %dma_wait3A_326 : memref<1x64xi32, #tpu.memory_space<vmem>> -> memref<64xi32, #tpu.memory_space<vmem>>
        %dma_wait3A_328 = arith.constant 0 : i32
        %dma_wait3A_329 = arith.constant 0 : i32
        %dma_wait3A_330 = tpu.memref_slice %arg10[%dma_wait3A_328, %dma_wait3A_329] : memref<10000x128xf32, #tpu.memory_space<vmem_shared>> -> memref<10000x128xf32, #tpu.memory_space<vmem_shared>>
        tpu.wait_indirect_dma semaphore(%run_scoped3A_310 : memref<!tpu.dma_semaphore, #tpu.memory_space<semaphore_mem>>) src(%dma_wait3A_324 : memref<64x128xf32, #tpu.memory_space<vmem>>) dst(%dma_wait3A_330 : memref<10000x128xf32, #tpu.memory_space<vmem_shared>>)
        tpu.yield
      }) : () -> ()
      %add3A_274 = arith.constant 4 : i32
      %add3A_275 = arith.addi %add3A_253, %add3A_274 : i32
      %lt3A_276 = arith.cmpi slt, %add3A_275, %add3A_11 : i32
      %convert_element_type3A_277 = arith.extui %lt3A_276 : i1 to i32
      %cond3A_278 = arith.constant 0 : i32
      %cond3A_279 = arith.cmpi ne, %convert_element_type3A_277, %cond3A_278 : i32
      scf.if %cond3A_279 {
        %add3A_310 = arith.constant 4 : i32
        %add3A_311 = arith.addi %add3A_253, %add3A_310 : i32
        %mul3A_312 = arith.constant 64 : i32
        %mul3A_313 = arith.muli %add3A_311, %mul3A_312 : i32
        %add3A_314 = arith.addi %mul3A_6, %mul3A_313 : i32
        %dma_start3A_315 = arith.constant 2 : i32
        %dma_start3A_316 = arith.constant 0 : i32
        %dma_start3A_317 = tpu.memref_slice %arg7[%dma_start3A_315, %dma_start3A_316] : memref<4x64xi32, #tpu.memory_space<vmem>> -> memref<1x64xi32, #tpu.memory_space<vmem>>
        %dma_start3A_318 = tpu.memref_squeeze %dma_start3A_317 : memref<1x64xi32, #tpu.memory_space<vmem>> -> memref<64xi32, #tpu.memory_space<vmem>>
        %dma_start3A_319 = tpu.memref_slice %arg3[%add3A_314] : memref<327680xi32, #tpu.memory_space<hbm>> -> memref<64xi32, #tpu.memory_space<hbm>>
        %dma_start3A_320 = arith.constant 0 : i32
        %dma_start3A_321 = tpu.memref_slice %arg7[%dma_start3A_315, %dma_start3A_320] : memref<4x64xi32, #tpu.memory_space<vmem>> -> memref<1x64xi32, #tpu.memory_space<vmem>>
        %dma_start3A_322 = tpu.memref_squeeze %dma_start3A_321 : memref<1x64xi32, #tpu.memory_space<vmem>> -> memref<64xi32, #tpu.memory_space<vmem>>
        %dma_start3A_323 = tpu.memref_slice %arg3[%add3A_314] : memref<327680xi32, #tpu.memory_space<hbm>> -> memref<64xi32, #tpu.memory_space<hbm>>
        tpu.enqueue_dma source(%dma_start3A_323 : memref<64xi32, #tpu.memory_space<hbm>>) target(%dma_start3A_322 : memref<64xi32, #tpu.memory_space<vmem>>) target_semaphore(%arg13 : memref<!tpu.dma_semaphore, #tpu.memory_space<semaphore_mem>>)
        %mul3A_324 = arith.constant 64 : i32
        %mul3A_325 = arith.muli %add3A_311, %mul3A_324 : i32
        %add3A_326 = arith.addi %mul3A_6, %mul3A_325 : i32
        %dma_start3A_327 = arith.constant 2 : i32
        %dma_start3A_328 = arith.constant 0 : i32
        %dma_start3A_329 = tpu.memref_slice %arg8[%dma_start3A_327, %dma_start3A_328] : memref<4x64xi32, #tpu.memory_space<vmem>> -> memref<1x64xi32, #tpu.memory_space<vmem>>
        %dma_start3A_330 = tpu.memref_squeeze %dma_start3A_329 : memref<1x64xi32, #tpu.memory_space<vmem>> -> memref<64xi32, #tpu.memory_space<vmem>>
        %dma_start3A_331 = tpu.memref_slice %arg4[%add3A_326] : memref<327680xi32, #tpu.memory_space<hbm>> -> memref<64xi32, #tpu.memory_space<hbm>>
        %dma_start3A_332 = arith.constant 0 : i32
        %dma_start3A_333 = tpu.memref_slice %arg8[%dma_start3A_327, %dma_start3A_332] : memref<4x64xi32, #tpu.memory_space<vmem>> -> memref<1x64xi32, #tpu.memory_space<vmem>>
        %dma_start3A_334 = tpu.memref_squeeze %dma_start3A_333 : memref<1x64xi32, #tpu.memory_space<vmem>> -> memref<64xi32, #tpu.memory_space<vmem>>
        %dma_start3A_335 = tpu.memref_slice %arg4[%add3A_326] : memref<327680xi32, #tpu.memory_space<hbm>> -> memref<64xi32, #tpu.memory_space<hbm>>
        tpu.enqueue_dma source(%dma_start3A_335 : memref<64xi32, #tpu.memory_space<hbm>>) target(%dma_start3A_334 : memref<64xi32, #tpu.memory_space<vmem>>) target_semaphore(%arg13 : memref<!tpu.dma_semaphore, #tpu.memory_space<semaphore_mem>>)
      } else {
      }
      %mul3A_280 = arith.constant 4 : i32
      %mul3A_281 = arith.muli %scan3A_190, %mul3A_280 : i32
      %add3A_282 = arith.constant 3 : i32
      %add3A_283 = arith.addi %mul3A_281, %add3A_282 : i32
      %add3A_284 = arith.constant 2 : i32
      %add3A_285 = arith.addi %add3A_283, %add3A_284 : i32
      %lt3A_286 = arith.cmpi slt, %add3A_285, %add3A_11 : i32
      %convert_element_type3A_287 = arith.extui %lt3A_286 : i1 to i32
      %cond3A_288 = arith.constant 0 : i32
      %cond3A_289 = arith.cmpi ne, %convert_element_type3A_287, %cond3A_288 : i32
      scf.if %cond3A_289 {
        %add3A_310 = arith.constant 2 : i32
        %add3A_311 = arith.addi %add3A_283, %add3A_310 : i32
        %mul3A_312 = arith.constant 64 : i32
        %mul3A_313 = arith.muli %add3A_311, %mul3A_312 : i32
        %add3A_314 = arith.addi %mul3A_6, %mul3A_313 : i32
        %dma_wait3A_315 = arith.constant 1 : i32
        %dma_wait3A_316 = arith.constant 0 : i32
        %dma_wait3A_317 = tpu.memref_slice %arg7[%dma_wait3A_315, %dma_wait3A_316] : memref<4x64xi32, #tpu.memory_space<vmem>> -> memref<1x64xi32, #tpu.memory_space<vmem>>
        %dma_wait3A_318 = tpu.memref_squeeze %dma_wait3A_317 : memref<1x64xi32, #tpu.memory_space<vmem>> -> memref<64xi32, #tpu.memory_space<vmem>>
        %dma_wait3A_319 = tpu.memref_slice %arg3[%add3A_314] : memref<327680xi32, #tpu.memory_space<hbm>> -> memref<64xi32, #tpu.memory_space<hbm>>
        %dma_wait3A_320 = arith.constant 0 : i32
        %dma_wait3A_321 = tpu.memref_slice %arg7[%dma_wait3A_315, %dma_wait3A_320] : memref<4x64xi32, #tpu.memory_space<vmem>> -> memref<1x64xi32, #tpu.memory_space<vmem>>
        %dma_wait3A_322 = tpu.memref_squeeze %dma_wait3A_321 : memref<1x64xi32, #tpu.memory_space<vmem>> -> memref<64xi32, #tpu.memory_space<vmem>>
        %dma_wait3A_323 = tpu.memref_slice %arg3[%add3A_314] : memref<327680xi32, #tpu.memory_space<hbm>> -> memref<64xi32, #tpu.memory_space<hbm>>
        tpu.wait_dma2 semaphore(%arg12 : memref<!tpu.dma_semaphore, #tpu.memory_space<semaphore_mem>>) src(%dma_wait3A_323 : memref<64xi32, #tpu.memory_space<hbm>>) dst(%dma_wait3A_322 : memref<64xi32, #tpu.memory_space<vmem>>)
        %mul3A_324 = arith.constant 64 : i32
        %mul3A_325 = arith.muli %add3A_311, %mul3A_324 : i32
        %add3A_326 = arith.addi %mul3A_6, %mul3A_325 : i32
        %dma_wait3A_327 = arith.constant 1 : i32
        %dma_wait3A_328 = arith.constant 0 : i32
        %dma_wait3A_329 = tpu.memref_slice %arg8[%dma_wait3A_327, %dma_wait3A_328] : memref<4x64xi32, #tpu.memory_space<vmem>> -> memref<1x64xi32, #tpu.memory_space<vmem>>
        %dma_wait3A_330 = tpu.memref_squeeze %dma_wait3A_329 : memref<1x64xi32, #tpu.memory_space<vmem>> -> memref<64xi32, #tpu.memory_space<vmem>>
        %dma_wait3A_331 = tpu.memref_slice %arg4[%add3A_326] : memref<327680xi32, #tpu.memory_space<hbm>> -> memref<64xi32, #tpu.memory_space<hbm>>
        %dma_wait3A_332 = arith.constant 0 : i32
        %dma_wait3A_333 = tpu.memref_slice %arg8[%dma_wait3A_327, %dma_wait3A_332] : memref<4x64xi32, #tpu.memory_space<vmem>> -> memref<1x64xi32, #tpu.memory_space<vmem>>
        %dma_wait3A_334 = tpu.memref_squeeze %dma_wait3A_333 : memref<1x64xi32, #tpu.memory_space<vmem>> -> memref<64xi32, #tpu.memory_space<vmem>>
        %dma_wait3A_335 = tpu.memref_slice %arg4[%add3A_326] : memref<327680xi32, #tpu.memory_space<hbm>> -> memref<64xi32, #tpu.memory_space<hbm>>
        tpu.wait_dma2 semaphore(%arg12 : memref<!tpu.dma_semaphore, #tpu.memory_space<semaphore_mem>>) src(%dma_wait3A_335 : memref<64xi32, #tpu.memory_space<hbm>>) dst(%dma_wait3A_334 : memref<64xi32, #tpu.memory_space<vmem>>)
        %dma_start3A_336 = arith.constant 1 : i32
        %dma_start3A_337 = arith.constant 1 : i32
        %dma_start3A_338 = arith.constant 0 : i32
        %dma_start3A_339 = arith.constant 0 : i32
        %dma_start3A_340 = tpu.memref_slice %arg9[%dma_start3A_337, %dma_start3A_338, %dma_start3A_339] : memref<4x64x128xf32, #tpu.memory_space<vmem>> -> memref<1x64x128xf32, #tpu.memory_space<vmem>>
        %dma_start3A_341 = tpu.memref_squeeze %dma_start3A_340 : memref<1x64x128xf32, #tpu.memory_space<vmem>> -> memref<64x128xf32, #tpu.memory_space<vmem>>
        %dma_start3A_342 = arith.constant 0 : i32
        %dma_start3A_343 = tpu.memref_slice %arg7[%dma_start3A_336, %dma_start3A_342] : memref<4x64xi32, #tpu.memory_space<vmem>> -> memref<1x64xi32, #tpu.memory_space<vmem>>
        %dma_start3A_344 = tpu.memref_squeeze %dma_start3A_343 : memref<1x64xi32, #tpu.memory_space<vmem>> -> memref<64xi32, #tpu.memory_space<vmem>>
        %dma_start3A_345 = arith.constant 0 : i32
        %dma_start3A_346 = arith.constant 0 : i32
        %dma_start3A_347 = tpu.memref_slice %arg2[%dma_start3A_345, %dma_start3A_346] : memref<10000x128xf32, #tpu.memory_space<hbm>> -> memref<10000x128xf32, #tpu.memory_space<hbm>>
        tpu.enqueue_indirect_dma source(%dma_start3A_347 : memref<10000x128xf32, #tpu.memory_space<hbm>>) target(%dma_start3A_341 : memref<64x128xf32, #tpu.memory_space<vmem>>) offsets(%dma_start3A_344 : memref<64xi32, #tpu.memory_space<vmem>>) semaphore(%arg16 : memref<!tpu.dma_semaphore, #tpu.memory_space<semaphore_mem>>)
      } else {
      }
      %dma_wait3A_290 = arith.constant 3 : i32
      %dma_wait3A_291 = arith.constant 3 : i32
      %dma_wait3A_292 = arith.constant 0 : i32
      %dma_wait3A_293 = arith.constant 0 : i32
      %dma_wait3A_294 = tpu.memref_slice %arg9[%dma_wait3A_291, %dma_wait3A_292, %dma_wait3A_293] : memref<4x64x128xf32, #tpu.memory_space<vmem>> -> memref<1x64x128xf32, #tpu.memory_space<vmem>>
      %dma_wait3A_295 = tpu.memref_squeeze %dma_wait3A_294 : memref<1x64x128xf32, #tpu.memory_space<vmem>> -> memref<64x128xf32, #tpu.memory_space<vmem>>
      %dma_wait3A_296 = arith.constant 0 : i32
      %dma_wait3A_297 = tpu.memref_slice %arg7[%dma_wait3A_290, %dma_wait3A_296] : memref<4x64xi32, #tpu.memory_space<vmem>> -> memref<1x64xi32, #tpu.memory_space<vmem>>
      %dma_wait3A_298 = tpu.memref_squeeze %dma_wait3A_297 : memref<1x64xi32, #tpu.memory_space<vmem>> -> memref<64xi32, #tpu.memory_space<vmem>>
      %dma_wait3A_299 = arith.constant 0 : i32
      %dma_wait3A_300 = arith.constant 0 : i32
      %dma_wait3A_301 = tpu.memref_slice %arg2[%dma_wait3A_299, %dma_wait3A_300] : memref<10000x128xf32, #tpu.memory_space<hbm>> -> memref<10000x128xf32, #tpu.memory_space<hbm>>
      tpu.wait_indirect_dma semaphore(%arg18 : memref<!tpu.dma_semaphore, #tpu.memory_space<semaphore_mem>>) src(%dma_wait3A_301 : memref<10000x128xf32, #tpu.memory_space<hbm>>) dst(%dma_wait3A_295 : memref<64x128xf32, #tpu.memory_space<vmem>>)
      %run_scoped3A_302 = arith.constant 3 : i32
      %run_scoped3A_303 = arith.constant 3 : i32
      "tpu.region"() ({
        %run_scoped3A_310 = tpu.sem_alloc : memref<!tpu.dma_semaphore, #tpu.memory_space<semaphore_mem>>
        %dma_start3A_311 = arith.constant 0 : i32
        %dma_start3A_312 = arith.constant 0 : i32
        %dma_start3A_313 = tpu.memref_slice %arg9[%run_scoped3A_302, %dma_start3A_311, %dma_start3A_312] : memref<4x64x128xf32, #tpu.memory_space<vmem>> -> memref<1x64x128xf32, #tpu.memory_space<vmem>>
        %dma_start3A_314 = tpu.memref_squeeze %dma_start3A_313 : memref<1x64x128xf32, #tpu.memory_space<vmem>> -> memref<64x128xf32, #tpu.memory_space<vmem>>
        %dma_start3A_315 = arith.constant 0 : i32
        %dma_start3A_316 = tpu.memref_slice %arg8[%run_scoped3A_303, %dma_start3A_315] : memref<4x64xi32, #tpu.memory_space<vmem>> -> memref<1x64xi32, #tpu.memory_space<vmem>>
        %dma_start3A_317 = tpu.memref_squeeze %dma_start3A_316 : memref<1x64xi32, #tpu.memory_space<vmem>> -> memref<64xi32, #tpu.memory_space<vmem>>
        %dma_start3A_318 = arith.constant 0 : i32
        %dma_start3A_319 = arith.constant 0 : i32
        %dma_start3A_320 = tpu.memref_slice %arg10[%dma_start3A_318, %dma_start3A_319] : memref<10000x128xf32, #tpu.memory_space<vmem_shared>> -> memref<10000x128xf32, #tpu.memory_space<vmem_shared>>
        tpu.enqueue_indirect_dma source(%dma_start3A_314 : memref<64x128xf32, #tpu.memory_space<vmem>>) target(%dma_start3A_320 : memref<10000x128xf32, #tpu.memory_space<vmem_shared>>) offsets(%dma_start3A_317 : memref<64xi32, #tpu.memory_space<vmem>>) semaphore(%run_scoped3A_310 : memref<!tpu.dma_semaphore, #tpu.memory_space<semaphore_mem>>) {add = true}
        %dma_wait3A_321 = arith.constant 0 : i32
        %dma_wait3A_322 = arith.constant 0 : i32
        %dma_wait3A_323 = tpu.memref_slice %arg9[%run_scoped3A_302, %dma_wait3A_321, %dma_wait3A_322] : memref<4x64x128xf32, #tpu.memory_space<vmem>> -> memref<1x64x128xf32, #tpu.memory_space<vmem>>
        %dma_wait3A_324 = tpu.memref_squeeze %dma_wait3A_323 : memref<1x64x128xf32, #tpu.memory_space<vmem>> -> memref<64x128xf32, #tpu.memory_space<vmem>>
        %dma_wait3A_325 = arith.constant 0 : i32
        %dma_wait3A_326 = tpu.memref_slice %arg8[%run_scoped3A_303, %dma_wait3A_325] : memref<4x64xi32, #tpu.memory_space<vmem>> -> memref<1x64xi32, #tpu.memory_space<vmem>>
        %dma_wait3A_327 = tpu.memref_squeeze %dma_wait3A_326 : memref<1x64xi32, #tpu.memory_space<vmem>> -> memref<64xi32, #tpu.memory_space<vmem>>
        %dma_wait3A_328 = arith.constant 0 : i32
        %dma_wait3A_329 = arith.constant 0 : i32
        %dma_wait3A_330 = tpu.memref_slice %arg10[%dma_wait3A_328, %dma_wait3A_329] : memref<10000x128xf32, #tpu.memory_space<vmem_shared>> -> memref<10000x128xf32, #tpu.memory_space<vmem_shared>>
        tpu.wait_indirect_dma semaphore(%run_scoped3A_310 : memref<!tpu.dma_semaphore, #tpu.memory_space<semaphore_mem>>) src(%dma_wait3A_324 : memref<64x128xf32, #tpu.memory_space<vmem>>) dst(%dma_wait3A_330 : memref<10000x128xf32, #tpu.memory_space<vmem_shared>>)
        tpu.yield
      }) : () -> ()
      %add3A_304 = arith.constant 4 : i32
      %add3A_305 = arith.addi %add3A_283, %add3A_304 : i32
      %lt3A_306 = arith.cmpi slt, %add3A_305, %add3A_11 : i32
      %convert_element_type3A_307 = arith.extui %lt3A_306 : i1 to i32
      %cond3A_308 = arith.constant 0 : i32
      %cond3A_309 = arith.cmpi ne, %convert_element_type3A_307, %cond3A_308 : i32
      scf.if %cond3A_309 {
        %add3A_310 = arith.constant 4 : i32
        %add3A_311 = arith.addi %add3A_283, %add3A_310 : i32
        %mul3A_312 = arith.constant 64 : i32
        %mul3A_313 = arith.muli %add3A_311, %mul3A_312 : i32
        %add3A_314 = arith.addi %mul3A_6, %mul3A_313 : i32
        %dma_start3A_315 = arith.constant 3 : i32
        %dma_start3A_316 = arith.constant 0 : i32
        %dma_start3A_317 = tpu.memref_slice %arg7[%dma_start3A_315, %dma_start3A_316] : memref<4x64xi32, #tpu.memory_space<vmem>> -> memref<1x64xi32, #tpu.memory_space<vmem>>
        %dma_start3A_318 = tpu.memref_squeeze %dma_start3A_317 : memref<1x64xi32, #tpu.memory_space<vmem>> -> memref<64xi32, #tpu.memory_space<vmem>>
        %dma_start3A_319 = tpu.memref_slice %arg3[%add3A_314] : memref<327680xi32, #tpu.memory_space<hbm>> -> memref<64xi32, #tpu.memory_space<hbm>>
        %dma_start3A_320 = arith.constant 0 : i32
        %dma_start3A_321 = tpu.memref_slice %arg7[%dma_start3A_315, %dma_start3A_320] : memref<4x64xi32, #tpu.memory_space<vmem>> -> memref<1x64xi32, #tpu.memory_space<vmem>>
        %dma_start3A_322 = tpu.memref_squeeze %dma_start3A_321 : memref<1x64xi32, #tpu.memory_space<vmem>> -> memref<64xi32, #tpu.memory_space<vmem>>
        %dma_start3A_323 = tpu.memref_slice %arg3[%add3A_314] : memref<327680xi32, #tpu.memory_space<hbm>> -> memref<64xi32, #tpu.memory_space<hbm>>
        tpu.enqueue_dma source(%dma_start3A_323 : memref<64xi32, #tpu.memory_space<hbm>>) target(%dma_start3A_322 : memref<64xi32, #tpu.memory_space<vmem>>) target_semaphore(%arg14 : memref<!tpu.dma_semaphore, #tpu.memory_space<semaphore_mem>>)
        %mul3A_324 = arith.constant 64 : i32
        %mul3A_325 = arith.muli %add3A_311, %mul3A_324 : i32
        %add3A_326 = arith.addi %mul3A_6, %mul3A_325 : i32
        %dma_start3A_327 = arith.constant 3 : i32
        %dma_start3A_328 = arith.constant 0 : i32
        %dma_start3A_329 = tpu.memref_slice %arg8[%dma_start3A_327, %dma_start3A_328] : memref<4x64xi32, #tpu.memory_space<vmem>> -> memref<1x64xi32, #tpu.memory_space<vmem>>
        %dma_start3A_330 = tpu.memref_squeeze %dma_start3A_329 : memref<1x64xi32, #tpu.memory_space<vmem>> -> memref<64xi32, #tpu.memory_space<vmem>>
        %dma_start3A_331 = tpu.memref_slice %arg4[%add3A_326] : memref<327680xi32, #tpu.memory_space<hbm>> -> memref<64xi32, #tpu.memory_space<hbm>>
        %dma_start3A_332 = arith.constant 0 : i32
        %dma_start3A_333 = tpu.memref_slice %arg8[%dma_start3A_327, %dma_start3A_332] : memref<4x64xi32, #tpu.memory_space<vmem>> -> memref<1x64xi32, #tpu.memory_space<vmem>>
        %dma_start3A_334 = tpu.memref_squeeze %dma_start3A_333 : memref<1x64xi32, #tpu.memory_space<vmem>> -> memref<64xi32, #tpu.memory_space<vmem>>
        %dma_start3A_335 = tpu.memref_slice %arg4[%add3A_326] : memref<327680xi32, #tpu.memory_space<hbm>> -> memref<64xi32, #tpu.memory_space<hbm>>
        tpu.enqueue_dma source(%dma_start3A_335 : memref<64xi32, #tpu.memory_space<hbm>>) target(%dma_start3A_334 : memref<64xi32, #tpu.memory_space<vmem>>) target_semaphore(%arg14 : memref<!tpu.dma_semaphore, #tpu.memory_space<semaphore_mem>>)
      } else {
      }
    }
    %scan3A_174 = arith.constant 39 : i32
    %gt3A = arith.constant 156 : i32
    %gt3A_175 = arith.cmpi sgt, %add3A_11, %gt3A : i32
    %convert_element_type3A_176 = arith.extui %gt3A_175 : i1 to i32
    %cond3A_177 = arith.constant 0 : i32
    %cond3A_178 = arith.cmpi ne, %convert_element_type3A_176, %cond3A_177 : i32
    scf.if %cond3A_178 {
      %gt3A_190 = arith.constant 158 : i32
      %gt3A_191 = arith.cmpi sgt, %add3A_11, %gt3A_190 : i32
      %convert_element_type3A_192 = arith.extui %gt3A_191 : i1 to i32
      %cond3A_193 = arith.constant 0 : i32
      %cond3A_194 = arith.cmpi ne, %convert_element_type3A_192, %cond3A_193 : i32
      scf.if %cond3A_194 {
        %add3A_213 = arith.constant 10112 : i32
        %add3A_214 = arith.addi %mul3A_6, %add3A_213 : i32
        %dma_wait3A_215 = arith.constant 2 : i32
        %dma_wait3A_216 = arith.constant 0 : i32
        %dma_wait3A_217 = tpu.memref_slice %arg7[%dma_wait3A_215, %dma_wait3A_216] : memref<4x64xi32, #tpu.memory_space<vmem>> -> memref<1x64xi32, #tpu.memory_space<vmem>>
        %dma_wait3A_218 = tpu.memref_squeeze %dma_wait3A_217 : memref<1x64xi32, #tpu.memory_space<vmem>> -> memref<64xi32, #tpu.memory_space<vmem>>
        %dma_wait3A_219 = tpu.memref_slice %arg3[%add3A_214] : memref<327680xi32, #tpu.memory_space<hbm>> -> memref<64xi32, #tpu.memory_space<hbm>>
        %dma_wait3A_220 = arith.constant 0 : i32
        %dma_wait3A_221 = tpu.memref_slice %arg7[%dma_wait3A_215, %dma_wait3A_220] : memref<4x64xi32, #tpu.memory_space<vmem>> -> memref<1x64xi32, #tpu.memory_space<vmem>>
        %dma_wait3A_222 = tpu.memref_squeeze %dma_wait3A_221 : memref<1x64xi32, #tpu.memory_space<vmem>> -> memref<64xi32, #tpu.memory_space<vmem>>
        %dma_wait3A_223 = tpu.memref_slice %arg3[%add3A_214] : memref<327680xi32, #tpu.memory_space<hbm>> -> memref<64xi32, #tpu.memory_space<hbm>>
        tpu.wait_dma2 semaphore(%arg13 : memref<!tpu.dma_semaphore, #tpu.memory_space<semaphore_mem>>) src(%dma_wait3A_223 : memref<64xi32, #tpu.memory_space<hbm>>) dst(%dma_wait3A_222 : memref<64xi32, #tpu.memory_space<vmem>>)
        %add3A_224 = arith.constant 10112 : i32
        %add3A_225 = arith.addi %mul3A_6, %add3A_224 : i32
        %dma_wait3A_226 = arith.constant 2 : i32
        %dma_wait3A_227 = arith.constant 0 : i32
        %dma_wait3A_228 = tpu.memref_slice %arg8[%dma_wait3A_226, %dma_wait3A_227] : memref<4x64xi32, #tpu.memory_space<vmem>> -> memref<1x64xi32, #tpu.memory_space<vmem>>
        %dma_wait3A_229 = tpu.memref_squeeze %dma_wait3A_228 : memref<1x64xi32, #tpu.memory_space<vmem>> -> memref<64xi32, #tpu.memory_space<vmem>>
        %dma_wait3A_230 = tpu.memref_slice %arg4[%add3A_225] : memref<327680xi32, #tpu.memory_space<hbm>> -> memref<64xi32, #tpu.memory_space<hbm>>
        %dma_wait3A_231 = arith.constant 0 : i32
        %dma_wait3A_232 = tpu.memref_slice %arg8[%dma_wait3A_226, %dma_wait3A_231] : memref<4x64xi32, #tpu.memory_space<vmem>> -> memref<1x64xi32, #tpu.memory_space<vmem>>
        %dma_wait3A_233 = tpu.memref_squeeze %dma_wait3A_232 : memref<1x64xi32, #tpu.memory_space<vmem>> -> memref<64xi32, #tpu.memory_space<vmem>>
        %dma_wait3A_234 = tpu.memref_slice %arg4[%add3A_225] : memref<327680xi32, #tpu.memory_space<hbm>> -> memref<64xi32, #tpu.memory_space<hbm>>
        tpu.wait_dma2 semaphore(%arg13 : memref<!tpu.dma_semaphore, #tpu.memory_space<semaphore_mem>>) src(%dma_wait3A_234 : memref<64xi32, #tpu.memory_space<hbm>>) dst(%dma_wait3A_233 : memref<64xi32, #tpu.memory_space<vmem>>)
        %dma_start3A_235 = arith.constant 2 : i32
        %dma_start3A_236 = arith.constant 2 : i32
        %dma_start3A_237 = arith.constant 0 : i32
        %dma_start3A_238 = arith.constant 0 : i32
        %dma_start3A_239 = tpu.memref_slice %arg9[%dma_start3A_236, %dma_start3A_237, %dma_start3A_238] : memref<4x64x128xf32, #tpu.memory_space<vmem>> -> memref<1x64x128xf32, #tpu.memory_space<vmem>>
        %dma_start3A_240 = tpu.memref_squeeze %dma_start3A_239 : memref<1x64x128xf32, #tpu.memory_space<vmem>> -> memref<64x128xf32, #tpu.memory_space<vmem>>
        %dma_start3A_241 = arith.constant 0 : i32
        %dma_start3A_242 = tpu.memref_slice %arg7[%dma_start3A_235, %dma_start3A_241] : memref<4x64xi32, #tpu.memory_space<vmem>> -> memref<1x64xi32, #tpu.memory_space<vmem>>
        %dma_start3A_243 = tpu.memref_squeeze %dma_start3A_242 : memref<1x64xi32, #tpu.memory_space<vmem>> -> memref<64xi32, #tpu.memory_space<vmem>>
        %dma_start3A_244 = arith.constant 0 : i32
        %dma_start3A_245 = arith.constant 0 : i32
        %dma_start3A_246 = tpu.memref_slice %arg2[%dma_start3A_244, %dma_start3A_245] : memref<10000x128xf32, #tpu.memory_space<hbm>> -> memref<10000x128xf32, #tpu.memory_space<hbm>>
        tpu.enqueue_indirect_dma source(%dma_start3A_246 : memref<10000x128xf32, #tpu.memory_space<hbm>>) target(%dma_start3A_240 : memref<64x128xf32, #tpu.memory_space<vmem>>) offsets(%dma_start3A_243 : memref<64xi32, #tpu.memory_space<vmem>>) semaphore(%arg17 : memref<!tpu.dma_semaphore, #tpu.memory_space<semaphore_mem>>)
      } else {
      }
      %dma_wait3A_195 = arith.constant 0 : i32
      %dma_wait3A_196 = arith.constant 0 : i32
      %dma_wait3A_197 = arith.constant 0 : i32
      %dma_wait3A_198 = arith.constant 0 : i32
      %dma_wait3A_199 = tpu.memref_slice %arg9[%dma_wait3A_196, %dma_wait3A_197, %dma_wait3A_198] : memref<4x64x128xf32, #tpu.memory_space<vmem>> -> memref<1x64x128xf32, #tpu.memory_space<vmem>>
      %dma_wait3A_200 = tpu.memref_squeeze %dma_wait3A_199 : memref<1x64x128xf32, #tpu.memory_space<vmem>> -> memref<64x128xf32, #tpu.memory_space<vmem>>
      %dma_wait3A_201 = arith.constant 0 : i32
      %dma_wait3A_202 = tpu.memref_slice %arg7[%dma_wait3A_195, %dma_wait3A_201] : memref<4x64xi32, #tpu.memory_space<vmem>> -> memref<1x64xi32, #tpu.memory_space<vmem>>
      %dma_wait3A_203 = tpu.memref_squeeze %dma_wait3A_202 : memref<1x64xi32, #tpu.memory_space<vmem>> -> memref<64xi32, #tpu.memory_space<vmem>>
      %dma_wait3A_204 = arith.constant 0 : i32
      %dma_wait3A_205 = arith.constant 0 : i32
      %dma_wait3A_206 = tpu.memref_slice %arg2[%dma_wait3A_204, %dma_wait3A_205] : memref<10000x128xf32, #tpu.memory_space<hbm>> -> memref<10000x128xf32, #tpu.memory_space<hbm>>
      tpu.wait_indirect_dma semaphore(%arg15 : memref<!tpu.dma_semaphore, #tpu.memory_space<semaphore_mem>>) src(%dma_wait3A_206 : memref<10000x128xf32, #tpu.memory_space<hbm>>) dst(%dma_wait3A_200 : memref<64x128xf32, #tpu.memory_space<vmem>>)
      %run_scoped3A = arith.constant 0 : i32
      %run_scoped3A_207 = arith.constant 0 : i32
      "tpu.region"() ({
        %run_scoped3A_213 = tpu.sem_alloc : memref<!tpu.dma_semaphore, #tpu.memory_space<semaphore_mem>>
        %dma_start3A_214 = arith.constant 0 : i32
        %dma_start3A_215 = arith.constant 0 : i32
        %dma_start3A_216 = tpu.memref_slice %arg9[%run_scoped3A, %dma_start3A_214, %dma_start3A_215] : memref<4x64x128xf32, #tpu.memory_space<vmem>> -> memref<1x64x128xf32, #tpu.memory_space<vmem>>
        %dma_start3A_217 = tpu.memref_squeeze %dma_start3A_216 : memref<1x64x128xf32, #tpu.memory_space<vmem>> -> memref<64x128xf32, #tpu.memory_space<vmem>>
        %dma_start3A_218 = arith.constant 0 : i32
        %dma_start3A_219 = tpu.memref_slice %arg8[%run_scoped3A_207, %dma_start3A_218] : memref<4x64xi32, #tpu.memory_space<vmem>> -> memref<1x64xi32, #tpu.memory_space<vmem>>
        %dma_start3A_220 = tpu.memref_squeeze %dma_start3A_219 : memref<1x64xi32, #tpu.memory_space<vmem>> -> memref<64xi32, #tpu.memory_space<vmem>>
        %dma_start3A_221 = arith.constant 0 : i32
        %dma_start3A_222 = arith.constant 0 : i32
        %dma_start3A_223 = tpu.memref_slice %arg10[%dma_start3A_221, %dma_start3A_222] : memref<10000x128xf32, #tpu.memory_space<vmem_shared>> -> memref<10000x128xf32, #tpu.memory_space<vmem_shared>>
        tpu.enqueue_indirect_dma source(%dma_start3A_217 : memref<64x128xf32, #tpu.memory_space<vmem>>) target(%dma_start3A_223 : memref<10000x128xf32, #tpu.memory_space<vmem_shared>>) offsets(%dma_start3A_220 : memref<64xi32, #tpu.memory_space<vmem>>) semaphore(%run_scoped3A_213 : memref<!tpu.dma_semaphore, #tpu.memory_space<semaphore_mem>>) {add = true}
        %dma_wait3A_224 = arith.constant 0 : i32
        %dma_wait3A_225 = arith.constant 0 : i32
        %dma_wait3A_226 = tpu.memref_slice %arg9[%run_scoped3A, %dma_wait3A_224, %dma_wait3A_225] : memref<4x64x128xf32, #tpu.memory_space<vmem>> -> memref<1x64x128xf32, #tpu.memory_space<vmem>>
        %dma_wait3A_227 = tpu.memref_squeeze %dma_wait3A_226 : memref<1x64x128xf32, #tpu.memory_space<vmem>> -> memref<64x128xf32, #tpu.memory_space<vmem>>
        %dma_wait3A_228 = arith.constant 0 : i32
        %dma_wait3A_229 = tpu.memref_slice %arg8[%run_scoped3A_207, %dma_wait3A_228] : memref<4x64xi32, #tpu.memory_space<vmem>> -> memref<1x64xi32, #tpu.memory_space<vmem>>
        %dma_wait3A_230 = tpu.memref_squeeze %dma_wait3A_229 : memref<1x64xi32, #tpu.memory_space<vmem>> -> memref<64xi32, #tpu.memory_space<vmem>>
        %dma_wait3A_231 = arith.constant 0 : i32
        %dma_wait3A_232 = arith.constant 0 : i32
        %dma_wait3A_233 = tpu.memref_slice %arg10[%dma_wait3A_231, %dma_wait3A_232] : memref<10000x128xf32, #tpu.memory_space<vmem_shared>> -> memref<10000x128xf32, #tpu.memory_space<vmem_shared>>
        tpu.wait_indirect_dma semaphore(%run_scoped3A_213 : memref<!tpu.dma_semaphore, #tpu.memory_space<semaphore_mem>>) src(%dma_wait3A_227 : memref<64x128xf32, #tpu.memory_space<vmem>>) dst(%dma_wait3A_233 : memref<10000x128xf32, #tpu.memory_space<vmem_shared>>)
        tpu.yield
      }) : () -> ()
      %gt3A_208 = arith.constant 160 : i32
      %gt3A_209 = arith.cmpi sgt, %add3A_11, %gt3A_208 : i32
      %convert_element_type3A_210 = arith.extui %gt3A_209 : i1 to i32
      %cond3A_211 = arith.constant 0 : i32
      %cond3A_212 = arith.cmpi ne, %convert_element_type3A_210, %cond3A_211 : i32
      scf.if %cond3A_212 {
        %add3A_213 = arith.constant 10240 : i32
        %add3A_214 = arith.addi %mul3A_6, %add3A_213 : i32
        %dma_start3A_215 = arith.constant 0 : i32
        %dma_start3A_216 = arith.constant 0 : i32
        %dma_start3A_217 = tpu.memref_slice %arg7[%dma_start3A_215, %dma_start3A_216] : memref<4x64xi32, #tpu.memory_space<vmem>> -> memref<1x64xi32, #tpu.memory_space<vmem>>
        %dma_start3A_218 = tpu.memref_squeeze %dma_start3A_217 : memref<1x64xi32, #tpu.memory_space<vmem>> -> memref<64xi32, #tpu.memory_space<vmem>>
        %dma_start3A_219 = tpu.memref_slice %arg3[%add3A_214] : memref<327680xi32, #tpu.memory_space<hbm>> -> memref<64xi32, #tpu.memory_space<hbm>>
        %dma_start3A_220 = arith.constant 0 : i32
        %dma_start3A_221 = tpu.memref_slice %arg7[%dma_start3A_215, %dma_start3A_220] : memref<4x64xi32, #tpu.memory_space<vmem>> -> memref<1x64xi32, #tpu.memory_space<vmem>>
        %dma_start3A_222 = tpu.memref_squeeze %dma_start3A_221 : memref<1x64xi32, #tpu.memory_space<vmem>> -> memref<64xi32, #tpu.memory_space<vmem>>
        %dma_start3A_223 = tpu.memref_slice %arg3[%add3A_214] : memref<327680xi32, #tpu.memory_space<hbm>> -> memref<64xi32, #tpu.memory_space<hbm>>
        tpu.enqueue_dma source(%dma_start3A_223 : memref<64xi32, #tpu.memory_space<hbm>>) target(%dma_start3A_222 : memref<64xi32, #tpu.memory_space<vmem>>) target_semaphore(%arg11 : memref<!tpu.dma_semaphore, #tpu.memory_space<semaphore_mem>>)
        %add3A_224 = arith.constant 10240 : i32
        %add3A_225 = arith.addi %mul3A_6, %add3A_224 : i32
        %dma_start3A_226 = arith.constant 0 : i32
        %dma_start3A_227 = arith.constant 0 : i32
        %dma_start3A_228 = tpu.memref_slice %arg8[%dma_start3A_226, %dma_start3A_227] : memref<4x64xi32, #tpu.memory_space<vmem>> -> memref<1x64xi32, #tpu.memory_space<vmem>>
        %dma_start3A_229 = tpu.memref_squeeze %dma_start3A_228 : memref<1x64xi32, #tpu.memory_space<vmem>> -> memref<64xi32, #tpu.memory_space<vmem>>
        %dma_start3A_230 = tpu.memref_slice %arg4[%add3A_225] : memref<327680xi32, #tpu.memory_space<hbm>> -> memref<64xi32, #tpu.memory_space<hbm>>
        %dma_start3A_231 = arith.constant 0 : i32
        %dma_start3A_232 = tpu.memref_slice %arg8[%dma_start3A_226, %dma_start3A_231] : memref<4x64xi32, #tpu.memory_space<vmem>> -> memref<1x64xi32, #tpu.memory_space<vmem>>
        %dma_start3A_233 = tpu.memref_squeeze %dma_start3A_232 : memref<1x64xi32, #tpu.memory_space<vmem>> -> memref<64xi32, #tpu.memory_space<vmem>>
        %dma_start3A_234 = tpu.memref_slice %arg4[%add3A_225] : memref<327680xi32, #tpu.memory_space<hbm>> -> memref<64xi32, #tpu.memory_space<hbm>>
        tpu.enqueue_dma source(%dma_start3A_234 : memref<64xi32, #tpu.memory_space<hbm>>) target(%dma_start3A_233 : memref<64xi32, #tpu.memory_space<vmem>>) target_semaphore(%arg11 : memref<!tpu.dma_semaphore, #tpu.memory_space<semaphore_mem>>)
      } else {
      }
    } else {
    }
    %gt3A_179 = arith.constant 157 : i32
    %gt3A_180 = arith.cmpi sgt, %add3A_11, %gt3A_179 : i32
    %convert_element_type3A_181 = arith.extui %gt3A_180 : i1 to i32
    %cond3A_182 = arith.constant 0 : i32
    %cond3A_183 = arith.cmpi ne, %convert_element_type3A_181, %cond3A_182 : i32
    scf.if %cond3A_183 {
      %gt3A_190 = arith.constant 159 : i32
      %gt3A_191 = arith.cmpi sgt, %add3A_11, %gt3A_190 : i32
      %convert_element_type3A_192 = arith.extui %gt3A_191 : i1 to i32
      %cond3A_193 = arith.constant 0 : i32
      %cond3A_194 = arith.cmpi ne, %convert_element_type3A_192, %cond3A_193 : i32
      scf.if %cond3A_194 {
        %add3A_213 = arith.constant 10176 : i32
        %add3A_214 = arith.addi %mul3A_6, %add3A_213 : i32
        %dma_wait3A_215 = arith.constant 3 : i32
        %dma_wait3A_216 = arith.constant 0 : i32
        %dma_wait3A_217 = tpu.memref_slice %arg7[%dma_wait3A_215, %dma_wait3A_216] : memref<4x64xi32, #tpu.memory_space<vmem>> -> memref<1x64xi32, #tpu.memory_space<vmem>>
        %dma_wait3A_218 = tpu.memref_squeeze %dma_wait3A_217 : memref<1x64xi32, #tpu.memory_space<vmem>> -> memref<64xi32, #tpu.memory_space<vmem>>
        %dma_wait3A_219 = tpu.memref_slice %arg3[%add3A_214] : memref<327680xi32, #tpu.memory_space<hbm>> -> memref<64xi32, #tpu.memory_space<hbm>>
        %dma_wait3A_220 = arith.constant 0 : i32
        %dma_wait3A_221 = tpu.memref_slice %arg7[%dma_wait3A_215, %dma_wait3A_220] : memref<4x64xi32, #tpu.memory_space<vmem>> -> memref<1x64xi32, #tpu.memory_space<vmem>>
        %dma_wait3A_222 = tpu.memref_squeeze %dma_wait3A_221 : memref<1x64xi32, #tpu.memory_space<vmem>> -> memref<64xi32, #tpu.memory_space<vmem>>
        %dma_wait3A_223 = tpu.memref_slice %arg3[%add3A_214] : memref<327680xi32, #tpu.memory_space<hbm>> -> memref<64xi32, #tpu.memory_space<hbm>>
        tpu.wait_dma2 semaphore(%arg14 : memref<!tpu.dma_semaphore, #tpu.memory_space<semaphore_mem>>) src(%dma_wait3A_223 : memref<64xi32, #tpu.memory_space<hbm>>) dst(%dma_wait3A_222 : memref<64xi32, #tpu.memory_space<vmem>>)
        %add3A_224 = arith.constant 10176 : i32
        %add3A_225 = arith.addi %mul3A_6, %add3A_224 : i32
        %dma_wait3A_226 = arith.constant 3 : i32
        %dma_wait3A_227 = arith.constant 0 : i32
        %dma_wait3A_228 = tpu.memref_slice %arg8[%dma_wait3A_226, %dma_wait3A_227] : memref<4x64xi32, #tpu.memory_space<vmem>> -> memref<1x64xi32, #tpu.memory_space<vmem>>
        %dma_wait3A_229 = tpu.memref_squeeze %dma_wait3A_228 : memref<1x64xi32, #tpu.memory_space<vmem>> -> memref<64xi32, #tpu.memory_space<vmem>>
        %dma_wait3A_230 = tpu.memref_slice %arg4[%add3A_225] : memref<327680xi32, #tpu.memory_space<hbm>> -> memref<64xi32, #tpu.memory_space<hbm>>
        %dma_wait3A_231 = arith.constant 0 : i32
        %dma_wait3A_232 = tpu.memref_slice %arg8[%dma_wait3A_226, %dma_wait3A_231] : memref<4x64xi32, #tpu.memory_space<vmem>> -> memref<1x64xi32, #tpu.memory_space<vmem>>
        %dma_wait3A_233 = tpu.memref_squeeze %dma_wait3A_232 : memref<1x64xi32, #tpu.memory_space<vmem>> -> memref<64xi32, #tpu.memory_space<vmem>>
        %dma_wait3A_234 = tpu.memref_slice %arg4[%add3A_225] : memref<327680xi32, #tpu.memory_space<hbm>> -> memref<64xi32, #tpu.memory_space<hbm>>
        tpu.wait_dma2 semaphore(%arg14 : memref<!tpu.dma_semaphore, #tpu.memory_space<semaphore_mem>>) src(%dma_wait3A_234 : memref<64xi32, #tpu.memory_space<hbm>>) dst(%dma_wait3A_233 : memref<64xi32, #tpu.memory_space<vmem>>)
        %dma_start3A_235 = arith.constant 3 : i32
        %dma_start3A_236 = arith.constant 3 : i32
        %dma_start3A_237 = arith.constant 0 : i32
        %dma_start3A_238 = arith.constant 0 : i32
        %dma_start3A_239 = tpu.memref_slice %arg9[%dma_start3A_236, %dma_start3A_237, %dma_start3A_238] : memref<4x64x128xf32, #tpu.memory_space<vmem>> -> memref<1x64x128xf32, #tpu.memory_space<vmem>>
        %dma_start3A_240 = tpu.memref_squeeze %dma_start3A_239 : memref<1x64x128xf32, #tpu.memory_space<vmem>> -> memref<64x128xf32, #tpu.memory_space<vmem>>
        %dma_start3A_241 = arith.constant 0 : i32
        %dma_start3A_242 = tpu.memref_slice %arg7[%dma_start3A_235, %dma_start3A_241] : memref<4x64xi32, #tpu.memory_space<vmem>> -> memref<1x64xi32, #tpu.memory_space<vmem>>
        %dma_start3A_243 = tpu.memref_squeeze %dma_start3A_242 : memref<1x64xi32, #tpu.memory_space<vmem>> -> memref<64xi32, #tpu.memory_space<vmem>>
        %dma_start3A_244 = arith.constant 0 : i32
        %dma_start3A_245 = arith.constant 0 : i32
        %dma_start3A_246 = tpu.memref_slice %arg2[%dma_start3A_244, %dma_start3A_245] : memref<10000x128xf32, #tpu.memory_space<hbm>> -> memref<10000x128xf32, #tpu.memory_space<hbm>>
        tpu.enqueue_indirect_dma source(%dma_start3A_246 : memref<10000x128xf32, #tpu.memory_space<hbm>>) target(%dma_start3A_240 : memref<64x128xf32, #tpu.memory_space<vmem>>) offsets(%dma_start3A_243 : memref<64xi32, #tpu.memory_space<vmem>>) semaphore(%arg18 : memref<!tpu.dma_semaphore, #tpu.memory_space<semaphore_mem>>)
      } else {
      }
      %dma_wait3A_195 = arith.constant 1 : i32
      %dma_wait3A_196 = arith.constant 1 : i32
      %dma_wait3A_197 = arith.constant 0 : i32
      %dma_wait3A_198 = arith.constant 0 : i32
      %dma_wait3A_199 = tpu.memref_slice %arg9[%dma_wait3A_196, %dma_wait3A_197, %dma_wait3A_198] : memref<4x64x128xf32, #tpu.memory_space<vmem>> -> memref<1x64x128xf32, #tpu.memory_space<vmem>>
      %dma_wait3A_200 = tpu.memref_squeeze %dma_wait3A_199 : memref<1x64x128xf32, #tpu.memory_space<vmem>> -> memref<64x128xf32, #tpu.memory_space<vmem>>
      %dma_wait3A_201 = arith.constant 0 : i32
      %dma_wait3A_202 = tpu.memref_slice %arg7[%dma_wait3A_195, %dma_wait3A_201] : memref<4x64xi32, #tpu.memory_space<vmem>> -> memref<1x64xi32, #tpu.memory_space<vmem>>
      %dma_wait3A_203 = tpu.memref_squeeze %dma_wait3A_202 : memref<1x64xi32, #tpu.memory_space<vmem>> -> memref<64xi32, #tpu.memory_space<vmem>>
      %dma_wait3A_204 = arith.constant 0 : i32
      %dma_wait3A_205 = arith.constant 0 : i32
      %dma_wait3A_206 = tpu.memref_slice %arg2[%dma_wait3A_204, %dma_wait3A_205] : memref<10000x128xf32, #tpu.memory_space<hbm>> -> memref<10000x128xf32, #tpu.memory_space<hbm>>
      tpu.wait_indirect_dma semaphore(%arg16 : memref<!tpu.dma_semaphore, #tpu.memory_space<semaphore_mem>>) src(%dma_wait3A_206 : memref<10000x128xf32, #tpu.memory_space<hbm>>) dst(%dma_wait3A_200 : memref<64x128xf32, #tpu.memory_space<vmem>>)
      %run_scoped3A = arith.constant 1 : i32
      %run_scoped3A_207 = arith.constant 1 : i32
      "tpu.region"() ({
        %run_scoped3A_213 = tpu.sem_alloc : memref<!tpu.dma_semaphore, #tpu.memory_space<semaphore_mem>>
        %dma_start3A_214 = arith.constant 0 : i32
        %dma_start3A_215 = arith.constant 0 : i32
        %dma_start3A_216 = tpu.memref_slice %arg9[%run_scoped3A, %dma_start3A_214, %dma_start3A_215] : memref<4x64x128xf32, #tpu.memory_space<vmem>> -> memref<1x64x128xf32, #tpu.memory_space<vmem>>
        %dma_start3A_217 = tpu.memref_squeeze %dma_start3A_216 : memref<1x64x128xf32, #tpu.memory_space<vmem>> -> memref<64x128xf32, #tpu.memory_space<vmem>>
        %dma_start3A_218 = arith.constant 0 : i32
        %dma_start3A_219 = tpu.memref_slice %arg8[%run_scoped3A_207, %dma_start3A_218] : memref<4x64xi32, #tpu.memory_space<vmem>> -> memref<1x64xi32, #tpu.memory_space<vmem>>
        %dma_start3A_220 = tpu.memref_squeeze %dma_start3A_219 : memref<1x64xi32, #tpu.memory_space<vmem>> -> memref<64xi32, #tpu.memory_space<vmem>>
        %dma_start3A_221 = arith.constant 0 : i32
        %dma_start3A_222 = arith.constant 0 : i32
        %dma_start3A_223 = tpu.memref_slice %arg10[%dma_start3A_221, %dma_start3A_222] : memref<10000x128xf32, #tpu.memory_space<vmem_shared>> -> memref<10000x128xf32, #tpu.memory_space<vmem_shared>>
        tpu.enqueue_indirect_dma source(%dma_start3A_217 : memref<64x128xf32, #tpu.memory_space<vmem>>) target(%dma_start3A_223 : memref<10000x128xf32, #tpu.memory_space<vmem_shared>>) offsets(%dma_start3A_220 : memref<64xi32, #tpu.memory_space<vmem>>) semaphore(%run_scoped3A_213 : memref<!tpu.dma_semaphore, #tpu.memory_space<semaphore_mem>>) {add = true}
        %dma_wait3A_224 = arith.constant 0 : i32
        %dma_wait3A_225 = arith.constant 0 : i32
        %dma_wait3A_226 = tpu.memref_slice %arg9[%run_scoped3A, %dma_wait3A_224, %dma_wait3A_225] : memref<4x64x128xf32, #tpu.memory_space<vmem>> -> memref<1x64x128xf32, #tpu.memory_space<vmem>>
        %dma_wait3A_227 = tpu.memref_squeeze %dma_wait3A_226 : memref<1x64x128xf32, #tpu.memory_space<vmem>> -> memref<64x128xf32, #tpu.memory_space<vmem>>
        %dma_wait3A_228 = arith.constant 0 : i32
        %dma_wait3A_229 = tpu.memref_slice %arg8[%run_scoped3A_207, %dma_wait3A_228] : memref<4x64xi32, #tpu.memory_space<vmem>> -> memref<1x64xi32, #tpu.memory_space<vmem>>
        %dma_wait3A_230 = tpu.memref_squeeze %dma_wait3A_229 : memref<1x64xi32, #tpu.memory_space<vmem>> -> memref<64xi32, #tpu.memory_space<vmem>>
        %dma_wait3A_231 = arith.constant 0 : i32
        %dma_wait3A_232 = arith.constant 0 : i32
        %dma_wait3A_233 = tpu.memref_slice %arg10[%dma_wait3A_231, %dma_wait3A_232] : memref<10000x128xf32, #tpu.memory_space<vmem_shared>> -> memref<10000x128xf32, #tpu.memory_space<vmem_shared>>
        tpu.wait_indirect_dma semaphore(%run_scoped3A_213 : memref<!tpu.dma_semaphore, #tpu.memory_space<semaphore_mem>>) src(%dma_wait3A_227 : memref<64x128xf32, #tpu.memory_space<vmem>>) dst(%dma_wait3A_233 : memref<10000x128xf32, #tpu.memory_space<vmem_shared>>)
        tpu.yield
      }) : () -> ()
      %gt3A_208 = arith.constant 161 : i32
      %gt3A_209 = arith.cmpi sgt, %add3A_11, %gt3A_208 : i32
      %convert_element_type3A_210 = arith.extui %gt3A_209 : i1 to i32
      %cond3A_211 = arith.constant 0 : i32
      %cond3A_212 = arith.cmpi ne, %convert_element_type3A_210, %cond3A_211 : i32
      scf.if %cond3A_212 {
        %add3A_213 = arith.constant 10304 : i32
        %add3A_214 = arith.addi %mul3A_6, %add3A_213 : i32
        %dma_start3A_215 = arith.constant 1 : i32
        %dma_start3A_216 = arith.constant 0 : i32
        %dma_start3A_217 = tpu.memref_slice %arg7[%dma_start3A_215, %dma_start3A_216] : memref<4x64xi32, #tpu.memory_space<vmem>> -> memref<1x64xi32, #tpu.memory_space<vmem>>
        %dma_start3A_218 = tpu.memref_squeeze %dma_start3A_217 : memref<1x64xi32, #tpu.memory_space<vmem>> -> memref<64xi32, #tpu.memory_space<vmem>>
        %dma_start3A_219 = tpu.memref_slice %arg3[%add3A_214] : memref<327680xi32, #tpu.memory_space<hbm>> -> memref<64xi32, #tpu.memory_space<hbm>>
        %dma_start3A_220 = arith.constant 0 : i32
        %dma_start3A_221 = tpu.memref_slice %arg7[%dma_start3A_215, %dma_start3A_220] : memref<4x64xi32, #tpu.memory_space<vmem>> -> memref<1x64xi32, #tpu.memory_space<vmem>>
        %dma_start3A_222 = tpu.memref_squeeze %dma_start3A_221 : memref<1x64xi32, #tpu.memory_space<vmem>> -> memref<64xi32, #tpu.memory_space<vmem>>
        %dma_start3A_223 = tpu.memref_slice %arg3[%add3A_214] : memref<327680xi32, #tpu.memory_space<hbm>> -> memref<64xi32, #tpu.memory_space<hbm>>
        tpu.enqueue_dma source(%dma_start3A_223 : memref<64xi32, #tpu.memory_space<hbm>>) target(%dma_start3A_222 : memref<64xi32, #tpu.memory_space<vmem>>) target_semaphore(%arg12 : memref<!tpu.dma_semaphore, #tpu.memory_space<semaphore_mem>>)
        %add3A_224 = arith.constant 10304 : i32
        %add3A_225 = arith.addi %mul3A_6, %add3A_224 : i32
        %dma_start3A_226 = arith.constant 1 : i32
        %dma_start3A_227 = arith.constant 0 : i32
        %dma_start3A_228 = tpu.memref_slice %arg8[%dma_start3A_226, %dma_start3A_227] : memref<4x64xi32, #tpu.memory_space<vmem>> -> memref<1x64xi32, #tpu.memory_space<vmem>>
        %dma_start3A_229 = tpu.memref_squeeze %dma_start3A_228 : memref<1x64xi32, #tpu.memory_space<vmem>> -> memref<64xi32, #tpu.memory_space<vmem>>
        %dma_start3A_230 = tpu.memref_slice %arg4[%add3A_225] : memref<327680xi32, #tpu.memory_space<hbm>> -> memref<64xi32, #tpu.memory_space<hbm>>
        %dma_start3A_231 = arith.constant 0 : i32
        %dma_start3A_232 = tpu.memref_slice %arg8[%dma_start3A_226, %dma_start3A_231] : memref<4x64xi32, #tpu.memory_space<vmem>> -> memref<1x64xi32, #tpu.memory_space<vmem>>
        %dma_start3A_233 = tpu.memref_squeeze %dma_start3A_232 : memref<1x64xi32, #tpu.memory_space<vmem>> -> memref<64xi32, #tpu.memory_space<vmem>>
        %dma_start3A_234 = tpu.memref_slice %arg4[%add3A_225] : memref<327680xi32, #tpu.memory_space<hbm>> -> memref<64xi32, #tpu.memory_space<hbm>>
        tpu.enqueue_dma source(%dma_start3A_234 : memref<64xi32, #tpu.memory_space<hbm>>) target(%dma_start3A_233 : memref<64xi32, #tpu.memory_space<vmem>>) target_semaphore(%arg12 : memref<!tpu.dma_semaphore, #tpu.memory_space<semaphore_mem>>)
      } else {
      }
    } else {
    }
    %barrier3A_184 = arith.constant 0 : index
    tpu.barrier barrier_id(%barrier3A_184)
    %lt3A_185 = arith.constant 10 : i32
    %lt3A_186 = arith.cmpi slt, %arg1, %lt3A_185 : i32
    %convert_element_type3A_187 = arith.extui %lt3A_186 : i1 to i32
    %cond3A_188 = arith.constant 0 : i32
    %cond3A_189 = arith.cmpi ne, %convert_element_type3A_187, %cond3A_188 : i32
    scf.if %cond3A_189 {
      %mul3A_190 = arith.constant 1000 : i32
      %mul3A_191 = arith.muli %arg1, %mul3A_190 : i32
      %mul3A_192 = arith.constant 1000 : i32
      %mul3A_193 = arith.muli %arg1, %mul3A_192 : i32
      "tpu.region"() ({
        %run_scoped3A = tpu.sem_alloc : memref<!tpu.dma_semaphore, #tpu.memory_space<semaphore_mem>>
        %dma_start3A_194 = arith.constant 0 : i32
        %dma_start3A_195 = tpu.memref_slice %arg6[%arg0, %mul3A_193, %dma_start3A_194] : memref<2x10000x128xf32, #tpu.memory_space<hbm>> -> memref<1x1000x128xf32, #tpu.memory_space<hbm>>
        %dma_start3A_196 = tpu.memref_squeeze %dma_start3A_195 : memref<1x1000x128xf32, #tpu.memory_space<hbm>> -> memref<1000x128xf32, #tpu.memory_space<hbm>>
        %dma_start3A_197 = arith.constant 0 : i32
        %dma_start3A_198 = tpu.memref_slice %arg10[%mul3A_191, %dma_start3A_197] : memref<10000x128xf32, #tpu.memory_space<vmem_shared>> -> memref<1000x128xf32, #tpu.memory_space<vmem_shared>>
        tpu.enqueue_dma source(%dma_start3A_198 : memref<1000x128xf32, #tpu.memory_space<vmem_shared>>) target(%dma_start3A_196 : memref<1000x128xf32, #tpu.memory_space<hbm>>) target_semaphore(%run_scoped3A : memref<!tpu.dma_semaphore, #tpu.memory_space<semaphore_mem>>)
        %dma_wait3A_199 = arith.constant 0 : i32
        %dma_wait3A_200 = tpu.memref_slice %arg6[%arg0, %mul3A_193, %dma_wait3A_199] : memref<2x10000x128xf32, #tpu.memory_space<hbm>> -> memref<1x1000x128xf32, #tpu.memory_space<hbm>>
        %dma_wait3A_201 = tpu.memref_squeeze %dma_wait3A_200 : memref<1x1000x128xf32, #tpu.memory_space<hbm>> -> memref<1000x128xf32, #tpu.memory_space<hbm>>
        %dma_wait3A_202 = arith.constant 0 : i32
        %dma_wait3A_203 = tpu.memref_slice %arg10[%mul3A_191, %dma_wait3A_202] : memref<10000x128xf32, #tpu.memory_space<vmem_shared>> -> memref<1000x128xf32, #tpu.memory_space<vmem_shared>>
        tpu.wait_dma2 semaphore(%run_scoped3A : memref<!tpu.dma_semaphore, #tpu.memory_space<semaphore_mem>>) src(%dma_wait3A_203 : memref<1000x128xf32, #tpu.memory_space<vmem_shared>>) dst(%dma_wait3A_201 : memref<1000x128xf32, #tpu.memory_space<hbm>>)
        tpu.yield
      }) : () -> ()
    } else {
    }
    return
  }
}

#map = affine_map<(d0, d1) -> (0, 0)>
#map1 = affine_map<(d0, d1) -> (0)>
#map2 = affine_map<(d0, d1) -> (0, 0, 0)>
module attributes {stable_mosaic.version = 14 : i64} {
  func.func @_edge_agg(%arg0: i32, %arg1: i32, %arg2: memref<10000x128xf32, #tpu.memory_space<hbm>>, %arg3: memref<327680xi32, #tpu.memory_space<hbm>>, %arg4: memref<327680xi32, #tpu.memory_space<hbm>>, %arg5: memref<1000x128xf32, #tpu.memory_space<hbm>>, %arg6: memref<2x10000x128xf32, #tpu.memory_space<hbm>>, %arg7: memref<4x64xi32, #tpu.memory_space<vmem>>, %arg8: memref<4x64xi32, #tpu.memory_space<vmem>>, %arg9: memref<4x64x128xf32, #tpu.memory_space<vmem>>, %arg10: memref<10000x128xf32, #tpu.memory_space<vmem_shared>>, %arg11: memref<!tpu.dma_semaphore, #tpu.memory_space<semaphore_mem>>, %arg12: memref<!tpu.dma_semaphore, #tpu.memory_space<semaphore_mem>>, %arg13: memref<!tpu.dma_semaphore, #tpu.memory_space<semaphore_mem>>, %arg14: memref<!tpu.dma_semaphore, #tpu.memory_space<semaphore_mem>>, %arg15: memref<!tpu.dma_semaphore, #tpu.memory_space<semaphore_mem>>, %arg16: memref<!tpu.dma_semaphore, #tpu.memory_space<semaphore_mem>>, %arg17: memref<!tpu.dma_semaphore, #tpu.memory_space<semaphore_mem>>, %arg18: memref<!tpu.dma_semaphore, #tpu.memory_space<semaphore_mem>>) attributes {dimension_semantics = [#tpu.dimension_semantics<core_parallel>, #tpu.dimension_semantics<subcore_parallel>], iteration_bounds = array<i64: 2, 16>, scalar_prefetch = 0 : i64, scratch_operands = 12 : i64, tpu.core_type = #tpu.core_type<sc_vector_subcore>, window_params = [{transform_indices = #map}, {transform_indices = #map1}, {transform_indices = #map1}, {transform_indices = #map}, {transform_indices = #map2}]} {
    %mul3A = arith.constant 2 : i32
    %mul3A_0 = arith.muli %arg1, %mul3A : i32
    %add3A = arith.addi %mul3A_0, %arg0 : i32
    %mul3A_1 = arith.constant 78 : i32
    %mul3A_2 = arith.muli %add3A, %mul3A_1 : i32
    %min3A = arith.constant 4 : i32
    %min3A_3 = arith.minsi %add3A, %min3A : i32
    %add3A_4 = arith.addi %mul3A_2, %min3A_3 : i32
    %mul3A_5 = arith.constant 128 : i32
    %mul3A_6 = arith.muli %add3A_4, %mul3A_5 : i32
    %lt3A = arith.constant 4 : i32
    %lt3A_7 = arith.cmpi slt, %add3A, %lt3A : i32
    %convert_element_type3A = arith.extui %lt3A_7 : i1 to i32
    %mul3A_8 = arith.constant 2 : i32
    %mul3A_9 = arith.muli %mul3A_8, %convert_element_type3A : i32
    %add3A_10 = arith.constant 156 : i32
    %add3A_11 = arith.addi %add3A_10, %mul3A_9 : i32
    %add3A_12 = arith.constant 0 : i32
    %add3A_13 = arith.addi %mul3A_6, %add3A_12 : i32
    %dma_start3A = arith.constant 0 : i32
    %dma_start3A_14 = arith.constant 0 : i32
    %dma_start3A_15 = tpu.memref_slice %arg7[%dma_start3A, %dma_start3A_14] : memref<4x64xi32, #tpu.memory_space<vmem>> -> memref<1x64xi32, #tpu.memory_space<vmem>>
    %dma_start3A_16 = tpu.memref_squeeze %dma_start3A_15 : memref<1x64xi32, #tpu.memory_space<vmem>> -> memref<64xi32, #tpu.memory_space<vmem>>
    %dma_start3A_17 = tpu.memref_slice %arg3[%add3A_13] : memref<327680xi32, #tpu.memory_space<hbm>> -> memref<64xi32, #tpu.memory_space<hbm>>
    %dma_start3A_18 = arith.constant 0 : i32
    %dma_start3A_19 = tpu.memref_slice %arg7[%dma_start3A, %dma_start3A_18] : memref<4x64xi32, #tpu.memory_space<vmem>> -> memref<1x64xi32, #tpu.memory_space<vmem>>
    %dma_start3A_20 = tpu.memref_squeeze %dma_start3A_19 : memref<1x64xi32, #tpu.memory_space<vmem>> -> memref<64xi32, #tpu.memory_space<vmem>>
    %dma_start3A_21 = tpu.memref_slice %arg3[%add3A_13] : memref<327680xi32, #tpu.memory_space<hbm>> -> memref<64xi32, #tpu.memory_space<hbm>>
    tpu.enqueue_dma source(%dma_start3A_21 : memref<64xi32, #tpu.memory_space<hbm>>) target(%dma_start3A_20 : memref<64xi32, #tpu.memory_space<vmem>>) target_semaphore(%arg11 : memref<!tpu.dma_semaphore, #tpu.memory_space<semaphore_mem>>)
    %add3A_22 = arith.constant 0 : i32
    %add3A_23 = arith.addi %mul3A_6, %add3A_22 : i32
    %dma_start3A_24 = arith.constant 0 : i32
    %dma_start3A_25 = arith.constant 0 : i32
    %dma_start3A_26 = tpu.memref_slice %arg8[%dma_start3A_24, %dma_start3A_25] : memref<4x64xi32, #tpu.memory_space<vmem>> -> memref<1x64xi32, #tpu.memory_space<vmem>>
    %dma_start3A_27 = tpu.memref_squeeze %dma_start3A_26 : memref<1x64xi32, #tpu.memory_space<vmem>> -> memref<64xi32, #tpu.memory_space<vmem>>
    %dma_start3A_28 = tpu.memref_slice %arg4[%add3A_23] : memref<327680xi32, #tpu.memory_space<hbm>> -> memref<64xi32, #tpu.memory_space<hbm>>
    %dma_start3A_29 = arith.constant 0 : i32
    %dma_start3A_30 = tpu.memref_slice %arg8[%dma_start3A_24, %dma_start3A_29] : memref<4x64xi32, #tpu.memory_space<vmem>> -> memref<1x64xi32, #tpu.memory_space<vmem>>
    %dma_start3A_31 = tpu.memref_squeeze %dma_start3A_30 : memref<1x64xi32, #tpu.memory_space<vmem>> -> memref<64xi32, #tpu.memory_space<vmem>>
    %dma_start3A_32 = tpu.memref_slice %arg4[%add3A_23] : memref<327680xi32, #tpu.memory_space<hbm>> -> memref<64xi32, #tpu.memory_space<hbm>>
    tpu.enqueue_dma source(%dma_start3A_32 : memref<64xi32, #tpu.memory_space<hbm>>) target(%dma_start3A_31 : memref<64xi32, #tpu.memory_space<vmem>>) target_semaphore(%arg11 : memref<!tpu.dma_semaphore, #tpu.memory_space<semaphore_mem>>)
    %add3A_33 = arith.constant 64 : i32
    %add3A_34 = arith.addi %mul3A_6, %add3A_33 : i32
    %dma_start3A_35 = arith.constant 1 : i32
    %dma_start3A_36 = arith.constant 0 : i32
    %dma_start3A_37 = tpu.memref_slice %arg7[%dma_start3A_35, %dma_start3A_36] : memref<4x64xi32, #tpu.memory_space<vmem>> -> memref<1x64xi32, #tpu.memory_space<vmem>>
    %dma_start3A_38 = tpu.memref_squeeze %dma_start3A_37 : memref<1x64xi32, #tpu.memory_space<vmem>> -> memref<64xi32, #tpu.memory_space<vmem>>
    %dma_start3A_39 = tpu.memref_slice %arg3[%add3A_34] : memref<327680xi32, #tpu.memory_space<hbm>> -> memref<64xi32, #tpu.memory_space<hbm>>
    %dma_start3A_40 = arith.constant 0 : i32
    %dma_start3A_41 = tpu.memref_slice %arg7[%dma_start3A_35, %dma_start3A_40] : memref<4x64xi32, #tpu.memory_space<vmem>> -> memref<1x64xi32, #tpu.memory_space<vmem>>
    %dma_start3A_42 = tpu.memref_squeeze %dma_start3A_41 : memref<1x64xi32, #tpu.memory_space<vmem>> -> memref<64xi32, #tpu.memory_space<vmem>>
    %dma_start3A_43 = tpu.memref_slice %arg3[%add3A_34] : memref<327680xi32, #tpu.memory_space<hbm>> -> memref<64xi32, #tpu.memory_space<hbm>>
    tpu.enqueue_dma source(%dma_start3A_43 : memref<64xi32, #tpu.memory_space<hbm>>) target(%dma_start3A_42 : memref<64xi32, #tpu.memory_space<vmem>>) target_semaphore(%arg12 : memref<!tpu.dma_semaphore, #tpu.memory_space<semaphore_mem>>)
    %add3A_44 = arith.constant 64 : i32
    %add3A_45 = arith.addi %mul3A_6, %add3A_44 : i32
    %dma_start3A_46 = arith.constant 1 : i32
    %dma_start3A_47 = arith.constant 0 : i32
    %dma_start3A_48 = tpu.memref_slice %arg8[%dma_start3A_46, %dma_start3A_47] : memref<4x64xi32, #tpu.memory_space<vmem>> -> memref<1x64xi32, #tpu.memory_space<vmem>>
    %dma_start3A_49 = tpu.memref_squeeze %dma_start3A_48 : memref<1x64xi32, #tpu.memory_space<vmem>> -> memref<64xi32, #tpu.memory_space<vmem>>
    %dma_start3A_50 = tpu.memref_slice %arg4[%add3A_45] : memref<327680xi32, #tpu.memory_space<hbm>> -> memref<64xi32, #tpu.memory_space<hbm>>
    %dma_start3A_51 = arith.constant 0 : i32
    %dma_start3A_52 = tpu.memref_slice %arg8[%dma_start3A_46, %dma_start3A_51] : memref<4x64xi32, #tpu.memory_space<vmem>> -> memref<1x64xi32, #tpu.memory_space<vmem>>
    %dma_start3A_53 = tpu.memref_squeeze %dma_start3A_52 : memref<1x64xi32, #tpu.memory_space<vmem>> -> memref<64xi32, #tpu.memory_space<vmem>>
    %dma_start3A_54 = tpu.memref_slice %arg4[%add3A_45] : memref<327680xi32, #tpu.memory_space<hbm>> -> memref<64xi32, #tpu.memory_space<hbm>>
    tpu.enqueue_dma source(%dma_start3A_54 : memref<64xi32, #tpu.memory_space<hbm>>) target(%dma_start3A_53 : memref<64xi32, #tpu.memory_space<vmem>>) target_semaphore(%arg12 : memref<!tpu.dma_semaphore, #tpu.memory_space<semaphore_mem>>)
    %add3A_55 = arith.constant 128 : i32
    %add3A_56 = arith.addi %mul3A_6, %add3A_55 : i32
    %dma_start3A_57 = arith.constant 2 : i32
    %dma_start3A_58 = arith.constant 0 : i32
    %dma_start3A_59 = tpu.memref_slice %arg7[%dma_start3A_57, %dma_start3A_58] : memref<4x64xi32, #tpu.memory_space<vmem>> -> memref<1x64xi32, #tpu.memory_space<vmem>>
    %dma_start3A_60 = tpu.memref_squeeze %dma_start3A_59 : memref<1x64xi32, #tpu.memory_space<vmem>> -> memref<64xi32, #tpu.memory_space<vmem>>
    %dma_start3A_61 = tpu.memref_slice %arg3[%add3A_56] : memref<327680xi32, #tpu.memory_space<hbm>> -> memref<64xi32, #tpu.memory_space<hbm>>
    %dma_start3A_62 = arith.constant 0 : i32
    %dma_start3A_63 = tpu.memref_slice %arg7[%dma_start3A_57, %dma_start3A_62] : memref<4x64xi32, #tpu.memory_space<vmem>> -> memref<1x64xi32, #tpu.memory_space<vmem>>
    %dma_start3A_64 = tpu.memref_squeeze %dma_start3A_63 : memref<1x64xi32, #tpu.memory_space<vmem>> -> memref<64xi32, #tpu.memory_space<vmem>>
    %dma_start3A_65 = tpu.memref_slice %arg3[%add3A_56] : memref<327680xi32, #tpu.memory_space<hbm>> -> memref<64xi32, #tpu.memory_space<hbm>>
    tpu.enqueue_dma source(%dma_start3A_65 : memref<64xi32, #tpu.memory_space<hbm>>) target(%dma_start3A_64 : memref<64xi32, #tpu.memory_space<vmem>>) target_semaphore(%arg13 : memref<!tpu.dma_semaphore, #tpu.memory_space<semaphore_mem>>)
    %add3A_66 = arith.constant 128 : i32
    %add3A_67 = arith.addi %mul3A_6, %add3A_66 : i32
    %dma_start3A_68 = arith.constant 2 : i32
    %dma_start3A_69 = arith.constant 0 : i32
    %dma_start3A_70 = tpu.memref_slice %arg8[%dma_start3A_68, %dma_start3A_69] : memref<4x64xi32, #tpu.memory_space<vmem>> -> memref<1x64xi32, #tpu.memory_space<vmem>>
    %dma_start3A_71 = tpu.memref_squeeze %dma_start3A_70 : memref<1x64xi32, #tpu.memory_space<vmem>> -> memref<64xi32, #tpu.memory_space<vmem>>
    %dma_start3A_72 = tpu.memref_slice %arg4[%add3A_67] : memref<327680xi32, #tpu.memory_space<hbm>> -> memref<64xi32, #tpu.memory_space<hbm>>
    %dma_start3A_73 = arith.constant 0 : i32
    %dma_start3A_74 = tpu.memref_slice %arg8[%dma_start3A_68, %dma_start3A_73] : memref<4x64xi32, #tpu.memory_space<vmem>> -> memref<1x64xi32, #tpu.memory_space<vmem>>
    %dma_start3A_75 = tpu.memref_squeeze %dma_start3A_74 : memref<1x64xi32, #tpu.memory_space<vmem>> -> memref<64xi32, #tpu.memory_space<vmem>>
    %dma_start3A_76 = tpu.memref_slice %arg4[%add3A_67] : memref<327680xi32, #tpu.memory_space<hbm>> -> memref<64xi32, #tpu.memory_space<hbm>>
    tpu.enqueue_dma source(%dma_start3A_76 : memref<64xi32, #tpu.memory_space<hbm>>) target(%dma_start3A_75 : memref<64xi32, #tpu.memory_space<vmem>>) target_semaphore(%arg13 : memref<!tpu.dma_semaphore, #tpu.memory_space<semaphore_mem>>)
    %add3A_77 = arith.constant 192 : i32
    %add3A_78 = arith.addi %mul3A_6, %add3A_77 : i32
    %dma_start3A_79 = arith.constant 3 : i32
    %dma_start3A_80 = arith.constant 0 : i32
    %dma_start3A_81 = tpu.memref_slice %arg7[%dma_start3A_79, %dma_start3A_80] : memref<4x64xi32, #tpu.memory_space<vmem>> -> memref<1x64xi32, #tpu.memory_space<vmem>>
    %dma_start3A_82 = tpu.memref_squeeze %dma_start3A_81 : memref<1x64xi32, #tpu.memory_space<vmem>> -> memref<64xi32, #tpu.memory_space<vmem>>
    %dma_start3A_83 = tpu.memref_slice %arg3[%add3A_78] : memref<327680xi32, #tpu.memory_space<hbm>> -> memref<64xi32, #tpu.memory_space<hbm>>
    %dma_start3A_84 = arith.constant 0 : i32
    %dma_start3A_85 = tpu.memref_slice %arg7[%dma_start3A_79, %dma_start3A_84] : memref<4x64xi32, #tpu.memory_space<vmem>> -> memref<1x64xi32, #tpu.memory_space<vmem>>
    %dma_start3A_86 = tpu.memref_squeeze %dma_start3A_85 : memref<1x64xi32, #tpu.memory_space<vmem>> -> memref<64xi32, #tpu.memory_space<vmem>>
    %dma_start3A_87 = tpu.memref_slice %arg3[%add3A_78] : memref<327680xi32, #tpu.memory_space<hbm>> -> memref<64xi32, #tpu.memory_space<hbm>>
    tpu.enqueue_dma source(%dma_start3A_87 : memref<64xi32, #tpu.memory_space<hbm>>) target(%dma_start3A_86 : memref<64xi32, #tpu.memory_space<vmem>>) target_semaphore(%arg14 : memref<!tpu.dma_semaphore, #tpu.memory_space<semaphore_mem>>)
    %add3A_88 = arith.constant 192 : i32
    %add3A_89 = arith.addi %mul3A_6, %add3A_88 : i32
    %dma_start3A_90 = arith.constant 3 : i32
    %dma_start3A_91 = arith.constant 0 : i32
    %dma_start3A_92 = tpu.memref_slice %arg8[%dma_start3A_90, %dma_start3A_91] : memref<4x64xi32, #tpu.memory_space<vmem>> -> memref<1x64xi32, #tpu.memory_space<vmem>>
    %dma_start3A_93 = tpu.memref_squeeze %dma_start3A_92 : memref<1x64xi32, #tpu.memory_space<vmem>> -> memref<64xi32, #tpu.memory_space<vmem>>
    %dma_start3A_94 = tpu.memref_slice %arg4[%add3A_89] : memref<327680xi32, #tpu.memory_space<hbm>> -> memref<64xi32, #tpu.memory_space<hbm>>
    %dma_start3A_95 = arith.constant 0 : i32
    %dma_start3A_96 = tpu.memref_slice %arg8[%dma_start3A_90, %dma_start3A_95] : memref<4x64xi32, #tpu.memory_space<vmem>> -> memref<1x64xi32, #tpu.memory_space<vmem>>
    %dma_start3A_97 = tpu.memref_squeeze %dma_start3A_96 : memref<1x64xi32, #tpu.memory_space<vmem>> -> memref<64xi32, #tpu.memory_space<vmem>>
    %dma_start3A_98 = tpu.memref_slice %arg4[%add3A_89] : memref<327680xi32, #tpu.memory_space<hbm>> -> memref<64xi32, #tpu.memory_space<hbm>>
    tpu.enqueue_dma source(%dma_start3A_98 : memref<64xi32, #tpu.memory_space<hbm>>) target(%dma_start3A_97 : memref<64xi32, #tpu.memory_space<vmem>>) target_semaphore(%arg14 : memref<!tpu.dma_semaphore, #tpu.memory_space<semaphore_mem>>)
    %add3A_99 = arith.constant 0 : i32
    %add3A_100 = arith.addi %mul3A_6, %add3A_99 : i32
    %dma_wait3A = arith.constant 0 : i32
    %dma_wait3A_101 = arith.constant 0 : i32
    %dma_wait3A_102 = tpu.memref_slice %arg7[%dma_wait3A, %dma_wait3A_101] : memref<4x64xi32, #tpu.memory_space<vmem>> -> memref<1x64xi32, #tpu.memory_space<vmem>>
    %dma_wait3A_103 = tpu.memref_squeeze %dma_wait3A_102 : memref<1x64xi32, #tpu.memory_space<vmem>> -> memref<64xi32, #tpu.memory_space<vmem>>
    %dma_wait3A_104 = tpu.memref_slice %arg3[%add3A_100] : memref<327680xi32, #tpu.memory_space<hbm>> -> memref<64xi32, #tpu.memory_space<hbm>>
    %dma_wait3A_105 = arith.constant 0 : i32
    %dma_wait3A_106 = tpu.memref_slice %arg7[%dma_wait3A, %dma_wait3A_105] : memref<4x64xi32, #tpu.memory_space<vmem>> -> memref<1x64xi32, #tpu.memory_space<vmem>>
    %dma_wait3A_107 = tpu.memref_squeeze %dma_wait3A_106 : memref<1x64xi32, #tpu.memory_space<vmem>> -> memref<64xi32, #tpu.memory_space<vmem>>
    %dma_wait3A_108 = tpu.memref_slice %arg3[%add3A_100] : memref<327680xi32, #tpu.memory_space<hbm>> -> memref<64xi32, #tpu.memory_space<hbm>>
    tpu.wait_dma2 semaphore(%arg11 : memref<!tpu.dma_semaphore, #tpu.memory_space<semaphore_mem>>) src(%dma_wait3A_108 : memref<64xi32, #tpu.memory_space<hbm>>) dst(%dma_wait3A_107 : memref<64xi32, #tpu.memory_space<vmem>>)
    %add3A_109 = arith.constant 0 : i32
    %add3A_110 = arith.addi %mul3A_6, %add3A_109 : i32
    %dma_wait3A_111 = arith.constant 0 : i32
    %dma_wait3A_112 = arith.constant 0 : i32
    %dma_wait3A_113 = tpu.memref_slice %arg8[%dma_wait3A_111, %dma_wait3A_112] : memref<4x64xi32, #tpu.memory_space<vmem>> -> memref<1x64xi32, #tpu.memory_space<vmem>>
    %dma_wait3A_114 = tpu.memref_squeeze %dma_wait3A_113 : memref<1x64xi32, #tpu.memory_space<vmem>> -> memref<64xi32, #tpu.memory_space<vmem>>
    %dma_wait3A_115 = tpu.memref_slice %arg4[%add3A_110] : memref<327680xi32, #tpu.memory_space<hbm>> -> memref<64xi32, #tpu.memory_space<hbm>>
    %dma_wait3A_116 = arith.constant 0 : i32
    %dma_wait3A_117 = tpu.memref_slice %arg8[%dma_wait3A_111, %dma_wait3A_116] : memref<4x64xi32, #tpu.memory_space<vmem>> -> memref<1x64xi32, #tpu.memory_space<vmem>>
    %dma_wait3A_118 = tpu.memref_squeeze %dma_wait3A_117 : memref<1x64xi32, #tpu.memory_space<vmem>> -> memref<64xi32, #tpu.memory_space<vmem>>
    %dma_wait3A_119 = tpu.memref_slice %arg4[%add3A_110] : memref<327680xi32, #tpu.memory_space<hbm>> -> memref<64xi32, #tpu.memory_space<hbm>>
    tpu.wait_dma2 semaphore(%arg11 : memref<!tpu.dma_semaphore, #tpu.memory_space<semaphore_mem>>) src(%dma_wait3A_119 : memref<64xi32, #tpu.memory_space<hbm>>) dst(%dma_wait3A_118 : memref<64xi32, #tpu.memory_space<vmem>>)
    %dma_start3A_120 = arith.constant 0 : i32
    %dma_start3A_121 = arith.constant 0 : i32
    %dma_start3A_122 = arith.constant 0 : i32
    %dma_start3A_123 = arith.constant 0 : i32
    %dma_start3A_124 = tpu.memref_slice %arg9[%dma_start3A_121, %dma_start3A_122, %dma_start3A_123] : memref<4x64x128xf32, #tpu.memory_space<vmem>> -> memref<1x64x128xf32, #tpu.memory_space<vmem>>
    %dma_start3A_125 = tpu.memref_squeeze %dma_start3A_124 : memref<1x64x128xf32, #tpu.memory_space<vmem>> -> memref<64x128xf32, #tpu.memory_space<vmem>>
    %dma_start3A_126 = arith.constant 0 : i32
    %dma_start3A_127 = tpu.memref_slice %arg7[%dma_start3A_120, %dma_start3A_126] : memref<4x64xi32, #tpu.memory_space<vmem>> -> memref<1x64xi32, #tpu.memory_space<vmem>>
    %dma_start3A_128 = tpu.memref_squeeze %dma_start3A_127 : memref<1x64xi32, #tpu.memory_space<vmem>> -> memref<64xi32, #tpu.memory_space<vmem>>
    %dma_start3A_129 = arith.constant 0 : i32
    %dma_start3A_130 = arith.constant 0 : i32
    %dma_start3A_131 = tpu.memref_slice %arg2[%dma_start3A_129, %dma_start3A_130] : memref<10000x128xf32, #tpu.memory_space<hbm>> -> memref<10000x128xf32, #tpu.memory_space<hbm>>
    tpu.enqueue_indirect_dma source(%dma_start3A_131 : memref<10000x128xf32, #tpu.memory_space<hbm>>) target(%dma_start3A_125 : memref<64x128xf32, #tpu.memory_space<vmem>>) offsets(%dma_start3A_128 : memref<64xi32, #tpu.memory_space<vmem>>) semaphore(%arg15 : memref<!tpu.dma_semaphore, #tpu.memory_space<semaphore_mem>>)
    %add3A_132 = arith.constant 64 : i32
    %add3A_133 = arith.addi %mul3A_6, %add3A_132 : i32
    %dma_wait3A_134 = arith.constant 1 : i32
    %dma_wait3A_135 = arith.constant 0 : i32
    %dma_wait3A_136 = tpu.memref_slice %arg7[%dma_wait3A_134, %dma_wait3A_135] : memref<4x64xi32, #tpu.memory_space<vmem>> -> memref<1x64xi32, #tpu.memory_space<vmem>>
    %dma_wait3A_137 = tpu.memref_squeeze %dma_wait3A_136 : memref<1x64xi32, #tpu.memory_space<vmem>> -> memref<64xi32, #tpu.memory_space<vmem>>
    %dma_wait3A_138 = tpu.memref_slice %arg3[%add3A_133] : memref<327680xi32, #tpu.memory_space<hbm>> -> memref<64xi32, #tpu.memory_space<hbm>>
    %dma_wait3A_139 = arith.constant 0 : i32
    %dma_wait3A_140 = tpu.memref_slice %arg7[%dma_wait3A_134, %dma_wait3A_139] : memref<4x64xi32, #tpu.memory_space<vmem>> -> memref<1x64xi32, #tpu.memory_space<vmem>>
    %dma_wait3A_141 = tpu.memref_squeeze %dma_wait3A_140 : memref<1x64xi32, #tpu.memory_space<vmem>> -> memref<64xi32, #tpu.memory_space<vmem>>
    %dma_wait3A_142 = tpu.memref_slice %arg3[%add3A_133] : memref<327680xi32, #tpu.memory_space<hbm>> -> memref<64xi32, #tpu.memory_space<hbm>>
    tpu.wait_dma2 semaphore(%arg12 : memref<!tpu.dma_semaphore, #tpu.memory_space<semaphore_mem>>) src(%dma_wait3A_142 : memref<64xi32, #tpu.memory_space<hbm>>) dst(%dma_wait3A_141 : memref<64xi32, #tpu.memory_space<vmem>>)
    %add3A_143 = arith.constant 64 : i32
    %add3A_144 = arith.addi %mul3A_6, %add3A_143 : i32
    %dma_wait3A_145 = arith.constant 1 : i32
    %dma_wait3A_146 = arith.constant 0 : i32
    %dma_wait3A_147 = tpu.memref_slice %arg8[%dma_wait3A_145, %dma_wait3A_146] : memref<4x64xi32, #tpu.memory_space<vmem>> -> memref<1x64xi32, #tpu.memory_space<vmem>>
    %dma_wait3A_148 = tpu.memref_squeeze %dma_wait3A_147 : memref<1x64xi32, #tpu.memory_space<vmem>> -> memref<64xi32, #tpu.memory_space<vmem>>
    %dma_wait3A_149 = tpu.memref_slice %arg4[%add3A_144] : memref<327680xi32, #tpu.memory_space<hbm>> -> memref<64xi32, #tpu.memory_space<hbm>>
    %dma_wait3A_150 = arith.constant 0 : i32
    %dma_wait3A_151 = tpu.memref_slice %arg8[%dma_wait3A_145, %dma_wait3A_150] : memref<4x64xi32, #tpu.memory_space<vmem>> -> memref<1x64xi32, #tpu.memory_space<vmem>>
    %dma_wait3A_152 = tpu.memref_squeeze %dma_wait3A_151 : memref<1x64xi32, #tpu.memory_space<vmem>> -> memref<64xi32, #tpu.memory_space<vmem>>
    %dma_wait3A_153 = tpu.memref_slice %arg4[%add3A_144] : memref<327680xi32, #tpu.memory_space<hbm>> -> memref<64xi32, #tpu.memory_space<hbm>>
    tpu.wait_dma2 semaphore(%arg12 : memref<!tpu.dma_semaphore, #tpu.memory_space<semaphore_mem>>) src(%dma_wait3A_153 : memref<64xi32, #tpu.memory_space<hbm>>) dst(%dma_wait3A_152 : memref<64xi32, #tpu.memory_space<vmem>>)
    %dma_start3A_154 = arith.constant 1 : i32
    %dma_start3A_155 = arith.constant 1 : i32
    %dma_start3A_156 = arith.constant 0 : i32
    %dma_start3A_157 = arith.constant 0 : i32
    %dma_start3A_158 = tpu.memref_slice %arg9[%dma_start3A_155, %dma_start3A_156, %dma_start3A_157] : memref<4x64x128xf32, #tpu.memory_space<vmem>> -> memref<1x64x128xf32, #tpu.memory_space<vmem>>
    %dma_start3A_159 = tpu.memref_squeeze %dma_start3A_158 : memref<1x64x128xf32, #tpu.memory_space<vmem>> -> memref<64x128xf32, #tpu.memory_space<vmem>>
    %dma_start3A_160 = arith.constant 0 : i32
    %dma_start3A_161 = tpu.memref_slice %arg7[%dma_start3A_154, %dma_start3A_160] : memref<4x64xi32, #tpu.memory_space<vmem>> -> memref<1x64xi32, #tpu.memory_space<vmem>>
    %dma_start3A_162 = tpu.memref_squeeze %dma_start3A_161 : memref<1x64xi32, #tpu.memory_space<vmem>> -> memref<64xi32, #tpu.memory_space<vmem>>
    %dma_start3A_163 = arith.constant 0 : i32
    %dma_start3A_164 = arith.constant 0 : i32
    %dma_start3A_165 = tpu.memref_slice %arg2[%dma_start3A_163, %dma_start3A_164] : memref<10000x128xf32, #tpu.memory_space<hbm>> -> memref<10000x128xf32, #tpu.memory_space<hbm>>
    tpu.enqueue_indirect_dma source(%dma_start3A_165 : memref<10000x128xf32, #tpu.memory_space<hbm>>) target(%dma_start3A_159 : memref<64x128xf32, #tpu.memory_space<vmem>>) offsets(%dma_start3A_162 : memref<64xi32, #tpu.memory_space<vmem>>) semaphore(%arg16 : memref<!tpu.dma_semaphore, #tpu.memory_space<semaphore_mem>>)
    %lt3A_166 = arith.constant 10 : i32
    %lt3A_167 = arith.cmpi slt, %arg1, %lt3A_166 : i32
    %convert_element_type3A_168 = arith.extui %lt3A_167 : i1 to i32
    %cond3A = arith.constant 0 : i32
    %cond3A_169 = arith.cmpi ne, %convert_element_type3A_168, %cond3A : i32
    scf.if %cond3A_169 {
      %mul3A_190 = arith.constant 1000 : i32
      %mul3A_191 = arith.muli %arg1, %mul3A_190 : i32
      "tpu.region"() ({
        %run_scoped3A = tpu.sem_alloc : memref<!tpu.dma_semaphore, #tpu.memory_space<semaphore_mem>>
        %dma_start3A_192 = arith.constant 0 : i32
        %dma_start3A_193 = tpu.memref_slice %arg10[%mul3A_191, %dma_start3A_192] : memref<10000x128xf32, #tpu.memory_space<vmem_shared>> -> memref<1000x128xf32, #tpu.memory_space<vmem_shared>>
        tpu.enqueue_dma source(%arg5 : memref<1000x128xf32, #tpu.memory_space<hbm>>) target(%dma_start3A_193 : memref<1000x128xf32, #tpu.memory_space<vmem_shared>>) target_semaphore(%run_scoped3A : memref<!tpu.dma_semaphore, #tpu.memory_space<semaphore_mem>>)
        %dma_wait3A_194 = arith.constant 0 : i32
        %dma_wait3A_195 = tpu.memref_slice %arg10[%mul3A_191, %dma_wait3A_194] : memref<10000x128xf32, #tpu.memory_space<vmem_shared>> -> memref<1000x128xf32, #tpu.memory_space<vmem_shared>>
        tpu.wait_dma2 semaphore(%run_scoped3A : memref<!tpu.dma_semaphore, #tpu.memory_space<semaphore_mem>>) src(%arg5 : memref<1000x128xf32, #tpu.memory_space<hbm>>) dst(%dma_wait3A_195 : memref<1000x128xf32, #tpu.memory_space<vmem_shared>>)
        tpu.yield
      }) : () -> ()
    } else {
    }
    %barrier3A = arith.constant 0 : index
    tpu.barrier barrier_id(%barrier3A)
    %scan3A = arith.constant 0 : i32
    %scan3A_170 = arith.constant 0 : i32
    %scan3A_171 = arith.constant 39 : i32
    %scan3A_172 = arith.addi %scan3A_170, %scan3A_171 : i32
    %scan3A_173 = arith.constant 1 : i32
    scf.for %scan3A_190 = %scan3A_170 to %scan3A_172 step %scan3A_173  : i32 {
      %mul3A_191 = arith.constant 4 : i32
      %mul3A_192 = arith.muli %scan3A_190, %mul3A_191 : i32
      %add3A_193 = arith.constant 0 : i32
      %add3A_194 = arith.addi %mul3A_192, %add3A_193 : i32
      %add3A_195 = arith.constant 2 : i32
      %add3A_196 = arith.addi %add3A_194, %add3A_195 : i32
      %lt3A_197 = arith.cmpi slt, %add3A_196, %add3A_11 : i32
      %convert_element_type3A_198 = arith.extui %lt3A_197 : i1 to i32
      %cond3A_199 = arith.constant 0 : i32
      %cond3A_200 = arith.cmpi ne, %convert_element_type3A_198, %cond3A_199 : i32
      scf.if %cond3A_200 {
        %add3A_310 = arith.constant 2 : i32
        %add3A_311 = arith.addi %add3A_194, %add3A_310 : i32
        %mul3A_312 = arith.constant 64 : i32
        %mul3A_313 = arith.muli %add3A_311, %mul3A_312 : i32
        %add3A_314 = arith.addi %mul3A_6, %mul3A_313 : i32
        %dma_wait3A_315 = arith.constant 2 : i32
        %dma_wait3A_316 = arith.constant 0 : i32
        %dma_wait3A_317 = tpu.memref_slice %arg7[%dma_wait3A_315, %dma_wait3A_316] : memref<4x64xi32, #tpu.memory_space<vmem>> -> memref<1x64xi32, #tpu.memory_space<vmem>>
        %dma_wait3A_318 = tpu.memref_squeeze %dma_wait3A_317 : memref<1x64xi32, #tpu.memory_space<vmem>> -> memref<64xi32, #tpu.memory_space<vmem>>
        %dma_wait3A_319 = tpu.memref_slice %arg3[%add3A_314] : memref<327680xi32, #tpu.memory_space<hbm>> -> memref<64xi32, #tpu.memory_space<hbm>>
        %dma_wait3A_320 = arith.constant 0 : i32
        %dma_wait3A_321 = tpu.memref_slice %arg7[%dma_wait3A_315, %dma_wait3A_320] : memref<4x64xi32, #tpu.memory_space<vmem>> -> memref<1x64xi32, #tpu.memory_space<vmem>>
        %dma_wait3A_322 = tpu.memref_squeeze %dma_wait3A_321 : memref<1x64xi32, #tpu.memory_space<vmem>> -> memref<64xi32, #tpu.memory_space<vmem>>
        %dma_wait3A_323 = tpu.memref_slice %arg3[%add3A_314] : memref<327680xi32, #tpu.memory_space<hbm>> -> memref<64xi32, #tpu.memory_space<hbm>>
        tpu.wait_dma2 semaphore(%arg13 : memref<!tpu.dma_semaphore, #tpu.memory_space<semaphore_mem>>) src(%dma_wait3A_323 : memref<64xi32, #tpu.memory_space<hbm>>) dst(%dma_wait3A_322 : memref<64xi32, #tpu.memory_space<vmem>>)
        %mul3A_324 = arith.constant 64 : i32
        %mul3A_325 = arith.muli %add3A_311, %mul3A_324 : i32
        %add3A_326 = arith.addi %mul3A_6, %mul3A_325 : i32
        %dma_wait3A_327 = arith.constant 2 : i32
        %dma_wait3A_328 = arith.constant 0 : i32
        %dma_wait3A_329 = tpu.memref_slice %arg8[%dma_wait3A_327, %dma_wait3A_328] : memref<4x64xi32, #tpu.memory_space<vmem>> -> memref<1x64xi32, #tpu.memory_space<vmem>>
        %dma_wait3A_330 = tpu.memref_squeeze %dma_wait3A_329 : memref<1x64xi32, #tpu.memory_space<vmem>> -> memref<64xi32, #tpu.memory_space<vmem>>
        %dma_wait3A_331 = tpu.memref_slice %arg4[%add3A_326] : memref<327680xi32, #tpu.memory_space<hbm>> -> memref<64xi32, #tpu.memory_space<hbm>>
        %dma_wait3A_332 = arith.constant 0 : i32
        %dma_wait3A_333 = tpu.memref_slice %arg8[%dma_wait3A_327, %dma_wait3A_332] : memref<4x64xi32, #tpu.memory_space<vmem>> -> memref<1x64xi32, #tpu.memory_space<vmem>>
        %dma_wait3A_334 = tpu.memref_squeeze %dma_wait3A_333 : memref<1x64xi32, #tpu.memory_space<vmem>> -> memref<64xi32, #tpu.memory_space<vmem>>
        %dma_wait3A_335 = tpu.memref_slice %arg4[%add3A_326] : memref<327680xi32, #tpu.memory_space<hbm>> -> memref<64xi32, #tpu.memory_space<hbm>>
        tpu.wait_dma2 semaphore(%arg13 : memref<!tpu.dma_semaphore, #tpu.memory_space<semaphore_mem>>) src(%dma_wait3A_335 : memref<64xi32, #tpu.memory_space<hbm>>) dst(%dma_wait3A_334 : memref<64xi32, #tpu.memory_space<vmem>>)
        %dma_start3A_336 = arith.constant 2 : i32
        %dma_start3A_337 = arith.constant 2 : i32
        %dma_start3A_338 = arith.constant 0 : i32
        %dma_start3A_339 = arith.constant 0 : i32
        %dma_start3A_340 = tpu.memref_slice %arg9[%dma_start3A_337, %dma_start3A_338, %dma_start3A_339] : memref<4x64x128xf32, #tpu.memory_space<vmem>> -> memref<1x64x128xf32, #tpu.memory_space<vmem>>
        %dma_start3A_341 = tpu.memref_squeeze %dma_start3A_340 : memref<1x64x128xf32, #tpu.memory_space<vmem>> -> memref<64x128xf32, #tpu.memory_space<vmem>>
        %dma_start3A_342 = arith.constant 0 : i32
        %dma_start3A_343 = tpu.memref_slice %arg7[%dma_start3A_336, %dma_start3A_342] : memref<4x64xi32, #tpu.memory_space<vmem>> -> memref<1x64xi32, #tpu.memory_space<vmem>>
        %dma_start3A_344 = tpu.memref_squeeze %dma_start3A_343 : memref<1x64xi32, #tpu.memory_space<vmem>> -> memref<64xi32, #tpu.memory_space<vmem>>
        %dma_start3A_345 = arith.constant 0 : i32
        %dma_start3A_346 = arith.constant 0 : i32
        %dma_start3A_347 = tpu.memref_slice %arg2[%dma_start3A_345, %dma_start3A_346] : memref<10000x128xf32, #tpu.memory_space<hbm>> -> memref<10000x128xf32, #tpu.memory_space<hbm>>
        tpu.enqueue_indirect_dma source(%dma_start3A_347 : memref<10000x128xf32, #tpu.memory_space<hbm>>) target(%dma_start3A_341 : memref<64x128xf32, #tpu.memory_space<vmem>>) offsets(%dma_start3A_344 : memref<64xi32, #tpu.memory_space<vmem>>) semaphore(%arg17 : memref<!tpu.dma_semaphore, #tpu.memory_space<semaphore_mem>>)
      } else {
      }
      %dma_wait3A_201 = arith.constant 0 : i32
      %dma_wait3A_202 = arith.constant 0 : i32
      %dma_wait3A_203 = arith.constant 0 : i32
      %dma_wait3A_204 = arith.constant 0 : i32
      %dma_wait3A_205 = tpu.memref_slice %arg9[%dma_wait3A_202, %dma_wait3A_203, %dma_wait3A_204] : memref<4x64x128xf32, #tpu.memory_space<vmem>> -> memref<1x64x128xf32, #tpu.memory_space<vmem>>
      %dma_wait3A_206 = tpu.memref_squeeze %dma_wait3A_205 : memref<1x64x128xf32, #tpu.memory_space<vmem>> -> memref<64x128xf32, #tpu.memory_space<vmem>>
      %dma_wait3A_207 = arith.constant 0 : i32
      %dma_wait3A_208 = tpu.memref_slice %arg7[%dma_wait3A_201, %dma_wait3A_207] : memref<4x64xi32, #tpu.memory_space<vmem>> -> memref<1x64xi32, #tpu.memory_space<vmem>>
      %dma_wait3A_209 = tpu.memref_squeeze %dma_wait3A_208 : memref<1x64xi32, #tpu.memory_space<vmem>> -> memref<64xi32, #tpu.memory_space<vmem>>
      %dma_wait3A_210 = arith.constant 0 : i32
      %dma_wait3A_211 = arith.constant 0 : i32
      %dma_wait3A_212 = tpu.memref_slice %arg2[%dma_wait3A_210, %dma_wait3A_211] : memref<10000x128xf32, #tpu.memory_space<hbm>> -> memref<10000x128xf32, #tpu.memory_space<hbm>>
      tpu.wait_indirect_dma semaphore(%arg15 : memref<!tpu.dma_semaphore, #tpu.memory_space<semaphore_mem>>) src(%dma_wait3A_212 : memref<10000x128xf32, #tpu.memory_space<hbm>>) dst(%dma_wait3A_206 : memref<64x128xf32, #tpu.memory_space<vmem>>)
      %run_scoped3A = arith.constant 0 : i32
      %run_scoped3A_213 = arith.constant 0 : i32
      "tpu.region"() ({
        %run_scoped3A_310 = tpu.sem_alloc : memref<!tpu.dma_semaphore, #tpu.memory_space<semaphore_mem>>
        %dma_start3A_311 = arith.constant 0 : i32
        %dma_start3A_312 = arith.constant 0 : i32
        %dma_start3A_313 = tpu.memref_slice %arg9[%run_scoped3A, %dma_start3A_311, %dma_start3A_312] : memref<4x64x128xf32, #tpu.memory_space<vmem>> -> memref<1x64x128xf32, #tpu.memory_space<vmem>>
        %dma_start3A_314 = tpu.memref_squeeze %dma_start3A_313 : memref<1x64x128xf32, #tpu.memory_space<vmem>> -> memref<64x128xf32, #tpu.memory_space<vmem>>
        %dma_start3A_315 = arith.constant 0 : i32
        %dma_start3A_316 = tpu.memref_slice %arg8[%run_scoped3A_213, %dma_start3A_315] : memref<4x64xi32, #tpu.memory_space<vmem>> -> memref<1x64xi32, #tpu.memory_space<vmem>>
        %dma_start3A_317 = tpu.memref_squeeze %dma_start3A_316 : memref<1x64xi32, #tpu.memory_space<vmem>> -> memref<64xi32, #tpu.memory_space<vmem>>
        %dma_start3A_318 = arith.constant 0 : i32
        %dma_start3A_319 = arith.constant 0 : i32
        %dma_start3A_320 = tpu.memref_slice %arg10[%dma_start3A_318, %dma_start3A_319] : memref<10000x128xf32, #tpu.memory_space<vmem_shared>> -> memref<10000x128xf32, #tpu.memory_space<vmem_shared>>
        tpu.enqueue_indirect_dma source(%dma_start3A_314 : memref<64x128xf32, #tpu.memory_space<vmem>>) target(%dma_start3A_320 : memref<10000x128xf32, #tpu.memory_space<vmem_shared>>) offsets(%dma_start3A_317 : memref<64xi32, #tpu.memory_space<vmem>>) semaphore(%run_scoped3A_310 : memref<!tpu.dma_semaphore, #tpu.memory_space<semaphore_mem>>) {add = true}
        %dma_wait3A_321 = arith.constant 0 : i32
        %dma_wait3A_322 = arith.constant 0 : i32
        %dma_wait3A_323 = tpu.memref_slice %arg9[%run_scoped3A, %dma_wait3A_321, %dma_wait3A_322] : memref<4x64x128xf32, #tpu.memory_space<vmem>> -> memref<1x64x128xf32, #tpu.memory_space<vmem>>
        %dma_wait3A_324 = tpu.memref_squeeze %dma_wait3A_323 : memref<1x64x128xf32, #tpu.memory_space<vmem>> -> memref<64x128xf32, #tpu.memory_space<vmem>>
        %dma_wait3A_325 = arith.constant 0 : i32
        %dma_wait3A_326 = tpu.memref_slice %arg8[%run_scoped3A_213, %dma_wait3A_325] : memref<4x64xi32, #tpu.memory_space<vmem>> -> memref<1x64xi32, #tpu.memory_space<vmem>>
        %dma_wait3A_327 = tpu.memref_squeeze %dma_wait3A_326 : memref<1x64xi32, #tpu.memory_space<vmem>> -> memref<64xi32, #tpu.memory_space<vmem>>
        %dma_wait3A_328 = arith.constant 0 : i32
        %dma_wait3A_329 = arith.constant 0 : i32
        %dma_wait3A_330 = tpu.memref_slice %arg10[%dma_wait3A_328, %dma_wait3A_329] : memref<10000x128xf32, #tpu.memory_space<vmem_shared>> -> memref<10000x128xf32, #tpu.memory_space<vmem_shared>>
        tpu.wait_indirect_dma semaphore(%run_scoped3A_310 : memref<!tpu.dma_semaphore, #tpu.memory_space<semaphore_mem>>) src(%dma_wait3A_324 : memref<64x128xf32, #tpu.memory_space<vmem>>) dst(%dma_wait3A_330 : memref<10000x128xf32, #tpu.memory_space<vmem_shared>>)
        tpu.yield
      }) : () -> ()
      %add3A_214 = arith.constant 4 : i32
      %add3A_215 = arith.addi %add3A_194, %add3A_214 : i32
      %lt3A_216 = arith.cmpi slt, %add3A_215, %add3A_11 : i32
      %convert_element_type3A_217 = arith.extui %lt3A_216 : i1 to i32
      %cond3A_218 = arith.constant 0 : i32
      %cond3A_219 = arith.cmpi ne, %convert_element_type3A_217, %cond3A_218 : i32
      scf.if %cond3A_219 {
        %add3A_310 = arith.constant 4 : i32
        %add3A_311 = arith.addi %add3A_194, %add3A_310 : i32
        %mul3A_312 = arith.constant 64 : i32
        %mul3A_313 = arith.muli %add3A_311, %mul3A_312 : i32
        %add3A_314 = arith.addi %mul3A_6, %mul3A_313 : i32
        %dma_start3A_315 = arith.constant 0 : i32
        %dma_start3A_316 = arith.constant 0 : i32
        %dma_start3A_317 = tpu.memref_slice %arg7[%dma_start3A_315, %dma_start3A_316] : memref<4x64xi32, #tpu.memory_space<vmem>> -> memref<1x64xi32, #tpu.memory_space<vmem>>
        %dma_start3A_318 = tpu.memref_squeeze %dma_start3A_317 : memref<1x64xi32, #tpu.memory_space<vmem>> -> memref<64xi32, #tpu.memory_space<vmem>>
        %dma_start3A_319 = tpu.memref_slice %arg3[%add3A_314] : memref<327680xi32, #tpu.memory_space<hbm>> -> memref<64xi32, #tpu.memory_space<hbm>>
        %dma_start3A_320 = arith.constant 0 : i32
        %dma_start3A_321 = tpu.memref_slice %arg7[%dma_start3A_315, %dma_start3A_320] : memref<4x64xi32, #tpu.memory_space<vmem>> -> memref<1x64xi32, #tpu.memory_space<vmem>>
        %dma_start3A_322 = tpu.memref_squeeze %dma_start3A_321 : memref<1x64xi32, #tpu.memory_space<vmem>> -> memref<64xi32, #tpu.memory_space<vmem>>
        %dma_start3A_323 = tpu.memref_slice %arg3[%add3A_314] : memref<327680xi32, #tpu.memory_space<hbm>> -> memref<64xi32, #tpu.memory_space<hbm>>
        tpu.enqueue_dma source(%dma_start3A_323 : memref<64xi32, #tpu.memory_space<hbm>>) target(%dma_start3A_322 : memref<64xi32, #tpu.memory_space<vmem>>) target_semaphore(%arg11 : memref<!tpu.dma_semaphore, #tpu.memory_space<semaphore_mem>>)
        %mul3A_324 = arith.constant 64 : i32
        %mul3A_325 = arith.muli %add3A_311, %mul3A_324 : i32
        %add3A_326 = arith.addi %mul3A_6, %mul3A_325 : i32
        %dma_start3A_327 = arith.constant 0 : i32
        %dma_start3A_328 = arith.constant 0 : i32
        %dma_start3A_329 = tpu.memref_slice %arg8[%dma_start3A_327, %dma_start3A_328] : memref<4x64xi32, #tpu.memory_space<vmem>> -> memref<1x64xi32, #tpu.memory_space<vmem>>
        %dma_start3A_330 = tpu.memref_squeeze %dma_start3A_329 : memref<1x64xi32, #tpu.memory_space<vmem>> -> memref<64xi32, #tpu.memory_space<vmem>>
        %dma_start3A_331 = tpu.memref_slice %arg4[%add3A_326] : memref<327680xi32, #tpu.memory_space<hbm>> -> memref<64xi32, #tpu.memory_space<hbm>>
        %dma_start3A_332 = arith.constant 0 : i32
        %dma_start3A_333 = tpu.memref_slice %arg8[%dma_start3A_327, %dma_start3A_332] : memref<4x64xi32, #tpu.memory_space<vmem>> -> memref<1x64xi32, #tpu.memory_space<vmem>>
        %dma_start3A_334 = tpu.memref_squeeze %dma_start3A_333 : memref<1x64xi32, #tpu.memory_space<vmem>> -> memref<64xi32, #tpu.memory_space<vmem>>
        %dma_start3A_335 = tpu.memref_slice %arg4[%add3A_326] : memref<327680xi32, #tpu.memory_space<hbm>> -> memref<64xi32, #tpu.memory_space<hbm>>
        tpu.enqueue_dma source(%dma_start3A_335 : memref<64xi32, #tpu.memory_space<hbm>>) target(%dma_start3A_334 : memref<64xi32, #tpu.memory_space<vmem>>) target_semaphore(%arg11 : memref<!tpu.dma_semaphore, #tpu.memory_space<semaphore_mem>>)
      } else {
      }
      %mul3A_220 = arith.constant 4 : i32
      %mul3A_221 = arith.muli %scan3A_190, %mul3A_220 : i32
      %add3A_222 = arith.constant 1 : i32
      %add3A_223 = arith.addi %mul3A_221, %add3A_222 : i32
      %add3A_224 = arith.constant 2 : i32
      %add3A_225 = arith.addi %add3A_223, %add3A_224 : i32
      %lt3A_226 = arith.cmpi slt, %add3A_225, %add3A_11 : i32
      %convert_element_type3A_227 = arith.extui %lt3A_226 : i1 to i32
      %cond3A_228 = arith.constant 0 : i32
      %cond3A_229 = arith.cmpi ne, %convert_element_type3A_227, %cond3A_228 : i32
      scf.if %cond3A_229 {
        %add3A_310 = arith.constant 2 : i32
        %add3A_311 = arith.addi %add3A_223, %add3A_310 : i32
        %mul3A_312 = arith.constant 64 : i32
        %mul3A_313 = arith.muli %add3A_311, %mul3A_312 : i32
        %add3A_314 = arith.addi %mul3A_6, %mul3A_313 : i32
        %dma_wait3A_315 = arith.constant 3 : i32
        %dma_wait3A_316 = arith.constant 0 : i32
        %dma_wait3A_317 = tpu.memref_slice %arg7[%dma_wait3A_315, %dma_wait3A_316] : memref<4x64xi32, #tpu.memory_space<vmem>> -> memref<1x64xi32, #tpu.memory_space<vmem>>
        %dma_wait3A_318 = tpu.memref_squeeze %dma_wait3A_317 : memref<1x64xi32, #tpu.memory_space<vmem>> -> memref<64xi32, #tpu.memory_space<vmem>>
        %dma_wait3A_319 = tpu.memref_slice %arg3[%add3A_314] : memref<327680xi32, #tpu.memory_space<hbm>> -> memref<64xi32, #tpu.memory_space<hbm>>
        %dma_wait3A_320 = arith.constant 0 : i32
        %dma_wait3A_321 = tpu.memref_slice %arg7[%dma_wait3A_315, %dma_wait3A_320] : memref<4x64xi32, #tpu.memory_space<vmem>> -> memref<1x64xi32, #tpu.memory_space<vmem>>
        %dma_wait3A_322 = tpu.memref_squeeze %dma_wait3A_321 : memref<1x64xi32, #tpu.memory_space<vmem>> -> memref<64xi32, #tpu.memory_space<vmem>>
        %dma_wait3A_323 = tpu.memref_slice %arg3[%add3A_314] : memref<327680xi32, #tpu.memory_space<hbm>> -> memref<64xi32, #tpu.memory_space<hbm>>
        tpu.wait_dma2 semaphore(%arg14 : memref<!tpu.dma_semaphore, #tpu.memory_space<semaphore_mem>>) src(%dma_wait3A_323 : memref<64xi32, #tpu.memory_space<hbm>>) dst(%dma_wait3A_322 : memref<64xi32, #tpu.memory_space<vmem>>)
        %mul3A_324 = arith.constant 64 : i32
        %mul3A_325 = arith.muli %add3A_311, %mul3A_324 : i32
        %add3A_326 = arith.addi %mul3A_6, %mul3A_325 : i32
        %dma_wait3A_327 = arith.constant 3 : i32
        %dma_wait3A_328 = arith.constant 0 : i32
        %dma_wait3A_329 = tpu.memref_slice %arg8[%dma_wait3A_327, %dma_wait3A_328] : memref<4x64xi32, #tpu.memory_space<vmem>> -> memref<1x64xi32, #tpu.memory_space<vmem>>
        %dma_wait3A_330 = tpu.memref_squeeze %dma_wait3A_329 : memref<1x64xi32, #tpu.memory_space<vmem>> -> memref<64xi32, #tpu.memory_space<vmem>>
        %dma_wait3A_331 = tpu.memref_slice %arg4[%add3A_326] : memref<327680xi32, #tpu.memory_space<hbm>> -> memref<64xi32, #tpu.memory_space<hbm>>
        %dma_wait3A_332 = arith.constant 0 : i32
        %dma_wait3A_333 = tpu.memref_slice %arg8[%dma_wait3A_327, %dma_wait3A_332] : memref<4x64xi32, #tpu.memory_space<vmem>> -> memref<1x64xi32, #tpu.memory_space<vmem>>
        %dma_wait3A_334 = tpu.memref_squeeze %dma_wait3A_333 : memref<1x64xi32, #tpu.memory_space<vmem>> -> memref<64xi32, #tpu.memory_space<vmem>>
        %dma_wait3A_335 = tpu.memref_slice %arg4[%add3A_326] : memref<327680xi32, #tpu.memory_space<hbm>> -> memref<64xi32, #tpu.memory_space<hbm>>
        tpu.wait_dma2 semaphore(%arg14 : memref<!tpu.dma_semaphore, #tpu.memory_space<semaphore_mem>>) src(%dma_wait3A_335 : memref<64xi32, #tpu.memory_space<hbm>>) dst(%dma_wait3A_334 : memref<64xi32, #tpu.memory_space<vmem>>)
        %dma_start3A_336 = arith.constant 3 : i32
        %dma_start3A_337 = arith.constant 3 : i32
        %dma_start3A_338 = arith.constant 0 : i32
        %dma_start3A_339 = arith.constant 0 : i32
        %dma_start3A_340 = tpu.memref_slice %arg9[%dma_start3A_337, %dma_start3A_338, %dma_start3A_339] : memref<4x64x128xf32, #tpu.memory_space<vmem>> -> memref<1x64x128xf32, #tpu.memory_space<vmem>>
        %dma_start3A_341 = tpu.memref_squeeze %dma_start3A_340 : memref<1x64x128xf32, #tpu.memory_space<vmem>> -> memref<64x128xf32, #tpu.memory_space<vmem>>
        %dma_start3A_342 = arith.constant 0 : i32
        %dma_start3A_343 = tpu.memref_slice %arg7[%dma_start3A_336, %dma_start3A_342] : memref<4x64xi32, #tpu.memory_space<vmem>> -> memref<1x64xi32, #tpu.memory_space<vmem>>
        %dma_start3A_344 = tpu.memref_squeeze %dma_start3A_343 : memref<1x64xi32, #tpu.memory_space<vmem>> -> memref<64xi32, #tpu.memory_space<vmem>>
        %dma_start3A_345 = arith.constant 0 : i32
        %dma_start3A_346 = arith.constant 0 : i32
        %dma_start3A_347 = tpu.memref_slice %arg2[%dma_start3A_345, %dma_start3A_346] : memref<10000x128xf32, #tpu.memory_space<hbm>> -> memref<10000x128xf32, #tpu.memory_space<hbm>>
        tpu.enqueue_indirect_dma source(%dma_start3A_347 : memref<10000x128xf32, #tpu.memory_space<hbm>>) target(%dma_start3A_341 : memref<64x128xf32, #tpu.memory_space<vmem>>) offsets(%dma_start3A_344 : memref<64xi32, #tpu.memory_space<vmem>>) semaphore(%arg18 : memref<!tpu.dma_semaphore, #tpu.memory_space<semaphore_mem>>)
      } else {
      }
      %dma_wait3A_230 = arith.constant 1 : i32
      %dma_wait3A_231 = arith.constant 1 : i32
      %dma_wait3A_232 = arith.constant 0 : i32
      %dma_wait3A_233 = arith.constant 0 : i32
      %dma_wait3A_234 = tpu.memref_slice %arg9[%dma_wait3A_231, %dma_wait3A_232, %dma_wait3A_233] : memref<4x64x128xf32, #tpu.memory_space<vmem>> -> memref<1x64x128xf32, #tpu.memory_space<vmem>>
      %dma_wait3A_235 = tpu.memref_squeeze %dma_wait3A_234 : memref<1x64x128xf32, #tpu.memory_space<vmem>> -> memref<64x128xf32, #tpu.memory_space<vmem>>
      %dma_wait3A_236 = arith.constant 0 : i32
      %dma_wait3A_237 = tpu.memref_slice %arg7[%dma_wait3A_230, %dma_wait3A_236] : memref<4x64xi32, #tpu.memory_space<vmem>> -> memref<1x64xi32, #tpu.memory_space<vmem>>
      %dma_wait3A_238 = tpu.memref_squeeze %dma_wait3A_237 : memref<1x64xi32, #tpu.memory_space<vmem>> -> memref<64xi32, #tpu.memory_space<vmem>>
      %dma_wait3A_239 = arith.constant 0 : i32
      %dma_wait3A_240 = arith.constant 0 : i32
      %dma_wait3A_241 = tpu.memref_slice %arg2[%dma_wait3A_239, %dma_wait3A_240] : memref<10000x128xf32, #tpu.memory_space<hbm>> -> memref<10000x128xf32, #tpu.memory_space<hbm>>
      tpu.wait_indirect_dma semaphore(%arg16 : memref<!tpu.dma_semaphore, #tpu.memory_space<semaphore_mem>>) src(%dma_wait3A_241 : memref<10000x128xf32, #tpu.memory_space<hbm>>) dst(%dma_wait3A_235 : memref<64x128xf32, #tpu.memory_space<vmem>>)
      %run_scoped3A_242 = arith.constant 1 : i32
      %run_scoped3A_243 = arith.constant 1 : i32
      "tpu.region"() ({
        %run_scoped3A_310 = tpu.sem_alloc : memref<!tpu.dma_semaphore, #tpu.memory_space<semaphore_mem>>
        %dma_start3A_311 = arith.constant 0 : i32
        %dma_start3A_312 = arith.constant 0 : i32
        %dma_start3A_313 = tpu.memref_slice %arg9[%run_scoped3A_242, %dma_start3A_311, %dma_start3A_312] : memref<4x64x128xf32, #tpu.memory_space<vmem>> -> memref<1x64x128xf32, #tpu.memory_space<vmem>>
        %dma_start3A_314 = tpu.memref_squeeze %dma_start3A_313 : memref<1x64x128xf32, #tpu.memory_space<vmem>> -> memref<64x128xf32, #tpu.memory_space<vmem>>
        %dma_start3A_315 = arith.constant 0 : i32
        %dma_start3A_316 = tpu.memref_slice %arg8[%run_scoped3A_243, %dma_start3A_315] : memref<4x64xi32, #tpu.memory_space<vmem>> -> memref<1x64xi32, #tpu.memory_space<vmem>>
        %dma_start3A_317 = tpu.memref_squeeze %dma_start3A_316 : memref<1x64xi32, #tpu.memory_space<vmem>> -> memref<64xi32, #tpu.memory_space<vmem>>
        %dma_start3A_318 = arith.constant 0 : i32
        %dma_start3A_319 = arith.constant 0 : i32
        %dma_start3A_320 = tpu.memref_slice %arg10[%dma_start3A_318, %dma_start3A_319] : memref<10000x128xf32, #tpu.memory_space<vmem_shared>> -> memref<10000x128xf32, #tpu.memory_space<vmem_shared>>
        tpu.enqueue_indirect_dma source(%dma_start3A_314 : memref<64x128xf32, #tpu.memory_space<vmem>>) target(%dma_start3A_320 : memref<10000x128xf32, #tpu.memory_space<vmem_shared>>) offsets(%dma_start3A_317 : memref<64xi32, #tpu.memory_space<vmem>>) semaphore(%run_scoped3A_310 : memref<!tpu.dma_semaphore, #tpu.memory_space<semaphore_mem>>) {add = true}
        %dma_wait3A_321 = arith.constant 0 : i32
        %dma_wait3A_322 = arith.constant 0 : i32
        %dma_wait3A_323 = tpu.memref_slice %arg9[%run_scoped3A_242, %dma_wait3A_321, %dma_wait3A_322] : memref<4x64x128xf32, #tpu.memory_space<vmem>> -> memref<1x64x128xf32, #tpu.memory_space<vmem>>
        %dma_wait3A_324 = tpu.memref_squeeze %dma_wait3A_323 : memref<1x64x128xf32, #tpu.memory_space<vmem>> -> memref<64x128xf32, #tpu.memory_space<vmem>>
        %dma_wait3A_325 = arith.constant 0 : i32
        %dma_wait3A_326 = tpu.memref_slice %arg8[%run_scoped3A_243, %dma_wait3A_325] : memref<4x64xi32, #tpu.memory_space<vmem>> -> memref<1x64xi32, #tpu.memory_space<vmem>>
        %dma_wait3A_327 = tpu.memref_squeeze %dma_wait3A_326 : memref<1x64xi32, #tpu.memory_space<vmem>> -> memref<64xi32, #tpu.memory_space<vmem>>
        %dma_wait3A_328 = arith.constant 0 : i32
        %dma_wait3A_329 = arith.constant 0 : i32
        %dma_wait3A_330 = tpu.memref_slice %arg10[%dma_wait3A_328, %dma_wait3A_329] : memref<10000x128xf32, #tpu.memory_space<vmem_shared>> -> memref<10000x128xf32, #tpu.memory_space<vmem_shared>>
        tpu.wait_indirect_dma semaphore(%run_scoped3A_310 : memref<!tpu.dma_semaphore, #tpu.memory_space<semaphore_mem>>) src(%dma_wait3A_324 : memref<64x128xf32, #tpu.memory_space<vmem>>) dst(%dma_wait3A_330 : memref<10000x128xf32, #tpu.memory_space<vmem_shared>>)
        tpu.yield
      }) : () -> ()
      %add3A_244 = arith.constant 4 : i32
      %add3A_245 = arith.addi %add3A_223, %add3A_244 : i32
      %lt3A_246 = arith.cmpi slt, %add3A_245, %add3A_11 : i32
      %convert_element_type3A_247 = arith.extui %lt3A_246 : i1 to i32
      %cond3A_248 = arith.constant 0 : i32
      %cond3A_249 = arith.cmpi ne, %convert_element_type3A_247, %cond3A_248 : i32
      scf.if %cond3A_249 {
        %add3A_310 = arith.constant 4 : i32
        %add3A_311 = arith.addi %add3A_223, %add3A_310 : i32
        %mul3A_312 = arith.constant 64 : i32
        %mul3A_313 = arith.muli %add3A_311, %mul3A_312 : i32
        %add3A_314 = arith.addi %mul3A_6, %mul3A_313 : i32
        %dma_start3A_315 = arith.constant 1 : i32
        %dma_start3A_316 = arith.constant 0 : i32
        %dma_start3A_317 = tpu.memref_slice %arg7[%dma_start3A_315, %dma_start3A_316] : memref<4x64xi32, #tpu.memory_space<vmem>> -> memref<1x64xi32, #tpu.memory_space<vmem>>
        %dma_start3A_318 = tpu.memref_squeeze %dma_start3A_317 : memref<1x64xi32, #tpu.memory_space<vmem>> -> memref<64xi32, #tpu.memory_space<vmem>>
        %dma_start3A_319 = tpu.memref_slice %arg3[%add3A_314] : memref<327680xi32, #tpu.memory_space<hbm>> -> memref<64xi32, #tpu.memory_space<hbm>>
        %dma_start3A_320 = arith.constant 0 : i32
        %dma_start3A_321 = tpu.memref_slice %arg7[%dma_start3A_315, %dma_start3A_320] : memref<4x64xi32, #tpu.memory_space<vmem>> -> memref<1x64xi32, #tpu.memory_space<vmem>>
        %dma_start3A_322 = tpu.memref_squeeze %dma_start3A_321 : memref<1x64xi32, #tpu.memory_space<vmem>> -> memref<64xi32, #tpu.memory_space<vmem>>
        %dma_start3A_323 = tpu.memref_slice %arg3[%add3A_314] : memref<327680xi32, #tpu.memory_space<hbm>> -> memref<64xi32, #tpu.memory_space<hbm>>
        tpu.enqueue_dma source(%dma_start3A_323 : memref<64xi32, #tpu.memory_space<hbm>>) target(%dma_start3A_322 : memref<64xi32, #tpu.memory_space<vmem>>) target_semaphore(%arg12 : memref<!tpu.dma_semaphore, #tpu.memory_space<semaphore_mem>>)
        %mul3A_324 = arith.constant 64 : i32
        %mul3A_325 = arith.muli %add3A_311, %mul3A_324 : i32
        %add3A_326 = arith.addi %mul3A_6, %mul3A_325 : i32
        %dma_start3A_327 = arith.constant 1 : i32
        %dma_start3A_328 = arith.constant 0 : i32
        %dma_start3A_329 = tpu.memref_slice %arg8[%dma_start3A_327, %dma_start3A_328] : memref<4x64xi32, #tpu.memory_space<vmem>> -> memref<1x64xi32, #tpu.memory_space<vmem>>
        %dma_start3A_330 = tpu.memref_squeeze %dma_start3A_329 : memref<1x64xi32, #tpu.memory_space<vmem>> -> memref<64xi32, #tpu.memory_space<vmem>>
        %dma_start3A_331 = tpu.memref_slice %arg4[%add3A_326] : memref<327680xi32, #tpu.memory_space<hbm>> -> memref<64xi32, #tpu.memory_space<hbm>>
        %dma_start3A_332 = arith.constant 0 : i32
        %dma_start3A_333 = tpu.memref_slice %arg8[%dma_start3A_327, %dma_start3A_332] : memref<4x64xi32, #tpu.memory_space<vmem>> -> memref<1x64xi32, #tpu.memory_space<vmem>>
        %dma_start3A_334 = tpu.memref_squeeze %dma_start3A_333 : memref<1x64xi32, #tpu.memory_space<vmem>> -> memref<64xi32, #tpu.memory_space<vmem>>
        %dma_start3A_335 = tpu.memref_slice %arg4[%add3A_326] : memref<327680xi32, #tpu.memory_space<hbm>> -> memref<64xi32, #tpu.memory_space<hbm>>
        tpu.enqueue_dma source(%dma_start3A_335 : memref<64xi32, #tpu.memory_space<hbm>>) target(%dma_start3A_334 : memref<64xi32, #tpu.memory_space<vmem>>) target_semaphore(%arg12 : memref<!tpu.dma_semaphore, #tpu.memory_space<semaphore_mem>>)
      } else {
      }
      %mul3A_250 = arith.constant 4 : i32
      %mul3A_251 = arith.muli %scan3A_190, %mul3A_250 : i32
      %add3A_252 = arith.constant 2 : i32
      %add3A_253 = arith.addi %mul3A_251, %add3A_252 : i32
      %add3A_254 = arith.constant 2 : i32
      %add3A_255 = arith.addi %add3A_253, %add3A_254 : i32
      %lt3A_256 = arith.cmpi slt, %add3A_255, %add3A_11 : i32
      %convert_element_type3A_257 = arith.extui %lt3A_256 : i1 to i32
      %cond3A_258 = arith.constant 0 : i32
      %cond3A_259 = arith.cmpi ne, %convert_element_type3A_257, %cond3A_258 : i32
      scf.if %cond3A_259 {
        %add3A_310 = arith.constant 2 : i32
        %add3A_311 = arith.addi %add3A_253, %add3A_310 : i32
        %mul3A_312 = arith.constant 64 : i32
        %mul3A_313 = arith.muli %add3A_311, %mul3A_312 : i32
        %add3A_314 = arith.addi %mul3A_6, %mul3A_313 : i32
        %dma_wait3A_315 = arith.constant 0 : i32
        %dma_wait3A_316 = arith.constant 0 : i32
        %dma_wait3A_317 = tpu.memref_slice %arg7[%dma_wait3A_315, %dma_wait3A_316] : memref<4x64xi32, #tpu.memory_space<vmem>> -> memref<1x64xi32, #tpu.memory_space<vmem>>
        %dma_wait3A_318 = tpu.memref_squeeze %dma_wait3A_317 : memref<1x64xi32, #tpu.memory_space<vmem>> -> memref<64xi32, #tpu.memory_space<vmem>>
        %dma_wait3A_319 = tpu.memref_slice %arg3[%add3A_314] : memref<327680xi32, #tpu.memory_space<hbm>> -> memref<64xi32, #tpu.memory_space<hbm>>
        %dma_wait3A_320 = arith.constant 0 : i32
        %dma_wait3A_321 = tpu.memref_slice %arg7[%dma_wait3A_315, %dma_wait3A_320] : memref<4x64xi32, #tpu.memory_space<vmem>> -> memref<1x64xi32, #tpu.memory_space<vmem>>
        %dma_wait3A_322 = tpu.memref_squeeze %dma_wait3A_321 : memref<1x64xi32, #tpu.memory_space<vmem>> -> memref<64xi32, #tpu.memory_space<vmem>>
        %dma_wait3A_323 = tpu.memref_slice %arg3[%add3A_314] : memref<327680xi32, #tpu.memory_space<hbm>> -> memref<64xi32, #tpu.memory_space<hbm>>
        tpu.wait_dma2 semaphore(%arg11 : memref<!tpu.dma_semaphore, #tpu.memory_space<semaphore_mem>>) src(%dma_wait3A_323 : memref<64xi32, #tpu.memory_space<hbm>>) dst(%dma_wait3A_322 : memref<64xi32, #tpu.memory_space<vmem>>)
        %mul3A_324 = arith.constant 64 : i32
        %mul3A_325 = arith.muli %add3A_311, %mul3A_324 : i32
        %add3A_326 = arith.addi %mul3A_6, %mul3A_325 : i32
        %dma_wait3A_327 = arith.constant 0 : i32
        %dma_wait3A_328 = arith.constant 0 : i32
        %dma_wait3A_329 = tpu.memref_slice %arg8[%dma_wait3A_327, %dma_wait3A_328] : memref<4x64xi32, #tpu.memory_space<vmem>> -> memref<1x64xi32, #tpu.memory_space<vmem>>
        %dma_wait3A_330 = tpu.memref_squeeze %dma_wait3A_329 : memref<1x64xi32, #tpu.memory_space<vmem>> -> memref<64xi32, #tpu.memory_space<vmem>>
        %dma_wait3A_331 = tpu.memref_slice %arg4[%add3A_326] : memref<327680xi32, #tpu.memory_space<hbm>> -> memref<64xi32, #tpu.memory_space<hbm>>
        %dma_wait3A_332 = arith.constant 0 : i32
        %dma_wait3A_333 = tpu.memref_slice %arg8[%dma_wait3A_327, %dma_wait3A_332] : memref<4x64xi32, #tpu.memory_space<vmem>> -> memref<1x64xi32, #tpu.memory_space<vmem>>
        %dma_wait3A_334 = tpu.memref_squeeze %dma_wait3A_333 : memref<1x64xi32, #tpu.memory_space<vmem>> -> memref<64xi32, #tpu.memory_space<vmem>>
        %dma_wait3A_335 = tpu.memref_slice %arg4[%add3A_326] : memref<327680xi32, #tpu.memory_space<hbm>> -> memref<64xi32, #tpu.memory_space<hbm>>
        tpu.wait_dma2 semaphore(%arg11 : memref<!tpu.dma_semaphore, #tpu.memory_space<semaphore_mem>>) src(%dma_wait3A_335 : memref<64xi32, #tpu.memory_space<hbm>>) dst(%dma_wait3A_334 : memref<64xi32, #tpu.memory_space<vmem>>)
        %dma_start3A_336 = arith.constant 0 : i32
        %dma_start3A_337 = arith.constant 0 : i32
        %dma_start3A_338 = arith.constant 0 : i32
        %dma_start3A_339 = arith.constant 0 : i32
        %dma_start3A_340 = tpu.memref_slice %arg9[%dma_start3A_337, %dma_start3A_338, %dma_start3A_339] : memref<4x64x128xf32, #tpu.memory_space<vmem>> -> memref<1x64x128xf32, #tpu.memory_space<vmem>>
        %dma_start3A_341 = tpu.memref_squeeze %dma_start3A_340 : memref<1x64x128xf32, #tpu.memory_space<vmem>> -> memref<64x128xf32, #tpu.memory_space<vmem>>
        %dma_start3A_342 = arith.constant 0 : i32
        %dma_start3A_343 = tpu.memref_slice %arg7[%dma_start3A_336, %dma_start3A_342] : memref<4x64xi32, #tpu.memory_space<vmem>> -> memref<1x64xi32, #tpu.memory_space<vmem>>
        %dma_start3A_344 = tpu.memref_squeeze %dma_start3A_343 : memref<1x64xi32, #tpu.memory_space<vmem>> -> memref<64xi32, #tpu.memory_space<vmem>>
        %dma_start3A_345 = arith.constant 0 : i32
        %dma_start3A_346 = arith.constant 0 : i32
        %dma_start3A_347 = tpu.memref_slice %arg2[%dma_start3A_345, %dma_start3A_346] : memref<10000x128xf32, #tpu.memory_space<hbm>> -> memref<10000x128xf32, #tpu.memory_space<hbm>>
        tpu.enqueue_indirect_dma source(%dma_start3A_347 : memref<10000x128xf32, #tpu.memory_space<hbm>>) target(%dma_start3A_341 : memref<64x128xf32, #tpu.memory_space<vmem>>) offsets(%dma_start3A_344 : memref<64xi32, #tpu.memory_space<vmem>>) semaphore(%arg15 : memref<!tpu.dma_semaphore, #tpu.memory_space<semaphore_mem>>)
      } else {
      }
      %dma_wait3A_260 = arith.constant 2 : i32
      %dma_wait3A_261 = arith.constant 2 : i32
      %dma_wait3A_262 = arith.constant 0 : i32
      %dma_wait3A_263 = arith.constant 0 : i32
      %dma_wait3A_264 = tpu.memref_slice %arg9[%dma_wait3A_261, %dma_wait3A_262, %dma_wait3A_263] : memref<4x64x128xf32, #tpu.memory_space<vmem>> -> memref<1x64x128xf32, #tpu.memory_space<vmem>>
      %dma_wait3A_265 = tpu.memref_squeeze %dma_wait3A_264 : memref<1x64x128xf32, #tpu.memory_space<vmem>> -> memref<64x128xf32, #tpu.memory_space<vmem>>
      %dma_wait3A_266 = arith.constant 0 : i32
      %dma_wait3A_267 = tpu.memref_slice %arg7[%dma_wait3A_260, %dma_wait3A_266] : memref<4x64xi32, #tpu.memory_space<vmem>> -> memref<1x64xi32, #tpu.memory_space<vmem>>
      %dma_wait3A_268 = tpu.memref_squeeze %dma_wait3A_267 : memref<1x64xi32, #tpu.memory_space<vmem>> -> memref<64xi32, #tpu.memory_space<vmem>>
      %dma_wait3A_269 = arith.constant 0 : i32
      %dma_wait3A_270 = arith.constant 0 : i32
      %dma_wait3A_271 = tpu.memref_slice %arg2[%dma_wait3A_269, %dma_wait3A_270] : memref<10000x128xf32, #tpu.memory_space<hbm>> -> memref<10000x128xf32, #tpu.memory_space<hbm>>
      tpu.wait_indirect_dma semaphore(%arg17 : memref<!tpu.dma_semaphore, #tpu.memory_space<semaphore_mem>>) src(%dma_wait3A_271 : memref<10000x128xf32, #tpu.memory_space<hbm>>) dst(%dma_wait3A_265 : memref<64x128xf32, #tpu.memory_space<vmem>>)
      %run_scoped3A_272 = arith.constant 2 : i32
      %run_scoped3A_273 = arith.constant 2 : i32
      "tpu.region"() ({
        %run_scoped3A_310 = tpu.sem_alloc : memref<!tpu.dma_semaphore, #tpu.memory_space<semaphore_mem>>
        %dma_start3A_311 = arith.constant 0 : i32
        %dma_start3A_312 = arith.constant 0 : i32
        %dma_start3A_313 = tpu.memref_slice %arg9[%run_scoped3A_272, %dma_start3A_311, %dma_start3A_312] : memref<4x64x128xf32, #tpu.memory_space<vmem>> -> memref<1x64x128xf32, #tpu.memory_space<vmem>>
        %dma_start3A_314 = tpu.memref_squeeze %dma_start3A_313 : memref<1x64x128xf32, #tpu.memory_space<vmem>> -> memref<64x128xf32, #tpu.memory_space<vmem>>
        %dma_start3A_315 = arith.constant 0 : i32
        %dma_start3A_316 = tpu.memref_slice %arg8[%run_scoped3A_273, %dma_start3A_315] : memref<4x64xi32, #tpu.memory_space<vmem>> -> memref<1x64xi32, #tpu.memory_space<vmem>>
        %dma_start3A_317 = tpu.memref_squeeze %dma_start3A_316 : memref<1x64xi32, #tpu.memory_space<vmem>> -> memref<64xi32, #tpu.memory_space<vmem>>
        %dma_start3A_318 = arith.constant 0 : i32
        %dma_start3A_319 = arith.constant 0 : i32
        %dma_start3A_320 = tpu.memref_slice %arg10[%dma_start3A_318, %dma_start3A_319] : memref<10000x128xf32, #tpu.memory_space<vmem_shared>> -> memref<10000x128xf32, #tpu.memory_space<vmem_shared>>
        tpu.enqueue_indirect_dma source(%dma_start3A_314 : memref<64x128xf32, #tpu.memory_space<vmem>>) target(%dma_start3A_320 : memref<10000x128xf32, #tpu.memory_space<vmem_shared>>) offsets(%dma_start3A_317 : memref<64xi32, #tpu.memory_space<vmem>>) semaphore(%run_scoped3A_310 : memref<!tpu.dma_semaphore, #tpu.memory_space<semaphore_mem>>) {add = true}
        %dma_wait3A_321 = arith.constant 0 : i32
        %dma_wait3A_322 = arith.constant 0 : i32
        %dma_wait3A_323 = tpu.memref_slice %arg9[%run_scoped3A_272, %dma_wait3A_321, %dma_wait3A_322] : memref<4x64x128xf32, #tpu.memory_space<vmem>> -> memref<1x64x128xf32, #tpu.memory_space<vmem>>
        %dma_wait3A_324 = tpu.memref_squeeze %dma_wait3A_323 : memref<1x64x128xf32, #tpu.memory_space<vmem>> -> memref<64x128xf32, #tpu.memory_space<vmem>>
        %dma_wait3A_325 = arith.constant 0 : i32
        %dma_wait3A_326 = tpu.memref_slice %arg8[%run_scoped3A_273, %dma_wait3A_325] : memref<4x64xi32, #tpu.memory_space<vmem>> -> memref<1x64xi32, #tpu.memory_space<vmem>>
        %dma_wait3A_327 = tpu.memref_squeeze %dma_wait3A_326 : memref<1x64xi32, #tpu.memory_space<vmem>> -> memref<64xi32, #tpu.memory_space<vmem>>
        %dma_wait3A_328 = arith.constant 0 : i32
        %dma_wait3A_329 = arith.constant 0 : i32
        %dma_wait3A_330 = tpu.memref_slice %arg10[%dma_wait3A_328, %dma_wait3A_329] : memref<10000x128xf32, #tpu.memory_space<vmem_shared>> -> memref<10000x128xf32, #tpu.memory_space<vmem_shared>>
        tpu.wait_indirect_dma semaphore(%run_scoped3A_310 : memref<!tpu.dma_semaphore, #tpu.memory_space<semaphore_mem>>) src(%dma_wait3A_324 : memref<64x128xf32, #tpu.memory_space<vmem>>) dst(%dma_wait3A_330 : memref<10000x128xf32, #tpu.memory_space<vmem_shared>>)
        tpu.yield
      }) : () -> ()
      %add3A_274 = arith.constant 4 : i32
      %add3A_275 = arith.addi %add3A_253, %add3A_274 : i32
      %lt3A_276 = arith.cmpi slt, %add3A_275, %add3A_11 : i32
      %convert_element_type3A_277 = arith.extui %lt3A_276 : i1 to i32
      %cond3A_278 = arith.constant 0 : i32
      %cond3A_279 = arith.cmpi ne, %convert_element_type3A_277, %cond3A_278 : i32
      scf.if %cond3A_279 {
        %add3A_310 = arith.constant 4 : i32
        %add3A_311 = arith.addi %add3A_253, %add3A_310 : i32
        %mul3A_312 = arith.constant 64 : i32
        %mul3A_313 = arith.muli %add3A_311, %mul3A_312 : i32
        %add3A_314 = arith.addi %mul3A_6, %mul3A_313 : i32
        %dma_start3A_315 = arith.constant 2 : i32
        %dma_start3A_316 = arith.constant 0 : i32
        %dma_start3A_317 = tpu.memref_slice %arg7[%dma_start3A_315, %dma_start3A_316] : memref<4x64xi32, #tpu.memory_space<vmem>> -> memref<1x64xi32, #tpu.memory_space<vmem>>
        %dma_start3A_318 = tpu.memref_squeeze %dma_start3A_317 : memref<1x64xi32, #tpu.memory_space<vmem>> -> memref<64xi32, #tpu.memory_space<vmem>>
        %dma_start3A_319 = tpu.memref_slice %arg3[%add3A_314] : memref<327680xi32, #tpu.memory_space<hbm>> -> memref<64xi32, #tpu.memory_space<hbm>>
        %dma_start3A_320 = arith.constant 0 : i32
        %dma_start3A_321 = tpu.memref_slice %arg7[%dma_start3A_315, %dma_start3A_320] : memref<4x64xi32, #tpu.memory_space<vmem>> -> memref<1x64xi32, #tpu.memory_space<vmem>>
        %dma_start3A_322 = tpu.memref_squeeze %dma_start3A_321 : memref<1x64xi32, #tpu.memory_space<vmem>> -> memref<64xi32, #tpu.memory_space<vmem>>
        %dma_start3A_323 = tpu.memref_slice %arg3[%add3A_314] : memref<327680xi32, #tpu.memory_space<hbm>> -> memref<64xi32, #tpu.memory_space<hbm>>
        tpu.enqueue_dma source(%dma_start3A_323 : memref<64xi32, #tpu.memory_space<hbm>>) target(%dma_start3A_322 : memref<64xi32, #tpu.memory_space<vmem>>) target_semaphore(%arg13 : memref<!tpu.dma_semaphore, #tpu.memory_space<semaphore_mem>>)
        %mul3A_324 = arith.constant 64 : i32
        %mul3A_325 = arith.muli %add3A_311, %mul3A_324 : i32
        %add3A_326 = arith.addi %mul3A_6, %mul3A_325 : i32
        %dma_start3A_327 = arith.constant 2 : i32
        %dma_start3A_328 = arith.constant 0 : i32
        %dma_start3A_329 = tpu.memref_slice %arg8[%dma_start3A_327, %dma_start3A_328] : memref<4x64xi32, #tpu.memory_space<vmem>> -> memref<1x64xi32, #tpu.memory_space<vmem>>
        %dma_start3A_330 = tpu.memref_squeeze %dma_start3A_329 : memref<1x64xi32, #tpu.memory_space<vmem>> -> memref<64xi32, #tpu.memory_space<vmem>>
        %dma_start3A_331 = tpu.memref_slice %arg4[%add3A_326] : memref<327680xi32, #tpu.memory_space<hbm>> -> memref<64xi32, #tpu.memory_space<hbm>>
        %dma_start3A_332 = arith.constant 0 : i32
        %dma_start3A_333 = tpu.memref_slice %arg8[%dma_start3A_327, %dma_start3A_332] : memref<4x64xi32, #tpu.memory_space<vmem>> -> memref<1x64xi32, #tpu.memory_space<vmem>>
        %dma_start3A_334 = tpu.memref_squeeze %dma_start3A_333 : memref<1x64xi32, #tpu.memory_space<vmem>> -> memref<64xi32, #tpu.memory_space<vmem>>
        %dma_start3A_335 = tpu.memref_slice %arg4[%add3A_326] : memref<327680xi32, #tpu.memory_space<hbm>> -> memref<64xi32, #tpu.memory_space<hbm>>
        tpu.enqueue_dma source(%dma_start3A_335 : memref<64xi32, #tpu.memory_space<hbm>>) target(%dma_start3A_334 : memref<64xi32, #tpu.memory_space<vmem>>) target_semaphore(%arg13 : memref<!tpu.dma_semaphore, #tpu.memory_space<semaphore_mem>>)
      } else {
      }
      %mul3A_280 = arith.constant 4 : i32
      %mul3A_281 = arith.muli %scan3A_190, %mul3A_280 : i32
      %add3A_282 = arith.constant 3 : i32
      %add3A_283 = arith.addi %mul3A_281, %add3A_282 : i32
      %add3A_284 = arith.constant 2 : i32
      %add3A_285 = arith.addi %add3A_283, %add3A_284 : i32
      %lt3A_286 = arith.cmpi slt, %add3A_285, %add3A_11 : i32
      %convert_element_type3A_287 = arith.extui %lt3A_286 : i1 to i32
      %cond3A_288 = arith.constant 0 : i32
      %cond3A_289 = arith.cmpi ne, %convert_element_type3A_287, %cond3A_288 : i32
      scf.if %cond3A_289 {
        %add3A_310 = arith.constant 2 : i32
        %add3A_311 = arith.addi %add3A_283, %add3A_310 : i32
        %mul3A_312 = arith.constant 64 : i32
        %mul3A_313 = arith.muli %add3A_311, %mul3A_312 : i32
        %add3A_314 = arith.addi %mul3A_6, %mul3A_313 : i32
        %dma_wait3A_315 = arith.constant 1 : i32
        %dma_wait3A_316 = arith.constant 0 : i32
        %dma_wait3A_317 = tpu.memref_slice %arg7[%dma_wait3A_315, %dma_wait3A_316] : memref<4x64xi32, #tpu.memory_space<vmem>> -> memref<1x64xi32, #tpu.memory_space<vmem>>
        %dma_wait3A_318 = tpu.memref_squeeze %dma_wait3A_317 : memref<1x64xi32, #tpu.memory_space<vmem>> -> memref<64xi32, #tpu.memory_space<vmem>>
        %dma_wait3A_319 = tpu.memref_slice %arg3[%add3A_314] : memref<327680xi32, #tpu.memory_space<hbm>> -> memref<64xi32, #tpu.memory_space<hbm>>
        %dma_wait3A_320 = arith.constant 0 : i32
        %dma_wait3A_321 = tpu.memref_slice %arg7[%dma_wait3A_315, %dma_wait3A_320] : memref<4x64xi32, #tpu.memory_space<vmem>> -> memref<1x64xi32, #tpu.memory_space<vmem>>
        %dma_wait3A_322 = tpu.memref_squeeze %dma_wait3A_321 : memref<1x64xi32, #tpu.memory_space<vmem>> -> memref<64xi32, #tpu.memory_space<vmem>>
        %dma_wait3A_323 = tpu.memref_slice %arg3[%add3A_314] : memref<327680xi32, #tpu.memory_space<hbm>> -> memref<64xi32, #tpu.memory_space<hbm>>
        tpu.wait_dma2 semaphore(%arg12 : memref<!tpu.dma_semaphore, #tpu.memory_space<semaphore_mem>>) src(%dma_wait3A_323 : memref<64xi32, #tpu.memory_space<hbm>>) dst(%dma_wait3A_322 : memref<64xi32, #tpu.memory_space<vmem>>)
        %mul3A_324 = arith.constant 64 : i32
        %mul3A_325 = arith.muli %add3A_311, %mul3A_324 : i32
        %add3A_326 = arith.addi %mul3A_6, %mul3A_325 : i32
        %dma_wait3A_327 = arith.constant 1 : i32
        %dma_wait3A_328 = arith.constant 0 : i32
        %dma_wait3A_329 = tpu.memref_slice %arg8[%dma_wait3A_327, %dma_wait3A_328] : memref<4x64xi32, #tpu.memory_space<vmem>> -> memref<1x64xi32, #tpu.memory_space<vmem>>
        %dma_wait3A_330 = tpu.memref_squeeze %dma_wait3A_329 : memref<1x64xi32, #tpu.memory_space<vmem>> -> memref<64xi32, #tpu.memory_space<vmem>>
        %dma_wait3A_331 = tpu.memref_slice %arg4[%add3A_326] : memref<327680xi32, #tpu.memory_space<hbm>> -> memref<64xi32, #tpu.memory_space<hbm>>
        %dma_wait3A_332 = arith.constant 0 : i32
        %dma_wait3A_333 = tpu.memref_slice %arg8[%dma_wait3A_327, %dma_wait3A_332] : memref<4x64xi32, #tpu.memory_space<vmem>> -> memref<1x64xi32, #tpu.memory_space<vmem>>
        %dma_wait3A_334 = tpu.memref_squeeze %dma_wait3A_333 : memref<1x64xi32, #tpu.memory_space<vmem>> -> memref<64xi32, #tpu.memory_space<vmem>>
        %dma_wait3A_335 = tpu.memref_slice %arg4[%add3A_326] : memref<327680xi32, #tpu.memory_space<hbm>> -> memref<64xi32, #tpu.memory_space<hbm>>
        tpu.wait_dma2 semaphore(%arg12 : memref<!tpu.dma_semaphore, #tpu.memory_space<semaphore_mem>>) src(%dma_wait3A_335 : memref<64xi32, #tpu.memory_space<hbm>>) dst(%dma_wait3A_334 : memref<64xi32, #tpu.memory_space<vmem>>)
        %dma_start3A_336 = arith.constant 1 : i32
        %dma_start3A_337 = arith.constant 1 : i32
        %dma_start3A_338 = arith.constant 0 : i32
        %dma_start3A_339 = arith.constant 0 : i32
        %dma_start3A_340 = tpu.memref_slice %arg9[%dma_start3A_337, %dma_start3A_338, %dma_start3A_339] : memref<4x64x128xf32, #tpu.memory_space<vmem>> -> memref<1x64x128xf32, #tpu.memory_space<vmem>>
        %dma_start3A_341 = tpu.memref_squeeze %dma_start3A_340 : memref<1x64x128xf32, #tpu.memory_space<vmem>> -> memref<64x128xf32, #tpu.memory_space<vmem>>
        %dma_start3A_342 = arith.constant 0 : i32
        %dma_start3A_343 = tpu.memref_slice %arg7[%dma_start3A_336, %dma_start3A_342] : memref<4x64xi32, #tpu.memory_space<vmem>> -> memref<1x64xi32, #tpu.memory_space<vmem>>
        %dma_start3A_344 = tpu.memref_squeeze %dma_start3A_343 : memref<1x64xi32, #tpu.memory_space<vmem>> -> memref<64xi32, #tpu.memory_space<vmem>>
        %dma_start3A_345 = arith.constant 0 : i32
        %dma_start3A_346 = arith.constant 0 : i32
        %dma_start3A_347 = tpu.memref_slice %arg2[%dma_start3A_345, %dma_start3A_346] : memref<10000x128xf32, #tpu.memory_space<hbm>> -> memref<10000x128xf32, #tpu.memory_space<hbm>>
        tpu.enqueue_indirect_dma source(%dma_start3A_347 : memref<10000x128xf32, #tpu.memory_space<hbm>>) target(%dma_start3A_341 : memref<64x128xf32, #tpu.memory_space<vmem>>) offsets(%dma_start3A_344 : memref<64xi32, #tpu.memory_space<vmem>>) semaphore(%arg16 : memref<!tpu.dma_semaphore, #tpu.memory_space<semaphore_mem>>)
      } else {
      }
      %dma_wait3A_290 = arith.constant 3 : i32
      %dma_wait3A_291 = arith.constant 3 : i32
      %dma_wait3A_292 = arith.constant 0 : i32
      %dma_wait3A_293 = arith.constant 0 : i32
      %dma_wait3A_294 = tpu.memref_slice %arg9[%dma_wait3A_291, %dma_wait3A_292, %dma_wait3A_293] : memref<4x64x128xf32, #tpu.memory_space<vmem>> -> memref<1x64x128xf32, #tpu.memory_space<vmem>>
      %dma_wait3A_295 = tpu.memref_squeeze %dma_wait3A_294 : memref<1x64x128xf32, #tpu.memory_space<vmem>> -> memref<64x128xf32, #tpu.memory_space<vmem>>
      %dma_wait3A_296 = arith.constant 0 : i32
      %dma_wait3A_297 = tpu.memref_slice %arg7[%dma_wait3A_290, %dma_wait3A_296] : memref<4x64xi32, #tpu.memory_space<vmem>> -> memref<1x64xi32, #tpu.memory_space<vmem>>
      %dma_wait3A_298 = tpu.memref_squeeze %dma_wait3A_297 : memref<1x64xi32, #tpu.memory_space<vmem>> -> memref<64xi32, #tpu.memory_space<vmem>>
      %dma_wait3A_299 = arith.constant 0 : i32
      %dma_wait3A_300 = arith.constant 0 : i32
      %dma_wait3A_301 = tpu.memref_slice %arg2[%dma_wait3A_299, %dma_wait3A_300] : memref<10000x128xf32, #tpu.memory_space<hbm>> -> memref<10000x128xf32, #tpu.memory_space<hbm>>
      tpu.wait_indirect_dma semaphore(%arg18 : memref<!tpu.dma_semaphore, #tpu.memory_space<semaphore_mem>>) src(%dma_wait3A_301 : memref<10000x128xf32, #tpu.memory_space<hbm>>) dst(%dma_wait3A_295 : memref<64x128xf32, #tpu.memory_space<vmem>>)
      %run_scoped3A_302 = arith.constant 3 : i32
      %run_scoped3A_303 = arith.constant 3 : i32
      "tpu.region"() ({
        %run_scoped3A_310 = tpu.sem_alloc : memref<!tpu.dma_semaphore, #tpu.memory_space<semaphore_mem>>
        %dma_start3A_311 = arith.constant 0 : i32
        %dma_start3A_312 = arith.constant 0 : i32
        %dma_start3A_313 = tpu.memref_slice %arg9[%run_scoped3A_302, %dma_start3A_311, %dma_start3A_312] : memref<4x64x128xf32, #tpu.memory_space<vmem>> -> memref<1x64x128xf32, #tpu.memory_space<vmem>>
        %dma_start3A_314 = tpu.memref_squeeze %dma_start3A_313 : memref<1x64x128xf32, #tpu.memory_space<vmem>> -> memref<64x128xf32, #tpu.memory_space<vmem>>
        %dma_start3A_315 = arith.constant 0 : i32
        %dma_start3A_316 = tpu.memref_slice %arg8[%run_scoped3A_303, %dma_start3A_315] : memref<4x64xi32, #tpu.memory_space<vmem>> -> memref<1x64xi32, #tpu.memory_space<vmem>>
        %dma_start3A_317 = tpu.memref_squeeze %dma_start3A_316 : memref<1x64xi32, #tpu.memory_space<vmem>> -> memref<64xi32, #tpu.memory_space<vmem>>
        %dma_start3A_318 = arith.constant 0 : i32
        %dma_start3A_319 = arith.constant 0 : i32
        %dma_start3A_320 = tpu.memref_slice %arg10[%dma_start3A_318, %dma_start3A_319] : memref<10000x128xf32, #tpu.memory_space<vmem_shared>> -> memref<10000x128xf32, #tpu.memory_space<vmem_shared>>
        tpu.enqueue_indirect_dma source(%dma_start3A_314 : memref<64x128xf32, #tpu.memory_space<vmem>>) target(%dma_start3A_320 : memref<10000x128xf32, #tpu.memory_space<vmem_shared>>) offsets(%dma_start3A_317 : memref<64xi32, #tpu.memory_space<vmem>>) semaphore(%run_scoped3A_310 : memref<!tpu.dma_semaphore, #tpu.memory_space<semaphore_mem>>) {add = true}
        %dma_wait3A_321 = arith.constant 0 : i32
        %dma_wait3A_322 = arith.constant 0 : i32
        %dma_wait3A_323 = tpu.memref_slice %arg9[%run_scoped3A_302, %dma_wait3A_321, %dma_wait3A_322] : memref<4x64x128xf32, #tpu.memory_space<vmem>> -> memref<1x64x128xf32, #tpu.memory_space<vmem>>
        %dma_wait3A_324 = tpu.memref_squeeze %dma_wait3A_323 : memref<1x64x128xf32, #tpu.memory_space<vmem>> -> memref<64x128xf32, #tpu.memory_space<vmem>>
        %dma_wait3A_325 = arith.constant 0 : i32
        %dma_wait3A_326 = tpu.memref_slice %arg8[%run_scoped3A_303, %dma_wait3A_325] : memref<4x64xi32, #tpu.memory_space<vmem>> -> memref<1x64xi32, #tpu.memory_space<vmem>>
        %dma_wait3A_327 = tpu.memref_squeeze %dma_wait3A_326 : memref<1x64xi32, #tpu.memory_space<vmem>> -> memref<64xi32, #tpu.memory_space<vmem>>
        %dma_wait3A_328 = arith.constant 0 : i32
        %dma_wait3A_329 = arith.constant 0 : i32
        %dma_wait3A_330 = tpu.memref_slice %arg10[%dma_wait3A_328, %dma_wait3A_329] : memref<10000x128xf32, #tpu.memory_space<vmem_shared>> -> memref<10000x128xf32, #tpu.memory_space<vmem_shared>>
        tpu.wait_indirect_dma semaphore(%run_scoped3A_310 : memref<!tpu.dma_semaphore, #tpu.memory_space<semaphore_mem>>) src(%dma_wait3A_324 : memref<64x128xf32, #tpu.memory_space<vmem>>) dst(%dma_wait3A_330 : memref<10000x128xf32, #tpu.memory_space<vmem_shared>>)
        tpu.yield
      }) : () -> ()
      %add3A_304 = arith.constant 4 : i32
      %add3A_305 = arith.addi %add3A_283, %add3A_304 : i32
      %lt3A_306 = arith.cmpi slt, %add3A_305, %add3A_11 : i32
      %convert_element_type3A_307 = arith.extui %lt3A_306 : i1 to i32
      %cond3A_308 = arith.constant 0 : i32
      %cond3A_309 = arith.cmpi ne, %convert_element_type3A_307, %cond3A_308 : i32
      scf.if %cond3A_309 {
        %add3A_310 = arith.constant 4 : i32
        %add3A_311 = arith.addi %add3A_283, %add3A_310 : i32
        %mul3A_312 = arith.constant 64 : i32
        %mul3A_313 = arith.muli %add3A_311, %mul3A_312 : i32
        %add3A_314 = arith.addi %mul3A_6, %mul3A_313 : i32
        %dma_start3A_315 = arith.constant 3 : i32
        %dma_start3A_316 = arith.constant 0 : i32
        %dma_start3A_317 = tpu.memref_slice %arg7[%dma_start3A_315, %dma_start3A_316] : memref<4x64xi32, #tpu.memory_space<vmem>> -> memref<1x64xi32, #tpu.memory_space<vmem>>
        %dma_start3A_318 = tpu.memref_squeeze %dma_start3A_317 : memref<1x64xi32, #tpu.memory_space<vmem>> -> memref<64xi32, #tpu.memory_space<vmem>>
        %dma_start3A_319 = tpu.memref_slice %arg3[%add3A_314] : memref<327680xi32, #tpu.memory_space<hbm>> -> memref<64xi32, #tpu.memory_space<hbm>>
        %dma_start3A_320 = arith.constant 0 : i32
        %dma_start3A_321 = tpu.memref_slice %arg7[%dma_start3A_315, %dma_start3A_320] : memref<4x64xi32, #tpu.memory_space<vmem>> -> memref<1x64xi32, #tpu.memory_space<vmem>>
        %dma_start3A_322 = tpu.memref_squeeze %dma_start3A_321 : memref<1x64xi32, #tpu.memory_space<vmem>> -> memref<64xi32, #tpu.memory_space<vmem>>
        %dma_start3A_323 = tpu.memref_slice %arg3[%add3A_314] : memref<327680xi32, #tpu.memory_space<hbm>> -> memref<64xi32, #tpu.memory_space<hbm>>
        tpu.enqueue_dma source(%dma_start3A_323 : memref<64xi32, #tpu.memory_space<hbm>>) target(%dma_start3A_322 : memref<64xi32, #tpu.memory_space<vmem>>) target_semaphore(%arg14 : memref<!tpu.dma_semaphore, #tpu.memory_space<semaphore_mem>>)
        %mul3A_324 = arith.constant 64 : i32
        %mul3A_325 = arith.muli %add3A_311, %mul3A_324 : i32
        %add3A_326 = arith.addi %mul3A_6, %mul3A_325 : i32
        %dma_start3A_327 = arith.constant 3 : i32
        %dma_start3A_328 = arith.constant 0 : i32
        %dma_start3A_329 = tpu.memref_slice %arg8[%dma_start3A_327, %dma_start3A_328] : memref<4x64xi32, #tpu.memory_space<vmem>> -> memref<1x64xi32, #tpu.memory_space<vmem>>
        %dma_start3A_330 = tpu.memref_squeeze %dma_start3A_329 : memref<1x64xi32, #tpu.memory_space<vmem>> -> memref<64xi32, #tpu.memory_space<vmem>>
        %dma_start3A_331 = tpu.memref_slice %arg4[%add3A_326] : memref<327680xi32, #tpu.memory_space<hbm>> -> memref<64xi32, #tpu.memory_space<hbm>>
        %dma_start3A_332 = arith.constant 0 : i32
        %dma_start3A_333 = tpu.memref_slice %arg8[%dma_start3A_327, %dma_start3A_332] : memref<4x64xi32, #tpu.memory_space<vmem>> -> memref<1x64xi32, #tpu.memory_space<vmem>>
        %dma_start3A_334 = tpu.memref_squeeze %dma_start3A_333 : memref<1x64xi32, #tpu.memory_space<vmem>> -> memref<64xi32, #tpu.memory_space<vmem>>
        %dma_start3A_335 = tpu.memref_slice %arg4[%add3A_326] : memref<327680xi32, #tpu.memory_space<hbm>> -> memref<64xi32, #tpu.memory_space<hbm>>
        tpu.enqueue_dma source(%dma_start3A_335 : memref<64xi32, #tpu.memory_space<hbm>>) target(%dma_start3A_334 : memref<64xi32, #tpu.memory_space<vmem>>) target_semaphore(%arg14 : memref<!tpu.dma_semaphore, #tpu.memory_space<semaphore_mem>>)
      } else {
      }
    }
    %scan3A_174 = arith.constant 39 : i32
    %gt3A = arith.constant 156 : i32
    %gt3A_175 = arith.cmpi sgt, %add3A_11, %gt3A : i32
    %convert_element_type3A_176 = arith.extui %gt3A_175 : i1 to i32
    %cond3A_177 = arith.constant 0 : i32
    %cond3A_178 = arith.cmpi ne, %convert_element_type3A_176, %cond3A_177 : i32
    scf.if %cond3A_178 {
      %gt3A_190 = arith.constant 158 : i32
      %gt3A_191 = arith.cmpi sgt, %add3A_11, %gt3A_190 : i32
      %convert_element_type3A_192 = arith.extui %gt3A_191 : i1 to i32
      %cond3A_193 = arith.constant 0 : i32
      %cond3A_194 = arith.cmpi ne, %convert_element_type3A_192, %cond3A_193 : i32
      scf.if %cond3A_194 {
        %add3A_213 = arith.constant 10112 : i32
        %add3A_214 = arith.addi %mul3A_6, %add3A_213 : i32
        %dma_wait3A_215 = arith.constant 2 : i32
        %dma_wait3A_216 = arith.constant 0 : i32
        %dma_wait3A_217 = tpu.memref_slice %arg7[%dma_wait3A_215, %dma_wait3A_216] : memref<4x64xi32, #tpu.memory_space<vmem>> -> memref<1x64xi32, #tpu.memory_space<vmem>>
        %dma_wait3A_218 = tpu.memref_squeeze %dma_wait3A_217 : memref<1x64xi32, #tpu.memory_space<vmem>> -> memref<64xi32, #tpu.memory_space<vmem>>
        %dma_wait3A_219 = tpu.memref_slice %arg3[%add3A_214] : memref<327680xi32, #tpu.memory_space<hbm>> -> memref<64xi32, #tpu.memory_space<hbm>>
        %dma_wait3A_220 = arith.constant 0 : i32
        %dma_wait3A_221 = tpu.memref_slice %arg7[%dma_wait3A_215, %dma_wait3A_220] : memref<4x64xi32, #tpu.memory_space<vmem>> -> memref<1x64xi32, #tpu.memory_space<vmem>>
        %dma_wait3A_222 = tpu.memref_squeeze %dma_wait3A_221 : memref<1x64xi32, #tpu.memory_space<vmem>> -> memref<64xi32, #tpu.memory_space<vmem>>
        %dma_wait3A_223 = tpu.memref_slice %arg3[%add3A_214] : memref<327680xi32, #tpu.memory_space<hbm>> -> memref<64xi32, #tpu.memory_space<hbm>>
        tpu.wait_dma2 semaphore(%arg13 : memref<!tpu.dma_semaphore, #tpu.memory_space<semaphore_mem>>) src(%dma_wait3A_223 : memref<64xi32, #tpu.memory_space<hbm>>) dst(%dma_wait3A_222 : memref<64xi32, #tpu.memory_space<vmem>>)
        %add3A_224 = arith.constant 10112 : i32
        %add3A_225 = arith.addi %mul3A_6, %add3A_224 : i32
        %dma_wait3A_226 = arith.constant 2 : i32
        %dma_wait3A_227 = arith.constant 0 : i32
        %dma_wait3A_228 = tpu.memref_slice %arg8[%dma_wait3A_226, %dma_wait3A_227] : memref<4x64xi32, #tpu.memory_space<vmem>> -> memref<1x64xi32, #tpu.memory_space<vmem>>
        %dma_wait3A_229 = tpu.memref_squeeze %dma_wait3A_228 : memref<1x64xi32, #tpu.memory_space<vmem>> -> memref<64xi32, #tpu.memory_space<vmem>>
        %dma_wait3A_230 = tpu.memref_slice %arg4[%add3A_225] : memref<327680xi32, #tpu.memory_space<hbm>> -> memref<64xi32, #tpu.memory_space<hbm>>
        %dma_wait3A_231 = arith.constant 0 : i32
        %dma_wait3A_232 = tpu.memref_slice %arg8[%dma_wait3A_226, %dma_wait3A_231] : memref<4x64xi32, #tpu.memory_space<vmem>> -> memref<1x64xi32, #tpu.memory_space<vmem>>
        %dma_wait3A_233 = tpu.memref_squeeze %dma_wait3A_232 : memref<1x64xi32, #tpu.memory_space<vmem>> -> memref<64xi32, #tpu.memory_space<vmem>>
        %dma_wait3A_234 = tpu.memref_slice %arg4[%add3A_225] : memref<327680xi32, #tpu.memory_space<hbm>> -> memref<64xi32, #tpu.memory_space<hbm>>
        tpu.wait_dma2 semaphore(%arg13 : memref<!tpu.dma_semaphore, #tpu.memory_space<semaphore_mem>>) src(%dma_wait3A_234 : memref<64xi32, #tpu.memory_space<hbm>>) dst(%dma_wait3A_233 : memref<64xi32, #tpu.memory_space<vmem>>)
        %dma_start3A_235 = arith.constant 2 : i32
        %dma_start3A_236 = arith.constant 2 : i32
        %dma_start3A_237 = arith.constant 0 : i32
        %dma_start3A_238 = arith.constant 0 : i32
        %dma_start3A_239 = tpu.memref_slice %arg9[%dma_start3A_236, %dma_start3A_237, %dma_start3A_238] : memref<4x64x128xf32, #tpu.memory_space<vmem>> -> memref<1x64x128xf32, #tpu.memory_space<vmem>>
        %dma_start3A_240 = tpu.memref_squeeze %dma_start3A_239 : memref<1x64x128xf32, #tpu.memory_space<vmem>> -> memref<64x128xf32, #tpu.memory_space<vmem>>
        %dma_start3A_241 = arith.constant 0 : i32
        %dma_start3A_242 = tpu.memref_slice %arg7[%dma_start3A_235, %dma_start3A_241] : memref<4x64xi32, #tpu.memory_space<vmem>> -> memref<1x64xi32, #tpu.memory_space<vmem>>
        %dma_start3A_243 = tpu.memref_squeeze %dma_start3A_242 : memref<1x64xi32, #tpu.memory_space<vmem>> -> memref<64xi32, #tpu.memory_space<vmem>>
        %dma_start3A_244 = arith.constant 0 : i32
        %dma_start3A_245 = arith.constant 0 : i32
        %dma_start3A_246 = tpu.memref_slice %arg2[%dma_start3A_244, %dma_start3A_245] : memref<10000x128xf32, #tpu.memory_space<hbm>> -> memref<10000x128xf32, #tpu.memory_space<hbm>>
        tpu.enqueue_indirect_dma source(%dma_start3A_246 : memref<10000x128xf32, #tpu.memory_space<hbm>>) target(%dma_start3A_240 : memref<64x128xf32, #tpu.memory_space<vmem>>) offsets(%dma_start3A_243 : memref<64xi32, #tpu.memory_space<vmem>>) semaphore(%arg17 : memref<!tpu.dma_semaphore, #tpu.memory_space<semaphore_mem>>)
      } else {
      }
      %dma_wait3A_195 = arith.constant 0 : i32
      %dma_wait3A_196 = arith.constant 0 : i32
      %dma_wait3A_197 = arith.constant 0 : i32
      %dma_wait3A_198 = arith.constant 0 : i32
      %dma_wait3A_199 = tpu.memref_slice %arg9[%dma_wait3A_196, %dma_wait3A_197, %dma_wait3A_198] : memref<4x64x128xf32, #tpu.memory_space<vmem>> -> memref<1x64x128xf32, #tpu.memory_space<vmem>>
      %dma_wait3A_200 = tpu.memref_squeeze %dma_wait3A_199 : memref<1x64x128xf32, #tpu.memory_space<vmem>> -> memref<64x128xf32, #tpu.memory_space<vmem>>
      %dma_wait3A_201 = arith.constant 0 : i32
      %dma_wait3A_202 = tpu.memref_slice %arg7[%dma_wait3A_195, %dma_wait3A_201] : memref<4x64xi32, #tpu.memory_space<vmem>> -> memref<1x64xi32, #tpu.memory_space<vmem>>
      %dma_wait3A_203 = tpu.memref_squeeze %dma_wait3A_202 : memref<1x64xi32, #tpu.memory_space<vmem>> -> memref<64xi32, #tpu.memory_space<vmem>>
      %dma_wait3A_204 = arith.constant 0 : i32
      %dma_wait3A_205 = arith.constant 0 : i32
      %dma_wait3A_206 = tpu.memref_slice %arg2[%dma_wait3A_204, %dma_wait3A_205] : memref<10000x128xf32, #tpu.memory_space<hbm>> -> memref<10000x128xf32, #tpu.memory_space<hbm>>
      tpu.wait_indirect_dma semaphore(%arg15 : memref<!tpu.dma_semaphore, #tpu.memory_space<semaphore_mem>>) src(%dma_wait3A_206 : memref<10000x128xf32, #tpu.memory_space<hbm>>) dst(%dma_wait3A_200 : memref<64x128xf32, #tpu.memory_space<vmem>>)
      %run_scoped3A = arith.constant 0 : i32
      %run_scoped3A_207 = arith.constant 0 : i32
      "tpu.region"() ({
        %run_scoped3A_213 = tpu.sem_alloc : memref<!tpu.dma_semaphore, #tpu.memory_space<semaphore_mem>>
        %dma_start3A_214 = arith.constant 0 : i32
        %dma_start3A_215 = arith.constant 0 : i32
        %dma_start3A_216 = tpu.memref_slice %arg9[%run_scoped3A, %dma_start3A_214, %dma_start3A_215] : memref<4x64x128xf32, #tpu.memory_space<vmem>> -> memref<1x64x128xf32, #tpu.memory_space<vmem>>
        %dma_start3A_217 = tpu.memref_squeeze %dma_start3A_216 : memref<1x64x128xf32, #tpu.memory_space<vmem>> -> memref<64x128xf32, #tpu.memory_space<vmem>>
        %dma_start3A_218 = arith.constant 0 : i32
        %dma_start3A_219 = tpu.memref_slice %arg8[%run_scoped3A_207, %dma_start3A_218] : memref<4x64xi32, #tpu.memory_space<vmem>> -> memref<1x64xi32, #tpu.memory_space<vmem>>
        %dma_start3A_220 = tpu.memref_squeeze %dma_start3A_219 : memref<1x64xi32, #tpu.memory_space<vmem>> -> memref<64xi32, #tpu.memory_space<vmem>>
        %dma_start3A_221 = arith.constant 0 : i32
        %dma_start3A_222 = arith.constant 0 : i32
        %dma_start3A_223 = tpu.memref_slice %arg10[%dma_start3A_221, %dma_start3A_222] : memref<10000x128xf32, #tpu.memory_space<vmem_shared>> -> memref<10000x128xf32, #tpu.memory_space<vmem_shared>>
        tpu.enqueue_indirect_dma source(%dma_start3A_217 : memref<64x128xf32, #tpu.memory_space<vmem>>) target(%dma_start3A_223 : memref<10000x128xf32, #tpu.memory_space<vmem_shared>>) offsets(%dma_start3A_220 : memref<64xi32, #tpu.memory_space<vmem>>) semaphore(%run_scoped3A_213 : memref<!tpu.dma_semaphore, #tpu.memory_space<semaphore_mem>>) {add = true}
        %dma_wait3A_224 = arith.constant 0 : i32
        %dma_wait3A_225 = arith.constant 0 : i32
        %dma_wait3A_226 = tpu.memref_slice %arg9[%run_scoped3A, %dma_wait3A_224, %dma_wait3A_225] : memref<4x64x128xf32, #tpu.memory_space<vmem>> -> memref<1x64x128xf32, #tpu.memory_space<vmem>>
        %dma_wait3A_227 = tpu.memref_squeeze %dma_wait3A_226 : memref<1x64x128xf32, #tpu.memory_space<vmem>> -> memref<64x128xf32, #tpu.memory_space<vmem>>
        %dma_wait3A_228 = arith.constant 0 : i32
        %dma_wait3A_229 = tpu.memref_slice %arg8[%run_scoped3A_207, %dma_wait3A_228] : memref<4x64xi32, #tpu.memory_space<vmem>> -> memref<1x64xi32, #tpu.memory_space<vmem>>
        %dma_wait3A_230 = tpu.memref_squeeze %dma_wait3A_229 : memref<1x64xi32, #tpu.memory_space<vmem>> -> memref<64xi32, #tpu.memory_space<vmem>>
        %dma_wait3A_231 = arith.constant 0 : i32
        %dma_wait3A_232 = arith.constant 0 : i32
        %dma_wait3A_233 = tpu.memref_slice %arg10[%dma_wait3A_231, %dma_wait3A_232] : memref<10000x128xf32, #tpu.memory_space<vmem_shared>> -> memref<10000x128xf32, #tpu.memory_space<vmem_shared>>
        tpu.wait_indirect_dma semaphore(%run_scoped3A_213 : memref<!tpu.dma_semaphore, #tpu.memory_space<semaphore_mem>>) src(%dma_wait3A_227 : memref<64x128xf32, #tpu.memory_space<vmem>>) dst(%dma_wait3A_233 : memref<10000x128xf32, #tpu.memory_space<vmem_shared>>)
        tpu.yield
      }) : () -> ()
      %gt3A_208 = arith.constant 160 : i32
      %gt3A_209 = arith.cmpi sgt, %add3A_11, %gt3A_208 : i32
      %convert_element_type3A_210 = arith.extui %gt3A_209 : i1 to i32
      %cond3A_211 = arith.constant 0 : i32
      %cond3A_212 = arith.cmpi ne, %convert_element_type3A_210, %cond3A_211 : i32
      scf.if %cond3A_212 {
        %add3A_213 = arith.constant 10240 : i32
        %add3A_214 = arith.addi %mul3A_6, %add3A_213 : i32
        %dma_start3A_215 = arith.constant 0 : i32
        %dma_start3A_216 = arith.constant 0 : i32
        %dma_start3A_217 = tpu.memref_slice %arg7[%dma_start3A_215, %dma_start3A_216] : memref<4x64xi32, #tpu.memory_space<vmem>> -> memref<1x64xi32, #tpu.memory_space<vmem>>
        %dma_start3A_218 = tpu.memref_squeeze %dma_start3A_217 : memref<1x64xi32, #tpu.memory_space<vmem>> -> memref<64xi32, #tpu.memory_space<vmem>>
        %dma_start3A_219 = tpu.memref_slice %arg3[%add3A_214] : memref<327680xi32, #tpu.memory_space<hbm>> -> memref<64xi32, #tpu.memory_space<hbm>>
        %dma_start3A_220 = arith.constant 0 : i32
        %dma_start3A_221 = tpu.memref_slice %arg7[%dma_start3A_215, %dma_start3A_220] : memref<4x64xi32, #tpu.memory_space<vmem>> -> memref<1x64xi32, #tpu.memory_space<vmem>>
        %dma_start3A_222 = tpu.memref_squeeze %dma_start3A_221 : memref<1x64xi32, #tpu.memory_space<vmem>> -> memref<64xi32, #tpu.memory_space<vmem>>
        %dma_start3A_223 = tpu.memref_slice %arg3[%add3A_214] : memref<327680xi32, #tpu.memory_space<hbm>> -> memref<64xi32, #tpu.memory_space<hbm>>
        tpu.enqueue_dma source(%dma_start3A_223 : memref<64xi32, #tpu.memory_space<hbm>>) target(%dma_start3A_222 : memref<64xi32, #tpu.memory_space<vmem>>) target_semaphore(%arg11 : memref<!tpu.dma_semaphore, #tpu.memory_space<semaphore_mem>>)
        %add3A_224 = arith.constant 10240 : i32
        %add3A_225 = arith.addi %mul3A_6, %add3A_224 : i32
        %dma_start3A_226 = arith.constant 0 : i32
        %dma_start3A_227 = arith.constant 0 : i32
        %dma_start3A_228 = tpu.memref_slice %arg8[%dma_start3A_226, %dma_start3A_227] : memref<4x64xi32, #tpu.memory_space<vmem>> -> memref<1x64xi32, #tpu.memory_space<vmem>>
        %dma_start3A_229 = tpu.memref_squeeze %dma_start3A_228 : memref<1x64xi32, #tpu.memory_space<vmem>> -> memref<64xi32, #tpu.memory_space<vmem>>
        %dma_start3A_230 = tpu.memref_slice %arg4[%add3A_225] : memref<327680xi32, #tpu.memory_space<hbm>> -> memref<64xi32, #tpu.memory_space<hbm>>
        %dma_start3A_231 = arith.constant 0 : i32
        %dma_start3A_232 = tpu.memref_slice %arg8[%dma_start3A_226, %dma_start3A_231] : memref<4x64xi32, #tpu.memory_space<vmem>> -> memref<1x64xi32, #tpu.memory_space<vmem>>
        %dma_start3A_233 = tpu.memref_squeeze %dma_start3A_232 : memref<1x64xi32, #tpu.memory_space<vmem>> -> memref<64xi32, #tpu.memory_space<vmem>>
        %dma_start3A_234 = tpu.memref_slice %arg4[%add3A_225] : memref<327680xi32, #tpu.memory_space<hbm>> -> memref<64xi32, #tpu.memory_space<hbm>>
        tpu.enqueue_dma source(%dma_start3A_234 : memref<64xi32, #tpu.memory_space<hbm>>) target(%dma_start3A_233 : memref<64xi32, #tpu.memory_space<vmem>>) target_semaphore(%arg11 : memref<!tpu.dma_semaphore, #tpu.memory_space<semaphore_mem>>)
      } else {
      }
    } else {
    }
    %gt3A_179 = arith.constant 157 : i32
    %gt3A_180 = arith.cmpi sgt, %add3A_11, %gt3A_179 : i32
    %convert_element_type3A_181 = arith.extui %gt3A_180 : i1 to i32
    %cond3A_182 = arith.constant 0 : i32
    %cond3A_183 = arith.cmpi ne, %convert_element_type3A_181, %cond3A_182 : i32
    scf.if %cond3A_183 {
      %gt3A_190 = arith.constant 159 : i32
      %gt3A_191 = arith.cmpi sgt, %add3A_11, %gt3A_190 : i32
      %convert_element_type3A_192 = arith.extui %gt3A_191 : i1 to i32
      %cond3A_193 = arith.constant 0 : i32
      %cond3A_194 = arith.cmpi ne, %convert_element_type3A_192, %cond3A_193 : i32
      scf.if %cond3A_194 {
        %add3A_213 = arith.constant 10176 : i32
        %add3A_214 = arith.addi %mul3A_6, %add3A_213 : i32
        %dma_wait3A_215 = arith.constant 3 : i32
        %dma_wait3A_216 = arith.constant 0 : i32
        %dma_wait3A_217 = tpu.memref_slice %arg7[%dma_wait3A_215, %dma_wait3A_216] : memref<4x64xi32, #tpu.memory_space<vmem>> -> memref<1x64xi32, #tpu.memory_space<vmem>>
        %dma_wait3A_218 = tpu.memref_squeeze %dma_wait3A_217 : memref<1x64xi32, #tpu.memory_space<vmem>> -> memref<64xi32, #tpu.memory_space<vmem>>
        %dma_wait3A_219 = tpu.memref_slice %arg3[%add3A_214] : memref<327680xi32, #tpu.memory_space<hbm>> -> memref<64xi32, #tpu.memory_space<hbm>>
        %dma_wait3A_220 = arith.constant 0 : i32
        %dma_wait3A_221 = tpu.memref_slice %arg7[%dma_wait3A_215, %dma_wait3A_220] : memref<4x64xi32, #tpu.memory_space<vmem>> -> memref<1x64xi32, #tpu.memory_space<vmem>>
        %dma_wait3A_222 = tpu.memref_squeeze %dma_wait3A_221 : memref<1x64xi32, #tpu.memory_space<vmem>> -> memref<64xi32, #tpu.memory_space<vmem>>
        %dma_wait3A_223 = tpu.memref_slice %arg3[%add3A_214] : memref<327680xi32, #tpu.memory_space<hbm>> -> memref<64xi32, #tpu.memory_space<hbm>>
        tpu.wait_dma2 semaphore(%arg14 : memref<!tpu.dma_semaphore, #tpu.memory_space<semaphore_mem>>) src(%dma_wait3A_223 : memref<64xi32, #tpu.memory_space<hbm>>) dst(%dma_wait3A_222 : memref<64xi32, #tpu.memory_space<vmem>>)
        %add3A_224 = arith.constant 10176 : i32
        %add3A_225 = arith.addi %mul3A_6, %add3A_224 : i32
        %dma_wait3A_226 = arith.constant 3 : i32
        %dma_wait3A_227 = arith.constant 0 : i32
        %dma_wait3A_228 = tpu.memref_slice %arg8[%dma_wait3A_226, %dma_wait3A_227] : memref<4x64xi32, #tpu.memory_space<vmem>> -> memref<1x64xi32, #tpu.memory_space<vmem>>
        %dma_wait3A_229 = tpu.memref_squeeze %dma_wait3A_228 : memref<1x64xi32, #tpu.memory_space<vmem>> -> memref<64xi32, #tpu.memory_space<vmem>>
        %dma_wait3A_230 = tpu.memref_slice %arg4[%add3A_225] : memref<327680xi32, #tpu.memory_space<hbm>> -> memref<64xi32, #tpu.memory_space<hbm>>
        %dma_wait3A_231 = arith.constant 0 : i32
        %dma_wait3A_232 = tpu.memref_slice %arg8[%dma_wait3A_226, %dma_wait3A_231] : memref<4x64xi32, #tpu.memory_space<vmem>> -> memref<1x64xi32, #tpu.memory_space<vmem>>
        %dma_wait3A_233 = tpu.memref_squeeze %dma_wait3A_232 : memref<1x64xi32, #tpu.memory_space<vmem>> -> memref<64xi32, #tpu.memory_space<vmem>>
        %dma_wait3A_234 = tpu.memref_slice %arg4[%add3A_225] : memref<327680xi32, #tpu.memory_space<hbm>> -> memref<64xi32, #tpu.memory_space<hbm>>
        tpu.wait_dma2 semaphore(%arg14 : memref<!tpu.dma_semaphore, #tpu.memory_space<semaphore_mem>>) src(%dma_wait3A_234 : memref<64xi32, #tpu.memory_space<hbm>>) dst(%dma_wait3A_233 : memref<64xi32, #tpu.memory_space<vmem>>)
        %dma_start3A_235 = arith.constant 3 : i32
        %dma_start3A_236 = arith.constant 3 : i32
        %dma_start3A_237 = arith.constant 0 : i32
        %dma_start3A_238 = arith.constant 0 : i32
        %dma_start3A_239 = tpu.memref_slice %arg9[%dma_start3A_236, %dma_start3A_237, %dma_start3A_238] : memref<4x64x128xf32, #tpu.memory_space<vmem>> -> memref<1x64x128xf32, #tpu.memory_space<vmem>>
        %dma_start3A_240 = tpu.memref_squeeze %dma_start3A_239 : memref<1x64x128xf32, #tpu.memory_space<vmem>> -> memref<64x128xf32, #tpu.memory_space<vmem>>
        %dma_start3A_241 = arith.constant 0 : i32
        %dma_start3A_242 = tpu.memref_slice %arg7[%dma_start3A_235, %dma_start3A_241] : memref<4x64xi32, #tpu.memory_space<vmem>> -> memref<1x64xi32, #tpu.memory_space<vmem>>
        %dma_start3A_243 = tpu.memref_squeeze %dma_start3A_242 : memref<1x64xi32, #tpu.memory_space<vmem>> -> memref<64xi32, #tpu.memory_space<vmem>>
        %dma_start3A_244 = arith.constant 0 : i32
        %dma_start3A_245 = arith.constant 0 : i32
        %dma_start3A_246 = tpu.memref_slice %arg2[%dma_start3A_244, %dma_start3A_245] : memref<10000x128xf32, #tpu.memory_space<hbm>> -> memref<10000x128xf32, #tpu.memory_space<hbm>>
        tpu.enqueue_indirect_dma source(%dma_start3A_246 : memref<10000x128xf32, #tpu.memory_space<hbm>>) target(%dma_start3A_240 : memref<64x128xf32, #tpu.memory_space<vmem>>) offsets(%dma_start3A_243 : memref<64xi32, #tpu.memory_space<vmem>>) semaphore(%arg18 : memref<!tpu.dma_semaphore, #tpu.memory_space<semaphore_mem>>)
      } else {
      }
      %dma_wait3A_195 = arith.constant 1 : i32
      %dma_wait3A_196 = arith.constant 1 : i32
      %dma_wait3A_197 = arith.constant 0 : i32
      %dma_wait3A_198 = arith.constant 0 : i32
      %dma_wait3A_199 = tpu.memref_slice %arg9[%dma_wait3A_196, %dma_wait3A_197, %dma_wait3A_198] : memref<4x64x128xf32, #tpu.memory_space<vmem>> -> memref<1x64x128xf32, #tpu.memory_space<vmem>>
      %dma_wait3A_200 = tpu.memref_squeeze %dma_wait3A_199 : memref<1x64x128xf32, #tpu.memory_space<vmem>> -> memref<64x128xf32, #tpu.memory_space<vmem>>
      %dma_wait3A_201 = arith.constant 0 : i32
      %dma_wait3A_202 = tpu.memref_slice %arg7[%dma_wait3A_195, %dma_wait3A_201] : memref<4x64xi32, #tpu.memory_space<vmem>> -> memref<1x64xi32, #tpu.memory_space<vmem>>
      %dma_wait3A_203 = tpu.memref_squeeze %dma_wait3A_202 : memref<1x64xi32, #tpu.memory_space<vmem>> -> memref<64xi32, #tpu.memory_space<vmem>>
      %dma_wait3A_204 = arith.constant 0 : i32
      %dma_wait3A_205 = arith.constant 0 : i32
      %dma_wait3A_206 = tpu.memref_slice %arg2[%dma_wait3A_204, %dma_wait3A_205] : memref<10000x128xf32, #tpu.memory_space<hbm>> -> memref<10000x128xf32, #tpu.memory_space<hbm>>
      tpu.wait_indirect_dma semaphore(%arg16 : memref<!tpu.dma_semaphore, #tpu.memory_space<semaphore_mem>>) src(%dma_wait3A_206 : memref<10000x128xf32, #tpu.memory_space<hbm>>) dst(%dma_wait3A_200 : memref<64x128xf32, #tpu.memory_space<vmem>>)
      %run_scoped3A = arith.constant 1 : i32
      %run_scoped3A_207 = arith.constant 1 : i32
      "tpu.region"() ({
        %run_scoped3A_213 = tpu.sem_alloc : memref<!tpu.dma_semaphore, #tpu.memory_space<semaphore_mem>>
        %dma_start3A_214 = arith.constant 0 : i32
        %dma_start3A_215 = arith.constant 0 : i32
        %dma_start3A_216 = tpu.memref_slice %arg9[%run_scoped3A, %dma_start3A_214, %dma_start3A_215] : memref<4x64x128xf32, #tpu.memory_space<vmem>> -> memref<1x64x128xf32, #tpu.memory_space<vmem>>
        %dma_start3A_217 = tpu.memref_squeeze %dma_start3A_216 : memref<1x64x128xf32, #tpu.memory_space<vmem>> -> memref<64x128xf32, #tpu.memory_space<vmem>>
        %dma_start3A_218 = arith.constant 0 : i32
        %dma_start3A_219 = tpu.memref_slice %arg8[%run_scoped3A_207, %dma_start3A_218] : memref<4x64xi32, #tpu.memory_space<vmem>> -> memref<1x64xi32, #tpu.memory_space<vmem>>
        %dma_start3A_220 = tpu.memref_squeeze %dma_start3A_219 : memref<1x64xi32, #tpu.memory_space<vmem>> -> memref<64xi32, #tpu.memory_space<vmem>>
        %dma_start3A_221 = arith.constant 0 : i32
        %dma_start3A_222 = arith.constant 0 : i32
        %dma_start3A_223 = tpu.memref_slice %arg10[%dma_start3A_221, %dma_start3A_222] : memref<10000x128xf32, #tpu.memory_space<vmem_shared>> -> memref<10000x128xf32, #tpu.memory_space<vmem_shared>>
        tpu.enqueue_indirect_dma source(%dma_start3A_217 : memref<64x128xf32, #tpu.memory_space<vmem>>) target(%dma_start3A_223 : memref<10000x128xf32, #tpu.memory_space<vmem_shared>>) offsets(%dma_start3A_220 : memref<64xi32, #tpu.memory_space<vmem>>) semaphore(%run_scoped3A_213 : memref<!tpu.dma_semaphore, #tpu.memory_space<semaphore_mem>>) {add = true}
        %dma_wait3A_224 = arith.constant 0 : i32
        %dma_wait3A_225 = arith.constant 0 : i32
        %dma_wait3A_226 = tpu.memref_slice %arg9[%run_scoped3A, %dma_wait3A_224, %dma_wait3A_225] : memref<4x64x128xf32, #tpu.memory_space<vmem>> -> memref<1x64x128xf32, #tpu.memory_space<vmem>>
        %dma_wait3A_227 = tpu.memref_squeeze %dma_wait3A_226 : memref<1x64x128xf32, #tpu.memory_space<vmem>> -> memref<64x128xf32, #tpu.memory_space<vmem>>
        %dma_wait3A_228 = arith.constant 0 : i32
        %dma_wait3A_229 = tpu.memref_slice %arg8[%run_scoped3A_207, %dma_wait3A_228] : memref<4x64xi32, #tpu.memory_space<vmem>> -> memref<1x64xi32, #tpu.memory_space<vmem>>
        %dma_wait3A_230 = tpu.memref_squeeze %dma_wait3A_229 : memref<1x64xi32, #tpu.memory_space<vmem>> -> memref<64xi32, #tpu.memory_space<vmem>>
        %dma_wait3A_231 = arith.constant 0 : i32
        %dma_wait3A_232 = arith.constant 0 : i32
        %dma_wait3A_233 = tpu.memref_slice %arg10[%dma_wait3A_231, %dma_wait3A_232] : memref<10000x128xf32, #tpu.memory_space<vmem_shared>> -> memref<10000x128xf32, #tpu.memory_space<vmem_shared>>
        tpu.wait_indirect_dma semaphore(%run_scoped3A_213 : memref<!tpu.dma_semaphore, #tpu.memory_space<semaphore_mem>>) src(%dma_wait3A_227 : memref<64x128xf32, #tpu.memory_space<vmem>>) dst(%dma_wait3A_233 : memref<10000x128xf32, #tpu.memory_space<vmem_shared>>)
        tpu.yield
      }) : () -> ()
      %gt3A_208 = arith.constant 161 : i32
      %gt3A_209 = arith.cmpi sgt, %add3A_11, %gt3A_208 : i32
      %convert_element_type3A_210 = arith.extui %gt3A_209 : i1 to i32
      %cond3A_211 = arith.constant 0 : i32
      %cond3A_212 = arith.cmpi ne, %convert_element_type3A_210, %cond3A_211 : i32
      scf.if %cond3A_212 {
        %add3A_213 = arith.constant 10304 : i32
        %add3A_214 = arith.addi %mul3A_6, %add3A_213 : i32
        %dma_start3A_215 = arith.constant 1 : i32
        %dma_start3A_216 = arith.constant 0 : i32
        %dma_start3A_217 = tpu.memref_slice %arg7[%dma_start3A_215, %dma_start3A_216] : memref<4x64xi32, #tpu.memory_space<vmem>> -> memref<1x64xi32, #tpu.memory_space<vmem>>
        %dma_start3A_218 = tpu.memref_squeeze %dma_start3A_217 : memref<1x64xi32, #tpu.memory_space<vmem>> -> memref<64xi32, #tpu.memory_space<vmem>>
        %dma_start3A_219 = tpu.memref_slice %arg3[%add3A_214] : memref<327680xi32, #tpu.memory_space<hbm>> -> memref<64xi32, #tpu.memory_space<hbm>>
        %dma_start3A_220 = arith.constant 0 : i32
        %dma_start3A_221 = tpu.memref_slice %arg7[%dma_start3A_215, %dma_start3A_220] : memref<4x64xi32, #tpu.memory_space<vmem>> -> memref<1x64xi32, #tpu.memory_space<vmem>>
        %dma_start3A_222 = tpu.memref_squeeze %dma_start3A_221 : memref<1x64xi32, #tpu.memory_space<vmem>> -> memref<64xi32, #tpu.memory_space<vmem>>
        %dma_start3A_223 = tpu.memref_slice %arg3[%add3A_214] : memref<327680xi32, #tpu.memory_space<hbm>> -> memref<64xi32, #tpu.memory_space<hbm>>
        tpu.enqueue_dma source(%dma_start3A_223 : memref<64xi32, #tpu.memory_space<hbm>>) target(%dma_start3A_222 : memref<64xi32, #tpu.memory_space<vmem>>) target_semaphore(%arg12 : memref<!tpu.dma_semaphore, #tpu.memory_space<semaphore_mem>>)
        %add3A_224 = arith.constant 10304 : i32
        %add3A_225 = arith.addi %mul3A_6, %add3A_224 : i32
        %dma_start3A_226 = arith.constant 1 : i32
        %dma_start3A_227 = arith.constant 0 : i32
        %dma_start3A_228 = tpu.memref_slice %arg8[%dma_start3A_226, %dma_start3A_227] : memref<4x64xi32, #tpu.memory_space<vmem>> -> memref<1x64xi32, #tpu.memory_space<vmem>>
        %dma_start3A_229 = tpu.memref_squeeze %dma_start3A_228 : memref<1x64xi32, #tpu.memory_space<vmem>> -> memref<64xi32, #tpu.memory_space<vmem>>
        %dma_start3A_230 = tpu.memref_slice %arg4[%add3A_225] : memref<327680xi32, #tpu.memory_space<hbm>> -> memref<64xi32, #tpu.memory_space<hbm>>
        %dma_start3A_231 = arith.constant 0 : i32
        %dma_start3A_232 = tpu.memref_slice %arg8[%dma_start3A_226, %dma_start3A_231] : memref<4x64xi32, #tpu.memory_space<vmem>> -> memref<1x64xi32, #tpu.memory_space<vmem>>
        %dma_start3A_233 = tpu.memref_squeeze %dma_start3A_232 : memref<1x64xi32, #tpu.memory_space<vmem>> -> memref<64xi32, #tpu.memory_space<vmem>>
        %dma_start3A_234 = tpu.memref_slice %arg4[%add3A_225] : memref<327680xi32, #tpu.memory_space<hbm>> -> memref<64xi32, #tpu.memory_space<hbm>>
        tpu.enqueue_dma source(%dma_start3A_234 : memref<64xi32, #tpu.memory_space<hbm>>) target(%dma_start3A_233 : memref<64xi32, #tpu.memory_space<vmem>>) target_semaphore(%arg12 : memref<!tpu.dma_semaphore, #tpu.memory_space<semaphore_mem>>)
      } else {
      }
    } else {
    }
    %barrier3A_184 = arith.constant 0 : index
    tpu.barrier barrier_id(%barrier3A_184)
    %lt3A_185 = arith.constant 10 : i32
    %lt3A_186 = arith.cmpi slt, %arg1, %lt3A_185 : i32
    %convert_element_type3A_187 = arith.extui %lt3A_186 : i1 to i32
    %cond3A_188 = arith.constant 0 : i32
    %cond3A_189 = arith.cmpi ne, %convert_element_type3A_187, %cond3A_188 : i32
    scf.if %cond3A_189 {
      %mul3A_190 = arith.constant 1000 : i32
      %mul3A_191 = arith.muli %arg1, %mul3A_190 : i32
      %mul3A_192 = arith.constant 1000 : i32
      %mul3A_193 = arith.muli %arg1, %mul3A_192 : i32
      "tpu.region"() ({
        %run_scoped3A = tpu.sem_alloc : memref<!tpu.dma_semaphore, #tpu.memory_space<semaphore_mem>>
        %dma_start3A_194 = arith.constant 0 : i32
        %dma_start3A_195 = tpu.memref_slice %arg6[%arg0, %mul3A_193, %dma_start3A_194] : memref<2x10000x128xf32, #tpu.memory_space<hbm>> -> memref<1x1000x128xf32, #tpu.memory_space<hbm>>
        %dma_start3A_196 = tpu.memref_squeeze %dma_start3A_195 : memref<1x1000x128xf32, #tpu.memory_space<hbm>> -> memref<1000x128xf32, #tpu.memory_space<hbm>>
        %dma_start3A_197 = arith.constant 0 : i32
        %dma_start3A_198 = tpu.memref_slice %arg10[%mul3A_191, %dma_start3A_197] : memref<10000x128xf32, #tpu.memory_space<vmem_shared>> -> memref<1000x128xf32, #tpu.memory_space<vmem_shared>>
        tpu.enqueue_dma source(%dma_start3A_198 : memref<1000x128xf32, #tpu.memory_space<vmem_shared>>) target(%dma_start3A_196 : memref<1000x128xf32, #tpu.memory_space<hbm>>) target_semaphore(%run_scoped3A : memref<!tpu.dma_semaphore, #tpu.memory_space<semaphore_mem>>)
        %dma_wait3A_199 = arith.constant 0 : i32
        %dma_wait3A_200 = tpu.memref_slice %arg6[%arg0, %mul3A_193, %dma_wait3A_199] : memref<2x10000x128xf32, #tpu.memory_space<hbm>> -> memref<1x1000x128xf32, #tpu.memory_space<hbm>>
        %dma_wait3A_201 = tpu.memref_squeeze %dma_wait3A_200 : memref<1x1000x128xf32, #tpu.memory_space<hbm>> -> memref<1000x128xf32, #tpu.memory_space<hbm>>
        %dma_wait3A_202 = arith.constant 0 : i32
        %dma_wait3A_203 = tpu.memref_slice %arg10[%mul3A_191, %dma_wait3A_202] : memref<10000x128xf32, #tpu.memory_space<vmem_shared>> -> memref<1000x128xf32, #tpu.memory_space<vmem_shared>>
        tpu.wait_dma2 semaphore(%run_scoped3A : memref<!tpu.dma_semaphore, #tpu.memory_space<semaphore_mem>>) src(%dma_wait3A_203 : memref<1000x128xf32, #tpu.memory_space<vmem_shared>>) dst(%dma_wait3A_201 : memref<1000x128xf32, #tpu.memory_space<hbm>>)
        tpu.yield
      }) : () -> ()
    } else {
    }
    return
  }
}

#map = affine_map<(d0, d1) -> (0, 0)>
#map1 = affine_map<(d0, d1) -> (0)>
#map2 = affine_map<(d0, d1) -> (0, 0, 0)>
module attributes {stable_mosaic.version = 14 : i64} {
  func.func @_edge_agg(%arg0: i32, %arg1: i32, %arg2: memref<10000x128xf32, #tpu.memory_space<hbm>>, %arg3: memref<327680xi32, #tpu.memory_space<hbm>>, %arg4: memref<327680xi32, #tpu.memory_space<hbm>>, %arg5: memref<1000x128xf32, #tpu.memory_space<hbm>>, %arg6: memref<2x10000x128xf32, #tpu.memory_space<hbm>>, %arg7: memref<4x64xi32, #tpu.memory_space<vmem>>, %arg8: memref<4x64xi32, #tpu.memory_space<vmem>>, %arg9: memref<4x64x128xf32, #tpu.memory_space<vmem>>, %arg10: memref<10000x128xf32, #tpu.memory_space<vmem_shared>>, %arg11: memref<!tpu.dma_semaphore, #tpu.memory_space<semaphore_mem>>, %arg12: memref<!tpu.dma_semaphore, #tpu.memory_space<semaphore_mem>>, %arg13: memref<!tpu.dma_semaphore, #tpu.memory_space<semaphore_mem>>, %arg14: memref<!tpu.dma_semaphore, #tpu.memory_space<semaphore_mem>>, %arg15: memref<!tpu.dma_semaphore, #tpu.memory_space<semaphore_mem>>, %arg16: memref<!tpu.dma_semaphore, #tpu.memory_space<semaphore_mem>>, %arg17: memref<!tpu.dma_semaphore, #tpu.memory_space<semaphore_mem>>, %arg18: memref<!tpu.dma_semaphore, #tpu.memory_space<semaphore_mem>>) attributes {dimension_semantics = [#tpu.dimension_semantics<core_parallel>, #tpu.dimension_semantics<subcore_parallel>], iteration_bounds = array<i64: 2, 16>, scalar_prefetch = 0 : i64, scratch_operands = 12 : i64, tpu.core_type = #tpu.core_type<sc_vector_subcore>, window_params = [{transform_indices = #map}, {transform_indices = #map1}, {transform_indices = #map1}, {transform_indices = #map}, {transform_indices = #map2}]} {
    %mul3A = arith.constant 2 : i32
    %mul3A_0 = arith.muli %arg1, %mul3A : i32
    %add3A = arith.addi %mul3A_0, %arg0 : i32
    %mul3A_1 = arith.constant 78 : i32
    %mul3A_2 = arith.muli %add3A, %mul3A_1 : i32
    %min3A = arith.constant 4 : i32
    %min3A_3 = arith.minsi %add3A, %min3A : i32
    %add3A_4 = arith.addi %mul3A_2, %min3A_3 : i32
    %mul3A_5 = arith.constant 128 : i32
    %mul3A_6 = arith.muli %add3A_4, %mul3A_5 : i32
    %lt3A = arith.constant 4 : i32
    %lt3A_7 = arith.cmpi slt, %add3A, %lt3A : i32
    %convert_element_type3A = arith.extui %lt3A_7 : i1 to i32
    %mul3A_8 = arith.constant 2 : i32
    %mul3A_9 = arith.muli %mul3A_8, %convert_element_type3A : i32
    %add3A_10 = arith.constant 156 : i32
    %add3A_11 = arith.addi %add3A_10, %mul3A_9 : i32
    %add3A_12 = arith.constant 0 : i32
    %add3A_13 = arith.addi %mul3A_6, %add3A_12 : i32
    %dma_start3A = arith.constant 0 : i32
    %dma_start3A_14 = arith.constant 0 : i32
    %dma_start3A_15 = tpu.memref_slice %arg7[%dma_start3A, %dma_start3A_14] : memref<4x64xi32, #tpu.memory_space<vmem>> -> memref<1x64xi32, #tpu.memory_space<vmem>>
    %dma_start3A_16 = tpu.memref_squeeze %dma_start3A_15 : memref<1x64xi32, #tpu.memory_space<vmem>> -> memref<64xi32, #tpu.memory_space<vmem>>
    %dma_start3A_17 = tpu.memref_slice %arg3[%add3A_13] : memref<327680xi32, #tpu.memory_space<hbm>> -> memref<64xi32, #tpu.memory_space<hbm>>
    %dma_start3A_18 = arith.constant 0 : i32
    %dma_start3A_19 = tpu.memref_slice %arg7[%dma_start3A, %dma_start3A_18] : memref<4x64xi32, #tpu.memory_space<vmem>> -> memref<1x64xi32, #tpu.memory_space<vmem>>
    %dma_start3A_20 = tpu.memref_squeeze %dma_start3A_19 : memref<1x64xi32, #tpu.memory_space<vmem>> -> memref<64xi32, #tpu.memory_space<vmem>>
    %dma_start3A_21 = tpu.memref_slice %arg3[%add3A_13] : memref<327680xi32, #tpu.memory_space<hbm>> -> memref<64xi32, #tpu.memory_space<hbm>>
    tpu.enqueue_dma source(%dma_start3A_21 : memref<64xi32, #tpu.memory_space<hbm>>) target(%dma_start3A_20 : memref<64xi32, #tpu.memory_space<vmem>>) target_semaphore(%arg11 : memref<!tpu.dma_semaphore, #tpu.memory_space<semaphore_mem>>)
    %add3A_22 = arith.constant 0 : i32
    %add3A_23 = arith.addi %mul3A_6, %add3A_22 : i32
    %dma_start3A_24 = arith.constant 0 : i32
    %dma_start3A_25 = arith.constant 0 : i32
    %dma_start3A_26 = tpu.memref_slice %arg8[%dma_start3A_24, %dma_start3A_25] : memref<4x64xi32, #tpu.memory_space<vmem>> -> memref<1x64xi32, #tpu.memory_space<vmem>>
    %dma_start3A_27 = tpu.memref_squeeze %dma_start3A_26 : memref<1x64xi32, #tpu.memory_space<vmem>> -> memref<64xi32, #tpu.memory_space<vmem>>
    %dma_start3A_28 = tpu.memref_slice %arg4[%add3A_23] : memref<327680xi32, #tpu.memory_space<hbm>> -> memref<64xi32, #tpu.memory_space<hbm>>
    %dma_start3A_29 = arith.constant 0 : i32
    %dma_start3A_30 = tpu.memref_slice %arg8[%dma_start3A_24, %dma_start3A_29] : memref<4x64xi32, #tpu.memory_space<vmem>> -> memref<1x64xi32, #tpu.memory_space<vmem>>
    %dma_start3A_31 = tpu.memref_squeeze %dma_start3A_30 : memref<1x64xi32, #tpu.memory_space<vmem>> -> memref<64xi32, #tpu.memory_space<vmem>>
    %dma_start3A_32 = tpu.memref_slice %arg4[%add3A_23] : memref<327680xi32, #tpu.memory_space<hbm>> -> memref<64xi32, #tpu.memory_space<hbm>>
    tpu.enqueue_dma source(%dma_start3A_32 : memref<64xi32, #tpu.memory_space<hbm>>) target(%dma_start3A_31 : memref<64xi32, #tpu.memory_space<vmem>>) target_semaphore(%arg11 : memref<!tpu.dma_semaphore, #tpu.memory_space<semaphore_mem>>)
    %add3A_33 = arith.constant 64 : i32
    %add3A_34 = arith.addi %mul3A_6, %add3A_33 : i32
    %dma_start3A_35 = arith.constant 1 : i32
    %dma_start3A_36 = arith.constant 0 : i32
    %dma_start3A_37 = tpu.memref_slice %arg7[%dma_start3A_35, %dma_start3A_36] : memref<4x64xi32, #tpu.memory_space<vmem>> -> memref<1x64xi32, #tpu.memory_space<vmem>>
    %dma_start3A_38 = tpu.memref_squeeze %dma_start3A_37 : memref<1x64xi32, #tpu.memory_space<vmem>> -> memref<64xi32, #tpu.memory_space<vmem>>
    %dma_start3A_39 = tpu.memref_slice %arg3[%add3A_34] : memref<327680xi32, #tpu.memory_space<hbm>> -> memref<64xi32, #tpu.memory_space<hbm>>
    %dma_start3A_40 = arith.constant 0 : i32
    %dma_start3A_41 = tpu.memref_slice %arg7[%dma_start3A_35, %dma_start3A_40] : memref<4x64xi32, #tpu.memory_space<vmem>> -> memref<1x64xi32, #tpu.memory_space<vmem>>
    %dma_start3A_42 = tpu.memref_squeeze %dma_start3A_41 : memref<1x64xi32, #tpu.memory_space<vmem>> -> memref<64xi32, #tpu.memory_space<vmem>>
    %dma_start3A_43 = tpu.memref_slice %arg3[%add3A_34] : memref<327680xi32, #tpu.memory_space<hbm>> -> memref<64xi32, #tpu.memory_space<hbm>>
    tpu.enqueue_dma source(%dma_start3A_43 : memref<64xi32, #tpu.memory_space<hbm>>) target(%dma_start3A_42 : memref<64xi32, #tpu.memory_space<vmem>>) target_semaphore(%arg12 : memref<!tpu.dma_semaphore, #tpu.memory_space<semaphore_mem>>)
    %add3A_44 = arith.constant 64 : i32
    %add3A_45 = arith.addi %mul3A_6, %add3A_44 : i32
    %dma_start3A_46 = arith.constant 1 : i32
    %dma_start3A_47 = arith.constant 0 : i32
    %dma_start3A_48 = tpu.memref_slice %arg8[%dma_start3A_46, %dma_start3A_47] : memref<4x64xi32, #tpu.memory_space<vmem>> -> memref<1x64xi32, #tpu.memory_space<vmem>>
    %dma_start3A_49 = tpu.memref_squeeze %dma_start3A_48 : memref<1x64xi32, #tpu.memory_space<vmem>> -> memref<64xi32, #tpu.memory_space<vmem>>
    %dma_start3A_50 = tpu.memref_slice %arg4[%add3A_45] : memref<327680xi32, #tpu.memory_space<hbm>> -> memref<64xi32, #tpu.memory_space<hbm>>
    %dma_start3A_51 = arith.constant 0 : i32
    %dma_start3A_52 = tpu.memref_slice %arg8[%dma_start3A_46, %dma_start3A_51] : memref<4x64xi32, #tpu.memory_space<vmem>> -> memref<1x64xi32, #tpu.memory_space<vmem>>
    %dma_start3A_53 = tpu.memref_squeeze %dma_start3A_52 : memref<1x64xi32, #tpu.memory_space<vmem>> -> memref<64xi32, #tpu.memory_space<vmem>>
    %dma_start3A_54 = tpu.memref_slice %arg4[%add3A_45] : memref<327680xi32, #tpu.memory_space<hbm>> -> memref<64xi32, #tpu.memory_space<hbm>>
    tpu.enqueue_dma source(%dma_start3A_54 : memref<64xi32, #tpu.memory_space<hbm>>) target(%dma_start3A_53 : memref<64xi32, #tpu.memory_space<vmem>>) target_semaphore(%arg12 : memref<!tpu.dma_semaphore, #tpu.memory_space<semaphore_mem>>)
    %add3A_55 = arith.constant 128 : i32
    %add3A_56 = arith.addi %mul3A_6, %add3A_55 : i32
    %dma_start3A_57 = arith.constant 2 : i32
    %dma_start3A_58 = arith.constant 0 : i32
    %dma_start3A_59 = tpu.memref_slice %arg7[%dma_start3A_57, %dma_start3A_58] : memref<4x64xi32, #tpu.memory_space<vmem>> -> memref<1x64xi32, #tpu.memory_space<vmem>>
    %dma_start3A_60 = tpu.memref_squeeze %dma_start3A_59 : memref<1x64xi32, #tpu.memory_space<vmem>> -> memref<64xi32, #tpu.memory_space<vmem>>
    %dma_start3A_61 = tpu.memref_slice %arg3[%add3A_56] : memref<327680xi32, #tpu.memory_space<hbm>> -> memref<64xi32, #tpu.memory_space<hbm>>
    %dma_start3A_62 = arith.constant 0 : i32
    %dma_start3A_63 = tpu.memref_slice %arg7[%dma_start3A_57, %dma_start3A_62] : memref<4x64xi32, #tpu.memory_space<vmem>> -> memref<1x64xi32, #tpu.memory_space<vmem>>
    %dma_start3A_64 = tpu.memref_squeeze %dma_start3A_63 : memref<1x64xi32, #tpu.memory_space<vmem>> -> memref<64xi32, #tpu.memory_space<vmem>>
    %dma_start3A_65 = tpu.memref_slice %arg3[%add3A_56] : memref<327680xi32, #tpu.memory_space<hbm>> -> memref<64xi32, #tpu.memory_space<hbm>>
    tpu.enqueue_dma source(%dma_start3A_65 : memref<64xi32, #tpu.memory_space<hbm>>) target(%dma_start3A_64 : memref<64xi32, #tpu.memory_space<vmem>>) target_semaphore(%arg13 : memref<!tpu.dma_semaphore, #tpu.memory_space<semaphore_mem>>)
    %add3A_66 = arith.constant 128 : i32
    %add3A_67 = arith.addi %mul3A_6, %add3A_66 : i32
    %dma_start3A_68 = arith.constant 2 : i32
    %dma_start3A_69 = arith.constant 0 : i32
    %dma_start3A_70 = tpu.memref_slice %arg8[%dma_start3A_68, %dma_start3A_69] : memref<4x64xi32, #tpu.memory_space<vmem>> -> memref<1x64xi32, #tpu.memory_space<vmem>>
    %dma_start3A_71 = tpu.memref_squeeze %dma_start3A_70 : memref<1x64xi32, #tpu.memory_space<vmem>> -> memref<64xi32, #tpu.memory_space<vmem>>
    %dma_start3A_72 = tpu.memref_slice %arg4[%add3A_67] : memref<327680xi32, #tpu.memory_space<hbm>> -> memref<64xi32, #tpu.memory_space<hbm>>
    %dma_start3A_73 = arith.constant 0 : i32
    %dma_start3A_74 = tpu.memref_slice %arg8[%dma_start3A_68, %dma_start3A_73] : memref<4x64xi32, #tpu.memory_space<vmem>> -> memref<1x64xi32, #tpu.memory_space<vmem>>
    %dma_start3A_75 = tpu.memref_squeeze %dma_start3A_74 : memref<1x64xi32, #tpu.memory_space<vmem>> -> memref<64xi32, #tpu.memory_space<vmem>>
    %dma_start3A_76 = tpu.memref_slice %arg4[%add3A_67] : memref<327680xi32, #tpu.memory_space<hbm>> -> memref<64xi32, #tpu.memory_space<hbm>>
    tpu.enqueue_dma source(%dma_start3A_76 : memref<64xi32, #tpu.memory_space<hbm>>) target(%dma_start3A_75 : memref<64xi32, #tpu.memory_space<vmem>>) target_semaphore(%arg13 : memref<!tpu.dma_semaphore, #tpu.memory_space<semaphore_mem>>)
    %add3A_77 = arith.constant 192 : i32
    %add3A_78 = arith.addi %mul3A_6, %add3A_77 : i32
    %dma_start3A_79 = arith.constant 3 : i32
    %dma_start3A_80 = arith.constant 0 : i32
    %dma_start3A_81 = tpu.memref_slice %arg7[%dma_start3A_79, %dma_start3A_80] : memref<4x64xi32, #tpu.memory_space<vmem>> -> memref<1x64xi32, #tpu.memory_space<vmem>>
    %dma_start3A_82 = tpu.memref_squeeze %dma_start3A_81 : memref<1x64xi32, #tpu.memory_space<vmem>> -> memref<64xi32, #tpu.memory_space<vmem>>
    %dma_start3A_83 = tpu.memref_slice %arg3[%add3A_78] : memref<327680xi32, #tpu.memory_space<hbm>> -> memref<64xi32, #tpu.memory_space<hbm>>
    %dma_start3A_84 = arith.constant 0 : i32
    %dma_start3A_85 = tpu.memref_slice %arg7[%dma_start3A_79, %dma_start3A_84] : memref<4x64xi32, #tpu.memory_space<vmem>> -> memref<1x64xi32, #tpu.memory_space<vmem>>
    %dma_start3A_86 = tpu.memref_squeeze %dma_start3A_85 : memref<1x64xi32, #tpu.memory_space<vmem>> -> memref<64xi32, #tpu.memory_space<vmem>>
    %dma_start3A_87 = tpu.memref_slice %arg3[%add3A_78] : memref<327680xi32, #tpu.memory_space<hbm>> -> memref<64xi32, #tpu.memory_space<hbm>>
    tpu.enqueue_dma source(%dma_start3A_87 : memref<64xi32, #tpu.memory_space<hbm>>) target(%dma_start3A_86 : memref<64xi32, #tpu.memory_space<vmem>>) target_semaphore(%arg14 : memref<!tpu.dma_semaphore, #tpu.memory_space<semaphore_mem>>)
    %add3A_88 = arith.constant 192 : i32
    %add3A_89 = arith.addi %mul3A_6, %add3A_88 : i32
    %dma_start3A_90 = arith.constant 3 : i32
    %dma_start3A_91 = arith.constant 0 : i32
    %dma_start3A_92 = tpu.memref_slice %arg8[%dma_start3A_90, %dma_start3A_91] : memref<4x64xi32, #tpu.memory_space<vmem>> -> memref<1x64xi32, #tpu.memory_space<vmem>>
    %dma_start3A_93 = tpu.memref_squeeze %dma_start3A_92 : memref<1x64xi32, #tpu.memory_space<vmem>> -> memref<64xi32, #tpu.memory_space<vmem>>
    %dma_start3A_94 = tpu.memref_slice %arg4[%add3A_89] : memref<327680xi32, #tpu.memory_space<hbm>> -> memref<64xi32, #tpu.memory_space<hbm>>
    %dma_start3A_95 = arith.constant 0 : i32
    %dma_start3A_96 = tpu.memref_slice %arg8[%dma_start3A_90, %dma_start3A_95] : memref<4x64xi32, #tpu.memory_space<vmem>> -> memref<1x64xi32, #tpu.memory_space<vmem>>
    %dma_start3A_97 = tpu.memref_squeeze %dma_start3A_96 : memref<1x64xi32, #tpu.memory_space<vmem>> -> memref<64xi32, #tpu.memory_space<vmem>>
    %dma_start3A_98 = tpu.memref_slice %arg4[%add3A_89] : memref<327680xi32, #tpu.memory_space<hbm>> -> memref<64xi32, #tpu.memory_space<hbm>>
    tpu.enqueue_dma source(%dma_start3A_98 : memref<64xi32, #tpu.memory_space<hbm>>) target(%dma_start3A_97 : memref<64xi32, #tpu.memory_space<vmem>>) target_semaphore(%arg14 : memref<!tpu.dma_semaphore, #tpu.memory_space<semaphore_mem>>)
    %add3A_99 = arith.constant 0 : i32
    %add3A_100 = arith.addi %mul3A_6, %add3A_99 : i32
    %dma_wait3A = arith.constant 0 : i32
    %dma_wait3A_101 = arith.constant 0 : i32
    %dma_wait3A_102 = tpu.memref_slice %arg7[%dma_wait3A, %dma_wait3A_101] : memref<4x64xi32, #tpu.memory_space<vmem>> -> memref<1x64xi32, #tpu.memory_space<vmem>>
    %dma_wait3A_103 = tpu.memref_squeeze %dma_wait3A_102 : memref<1x64xi32, #tpu.memory_space<vmem>> -> memref<64xi32, #tpu.memory_space<vmem>>
    %dma_wait3A_104 = tpu.memref_slice %arg3[%add3A_100] : memref<327680xi32, #tpu.memory_space<hbm>> -> memref<64xi32, #tpu.memory_space<hbm>>
    %dma_wait3A_105 = arith.constant 0 : i32
    %dma_wait3A_106 = tpu.memref_slice %arg7[%dma_wait3A, %dma_wait3A_105] : memref<4x64xi32, #tpu.memory_space<vmem>> -> memref<1x64xi32, #tpu.memory_space<vmem>>
    %dma_wait3A_107 = tpu.memref_squeeze %dma_wait3A_106 : memref<1x64xi32, #tpu.memory_space<vmem>> -> memref<64xi32, #tpu.memory_space<vmem>>
    %dma_wait3A_108 = tpu.memref_slice %arg3[%add3A_100] : memref<327680xi32, #tpu.memory_space<hbm>> -> memref<64xi32, #tpu.memory_space<hbm>>
    tpu.wait_dma2 semaphore(%arg11 : memref<!tpu.dma_semaphore, #tpu.memory_space<semaphore_mem>>) src(%dma_wait3A_108 : memref<64xi32, #tpu.memory_space<hbm>>) dst(%dma_wait3A_107 : memref<64xi32, #tpu.memory_space<vmem>>)
    %add3A_109 = arith.constant 0 : i32
    %add3A_110 = arith.addi %mul3A_6, %add3A_109 : i32
    %dma_wait3A_111 = arith.constant 0 : i32
    %dma_wait3A_112 = arith.constant 0 : i32
    %dma_wait3A_113 = tpu.memref_slice %arg8[%dma_wait3A_111, %dma_wait3A_112] : memref<4x64xi32, #tpu.memory_space<vmem>> -> memref<1x64xi32, #tpu.memory_space<vmem>>
    %dma_wait3A_114 = tpu.memref_squeeze %dma_wait3A_113 : memref<1x64xi32, #tpu.memory_space<vmem>> -> memref<64xi32, #tpu.memory_space<vmem>>
    %dma_wait3A_115 = tpu.memref_slice %arg4[%add3A_110] : memref<327680xi32, #tpu.memory_space<hbm>> -> memref<64xi32, #tpu.memory_space<hbm>>
    %dma_wait3A_116 = arith.constant 0 : i32
    %dma_wait3A_117 = tpu.memref_slice %arg8[%dma_wait3A_111, %dma_wait3A_116] : memref<4x64xi32, #tpu.memory_space<vmem>> -> memref<1x64xi32, #tpu.memory_space<vmem>>
    %dma_wait3A_118 = tpu.memref_squeeze %dma_wait3A_117 : memref<1x64xi32, #tpu.memory_space<vmem>> -> memref<64xi32, #tpu.memory_space<vmem>>
    %dma_wait3A_119 = tpu.memref_slice %arg4[%add3A_110] : memref<327680xi32, #tpu.memory_space<hbm>> -> memref<64xi32, #tpu.memory_space<hbm>>
    tpu.wait_dma2 semaphore(%arg11 : memref<!tpu.dma_semaphore, #tpu.memory_space<semaphore_mem>>) src(%dma_wait3A_119 : memref<64xi32, #tpu.memory_space<hbm>>) dst(%dma_wait3A_118 : memref<64xi32, #tpu.memory_space<vmem>>)
    %dma_start3A_120 = arith.constant 0 : i32
    %dma_start3A_121 = arith.constant 0 : i32
    %dma_start3A_122 = arith.constant 0 : i32
    %dma_start3A_123 = arith.constant 0 : i32
    %dma_start3A_124 = tpu.memref_slice %arg9[%dma_start3A_121, %dma_start3A_122, %dma_start3A_123] : memref<4x64x128xf32, #tpu.memory_space<vmem>> -> memref<1x64x128xf32, #tpu.memory_space<vmem>>
    %dma_start3A_125 = tpu.memref_squeeze %dma_start3A_124 : memref<1x64x128xf32, #tpu.memory_space<vmem>> -> memref<64x128xf32, #tpu.memory_space<vmem>>
    %dma_start3A_126 = arith.constant 0 : i32
    %dma_start3A_127 = tpu.memref_slice %arg7[%dma_start3A_120, %dma_start3A_126] : memref<4x64xi32, #tpu.memory_space<vmem>> -> memref<1x64xi32, #tpu.memory_space<vmem>>
    %dma_start3A_128 = tpu.memref_squeeze %dma_start3A_127 : memref<1x64xi32, #tpu.memory_space<vmem>> -> memref<64xi32, #tpu.memory_space<vmem>>
    %dma_start3A_129 = arith.constant 0 : i32
    %dma_start3A_130 = arith.constant 0 : i32
    %dma_start3A_131 = tpu.memref_slice %arg2[%dma_start3A_129, %dma_start3A_130] : memref<10000x128xf32, #tpu.memory_space<hbm>> -> memref<10000x128xf32, #tpu.memory_space<hbm>>
    tpu.enqueue_indirect_dma source(%dma_start3A_131 : memref<10000x128xf32, #tpu.memory_space<hbm>>) target(%dma_start3A_125 : memref<64x128xf32, #tpu.memory_space<vmem>>) offsets(%dma_start3A_128 : memref<64xi32, #tpu.memory_space<vmem>>) semaphore(%arg15 : memref<!tpu.dma_semaphore, #tpu.memory_space<semaphore_mem>>)
    %add3A_132 = arith.constant 64 : i32
    %add3A_133 = arith.addi %mul3A_6, %add3A_132 : i32
    %dma_wait3A_134 = arith.constant 1 : i32
    %dma_wait3A_135 = arith.constant 0 : i32
    %dma_wait3A_136 = tpu.memref_slice %arg7[%dma_wait3A_134, %dma_wait3A_135] : memref<4x64xi32, #tpu.memory_space<vmem>> -> memref<1x64xi32, #tpu.memory_space<vmem>>
    %dma_wait3A_137 = tpu.memref_squeeze %dma_wait3A_136 : memref<1x64xi32, #tpu.memory_space<vmem>> -> memref<64xi32, #tpu.memory_space<vmem>>
    %dma_wait3A_138 = tpu.memref_slice %arg3[%add3A_133] : memref<327680xi32, #tpu.memory_space<hbm>> -> memref<64xi32, #tpu.memory_space<hbm>>
    %dma_wait3A_139 = arith.constant 0 : i32
    %dma_wait3A_140 = tpu.memref_slice %arg7[%dma_wait3A_134, %dma_wait3A_139] : memref<4x64xi32, #tpu.memory_space<vmem>> -> memref<1x64xi32, #tpu.memory_space<vmem>>
    %dma_wait3A_141 = tpu.memref_squeeze %dma_wait3A_140 : memref<1x64xi32, #tpu.memory_space<vmem>> -> memref<64xi32, #tpu.memory_space<vmem>>
    %dma_wait3A_142 = tpu.memref_slice %arg3[%add3A_133] : memref<327680xi32, #tpu.memory_space<hbm>> -> memref<64xi32, #tpu.memory_space<hbm>>
    tpu.wait_dma2 semaphore(%arg12 : memref<!tpu.dma_semaphore, #tpu.memory_space<semaphore_mem>>) src(%dma_wait3A_142 : memref<64xi32, #tpu.memory_space<hbm>>) dst(%dma_wait3A_141 : memref<64xi32, #tpu.memory_space<vmem>>)
    %add3A_143 = arith.constant 64 : i32
    %add3A_144 = arith.addi %mul3A_6, %add3A_143 : i32
    %dma_wait3A_145 = arith.constant 1 : i32
    %dma_wait3A_146 = arith.constant 0 : i32
    %dma_wait3A_147 = tpu.memref_slice %arg8[%dma_wait3A_145, %dma_wait3A_146] : memref<4x64xi32, #tpu.memory_space<vmem>> -> memref<1x64xi32, #tpu.memory_space<vmem>>
    %dma_wait3A_148 = tpu.memref_squeeze %dma_wait3A_147 : memref<1x64xi32, #tpu.memory_space<vmem>> -> memref<64xi32, #tpu.memory_space<vmem>>
    %dma_wait3A_149 = tpu.memref_slice %arg4[%add3A_144] : memref<327680xi32, #tpu.memory_space<hbm>> -> memref<64xi32, #tpu.memory_space<hbm>>
    %dma_wait3A_150 = arith.constant 0 : i32
    %dma_wait3A_151 = tpu.memref_slice %arg8[%dma_wait3A_145, %dma_wait3A_150] : memref<4x64xi32, #tpu.memory_space<vmem>> -> memref<1x64xi32, #tpu.memory_space<vmem>>
    %dma_wait3A_152 = tpu.memref_squeeze %dma_wait3A_151 : memref<1x64xi32, #tpu.memory_space<vmem>> -> memref<64xi32, #tpu.memory_space<vmem>>
    %dma_wait3A_153 = tpu.memref_slice %arg4[%add3A_144] : memref<327680xi32, #tpu.memory_space<hbm>> -> memref<64xi32, #tpu.memory_space<hbm>>
    tpu.wait_dma2 semaphore(%arg12 : memref<!tpu.dma_semaphore, #tpu.memory_space<semaphore_mem>>) src(%dma_wait3A_153 : memref<64xi32, #tpu.memory_space<hbm>>) dst(%dma_wait3A_152 : memref<64xi32, #tpu.memory_space<vmem>>)
    %dma_start3A_154 = arith.constant 1 : i32
    %dma_start3A_155 = arith.constant 1 : i32
    %dma_start3A_156 = arith.constant 0 : i32
    %dma_start3A_157 = arith.constant 0 : i32
    %dma_start3A_158 = tpu.memref_slice %arg9[%dma_start3A_155, %dma_start3A_156, %dma_start3A_157] : memref<4x64x128xf32, #tpu.memory_space<vmem>> -> memref<1x64x128xf32, #tpu.memory_space<vmem>>
    %dma_start3A_159 = tpu.memref_squeeze %dma_start3A_158 : memref<1x64x128xf32, #tpu.memory_space<vmem>> -> memref<64x128xf32, #tpu.memory_space<vmem>>
    %dma_start3A_160 = arith.constant 0 : i32
    %dma_start3A_161 = tpu.memref_slice %arg7[%dma_start3A_154, %dma_start3A_160] : memref<4x64xi32, #tpu.memory_space<vmem>> -> memref<1x64xi32, #tpu.memory_space<vmem>>
    %dma_start3A_162 = tpu.memref_squeeze %dma_start3A_161 : memref<1x64xi32, #tpu.memory_space<vmem>> -> memref<64xi32, #tpu.memory_space<vmem>>
    %dma_start3A_163 = arith.constant 0 : i32
    %dma_start3A_164 = arith.constant 0 : i32
    %dma_start3A_165 = tpu.memref_slice %arg2[%dma_start3A_163, %dma_start3A_164] : memref<10000x128xf32, #tpu.memory_space<hbm>> -> memref<10000x128xf32, #tpu.memory_space<hbm>>
    tpu.enqueue_indirect_dma source(%dma_start3A_165 : memref<10000x128xf32, #tpu.memory_space<hbm>>) target(%dma_start3A_159 : memref<64x128xf32, #tpu.memory_space<vmem>>) offsets(%dma_start3A_162 : memref<64xi32, #tpu.memory_space<vmem>>) semaphore(%arg16 : memref<!tpu.dma_semaphore, #tpu.memory_space<semaphore_mem>>)
    %lt3A_166 = arith.constant 10 : i32
    %lt3A_167 = arith.cmpi slt, %arg1, %lt3A_166 : i32
    %convert_element_type3A_168 = arith.extui %lt3A_167 : i1 to i32
    %cond3A = arith.constant 0 : i32
    %cond3A_169 = arith.cmpi ne, %convert_element_type3A_168, %cond3A : i32
    scf.if %cond3A_169 {
      %mul3A_190 = arith.constant 1000 : i32
      %mul3A_191 = arith.muli %arg1, %mul3A_190 : i32
      "tpu.region"() ({
        %run_scoped3A = tpu.sem_alloc : memref<!tpu.dma_semaphore, #tpu.memory_space<semaphore_mem>>
        %dma_start3A_192 = arith.constant 0 : i32
        %dma_start3A_193 = tpu.memref_slice %arg10[%mul3A_191, %dma_start3A_192] : memref<10000x128xf32, #tpu.memory_space<vmem_shared>> -> memref<1000x128xf32, #tpu.memory_space<vmem_shared>>
        tpu.enqueue_dma source(%arg5 : memref<1000x128xf32, #tpu.memory_space<hbm>>) target(%dma_start3A_193 : memref<1000x128xf32, #tpu.memory_space<vmem_shared>>) target_semaphore(%run_scoped3A : memref<!tpu.dma_semaphore, #tpu.memory_space<semaphore_mem>>)
        %dma_wait3A_194 = arith.constant 0 : i32
        %dma_wait3A_195 = tpu.memref_slice %arg10[%mul3A_191, %dma_wait3A_194] : memref<10000x128xf32, #tpu.memory_space<vmem_shared>> -> memref<1000x128xf32, #tpu.memory_space<vmem_shared>>
        tpu.wait_dma2 semaphore(%run_scoped3A : memref<!tpu.dma_semaphore, #tpu.memory_space<semaphore_mem>>) src(%arg5 : memref<1000x128xf32, #tpu.memory_space<hbm>>) dst(%dma_wait3A_195 : memref<1000x128xf32, #tpu.memory_space<vmem_shared>>)
        tpu.yield
      }) : () -> ()
    } else {
    }
    %barrier3A = arith.constant 0 : index
    tpu.barrier barrier_id(%barrier3A)
    %scan3A = arith.constant 0 : i32
    %scan3A_170 = arith.constant 0 : i32
    %scan3A_171 = arith.constant 39 : i32
    %scan3A_172 = arith.addi %scan3A_170, %scan3A_171 : i32
    %scan3A_173 = arith.constant 1 : i32
    scf.for %scan3A_190 = %scan3A_170 to %scan3A_172 step %scan3A_173  : i32 {
      %mul3A_191 = arith.constant 4 : i32
      %mul3A_192 = arith.muli %scan3A_190, %mul3A_191 : i32
      %add3A_193 = arith.constant 0 : i32
      %add3A_194 = arith.addi %mul3A_192, %add3A_193 : i32
      %add3A_195 = arith.constant 2 : i32
      %add3A_196 = arith.addi %add3A_194, %add3A_195 : i32
      %lt3A_197 = arith.cmpi slt, %add3A_196, %add3A_11 : i32
      %convert_element_type3A_198 = arith.extui %lt3A_197 : i1 to i32
      %cond3A_199 = arith.constant 0 : i32
      %cond3A_200 = arith.cmpi ne, %convert_element_type3A_198, %cond3A_199 : i32
      scf.if %cond3A_200 {
        %add3A_310 = arith.constant 2 : i32
        %add3A_311 = arith.addi %add3A_194, %add3A_310 : i32
        %mul3A_312 = arith.constant 64 : i32
        %mul3A_313 = arith.muli %add3A_311, %mul3A_312 : i32
        %add3A_314 = arith.addi %mul3A_6, %mul3A_313 : i32
        %dma_wait3A_315 = arith.constant 2 : i32
        %dma_wait3A_316 = arith.constant 0 : i32
        %dma_wait3A_317 = tpu.memref_slice %arg7[%dma_wait3A_315, %dma_wait3A_316] : memref<4x64xi32, #tpu.memory_space<vmem>> -> memref<1x64xi32, #tpu.memory_space<vmem>>
        %dma_wait3A_318 = tpu.memref_squeeze %dma_wait3A_317 : memref<1x64xi32, #tpu.memory_space<vmem>> -> memref<64xi32, #tpu.memory_space<vmem>>
        %dma_wait3A_319 = tpu.memref_slice %arg3[%add3A_314] : memref<327680xi32, #tpu.memory_space<hbm>> -> memref<64xi32, #tpu.memory_space<hbm>>
        %dma_wait3A_320 = arith.constant 0 : i32
        %dma_wait3A_321 = tpu.memref_slice %arg7[%dma_wait3A_315, %dma_wait3A_320] : memref<4x64xi32, #tpu.memory_space<vmem>> -> memref<1x64xi32, #tpu.memory_space<vmem>>
        %dma_wait3A_322 = tpu.memref_squeeze %dma_wait3A_321 : memref<1x64xi32, #tpu.memory_space<vmem>> -> memref<64xi32, #tpu.memory_space<vmem>>
        %dma_wait3A_323 = tpu.memref_slice %arg3[%add3A_314] : memref<327680xi32, #tpu.memory_space<hbm>> -> memref<64xi32, #tpu.memory_space<hbm>>
        tpu.wait_dma2 semaphore(%arg13 : memref<!tpu.dma_semaphore, #tpu.memory_space<semaphore_mem>>) src(%dma_wait3A_323 : memref<64xi32, #tpu.memory_space<hbm>>) dst(%dma_wait3A_322 : memref<64xi32, #tpu.memory_space<vmem>>)
        %mul3A_324 = arith.constant 64 : i32
        %mul3A_325 = arith.muli %add3A_311, %mul3A_324 : i32
        %add3A_326 = arith.addi %mul3A_6, %mul3A_325 : i32
        %dma_wait3A_327 = arith.constant 2 : i32
        %dma_wait3A_328 = arith.constant 0 : i32
        %dma_wait3A_329 = tpu.memref_slice %arg8[%dma_wait3A_327, %dma_wait3A_328] : memref<4x64xi32, #tpu.memory_space<vmem>> -> memref<1x64xi32, #tpu.memory_space<vmem>>
        %dma_wait3A_330 = tpu.memref_squeeze %dma_wait3A_329 : memref<1x64xi32, #tpu.memory_space<vmem>> -> memref<64xi32, #tpu.memory_space<vmem>>
        %dma_wait3A_331 = tpu.memref_slice %arg4[%add3A_326] : memref<327680xi32, #tpu.memory_space<hbm>> -> memref<64xi32, #tpu.memory_space<hbm>>
        %dma_wait3A_332 = arith.constant 0 : i32
        %dma_wait3A_333 = tpu.memref_slice %arg8[%dma_wait3A_327, %dma_wait3A_332] : memref<4x64xi32, #tpu.memory_space<vmem>> -> memref<1x64xi32, #tpu.memory_space<vmem>>
        %dma_wait3A_334 = tpu.memref_squeeze %dma_wait3A_333 : memref<1x64xi32, #tpu.memory_space<vmem>> -> memref<64xi32, #tpu.memory_space<vmem>>
        %dma_wait3A_335 = tpu.memref_slice %arg4[%add3A_326] : memref<327680xi32, #tpu.memory_space<hbm>> -> memref<64xi32, #tpu.memory_space<hbm>>
        tpu.wait_dma2 semaphore(%arg13 : memref<!tpu.dma_semaphore, #tpu.memory_space<semaphore_mem>>) src(%dma_wait3A_335 : memref<64xi32, #tpu.memory_space<hbm>>) dst(%dma_wait3A_334 : memref<64xi32, #tpu.memory_space<vmem>>)
        %dma_start3A_336 = arith.constant 2 : i32
        %dma_start3A_337 = arith.constant 2 : i32
        %dma_start3A_338 = arith.constant 0 : i32
        %dma_start3A_339 = arith.constant 0 : i32
        %dma_start3A_340 = tpu.memref_slice %arg9[%dma_start3A_337, %dma_start3A_338, %dma_start3A_339] : memref<4x64x128xf32, #tpu.memory_space<vmem>> -> memref<1x64x128xf32, #tpu.memory_space<vmem>>
        %dma_start3A_341 = tpu.memref_squeeze %dma_start3A_340 : memref<1x64x128xf32, #tpu.memory_space<vmem>> -> memref<64x128xf32, #tpu.memory_space<vmem>>
        %dma_start3A_342 = arith.constant 0 : i32
        %dma_start3A_343 = tpu.memref_slice %arg7[%dma_start3A_336, %dma_start3A_342] : memref<4x64xi32, #tpu.memory_space<vmem>> -> memref<1x64xi32, #tpu.memory_space<vmem>>
        %dma_start3A_344 = tpu.memref_squeeze %dma_start3A_343 : memref<1x64xi32, #tpu.memory_space<vmem>> -> memref<64xi32, #tpu.memory_space<vmem>>
        %dma_start3A_345 = arith.constant 0 : i32
        %dma_start3A_346 = arith.constant 0 : i32
        %dma_start3A_347 = tpu.memref_slice %arg2[%dma_start3A_345, %dma_start3A_346] : memref<10000x128xf32, #tpu.memory_space<hbm>> -> memref<10000x128xf32, #tpu.memory_space<hbm>>
        tpu.enqueue_indirect_dma source(%dma_start3A_347 : memref<10000x128xf32, #tpu.memory_space<hbm>>) target(%dma_start3A_341 : memref<64x128xf32, #tpu.memory_space<vmem>>) offsets(%dma_start3A_344 : memref<64xi32, #tpu.memory_space<vmem>>) semaphore(%arg17 : memref<!tpu.dma_semaphore, #tpu.memory_space<semaphore_mem>>)
      } else {
      }
      %dma_wait3A_201 = arith.constant 0 : i32
      %dma_wait3A_202 = arith.constant 0 : i32
      %dma_wait3A_203 = arith.constant 0 : i32
      %dma_wait3A_204 = arith.constant 0 : i32
      %dma_wait3A_205 = tpu.memref_slice %arg9[%dma_wait3A_202, %dma_wait3A_203, %dma_wait3A_204] : memref<4x64x128xf32, #tpu.memory_space<vmem>> -> memref<1x64x128xf32, #tpu.memory_space<vmem>>
      %dma_wait3A_206 = tpu.memref_squeeze %dma_wait3A_205 : memref<1x64x128xf32, #tpu.memory_space<vmem>> -> memref<64x128xf32, #tpu.memory_space<vmem>>
      %dma_wait3A_207 = arith.constant 0 : i32
      %dma_wait3A_208 = tpu.memref_slice %arg7[%dma_wait3A_201, %dma_wait3A_207] : memref<4x64xi32, #tpu.memory_space<vmem>> -> memref<1x64xi32, #tpu.memory_space<vmem>>
      %dma_wait3A_209 = tpu.memref_squeeze %dma_wait3A_208 : memref<1x64xi32, #tpu.memory_space<vmem>> -> memref<64xi32, #tpu.memory_space<vmem>>
      %dma_wait3A_210 = arith.constant 0 : i32
      %dma_wait3A_211 = arith.constant 0 : i32
      %dma_wait3A_212 = tpu.memref_slice %arg2[%dma_wait3A_210, %dma_wait3A_211] : memref<10000x128xf32, #tpu.memory_space<hbm>> -> memref<10000x128xf32, #tpu.memory_space<hbm>>
      tpu.wait_indirect_dma semaphore(%arg15 : memref<!tpu.dma_semaphore, #tpu.memory_space<semaphore_mem>>) src(%dma_wait3A_212 : memref<10000x128xf32, #tpu.memory_space<hbm>>) dst(%dma_wait3A_206 : memref<64x128xf32, #tpu.memory_space<vmem>>)
      %run_scoped3A = arith.constant 0 : i32
      %run_scoped3A_213 = arith.constant 0 : i32
      "tpu.region"() ({
        %run_scoped3A_310 = tpu.sem_alloc : memref<!tpu.dma_semaphore, #tpu.memory_space<semaphore_mem>>
        %dma_start3A_311 = arith.constant 0 : i32
        %dma_start3A_312 = arith.constant 0 : i32
        %dma_start3A_313 = tpu.memref_slice %arg9[%run_scoped3A, %dma_start3A_311, %dma_start3A_312] : memref<4x64x128xf32, #tpu.memory_space<vmem>> -> memref<1x64x128xf32, #tpu.memory_space<vmem>>
        %dma_start3A_314 = tpu.memref_squeeze %dma_start3A_313 : memref<1x64x128xf32, #tpu.memory_space<vmem>> -> memref<64x128xf32, #tpu.memory_space<vmem>>
        %dma_start3A_315 = arith.constant 0 : i32
        %dma_start3A_316 = tpu.memref_slice %arg8[%run_scoped3A_213, %dma_start3A_315] : memref<4x64xi32, #tpu.memory_space<vmem>> -> memref<1x64xi32, #tpu.memory_space<vmem>>
        %dma_start3A_317 = tpu.memref_squeeze %dma_start3A_316 : memref<1x64xi32, #tpu.memory_space<vmem>> -> memref<64xi32, #tpu.memory_space<vmem>>
        %dma_start3A_318 = arith.constant 0 : i32
        %dma_start3A_319 = arith.constant 0 : i32
        %dma_start3A_320 = tpu.memref_slice %arg10[%dma_start3A_318, %dma_start3A_319] : memref<10000x128xf32, #tpu.memory_space<vmem_shared>> -> memref<10000x128xf32, #tpu.memory_space<vmem_shared>>
        tpu.enqueue_indirect_dma source(%dma_start3A_314 : memref<64x128xf32, #tpu.memory_space<vmem>>) target(%dma_start3A_320 : memref<10000x128xf32, #tpu.memory_space<vmem_shared>>) offsets(%dma_start3A_317 : memref<64xi32, #tpu.memory_space<vmem>>) semaphore(%run_scoped3A_310 : memref<!tpu.dma_semaphore, #tpu.memory_space<semaphore_mem>>) {add = true}
        %dma_wait3A_321 = arith.constant 0 : i32
        %dma_wait3A_322 = arith.constant 0 : i32
        %dma_wait3A_323 = tpu.memref_slice %arg9[%run_scoped3A, %dma_wait3A_321, %dma_wait3A_322] : memref<4x64x128xf32, #tpu.memory_space<vmem>> -> memref<1x64x128xf32, #tpu.memory_space<vmem>>
        %dma_wait3A_324 = tpu.memref_squeeze %dma_wait3A_323 : memref<1x64x128xf32, #tpu.memory_space<vmem>> -> memref<64x128xf32, #tpu.memory_space<vmem>>
        %dma_wait3A_325 = arith.constant 0 : i32
        %dma_wait3A_326 = tpu.memref_slice %arg8[%run_scoped3A_213, %dma_wait3A_325] : memref<4x64xi32, #tpu.memory_space<vmem>> -> memref<1x64xi32, #tpu.memory_space<vmem>>
        %dma_wait3A_327 = tpu.memref_squeeze %dma_wait3A_326 : memref<1x64xi32, #tpu.memory_space<vmem>> -> memref<64xi32, #tpu.memory_space<vmem>>
        %dma_wait3A_328 = arith.constant 0 : i32
        %dma_wait3A_329 = arith.constant 0 : i32
        %dma_wait3A_330 = tpu.memref_slice %arg10[%dma_wait3A_328, %dma_wait3A_329] : memref<10000x128xf32, #tpu.memory_space<vmem_shared>> -> memref<10000x128xf32, #tpu.memory_space<vmem_shared>>
        tpu.wait_indirect_dma semaphore(%run_scoped3A_310 : memref<!tpu.dma_semaphore, #tpu.memory_space<semaphore_mem>>) src(%dma_wait3A_324 : memref<64x128xf32, #tpu.memory_space<vmem>>) dst(%dma_wait3A_330 : memref<10000x128xf32, #tpu.memory_space<vmem_shared>>)
        tpu.yield
      }) : () -> ()
      %add3A_214 = arith.constant 4 : i32
      %add3A_215 = arith.addi %add3A_194, %add3A_214 : i32
      %lt3A_216 = arith.cmpi slt, %add3A_215, %add3A_11 : i32
      %convert_element_type3A_217 = arith.extui %lt3A_216 : i1 to i32
      %cond3A_218 = arith.constant 0 : i32
      %cond3A_219 = arith.cmpi ne, %convert_element_type3A_217, %cond3A_218 : i32
      scf.if %cond3A_219 {
        %add3A_310 = arith.constant 4 : i32
        %add3A_311 = arith.addi %add3A_194, %add3A_310 : i32
        %mul3A_312 = arith.constant 64 : i32
        %mul3A_313 = arith.muli %add3A_311, %mul3A_312 : i32
        %add3A_314 = arith.addi %mul3A_6, %mul3A_313 : i32
        %dma_start3A_315 = arith.constant 0 : i32
        %dma_start3A_316 = arith.constant 0 : i32
        %dma_start3A_317 = tpu.memref_slice %arg7[%dma_start3A_315, %dma_start3A_316] : memref<4x64xi32, #tpu.memory_space<vmem>> -> memref<1x64xi32, #tpu.memory_space<vmem>>
        %dma_start3A_318 = tpu.memref_squeeze %dma_start3A_317 : memref<1x64xi32, #tpu.memory_space<vmem>> -> memref<64xi32, #tpu.memory_space<vmem>>
        %dma_start3A_319 = tpu.memref_slice %arg3[%add3A_314] : memref<327680xi32, #tpu.memory_space<hbm>> -> memref<64xi32, #tpu.memory_space<hbm>>
        %dma_start3A_320 = arith.constant 0 : i32
        %dma_start3A_321 = tpu.memref_slice %arg7[%dma_start3A_315, %dma_start3A_320] : memref<4x64xi32, #tpu.memory_space<vmem>> -> memref<1x64xi32, #tpu.memory_space<vmem>>
        %dma_start3A_322 = tpu.memref_squeeze %dma_start3A_321 : memref<1x64xi32, #tpu.memory_space<vmem>> -> memref<64xi32, #tpu.memory_space<vmem>>
        %dma_start3A_323 = tpu.memref_slice %arg3[%add3A_314] : memref<327680xi32, #tpu.memory_space<hbm>> -> memref<64xi32, #tpu.memory_space<hbm>>
        tpu.enqueue_dma source(%dma_start3A_323 : memref<64xi32, #tpu.memory_space<hbm>>) target(%dma_start3A_322 : memref<64xi32, #tpu.memory_space<vmem>>) target_semaphore(%arg11 : memref<!tpu.dma_semaphore, #tpu.memory_space<semaphore_mem>>)
        %mul3A_324 = arith.constant 64 : i32
        %mul3A_325 = arith.muli %add3A_311, %mul3A_324 : i32
        %add3A_326 = arith.addi %mul3A_6, %mul3A_325 : i32
        %dma_start3A_327 = arith.constant 0 : i32
        %dma_start3A_328 = arith.constant 0 : i32
        %dma_start3A_329 = tpu.memref_slice %arg8[%dma_start3A_327, %dma_start3A_328] : memref<4x64xi32, #tpu.memory_space<vmem>> -> memref<1x64xi32, #tpu.memory_space<vmem>>
        %dma_start3A_330 = tpu.memref_squeeze %dma_start3A_329 : memref<1x64xi32, #tpu.memory_space<vmem>> -> memref<64xi32, #tpu.memory_space<vmem>>
        %dma_start3A_331 = tpu.memref_slice %arg4[%add3A_326] : memref<327680xi32, #tpu.memory_space<hbm>> -> memref<64xi32, #tpu.memory_space<hbm>>
        %dma_start3A_332 = arith.constant 0 : i32
        %dma_start3A_333 = tpu.memref_slice %arg8[%dma_start3A_327, %dma_start3A_332] : memref<4x64xi32, #tpu.memory_space<vmem>> -> memref<1x64xi32, #tpu.memory_space<vmem>>
        %dma_start3A_334 = tpu.memref_squeeze %dma_start3A_333 : memref<1x64xi32, #tpu.memory_space<vmem>> -> memref<64xi32, #tpu.memory_space<vmem>>
        %dma_start3A_335 = tpu.memref_slice %arg4[%add3A_326] : memref<327680xi32, #tpu.memory_space<hbm>> -> memref<64xi32, #tpu.memory_space<hbm>>
        tpu.enqueue_dma source(%dma_start3A_335 : memref<64xi32, #tpu.memory_space<hbm>>) target(%dma_start3A_334 : memref<64xi32, #tpu.memory_space<vmem>>) target_semaphore(%arg11 : memref<!tpu.dma_semaphore, #tpu.memory_space<semaphore_mem>>)
      } else {
      }
      %mul3A_220 = arith.constant 4 : i32
      %mul3A_221 = arith.muli %scan3A_190, %mul3A_220 : i32
      %add3A_222 = arith.constant 1 : i32
      %add3A_223 = arith.addi %mul3A_221, %add3A_222 : i32
      %add3A_224 = arith.constant 2 : i32
      %add3A_225 = arith.addi %add3A_223, %add3A_224 : i32
      %lt3A_226 = arith.cmpi slt, %add3A_225, %add3A_11 : i32
      %convert_element_type3A_227 = arith.extui %lt3A_226 : i1 to i32
      %cond3A_228 = arith.constant 0 : i32
      %cond3A_229 = arith.cmpi ne, %convert_element_type3A_227, %cond3A_228 : i32
      scf.if %cond3A_229 {
        %add3A_310 = arith.constant 2 : i32
        %add3A_311 = arith.addi %add3A_223, %add3A_310 : i32
        %mul3A_312 = arith.constant 64 : i32
        %mul3A_313 = arith.muli %add3A_311, %mul3A_312 : i32
        %add3A_314 = arith.addi %mul3A_6, %mul3A_313 : i32
        %dma_wait3A_315 = arith.constant 3 : i32
        %dma_wait3A_316 = arith.constant 0 : i32
        %dma_wait3A_317 = tpu.memref_slice %arg7[%dma_wait3A_315, %dma_wait3A_316] : memref<4x64xi32, #tpu.memory_space<vmem>> -> memref<1x64xi32, #tpu.memory_space<vmem>>
        %dma_wait3A_318 = tpu.memref_squeeze %dma_wait3A_317 : memref<1x64xi32, #tpu.memory_space<vmem>> -> memref<64xi32, #tpu.memory_space<vmem>>
        %dma_wait3A_319 = tpu.memref_slice %arg3[%add3A_314] : memref<327680xi32, #tpu.memory_space<hbm>> -> memref<64xi32, #tpu.memory_space<hbm>>
        %dma_wait3A_320 = arith.constant 0 : i32
        %dma_wait3A_321 = tpu.memref_slice %arg7[%dma_wait3A_315, %dma_wait3A_320] : memref<4x64xi32, #tpu.memory_space<vmem>> -> memref<1x64xi32, #tpu.memory_space<vmem>>
        %dma_wait3A_322 = tpu.memref_squeeze %dma_wait3A_321 : memref<1x64xi32, #tpu.memory_space<vmem>> -> memref<64xi32, #tpu.memory_space<vmem>>
        %dma_wait3A_323 = tpu.memref_slice %arg3[%add3A_314] : memref<327680xi32, #tpu.memory_space<hbm>> -> memref<64xi32, #tpu.memory_space<hbm>>
        tpu.wait_dma2 semaphore(%arg14 : memref<!tpu.dma_semaphore, #tpu.memory_space<semaphore_mem>>) src(%dma_wait3A_323 : memref<64xi32, #tpu.memory_space<hbm>>) dst(%dma_wait3A_322 : memref<64xi32, #tpu.memory_space<vmem>>)
        %mul3A_324 = arith.constant 64 : i32
        %mul3A_325 = arith.muli %add3A_311, %mul3A_324 : i32
        %add3A_326 = arith.addi %mul3A_6, %mul3A_325 : i32
        %dma_wait3A_327 = arith.constant 3 : i32
        %dma_wait3A_328 = arith.constant 0 : i32
        %dma_wait3A_329 = tpu.memref_slice %arg8[%dma_wait3A_327, %dma_wait3A_328] : memref<4x64xi32, #tpu.memory_space<vmem>> -> memref<1x64xi32, #tpu.memory_space<vmem>>
        %dma_wait3A_330 = tpu.memref_squeeze %dma_wait3A_329 : memref<1x64xi32, #tpu.memory_space<vmem>> -> memref<64xi32, #tpu.memory_space<vmem>>
        %dma_wait3A_331 = tpu.memref_slice %arg4[%add3A_326] : memref<327680xi32, #tpu.memory_space<hbm>> -> memref<64xi32, #tpu.memory_space<hbm>>
        %dma_wait3A_332 = arith.constant 0 : i32
        %dma_wait3A_333 = tpu.memref_slice %arg8[%dma_wait3A_327, %dma_wait3A_332] : memref<4x64xi32, #tpu.memory_space<vmem>> -> memref<1x64xi32, #tpu.memory_space<vmem>>
        %dma_wait3A_334 = tpu.memref_squeeze %dma_wait3A_333 : memref<1x64xi32, #tpu.memory_space<vmem>> -> memref<64xi32, #tpu.memory_space<vmem>>
        %dma_wait3A_335 = tpu.memref_slice %arg4[%add3A_326] : memref<327680xi32, #tpu.memory_space<hbm>> -> memref<64xi32, #tpu.memory_space<hbm>>
        tpu.wait_dma2 semaphore(%arg14 : memref<!tpu.dma_semaphore, #tpu.memory_space<semaphore_mem>>) src(%dma_wait3A_335 : memref<64xi32, #tpu.memory_space<hbm>>) dst(%dma_wait3A_334 : memref<64xi32, #tpu.memory_space<vmem>>)
        %dma_start3A_336 = arith.constant 3 : i32
        %dma_start3A_337 = arith.constant 3 : i32
        %dma_start3A_338 = arith.constant 0 : i32
        %dma_start3A_339 = arith.constant 0 : i32
        %dma_start3A_340 = tpu.memref_slice %arg9[%dma_start3A_337, %dma_start3A_338, %dma_start3A_339] : memref<4x64x128xf32, #tpu.memory_space<vmem>> -> memref<1x64x128xf32, #tpu.memory_space<vmem>>
        %dma_start3A_341 = tpu.memref_squeeze %dma_start3A_340 : memref<1x64x128xf32, #tpu.memory_space<vmem>> -> memref<64x128xf32, #tpu.memory_space<vmem>>
        %dma_start3A_342 = arith.constant 0 : i32
        %dma_start3A_343 = tpu.memref_slice %arg7[%dma_start3A_336, %dma_start3A_342] : memref<4x64xi32, #tpu.memory_space<vmem>> -> memref<1x64xi32, #tpu.memory_space<vmem>>
        %dma_start3A_344 = tpu.memref_squeeze %dma_start3A_343 : memref<1x64xi32, #tpu.memory_space<vmem>> -> memref<64xi32, #tpu.memory_space<vmem>>
        %dma_start3A_345 = arith.constant 0 : i32
        %dma_start3A_346 = arith.constant 0 : i32
        %dma_start3A_347 = tpu.memref_slice %arg2[%dma_start3A_345, %dma_start3A_346] : memref<10000x128xf32, #tpu.memory_space<hbm>> -> memref<10000x128xf32, #tpu.memory_space<hbm>>
        tpu.enqueue_indirect_dma source(%dma_start3A_347 : memref<10000x128xf32, #tpu.memory_space<hbm>>) target(%dma_start3A_341 : memref<64x128xf32, #tpu.memory_space<vmem>>) offsets(%dma_start3A_344 : memref<64xi32, #tpu.memory_space<vmem>>) semaphore(%arg18 : memref<!tpu.dma_semaphore, #tpu.memory_space<semaphore_mem>>)
      } else {
      }
      %dma_wait3A_230 = arith.constant 1 : i32
      %dma_wait3A_231 = arith.constant 1 : i32
      %dma_wait3A_232 = arith.constant 0 : i32
      %dma_wait3A_233 = arith.constant 0 : i32
      %dma_wait3A_234 = tpu.memref_slice %arg9[%dma_wait3A_231, %dma_wait3A_232, %dma_wait3A_233] : memref<4x64x128xf32, #tpu.memory_space<vmem>> -> memref<1x64x128xf32, #tpu.memory_space<vmem>>
      %dma_wait3A_235 = tpu.memref_squeeze %dma_wait3A_234 : memref<1x64x128xf32, #tpu.memory_space<vmem>> -> memref<64x128xf32, #tpu.memory_space<vmem>>
      %dma_wait3A_236 = arith.constant 0 : i32
      %dma_wait3A_237 = tpu.memref_slice %arg7[%dma_wait3A_230, %dma_wait3A_236] : memref<4x64xi32, #tpu.memory_space<vmem>> -> memref<1x64xi32, #tpu.memory_space<vmem>>
      %dma_wait3A_238 = tpu.memref_squeeze %dma_wait3A_237 : memref<1x64xi32, #tpu.memory_space<vmem>> -> memref<64xi32, #tpu.memory_space<vmem>>
      %dma_wait3A_239 = arith.constant 0 : i32
      %dma_wait3A_240 = arith.constant 0 : i32
      %dma_wait3A_241 = tpu.memref_slice %arg2[%dma_wait3A_239, %dma_wait3A_240] : memref<10000x128xf32, #tpu.memory_space<hbm>> -> memref<10000x128xf32, #tpu.memory_space<hbm>>
      tpu.wait_indirect_dma semaphore(%arg16 : memref<!tpu.dma_semaphore, #tpu.memory_space<semaphore_mem>>) src(%dma_wait3A_241 : memref<10000x128xf32, #tpu.memory_space<hbm>>) dst(%dma_wait3A_235 : memref<64x128xf32, #tpu.memory_space<vmem>>)
      %run_scoped3A_242 = arith.constant 1 : i32
      %run_scoped3A_243 = arith.constant 1 : i32
      "tpu.region"() ({
        %run_scoped3A_310 = tpu.sem_alloc : memref<!tpu.dma_semaphore, #tpu.memory_space<semaphore_mem>>
        %dma_start3A_311 = arith.constant 0 : i32
        %dma_start3A_312 = arith.constant 0 : i32
        %dma_start3A_313 = tpu.memref_slice %arg9[%run_scoped3A_242, %dma_start3A_311, %dma_start3A_312] : memref<4x64x128xf32, #tpu.memory_space<vmem>> -> memref<1x64x128xf32, #tpu.memory_space<vmem>>
        %dma_start3A_314 = tpu.memref_squeeze %dma_start3A_313 : memref<1x64x128xf32, #tpu.memory_space<vmem>> -> memref<64x128xf32, #tpu.memory_space<vmem>>
        %dma_start3A_315 = arith.constant 0 : i32
        %dma_start3A_316 = tpu.memref_slice %arg8[%run_scoped3A_243, %dma_start3A_315] : memref<4x64xi32, #tpu.memory_space<vmem>> -> memref<1x64xi32, #tpu.memory_space<vmem>>
        %dma_start3A_317 = tpu.memref_squeeze %dma_start3A_316 : memref<1x64xi32, #tpu.memory_space<vmem>> -> memref<64xi32, #tpu.memory_space<vmem>>
        %dma_start3A_318 = arith.constant 0 : i32
        %dma_start3A_319 = arith.constant 0 : i32
        %dma_start3A_320 = tpu.memref_slice %arg10[%dma_start3A_318, %dma_start3A_319] : memref<10000x128xf32, #tpu.memory_space<vmem_shared>> -> memref<10000x128xf32, #tpu.memory_space<vmem_shared>>
        tpu.enqueue_indirect_dma source(%dma_start3A_314 : memref<64x128xf32, #tpu.memory_space<vmem>>) target(%dma_start3A_320 : memref<10000x128xf32, #tpu.memory_space<vmem_shared>>) offsets(%dma_start3A_317 : memref<64xi32, #tpu.memory_space<vmem>>) semaphore(%run_scoped3A_310 : memref<!tpu.dma_semaphore, #tpu.memory_space<semaphore_mem>>) {add = true}
        %dma_wait3A_321 = arith.constant 0 : i32
        %dma_wait3A_322 = arith.constant 0 : i32
        %dma_wait3A_323 = tpu.memref_slice %arg9[%run_scoped3A_242, %dma_wait3A_321, %dma_wait3A_322] : memref<4x64x128xf32, #tpu.memory_space<vmem>> -> memref<1x64x128xf32, #tpu.memory_space<vmem>>
        %dma_wait3A_324 = tpu.memref_squeeze %dma_wait3A_323 : memref<1x64x128xf32, #tpu.memory_space<vmem>> -> memref<64x128xf32, #tpu.memory_space<vmem>>
        %dma_wait3A_325 = arith.constant 0 : i32
        %dma_wait3A_326 = tpu.memref_slice %arg8[%run_scoped3A_243, %dma_wait3A_325] : memref<4x64xi32, #tpu.memory_space<vmem>> -> memref<1x64xi32, #tpu.memory_space<vmem>>
        %dma_wait3A_327 = tpu.memref_squeeze %dma_wait3A_326 : memref<1x64xi32, #tpu.memory_space<vmem>> -> memref<64xi32, #tpu.memory_space<vmem>>
        %dma_wait3A_328 = arith.constant 0 : i32
        %dma_wait3A_329 = arith.constant 0 : i32
        %dma_wait3A_330 = tpu.memref_slice %arg10[%dma_wait3A_328, %dma_wait3A_329] : memref<10000x128xf32, #tpu.memory_space<vmem_shared>> -> memref<10000x128xf32, #tpu.memory_space<vmem_shared>>
        tpu.wait_indirect_dma semaphore(%run_scoped3A_310 : memref<!tpu.dma_semaphore, #tpu.memory_space<semaphore_mem>>) src(%dma_wait3A_324 : memref<64x128xf32, #tpu.memory_space<vmem>>) dst(%dma_wait3A_330 : memref<10000x128xf32, #tpu.memory_space<vmem_shared>>)
        tpu.yield
      }) : () -> ()
      %add3A_244 = arith.constant 4 : i32
      %add3A_245 = arith.addi %add3A_223, %add3A_244 : i32
      %lt3A_246 = arith.cmpi slt, %add3A_245, %add3A_11 : i32
      %convert_element_type3A_247 = arith.extui %lt3A_246 : i1 to i32
      %cond3A_248 = arith.constant 0 : i32
      %cond3A_249 = arith.cmpi ne, %convert_element_type3A_247, %cond3A_248 : i32
      scf.if %cond3A_249 {
        %add3A_310 = arith.constant 4 : i32
        %add3A_311 = arith.addi %add3A_223, %add3A_310 : i32
        %mul3A_312 = arith.constant 64 : i32
        %mul3A_313 = arith.muli %add3A_311, %mul3A_312 : i32
        %add3A_314 = arith.addi %mul3A_6, %mul3A_313 : i32
        %dma_start3A_315 = arith.constant 1 : i32
        %dma_start3A_316 = arith.constant 0 : i32
        %dma_start3A_317 = tpu.memref_slice %arg7[%dma_start3A_315, %dma_start3A_316] : memref<4x64xi32, #tpu.memory_space<vmem>> -> memref<1x64xi32, #tpu.memory_space<vmem>>
        %dma_start3A_318 = tpu.memref_squeeze %dma_start3A_317 : memref<1x64xi32, #tpu.memory_space<vmem>> -> memref<64xi32, #tpu.memory_space<vmem>>
        %dma_start3A_319 = tpu.memref_slice %arg3[%add3A_314] : memref<327680xi32, #tpu.memory_space<hbm>> -> memref<64xi32, #tpu.memory_space<hbm>>
        %dma_start3A_320 = arith.constant 0 : i32
        %dma_start3A_321 = tpu.memref_slice %arg7[%dma_start3A_315, %dma_start3A_320] : memref<4x64xi32, #tpu.memory_space<vmem>> -> memref<1x64xi32, #tpu.memory_space<vmem>>
        %dma_start3A_322 = tpu.memref_squeeze %dma_start3A_321 : memref<1x64xi32, #tpu.memory_space<vmem>> -> memref<64xi32, #tpu.memory_space<vmem>>
        %dma_start3A_323 = tpu.memref_slice %arg3[%add3A_314] : memref<327680xi32, #tpu.memory_space<hbm>> -> memref<64xi32, #tpu.memory_space<hbm>>
        tpu.enqueue_dma source(%dma_start3A_323 : memref<64xi32, #tpu.memory_space<hbm>>) target(%dma_start3A_322 : memref<64xi32, #tpu.memory_space<vmem>>) target_semaphore(%arg12 : memref<!tpu.dma_semaphore, #tpu.memory_space<semaphore_mem>>)
        %mul3A_324 = arith.constant 64 : i32
        %mul3A_325 = arith.muli %add3A_311, %mul3A_324 : i32
        %add3A_326 = arith.addi %mul3A_6, %mul3A_325 : i32
        %dma_start3A_327 = arith.constant 1 : i32
        %dma_start3A_328 = arith.constant 0 : i32
        %dma_start3A_329 = tpu.memref_slice %arg8[%dma_start3A_327, %dma_start3A_328] : memref<4x64xi32, #tpu.memory_space<vmem>> -> memref<1x64xi32, #tpu.memory_space<vmem>>
        %dma_start3A_330 = tpu.memref_squeeze %dma_start3A_329 : memref<1x64xi32, #tpu.memory_space<vmem>> -> memref<64xi32, #tpu.memory_space<vmem>>
        %dma_start3A_331 = tpu.memref_slice %arg4[%add3A_326] : memref<327680xi32, #tpu.memory_space<hbm>> -> memref<64xi32, #tpu.memory_space<hbm>>
        %dma_start3A_332 = arith.constant 0 : i32
        %dma_start3A_333 = tpu.memref_slice %arg8[%dma_start3A_327, %dma_start3A_332] : memref<4x64xi32, #tpu.memory_space<vmem>> -> memref<1x64xi32, #tpu.memory_space<vmem>>
        %dma_start3A_334 = tpu.memref_squeeze %dma_start3A_333 : memref<1x64xi32, #tpu.memory_space<vmem>> -> memref<64xi32, #tpu.memory_space<vmem>>
        %dma_start3A_335 = tpu.memref_slice %arg4[%add3A_326] : memref<327680xi32, #tpu.memory_space<hbm>> -> memref<64xi32, #tpu.memory_space<hbm>>
        tpu.enqueue_dma source(%dma_start3A_335 : memref<64xi32, #tpu.memory_space<hbm>>) target(%dma_start3A_334 : memref<64xi32, #tpu.memory_space<vmem>>) target_semaphore(%arg12 : memref<!tpu.dma_semaphore, #tpu.memory_space<semaphore_mem>>)
      } else {
      }
      %mul3A_250 = arith.constant 4 : i32
      %mul3A_251 = arith.muli %scan3A_190, %mul3A_250 : i32
      %add3A_252 = arith.constant 2 : i32
      %add3A_253 = arith.addi %mul3A_251, %add3A_252 : i32
      %add3A_254 = arith.constant 2 : i32
      %add3A_255 = arith.addi %add3A_253, %add3A_254 : i32
      %lt3A_256 = arith.cmpi slt, %add3A_255, %add3A_11 : i32
      %convert_element_type3A_257 = arith.extui %lt3A_256 : i1 to i32
      %cond3A_258 = arith.constant 0 : i32
      %cond3A_259 = arith.cmpi ne, %convert_element_type3A_257, %cond3A_258 : i32
      scf.if %cond3A_259 {
        %add3A_310 = arith.constant 2 : i32
        %add3A_311 = arith.addi %add3A_253, %add3A_310 : i32
        %mul3A_312 = arith.constant 64 : i32
        %mul3A_313 = arith.muli %add3A_311, %mul3A_312 : i32
        %add3A_314 = arith.addi %mul3A_6, %mul3A_313 : i32
        %dma_wait3A_315 = arith.constant 0 : i32
        %dma_wait3A_316 = arith.constant 0 : i32
        %dma_wait3A_317 = tpu.memref_slice %arg7[%dma_wait3A_315, %dma_wait3A_316] : memref<4x64xi32, #tpu.memory_space<vmem>> -> memref<1x64xi32, #tpu.memory_space<vmem>>
        %dma_wait3A_318 = tpu.memref_squeeze %dma_wait3A_317 : memref<1x64xi32, #tpu.memory_space<vmem>> -> memref<64xi32, #tpu.memory_space<vmem>>
        %dma_wait3A_319 = tpu.memref_slice %arg3[%add3A_314] : memref<327680xi32, #tpu.memory_space<hbm>> -> memref<64xi32, #tpu.memory_space<hbm>>
        %dma_wait3A_320 = arith.constant 0 : i32
        %dma_wait3A_321 = tpu.memref_slice %arg7[%dma_wait3A_315, %dma_wait3A_320] : memref<4x64xi32, #tpu.memory_space<vmem>> -> memref<1x64xi32, #tpu.memory_space<vmem>>
        %dma_wait3A_322 = tpu.memref_squeeze %dma_wait3A_321 : memref<1x64xi32, #tpu.memory_space<vmem>> -> memref<64xi32, #tpu.memory_space<vmem>>
        %dma_wait3A_323 = tpu.memref_slice %arg3[%add3A_314] : memref<327680xi32, #tpu.memory_space<hbm>> -> memref<64xi32, #tpu.memory_space<hbm>>
        tpu.wait_dma2 semaphore(%arg11 : memref<!tpu.dma_semaphore, #tpu.memory_space<semaphore_mem>>) src(%dma_wait3A_323 : memref<64xi32, #tpu.memory_space<hbm>>) dst(%dma_wait3A_322 : memref<64xi32, #tpu.memory_space<vmem>>)
        %mul3A_324 = arith.constant 64 : i32
        %mul3A_325 = arith.muli %add3A_311, %mul3A_324 : i32
        %add3A_326 = arith.addi %mul3A_6, %mul3A_325 : i32
        %dma_wait3A_327 = arith.constant 0 : i32
        %dma_wait3A_328 = arith.constant 0 : i32
        %dma_wait3A_329 = tpu.memref_slice %arg8[%dma_wait3A_327, %dma_wait3A_328] : memref<4x64xi32, #tpu.memory_space<vmem>> -> memref<1x64xi32, #tpu.memory_space<vmem>>
        %dma_wait3A_330 = tpu.memref_squeeze %dma_wait3A_329 : memref<1x64xi32, #tpu.memory_space<vmem>> -> memref<64xi32, #tpu.memory_space<vmem>>
        %dma_wait3A_331 = tpu.memref_slice %arg4[%add3A_326] : memref<327680xi32, #tpu.memory_space<hbm>> -> memref<64xi32, #tpu.memory_space<hbm>>
        %dma_wait3A_332 = arith.constant 0 : i32
        %dma_wait3A_333 = tpu.memref_slice %arg8[%dma_wait3A_327, %dma_wait3A_332] : memref<4x64xi32, #tpu.memory_space<vmem>> -> memref<1x64xi32, #tpu.memory_space<vmem>>
        %dma_wait3A_334 = tpu.memref_squeeze %dma_wait3A_333 : memref<1x64xi32, #tpu.memory_space<vmem>> -> memref<64xi32, #tpu.memory_space<vmem>>
        %dma_wait3A_335 = tpu.memref_slice %arg4[%add3A_326] : memref<327680xi32, #tpu.memory_space<hbm>> -> memref<64xi32, #tpu.memory_space<hbm>>
        tpu.wait_dma2 semaphore(%arg11 : memref<!tpu.dma_semaphore, #tpu.memory_space<semaphore_mem>>) src(%dma_wait3A_335 : memref<64xi32, #tpu.memory_space<hbm>>) dst(%dma_wait3A_334 : memref<64xi32, #tpu.memory_space<vmem>>)
        %dma_start3A_336 = arith.constant 0 : i32
        %dma_start3A_337 = arith.constant 0 : i32
        %dma_start3A_338 = arith.constant 0 : i32
        %dma_start3A_339 = arith.constant 0 : i32
        %dma_start3A_340 = tpu.memref_slice %arg9[%dma_start3A_337, %dma_start3A_338, %dma_start3A_339] : memref<4x64x128xf32, #tpu.memory_space<vmem>> -> memref<1x64x128xf32, #tpu.memory_space<vmem>>
        %dma_start3A_341 = tpu.memref_squeeze %dma_start3A_340 : memref<1x64x128xf32, #tpu.memory_space<vmem>> -> memref<64x128xf32, #tpu.memory_space<vmem>>
        %dma_start3A_342 = arith.constant 0 : i32
        %dma_start3A_343 = tpu.memref_slice %arg7[%dma_start3A_336, %dma_start3A_342] : memref<4x64xi32, #tpu.memory_space<vmem>> -> memref<1x64xi32, #tpu.memory_space<vmem>>
        %dma_start3A_344 = tpu.memref_squeeze %dma_start3A_343 : memref<1x64xi32, #tpu.memory_space<vmem>> -> memref<64xi32, #tpu.memory_space<vmem>>
        %dma_start3A_345 = arith.constant 0 : i32
        %dma_start3A_346 = arith.constant 0 : i32
        %dma_start3A_347 = tpu.memref_slice %arg2[%dma_start3A_345, %dma_start3A_346] : memref<10000x128xf32, #tpu.memory_space<hbm>> -> memref<10000x128xf32, #tpu.memory_space<hbm>>
        tpu.enqueue_indirect_dma source(%dma_start3A_347 : memref<10000x128xf32, #tpu.memory_space<hbm>>) target(%dma_start3A_341 : memref<64x128xf32, #tpu.memory_space<vmem>>) offsets(%dma_start3A_344 : memref<64xi32, #tpu.memory_space<vmem>>) semaphore(%arg15 : memref<!tpu.dma_semaphore, #tpu.memory_space<semaphore_mem>>)
      } else {
      }
      %dma_wait3A_260 = arith.constant 2 : i32
      %dma_wait3A_261 = arith.constant 2 : i32
      %dma_wait3A_262 = arith.constant 0 : i32
      %dma_wait3A_263 = arith.constant 0 : i32
      %dma_wait3A_264 = tpu.memref_slice %arg9[%dma_wait3A_261, %dma_wait3A_262, %dma_wait3A_263] : memref<4x64x128xf32, #tpu.memory_space<vmem>> -> memref<1x64x128xf32, #tpu.memory_space<vmem>>
      %dma_wait3A_265 = tpu.memref_squeeze %dma_wait3A_264 : memref<1x64x128xf32, #tpu.memory_space<vmem>> -> memref<64x128xf32, #tpu.memory_space<vmem>>
      %dma_wait3A_266 = arith.constant 0 : i32
      %dma_wait3A_267 = tpu.memref_slice %arg7[%dma_wait3A_260, %dma_wait3A_266] : memref<4x64xi32, #tpu.memory_space<vmem>> -> memref<1x64xi32, #tpu.memory_space<vmem>>
      %dma_wait3A_268 = tpu.memref_squeeze %dma_wait3A_267 : memref<1x64xi32, #tpu.memory_space<vmem>> -> memref<64xi32, #tpu.memory_space<vmem>>
      %dma_wait3A_269 = arith.constant 0 : i32
      %dma_wait3A_270 = arith.constant 0 : i32
      %dma_wait3A_271 = tpu.memref_slice %arg2[%dma_wait3A_269, %dma_wait3A_270] : memref<10000x128xf32, #tpu.memory_space<hbm>> -> memref<10000x128xf32, #tpu.memory_space<hbm>>
      tpu.wait_indirect_dma semaphore(%arg17 : memref<!tpu.dma_semaphore, #tpu.memory_space<semaphore_mem>>) src(%dma_wait3A_271 : memref<10000x128xf32, #tpu.memory_space<hbm>>) dst(%dma_wait3A_265 : memref<64x128xf32, #tpu.memory_space<vmem>>)
      %run_scoped3A_272 = arith.constant 2 : i32
      %run_scoped3A_273 = arith.constant 2 : i32
      "tpu.region"() ({
        %run_scoped3A_310 = tpu.sem_alloc : memref<!tpu.dma_semaphore, #tpu.memory_space<semaphore_mem>>
        %dma_start3A_311 = arith.constant 0 : i32
        %dma_start3A_312 = arith.constant 0 : i32
        %dma_start3A_313 = tpu.memref_slice %arg9[%run_scoped3A_272, %dma_start3A_311, %dma_start3A_312] : memref<4x64x128xf32, #tpu.memory_space<vmem>> -> memref<1x64x128xf32, #tpu.memory_space<vmem>>
        %dma_start3A_314 = tpu.memref_squeeze %dma_start3A_313 : memref<1x64x128xf32, #tpu.memory_space<vmem>> -> memref<64x128xf32, #tpu.memory_space<vmem>>
        %dma_start3A_315 = arith.constant 0 : i32
        %dma_start3A_316 = tpu.memref_slice %arg8[%run_scoped3A_273, %dma_start3A_315] : memref<4x64xi32, #tpu.memory_space<vmem>> -> memref<1x64xi32, #tpu.memory_space<vmem>>
        %dma_start3A_317 = tpu.memref_squeeze %dma_start3A_316 : memref<1x64xi32, #tpu.memory_space<vmem>> -> memref<64xi32, #tpu.memory_space<vmem>>
        %dma_start3A_318 = arith.constant 0 : i32
        %dma_start3A_319 = arith.constant 0 : i32
        %dma_start3A_320 = tpu.memref_slice %arg10[%dma_start3A_318, %dma_start3A_319] : memref<10000x128xf32, #tpu.memory_space<vmem_shared>> -> memref<10000x128xf32, #tpu.memory_space<vmem_shared>>
        tpu.enqueue_indirect_dma source(%dma_start3A_314 : memref<64x128xf32, #tpu.memory_space<vmem>>) target(%dma_start3A_320 : memref<10000x128xf32, #tpu.memory_space<vmem_shared>>) offsets(%dma_start3A_317 : memref<64xi32, #tpu.memory_space<vmem>>) semaphore(%run_scoped3A_310 : memref<!tpu.dma_semaphore, #tpu.memory_space<semaphore_mem>>) {add = true}
        %dma_wait3A_321 = arith.constant 0 : i32
        %dma_wait3A_322 = arith.constant 0 : i32
        %dma_wait3A_323 = tpu.memref_slice %arg9[%run_scoped3A_272, %dma_wait3A_321, %dma_wait3A_322] : memref<4x64x128xf32, #tpu.memory_space<vmem>> -> memref<1x64x128xf32, #tpu.memory_space<vmem>>
        %dma_wait3A_324 = tpu.memref_squeeze %dma_wait3A_323 : memref<1x64x128xf32, #tpu.memory_space<vmem>> -> memref<64x128xf32, #tpu.memory_space<vmem>>
        %dma_wait3A_325 = arith.constant 0 : i32
        %dma_wait3A_326 = tpu.memref_slice %arg8[%run_scoped3A_273, %dma_wait3A_325] : memref<4x64xi32, #tpu.memory_space<vmem>> -> memref<1x64xi32, #tpu.memory_space<vmem>>
        %dma_wait3A_327 = tpu.memref_squeeze %dma_wait3A_326 : memref<1x64xi32, #tpu.memory_space<vmem>> -> memref<64xi32, #tpu.memory_space<vmem>>
        %dma_wait3A_328 = arith.constant 0 : i32
        %dma_wait3A_329 = arith.constant 0 : i32
        %dma_wait3A_330 = tpu.memref_slice %arg10[%dma_wait3A_328, %dma_wait3A_329] : memref<10000x128xf32, #tpu.memory_space<vmem_shared>> -> memref<10000x128xf32, #tpu.memory_space<vmem_shared>>
        tpu.wait_indirect_dma semaphore(%run_scoped3A_310 : memref<!tpu.dma_semaphore, #tpu.memory_space<semaphore_mem>>) src(%dma_wait3A_324 : memref<64x128xf32, #tpu.memory_space<vmem>>) dst(%dma_wait3A_330 : memref<10000x128xf32, #tpu.memory_space<vmem_shared>>)
        tpu.yield
      }) : () -> ()
      %add3A_274 = arith.constant 4 : i32
      %add3A_275 = arith.addi %add3A_253, %add3A_274 : i32
      %lt3A_276 = arith.cmpi slt, %add3A_275, %add3A_11 : i32
      %convert_element_type3A_277 = arith.extui %lt3A_276 : i1 to i32
      %cond3A_278 = arith.constant 0 : i32
      %cond3A_279 = arith.cmpi ne, %convert_element_type3A_277, %cond3A_278 : i32
      scf.if %cond3A_279 {
        %add3A_310 = arith.constant 4 : i32
        %add3A_311 = arith.addi %add3A_253, %add3A_310 : i32
        %mul3A_312 = arith.constant 64 : i32
        %mul3A_313 = arith.muli %add3A_311, %mul3A_312 : i32
        %add3A_314 = arith.addi %mul3A_6, %mul3A_313 : i32
        %dma_start3A_315 = arith.constant 2 : i32
        %dma_start3A_316 = arith.constant 0 : i32
        %dma_start3A_317 = tpu.memref_slice %arg7[%dma_start3A_315, %dma_start3A_316] : memref<4x64xi32, #tpu.memory_space<vmem>> -> memref<1x64xi32, #tpu.memory_space<vmem>>
        %dma_start3A_318 = tpu.memref_squeeze %dma_start3A_317 : memref<1x64xi32, #tpu.memory_space<vmem>> -> memref<64xi32, #tpu.memory_space<vmem>>
        %dma_start3A_319 = tpu.memref_slice %arg3[%add3A_314] : memref<327680xi32, #tpu.memory_space<hbm>> -> memref<64xi32, #tpu.memory_space<hbm>>
        %dma_start3A_320 = arith.constant 0 : i32
        %dma_start3A_321 = tpu.memref_slice %arg7[%dma_start3A_315, %dma_start3A_320] : memref<4x64xi32, #tpu.memory_space<vmem>> -> memref<1x64xi32, #tpu.memory_space<vmem>>
        %dma_start3A_322 = tpu.memref_squeeze %dma_start3A_321 : memref<1x64xi32, #tpu.memory_space<vmem>> -> memref<64xi32, #tpu.memory_space<vmem>>
        %dma_start3A_323 = tpu.memref_slice %arg3[%add3A_314] : memref<327680xi32, #tpu.memory_space<hbm>> -> memref<64xi32, #tpu.memory_space<hbm>>
        tpu.enqueue_dma source(%dma_start3A_323 : memref<64xi32, #tpu.memory_space<hbm>>) target(%dma_start3A_322 : memref<64xi32, #tpu.memory_space<vmem>>) target_semaphore(%arg13 : memref<!tpu.dma_semaphore, #tpu.memory_space<semaphore_mem>>)
        %mul3A_324 = arith.constant 64 : i32
        %mul3A_325 = arith.muli %add3A_311, %mul3A_324 : i32
        %add3A_326 = arith.addi %mul3A_6, %mul3A_325 : i32
        %dma_start3A_327 = arith.constant 2 : i32
        %dma_start3A_328 = arith.constant 0 : i32
        %dma_start3A_329 = tpu.memref_slice %arg8[%dma_start3A_327, %dma_start3A_328] : memref<4x64xi32, #tpu.memory_space<vmem>> -> memref<1x64xi32, #tpu.memory_space<vmem>>
        %dma_start3A_330 = tpu.memref_squeeze %dma_start3A_329 : memref<1x64xi32, #tpu.memory_space<vmem>> -> memref<64xi32, #tpu.memory_space<vmem>>
        %dma_start3A_331 = tpu.memref_slice %arg4[%add3A_326] : memref<327680xi32, #tpu.memory_space<hbm>> -> memref<64xi32, #tpu.memory_space<hbm>>
        %dma_start3A_332 = arith.constant 0 : i32
        %dma_start3A_333 = tpu.memref_slice %arg8[%dma_start3A_327, %dma_start3A_332] : memref<4x64xi32, #tpu.memory_space<vmem>> -> memref<1x64xi32, #tpu.memory_space<vmem>>
        %dma_start3A_334 = tpu.memref_squeeze %dma_start3A_333 : memref<1x64xi32, #tpu.memory_space<vmem>> -> memref<64xi32, #tpu.memory_space<vmem>>
        %dma_start3A_335 = tpu.memref_slice %arg4[%add3A_326] : memref<327680xi32, #tpu.memory_space<hbm>> -> memref<64xi32, #tpu.memory_space<hbm>>
        tpu.enqueue_dma source(%dma_start3A_335 : memref<64xi32, #tpu.memory_space<hbm>>) target(%dma_start3A_334 : memref<64xi32, #tpu.memory_space<vmem>>) target_semaphore(%arg13 : memref<!tpu.dma_semaphore, #tpu.memory_space<semaphore_mem>>)
      } else {
      }
      %mul3A_280 = arith.constant 4 : i32
      %mul3A_281 = arith.muli %scan3A_190, %mul3A_280 : i32
      %add3A_282 = arith.constant 3 : i32
      %add3A_283 = arith.addi %mul3A_281, %add3A_282 : i32
      %add3A_284 = arith.constant 2 : i32
      %add3A_285 = arith.addi %add3A_283, %add3A_284 : i32
      %lt3A_286 = arith.cmpi slt, %add3A_285, %add3A_11 : i32
      %convert_element_type3A_287 = arith.extui %lt3A_286 : i1 to i32
      %cond3A_288 = arith.constant 0 : i32
      %cond3A_289 = arith.cmpi ne, %convert_element_type3A_287, %cond3A_288 : i32
      scf.if %cond3A_289 {
        %add3A_310 = arith.constant 2 : i32
        %add3A_311 = arith.addi %add3A_283, %add3A_310 : i32
        %mul3A_312 = arith.constant 64 : i32
        %mul3A_313 = arith.muli %add3A_311, %mul3A_312 : i32
        %add3A_314 = arith.addi %mul3A_6, %mul3A_313 : i32
        %dma_wait3A_315 = arith.constant 1 : i32
        %dma_wait3A_316 = arith.constant 0 : i32
        %dma_wait3A_317 = tpu.memref_slice %arg7[%dma_wait3A_315, %dma_wait3A_316] : memref<4x64xi32, #tpu.memory_space<vmem>> -> memref<1x64xi32, #tpu.memory_space<vmem>>
        %dma_wait3A_318 = tpu.memref_squeeze %dma_wait3A_317 : memref<1x64xi32, #tpu.memory_space<vmem>> -> memref<64xi32, #tpu.memory_space<vmem>>
        %dma_wait3A_319 = tpu.memref_slice %arg3[%add3A_314] : memref<327680xi32, #tpu.memory_space<hbm>> -> memref<64xi32, #tpu.memory_space<hbm>>
        %dma_wait3A_320 = arith.constant 0 : i32
        %dma_wait3A_321 = tpu.memref_slice %arg7[%dma_wait3A_315, %dma_wait3A_320] : memref<4x64xi32, #tpu.memory_space<vmem>> -> memref<1x64xi32, #tpu.memory_space<vmem>>
        %dma_wait3A_322 = tpu.memref_squeeze %dma_wait3A_321 : memref<1x64xi32, #tpu.memory_space<vmem>> -> memref<64xi32, #tpu.memory_space<vmem>>
        %dma_wait3A_323 = tpu.memref_slice %arg3[%add3A_314] : memref<327680xi32, #tpu.memory_space<hbm>> -> memref<64xi32, #tpu.memory_space<hbm>>
        tpu.wait_dma2 semaphore(%arg12 : memref<!tpu.dma_semaphore, #tpu.memory_space<semaphore_mem>>) src(%dma_wait3A_323 : memref<64xi32, #tpu.memory_space<hbm>>) dst(%dma_wait3A_322 : memref<64xi32, #tpu.memory_space<vmem>>)
        %mul3A_324 = arith.constant 64 : i32
        %mul3A_325 = arith.muli %add3A_311, %mul3A_324 : i32
        %add3A_326 = arith.addi %mul3A_6, %mul3A_325 : i32
        %dma_wait3A_327 = arith.constant 1 : i32
        %dma_wait3A_328 = arith.constant 0 : i32
        %dma_wait3A_329 = tpu.memref_slice %arg8[%dma_wait3A_327, %dma_wait3A_328] : memref<4x64xi32, #tpu.memory_space<vmem>> -> memref<1x64xi32, #tpu.memory_space<vmem>>
        %dma_wait3A_330 = tpu.memref_squeeze %dma_wait3A_329 : memref<1x64xi32, #tpu.memory_space<vmem>> -> memref<64xi32, #tpu.memory_space<vmem>>
        %dma_wait3A_331 = tpu.memref_slice %arg4[%add3A_326] : memref<327680xi32, #tpu.memory_space<hbm>> -> memref<64xi32, #tpu.memory_space<hbm>>
        %dma_wait3A_332 = arith.constant 0 : i32
        %dma_wait3A_333 = tpu.memref_slice %arg8[%dma_wait3A_327, %dma_wait3A_332] : memref<4x64xi32, #tpu.memory_space<vmem>> -> memref<1x64xi32, #tpu.memory_space<vmem>>
        %dma_wait3A_334 = tpu.memref_squeeze %dma_wait3A_333 : memref<1x64xi32, #tpu.memory_space<vmem>> -> memref<64xi32, #tpu.memory_space<vmem>>
        %dma_wait3A_335 = tpu.memref_slice %arg4[%add3A_326] : memref<327680xi32, #tpu.memory_space<hbm>> -> memref<64xi32, #tpu.memory_space<hbm>>
        tpu.wait_dma2 semaphore(%arg12 : memref<!tpu.dma_semaphore, #tpu.memory_space<semaphore_mem>>) src(%dma_wait3A_335 : memref<64xi32, #tpu.memory_space<hbm>>) dst(%dma_wait3A_334 : memref<64xi32, #tpu.memory_space<vmem>>)
        %dma_start3A_336 = arith.constant 1 : i32
        %dma_start3A_337 = arith.constant 1 : i32
        %dma_start3A_338 = arith.constant 0 : i32
        %dma_start3A_339 = arith.constant 0 : i32
        %dma_start3A_340 = tpu.memref_slice %arg9[%dma_start3A_337, %dma_start3A_338, %dma_start3A_339] : memref<4x64x128xf32, #tpu.memory_space<vmem>> -> memref<1x64x128xf32, #tpu.memory_space<vmem>>
        %dma_start3A_341 = tpu.memref_squeeze %dma_start3A_340 : memref<1x64x128xf32, #tpu.memory_space<vmem>> -> memref<64x128xf32, #tpu.memory_space<vmem>>
        %dma_start3A_342 = arith.constant 0 : i32
        %dma_start3A_343 = tpu.memref_slice %arg7[%dma_start3A_336, %dma_start3A_342] : memref<4x64xi32, #tpu.memory_space<vmem>> -> memref<1x64xi32, #tpu.memory_space<vmem>>
        %dma_start3A_344 = tpu.memref_squeeze %dma_start3A_343 : memref<1x64xi32, #tpu.memory_space<vmem>> -> memref<64xi32, #tpu.memory_space<vmem>>
        %dma_start3A_345 = arith.constant 0 : i32
        %dma_start3A_346 = arith.constant 0 : i32
        %dma_start3A_347 = tpu.memref_slice %arg2[%dma_start3A_345, %dma_start3A_346] : memref<10000x128xf32, #tpu.memory_space<hbm>> -> memref<10000x128xf32, #tpu.memory_space<hbm>>
        tpu.enqueue_indirect_dma source(%dma_start3A_347 : memref<10000x128xf32, #tpu.memory_space<hbm>>) target(%dma_start3A_341 : memref<64x128xf32, #tpu.memory_space<vmem>>) offsets(%dma_start3A_344 : memref<64xi32, #tpu.memory_space<vmem>>) semaphore(%arg16 : memref<!tpu.dma_semaphore, #tpu.memory_space<semaphore_mem>>)
      } else {
      }
      %dma_wait3A_290 = arith.constant 3 : i32
      %dma_wait3A_291 = arith.constant 3 : i32
      %dma_wait3A_292 = arith.constant 0 : i32
      %dma_wait3A_293 = arith.constant 0 : i32
      %dma_wait3A_294 = tpu.memref_slice %arg9[%dma_wait3A_291, %dma_wait3A_292, %dma_wait3A_293] : memref<4x64x128xf32, #tpu.memory_space<vmem>> -> memref<1x64x128xf32, #tpu.memory_space<vmem>>
      %dma_wait3A_295 = tpu.memref_squeeze %dma_wait3A_294 : memref<1x64x128xf32, #tpu.memory_space<vmem>> -> memref<64x128xf32, #tpu.memory_space<vmem>>
      %dma_wait3A_296 = arith.constant 0 : i32
      %dma_wait3A_297 = tpu.memref_slice %arg7[%dma_wait3A_290, %dma_wait3A_296] : memref<4x64xi32, #tpu.memory_space<vmem>> -> memref<1x64xi32, #tpu.memory_space<vmem>>
      %dma_wait3A_298 = tpu.memref_squeeze %dma_wait3A_297 : memref<1x64xi32, #tpu.memory_space<vmem>> -> memref<64xi32, #tpu.memory_space<vmem>>
      %dma_wait3A_299 = arith.constant 0 : i32
      %dma_wait3A_300 = arith.constant 0 : i32
      %dma_wait3A_301 = tpu.memref_slice %arg2[%dma_wait3A_299, %dma_wait3A_300] : memref<10000x128xf32, #tpu.memory_space<hbm>> -> memref<10000x128xf32, #tpu.memory_space<hbm>>
      tpu.wait_indirect_dma semaphore(%arg18 : memref<!tpu.dma_semaphore, #tpu.memory_space<semaphore_mem>>) src(%dma_wait3A_301 : memref<10000x128xf32, #tpu.memory_space<hbm>>) dst(%dma_wait3A_295 : memref<64x128xf32, #tpu.memory_space<vmem>>)
      %run_scoped3A_302 = arith.constant 3 : i32
      %run_scoped3A_303 = arith.constant 3 : i32
      "tpu.region"() ({
        %run_scoped3A_310 = tpu.sem_alloc : memref<!tpu.dma_semaphore, #tpu.memory_space<semaphore_mem>>
        %dma_start3A_311 = arith.constant 0 : i32
        %dma_start3A_312 = arith.constant 0 : i32
        %dma_start3A_313 = tpu.memref_slice %arg9[%run_scoped3A_302, %dma_start3A_311, %dma_start3A_312] : memref<4x64x128xf32, #tpu.memory_space<vmem>> -> memref<1x64x128xf32, #tpu.memory_space<vmem>>
        %dma_start3A_314 = tpu.memref_squeeze %dma_start3A_313 : memref<1x64x128xf32, #tpu.memory_space<vmem>> -> memref<64x128xf32, #tpu.memory_space<vmem>>
        %dma_start3A_315 = arith.constant 0 : i32
        %dma_start3A_316 = tpu.memref_slice %arg8[%run_scoped3A_303, %dma_start3A_315] : memref<4x64xi32, #tpu.memory_space<vmem>> -> memref<1x64xi32, #tpu.memory_space<vmem>>
        %dma_start3A_317 = tpu.memref_squeeze %dma_start3A_316 : memref<1x64xi32, #tpu.memory_space<vmem>> -> memref<64xi32, #tpu.memory_space<vmem>>
        %dma_start3A_318 = arith.constant 0 : i32
        %dma_start3A_319 = arith.constant 0 : i32
        %dma_start3A_320 = tpu.memref_slice %arg10[%dma_start3A_318, %dma_start3A_319] : memref<10000x128xf32, #tpu.memory_space<vmem_shared>> -> memref<10000x128xf32, #tpu.memory_space<vmem_shared>>
        tpu.enqueue_indirect_dma source(%dma_start3A_314 : memref<64x128xf32, #tpu.memory_space<vmem>>) target(%dma_start3A_320 : memref<10000x128xf32, #tpu.memory_space<vmem_shared>>) offsets(%dma_start3A_317 : memref<64xi32, #tpu.memory_space<vmem>>) semaphore(%run_scoped3A_310 : memref<!tpu.dma_semaphore, #tpu.memory_space<semaphore_mem>>) {add = true}
        %dma_wait3A_321 = arith.constant 0 : i32
        %dma_wait3A_322 = arith.constant 0 : i32
        %dma_wait3A_323 = tpu.memref_slice %arg9[%run_scoped3A_302, %dma_wait3A_321, %dma_wait3A_322] : memref<4x64x128xf32, #tpu.memory_space<vmem>> -> memref<1x64x128xf32, #tpu.memory_space<vmem>>
        %dma_wait3A_324 = tpu.memref_squeeze %dma_wait3A_323 : memref<1x64x128xf32, #tpu.memory_space<vmem>> -> memref<64x128xf32, #tpu.memory_space<vmem>>
        %dma_wait3A_325 = arith.constant 0 : i32
        %dma_wait3A_326 = tpu.memref_slice %arg8[%run_scoped3A_303, %dma_wait3A_325] : memref<4x64xi32, #tpu.memory_space<vmem>> -> memref<1x64xi32, #tpu.memory_space<vmem>>
        %dma_wait3A_327 = tpu.memref_squeeze %dma_wait3A_326 : memref<1x64xi32, #tpu.memory_space<vmem>> -> memref<64xi32, #tpu.memory_space<vmem>>
        %dma_wait3A_328 = arith.constant 0 : i32
        %dma_wait3A_329 = arith.constant 0 : i32
        %dma_wait3A_330 = tpu.memref_slice %arg10[%dma_wait3A_328, %dma_wait3A_329] : memref<10000x128xf32, #tpu.memory_space<vmem_shared>> -> memref<10000x128xf32, #tpu.memory_space<vmem_shared>>
        tpu.wait_indirect_dma semaphore(%run_scoped3A_310 : memref<!tpu.dma_semaphore, #tpu.memory_space<semaphore_mem>>) src(%dma_wait3A_324 : memref<64x128xf32, #tpu.memory_space<vmem>>) dst(%dma_wait3A_330 : memref<10000x128xf32, #tpu.memory_space<vmem_shared>>)
        tpu.yield
      }) : () -> ()
      %add3A_304 = arith.constant 4 : i32
      %add3A_305 = arith.addi %add3A_283, %add3A_304 : i32
      %lt3A_306 = arith.cmpi slt, %add3A_305, %add3A_11 : i32
      %convert_element_type3A_307 = arith.extui %lt3A_306 : i1 to i32
      %cond3A_308 = arith.constant 0 : i32
      %cond3A_309 = arith.cmpi ne, %convert_element_type3A_307, %cond3A_308 : i32
      scf.if %cond3A_309 {
        %add3A_310 = arith.constant 4 : i32
        %add3A_311 = arith.addi %add3A_283, %add3A_310 : i32
        %mul3A_312 = arith.constant 64 : i32
        %mul3A_313 = arith.muli %add3A_311, %mul3A_312 : i32
        %add3A_314 = arith.addi %mul3A_6, %mul3A_313 : i32
        %dma_start3A_315 = arith.constant 3 : i32
        %dma_start3A_316 = arith.constant 0 : i32
        %dma_start3A_317 = tpu.memref_slice %arg7[%dma_start3A_315, %dma_start3A_316] : memref<4x64xi32, #tpu.memory_space<vmem>> -> memref<1x64xi32, #tpu.memory_space<vmem>>
        %dma_start3A_318 = tpu.memref_squeeze %dma_start3A_317 : memref<1x64xi32, #tpu.memory_space<vmem>> -> memref<64xi32, #tpu.memory_space<vmem>>
        %dma_start3A_319 = tpu.memref_slice %arg3[%add3A_314] : memref<327680xi32, #tpu.memory_space<hbm>> -> memref<64xi32, #tpu.memory_space<hbm>>
        %dma_start3A_320 = arith.constant 0 : i32
        %dma_start3A_321 = tpu.memref_slice %arg7[%dma_start3A_315, %dma_start3A_320] : memref<4x64xi32, #tpu.memory_space<vmem>> -> memref<1x64xi32, #tpu.memory_space<vmem>>
        %dma_start3A_322 = tpu.memref_squeeze %dma_start3A_321 : memref<1x64xi32, #tpu.memory_space<vmem>> -> memref<64xi32, #tpu.memory_space<vmem>>
        %dma_start3A_323 = tpu.memref_slice %arg3[%add3A_314] : memref<327680xi32, #tpu.memory_space<hbm>> -> memref<64xi32, #tpu.memory_space<hbm>>
        tpu.enqueue_dma source(%dma_start3A_323 : memref<64xi32, #tpu.memory_space<hbm>>) target(%dma_start3A_322 : memref<64xi32, #tpu.memory_space<vmem>>) target_semaphore(%arg14 : memref<!tpu.dma_semaphore, #tpu.memory_space<semaphore_mem>>)
        %mul3A_324 = arith.constant 64 : i32
        %mul3A_325 = arith.muli %add3A_311, %mul3A_324 : i32
        %add3A_326 = arith.addi %mul3A_6, %mul3A_325 : i32
        %dma_start3A_327 = arith.constant 3 : i32
        %dma_start3A_328 = arith.constant 0 : i32
        %dma_start3A_329 = tpu.memref_slice %arg8[%dma_start3A_327, %dma_start3A_328] : memref<4x64xi32, #tpu.memory_space<vmem>> -> memref<1x64xi32, #tpu.memory_space<vmem>>
        %dma_start3A_330 = tpu.memref_squeeze %dma_start3A_329 : memref<1x64xi32, #tpu.memory_space<vmem>> -> memref<64xi32, #tpu.memory_space<vmem>>
        %dma_start3A_331 = tpu.memref_slice %arg4[%add3A_326] : memref<327680xi32, #tpu.memory_space<hbm>> -> memref<64xi32, #tpu.memory_space<hbm>>
        %dma_start3A_332 = arith.constant 0 : i32
        %dma_start3A_333 = tpu.memref_slice %arg8[%dma_start3A_327, %dma_start3A_332] : memref<4x64xi32, #tpu.memory_space<vmem>> -> memref<1x64xi32, #tpu.memory_space<vmem>>
        %dma_start3A_334 = tpu.memref_squeeze %dma_start3A_333 : memref<1x64xi32, #tpu.memory_space<vmem>> -> memref<64xi32, #tpu.memory_space<vmem>>
        %dma_start3A_335 = tpu.memref_slice %arg4[%add3A_326] : memref<327680xi32, #tpu.memory_space<hbm>> -> memref<64xi32, #tpu.memory_space<hbm>>
        tpu.enqueue_dma source(%dma_start3A_335 : memref<64xi32, #tpu.memory_space<hbm>>) target(%dma_start3A_334 : memref<64xi32, #tpu.memory_space<vmem>>) target_semaphore(%arg14 : memref<!tpu.dma_semaphore, #tpu.memory_space<semaphore_mem>>)
      } else {
      }
    }
    %scan3A_174 = arith.constant 39 : i32
    %gt3A = arith.constant 156 : i32
    %gt3A_175 = arith.cmpi sgt, %add3A_11, %gt3A : i32
    %convert_element_type3A_176 = arith.extui %gt3A_175 : i1 to i32
    %cond3A_177 = arith.constant 0 : i32
    %cond3A_178 = arith.cmpi ne, %convert_element_type3A_176, %cond3A_177 : i32
    scf.if %cond3A_178 {
      %gt3A_190 = arith.constant 158 : i32
      %gt3A_191 = arith.cmpi sgt, %add3A_11, %gt3A_190 : i32
      %convert_element_type3A_192 = arith.extui %gt3A_191 : i1 to i32
      %cond3A_193 = arith.constant 0 : i32
      %cond3A_194 = arith.cmpi ne, %convert_element_type3A_192, %cond3A_193 : i32
      scf.if %cond3A_194 {
        %add3A_213 = arith.constant 10112 : i32
        %add3A_214 = arith.addi %mul3A_6, %add3A_213 : i32
        %dma_wait3A_215 = arith.constant 2 : i32
        %dma_wait3A_216 = arith.constant 0 : i32
        %dma_wait3A_217 = tpu.memref_slice %arg7[%dma_wait3A_215, %dma_wait3A_216] : memref<4x64xi32, #tpu.memory_space<vmem>> -> memref<1x64xi32, #tpu.memory_space<vmem>>
        %dma_wait3A_218 = tpu.memref_squeeze %dma_wait3A_217 : memref<1x64xi32, #tpu.memory_space<vmem>> -> memref<64xi32, #tpu.memory_space<vmem>>
        %dma_wait3A_219 = tpu.memref_slice %arg3[%add3A_214] : memref<327680xi32, #tpu.memory_space<hbm>> -> memref<64xi32, #tpu.memory_space<hbm>>
        %dma_wait3A_220 = arith.constant 0 : i32
        %dma_wait3A_221 = tpu.memref_slice %arg7[%dma_wait3A_215, %dma_wait3A_220] : memref<4x64xi32, #tpu.memory_space<vmem>> -> memref<1x64xi32, #tpu.memory_space<vmem>>
        %dma_wait3A_222 = tpu.memref_squeeze %dma_wait3A_221 : memref<1x64xi32, #tpu.memory_space<vmem>> -> memref<64xi32, #tpu.memory_space<vmem>>
        %dma_wait3A_223 = tpu.memref_slice %arg3[%add3A_214] : memref<327680xi32, #tpu.memory_space<hbm>> -> memref<64xi32, #tpu.memory_space<hbm>>
        tpu.wait_dma2 semaphore(%arg13 : memref<!tpu.dma_semaphore, #tpu.memory_space<semaphore_mem>>) src(%dma_wait3A_223 : memref<64xi32, #tpu.memory_space<hbm>>) dst(%dma_wait3A_222 : memref<64xi32, #tpu.memory_space<vmem>>)
        %add3A_224 = arith.constant 10112 : i32
        %add3A_225 = arith.addi %mul3A_6, %add3A_224 : i32
        %dma_wait3A_226 = arith.constant 2 : i32
        %dma_wait3A_227 = arith.constant 0 : i32
        %dma_wait3A_228 = tpu.memref_slice %arg8[%dma_wait3A_226, %dma_wait3A_227] : memref<4x64xi32, #tpu.memory_space<vmem>> -> memref<1x64xi32, #tpu.memory_space<vmem>>
        %dma_wait3A_229 = tpu.memref_squeeze %dma_wait3A_228 : memref<1x64xi32, #tpu.memory_space<vmem>> -> memref<64xi32, #tpu.memory_space<vmem>>
        %dma_wait3A_230 = tpu.memref_slice %arg4[%add3A_225] : memref<327680xi32, #tpu.memory_space<hbm>> -> memref<64xi32, #tpu.memory_space<hbm>>
        %dma_wait3A_231 = arith.constant 0 : i32
        %dma_wait3A_232 = tpu.memref_slice %arg8[%dma_wait3A_226, %dma_wait3A_231] : memref<4x64xi32, #tpu.memory_space<vmem>> -> memref<1x64xi32, #tpu.memory_space<vmem>>
        %dma_wait3A_233 = tpu.memref_squeeze %dma_wait3A_232 : memref<1x64xi32, #tpu.memory_space<vmem>> -> memref<64xi32, #tpu.memory_space<vmem>>
        %dma_wait3A_234 = tpu.memref_slice %arg4[%add3A_225] : memref<327680xi32, #tpu.memory_space<hbm>> -> memref<64xi32, #tpu.memory_space<hbm>>
        tpu.wait_dma2 semaphore(%arg13 : memref<!tpu.dma_semaphore, #tpu.memory_space<semaphore_mem>>) src(%dma_wait3A_234 : memref<64xi32, #tpu.memory_space<hbm>>) dst(%dma_wait3A_233 : memref<64xi32, #tpu.memory_space<vmem>>)
        %dma_start3A_235 = arith.constant 2 : i32
        %dma_start3A_236 = arith.constant 2 : i32
        %dma_start3A_237 = arith.constant 0 : i32
        %dma_start3A_238 = arith.constant 0 : i32
        %dma_start3A_239 = tpu.memref_slice %arg9[%dma_start3A_236, %dma_start3A_237, %dma_start3A_238] : memref<4x64x128xf32, #tpu.memory_space<vmem>> -> memref<1x64x128xf32, #tpu.memory_space<vmem>>
        %dma_start3A_240 = tpu.memref_squeeze %dma_start3A_239 : memref<1x64x128xf32, #tpu.memory_space<vmem>> -> memref<64x128xf32, #tpu.memory_space<vmem>>
        %dma_start3A_241 = arith.constant 0 : i32
        %dma_start3A_242 = tpu.memref_slice %arg7[%dma_start3A_235, %dma_start3A_241] : memref<4x64xi32, #tpu.memory_space<vmem>> -> memref<1x64xi32, #tpu.memory_space<vmem>>
        %dma_start3A_243 = tpu.memref_squeeze %dma_start3A_242 : memref<1x64xi32, #tpu.memory_space<vmem>> -> memref<64xi32, #tpu.memory_space<vmem>>
        %dma_start3A_244 = arith.constant 0 : i32
        %dma_start3A_245 = arith.constant 0 : i32
        %dma_start3A_246 = tpu.memref_slice %arg2[%dma_start3A_244, %dma_start3A_245] : memref<10000x128xf32, #tpu.memory_space<hbm>> -> memref<10000x128xf32, #tpu.memory_space<hbm>>
        tpu.enqueue_indirect_dma source(%dma_start3A_246 : memref<10000x128xf32, #tpu.memory_space<hbm>>) target(%dma_start3A_240 : memref<64x128xf32, #tpu.memory_space<vmem>>) offsets(%dma_start3A_243 : memref<64xi32, #tpu.memory_space<vmem>>) semaphore(%arg17 : memref<!tpu.dma_semaphore, #tpu.memory_space<semaphore_mem>>)
      } else {
      }
      %dma_wait3A_195 = arith.constant 0 : i32
      %dma_wait3A_196 = arith.constant 0 : i32
      %dma_wait3A_197 = arith.constant 0 : i32
      %dma_wait3A_198 = arith.constant 0 : i32
      %dma_wait3A_199 = tpu.memref_slice %arg9[%dma_wait3A_196, %dma_wait3A_197, %dma_wait3A_198] : memref<4x64x128xf32, #tpu.memory_space<vmem>> -> memref<1x64x128xf32, #tpu.memory_space<vmem>>
      %dma_wait3A_200 = tpu.memref_squeeze %dma_wait3A_199 : memref<1x64x128xf32, #tpu.memory_space<vmem>> -> memref<64x128xf32, #tpu.memory_space<vmem>>
      %dma_wait3A_201 = arith.constant 0 : i32
      %dma_wait3A_202 = tpu.memref_slice %arg7[%dma_wait3A_195, %dma_wait3A_201] : memref<4x64xi32, #tpu.memory_space<vmem>> -> memref<1x64xi32, #tpu.memory_space<vmem>>
      %dma_wait3A_203 = tpu.memref_squeeze %dma_wait3A_202 : memref<1x64xi32, #tpu.memory_space<vmem>> -> memref<64xi32, #tpu.memory_space<vmem>>
      %dma_wait3A_204 = arith.constant 0 : i32
      %dma_wait3A_205 = arith.constant 0 : i32
      %dma_wait3A_206 = tpu.memref_slice %arg2[%dma_wait3A_204, %dma_wait3A_205] : memref<10000x128xf32, #tpu.memory_space<hbm>> -> memref<10000x128xf32, #tpu.memory_space<hbm>>
      tpu.wait_indirect_dma semaphore(%arg15 : memref<!tpu.dma_semaphore, #tpu.memory_space<semaphore_mem>>) src(%dma_wait3A_206 : memref<10000x128xf32, #tpu.memory_space<hbm>>) dst(%dma_wait3A_200 : memref<64x128xf32, #tpu.memory_space<vmem>>)
      %run_scoped3A = arith.constant 0 : i32
      %run_scoped3A_207 = arith.constant 0 : i32
      "tpu.region"() ({
        %run_scoped3A_213 = tpu.sem_alloc : memref<!tpu.dma_semaphore, #tpu.memory_space<semaphore_mem>>
        %dma_start3A_214 = arith.constant 0 : i32
        %dma_start3A_215 = arith.constant 0 : i32
        %dma_start3A_216 = tpu.memref_slice %arg9[%run_scoped3A, %dma_start3A_214, %dma_start3A_215] : memref<4x64x128xf32, #tpu.memory_space<vmem>> -> memref<1x64x128xf32, #tpu.memory_space<vmem>>
        %dma_start3A_217 = tpu.memref_squeeze %dma_start3A_216 : memref<1x64x128xf32, #tpu.memory_space<vmem>> -> memref<64x128xf32, #tpu.memory_space<vmem>>
        %dma_start3A_218 = arith.constant 0 : i32
        %dma_start3A_219 = tpu.memref_slice %arg8[%run_scoped3A_207, %dma_start3A_218] : memref<4x64xi32, #tpu.memory_space<vmem>> -> memref<1x64xi32, #tpu.memory_space<vmem>>
        %dma_start3A_220 = tpu.memref_squeeze %dma_start3A_219 : memref<1x64xi32, #tpu.memory_space<vmem>> -> memref<64xi32, #tpu.memory_space<vmem>>
        %dma_start3A_221 = arith.constant 0 : i32
        %dma_start3A_222 = arith.constant 0 : i32
        %dma_start3A_223 = tpu.memref_slice %arg10[%dma_start3A_221, %dma_start3A_222] : memref<10000x128xf32, #tpu.memory_space<vmem_shared>> -> memref<10000x128xf32, #tpu.memory_space<vmem_shared>>
        tpu.enqueue_indirect_dma source(%dma_start3A_217 : memref<64x128xf32, #tpu.memory_space<vmem>>) target(%dma_start3A_223 : memref<10000x128xf32, #tpu.memory_space<vmem_shared>>) offsets(%dma_start3A_220 : memref<64xi32, #tpu.memory_space<vmem>>) semaphore(%run_scoped3A_213 : memref<!tpu.dma_semaphore, #tpu.memory_space<semaphore_mem>>) {add = true}
        %dma_wait3A_224 = arith.constant 0 : i32
        %dma_wait3A_225 = arith.constant 0 : i32
        %dma_wait3A_226 = tpu.memref_slice %arg9[%run_scoped3A, %dma_wait3A_224, %dma_wait3A_225] : memref<4x64x128xf32, #tpu.memory_space<vmem>> -> memref<1x64x128xf32, #tpu.memory_space<vmem>>
        %dma_wait3A_227 = tpu.memref_squeeze %dma_wait3A_226 : memref<1x64x128xf32, #tpu.memory_space<vmem>> -> memref<64x128xf32, #tpu.memory_space<vmem>>
        %dma_wait3A_228 = arith.constant 0 : i32
        %dma_wait3A_229 = tpu.memref_slice %arg8[%run_scoped3A_207, %dma_wait3A_228] : memref<4x64xi32, #tpu.memory_space<vmem>> -> memref<1x64xi32, #tpu.memory_space<vmem>>
        %dma_wait3A_230 = tpu.memref_squeeze %dma_wait3A_229 : memref<1x64xi32, #tpu.memory_space<vmem>> -> memref<64xi32, #tpu.memory_space<vmem>>
        %dma_wait3A_231 = arith.constant 0 : i32
        %dma_wait3A_232 = arith.constant 0 : i32
        %dma_wait3A_233 = tpu.memref_slice %arg10[%dma_wait3A_231, %dma_wait3A_232] : memref<10000x128xf32, #tpu.memory_space<vmem_shared>> -> memref<10000x128xf32, #tpu.memory_space<vmem_shared>>
        tpu.wait_indirect_dma semaphore(%run_scoped3A_213 : memref<!tpu.dma_semaphore, #tpu.memory_space<semaphore_mem>>) src(%dma_wait3A_227 : memref<64x128xf32, #tpu.memory_space<vmem>>) dst(%dma_wait3A_233 : memref<10000x128xf32, #tpu.memory_space<vmem_shared>>)
        tpu.yield
      }) : () -> ()
      %gt3A_208 = arith.constant 160 : i32
      %gt3A_209 = arith.cmpi sgt, %add3A_11, %gt3A_208 : i32
      %convert_element_type3A_210 = arith.extui %gt3A_209 : i1 to i32
      %cond3A_211 = arith.constant 0 : i32
      %cond3A_212 = arith.cmpi ne, %convert_element_type3A_210, %cond3A_211 : i32
      scf.if %cond3A_212 {
        %add3A_213 = arith.constant 10240 : i32
        %add3A_214 = arith.addi %mul3A_6, %add3A_213 : i32
        %dma_start3A_215 = arith.constant 0 : i32
        %dma_start3A_216 = arith.constant 0 : i32
        %dma_start3A_217 = tpu.memref_slice %arg7[%dma_start3A_215, %dma_start3A_216] : memref<4x64xi32, #tpu.memory_space<vmem>> -> memref<1x64xi32, #tpu.memory_space<vmem>>
        %dma_start3A_218 = tpu.memref_squeeze %dma_start3A_217 : memref<1x64xi32, #tpu.memory_space<vmem>> -> memref<64xi32, #tpu.memory_space<vmem>>
        %dma_start3A_219 = tpu.memref_slice %arg3[%add3A_214] : memref<327680xi32, #tpu.memory_space<hbm>> -> memref<64xi32, #tpu.memory_space<hbm>>
        %dma_start3A_220 = arith.constant 0 : i32
        %dma_start3A_221 = tpu.memref_slice %arg7[%dma_start3A_215, %dma_start3A_220] : memref<4x64xi32, #tpu.memory_space<vmem>> -> memref<1x64xi32, #tpu.memory_space<vmem>>
        %dma_start3A_222 = tpu.memref_squeeze %dma_start3A_221 : memref<1x64xi32, #tpu.memory_space<vmem>> -> memref<64xi32, #tpu.memory_space<vmem>>
        %dma_start3A_223 = tpu.memref_slice %arg3[%add3A_214] : memref<327680xi32, #tpu.memory_space<hbm>> -> memref<64xi32, #tpu.memory_space<hbm>>
        tpu.enqueue_dma source(%dma_start3A_223 : memref<64xi32, #tpu.memory_space<hbm>>) target(%dma_start3A_222 : memref<64xi32, #tpu.memory_space<vmem>>) target_semaphore(%arg11 : memref<!tpu.dma_semaphore, #tpu.memory_space<semaphore_mem>>)
        %add3A_224 = arith.constant 10240 : i32
        %add3A_225 = arith.addi %mul3A_6, %add3A_224 : i32
        %dma_start3A_226 = arith.constant 0 : i32
        %dma_start3A_227 = arith.constant 0 : i32
        %dma_start3A_228 = tpu.memref_slice %arg8[%dma_start3A_226, %dma_start3A_227] : memref<4x64xi32, #tpu.memory_space<vmem>> -> memref<1x64xi32, #tpu.memory_space<vmem>>
        %dma_start3A_229 = tpu.memref_squeeze %dma_start3A_228 : memref<1x64xi32, #tpu.memory_space<vmem>> -> memref<64xi32, #tpu.memory_space<vmem>>
        %dma_start3A_230 = tpu.memref_slice %arg4[%add3A_225] : memref<327680xi32, #tpu.memory_space<hbm>> -> memref<64xi32, #tpu.memory_space<hbm>>
        %dma_start3A_231 = arith.constant 0 : i32
        %dma_start3A_232 = tpu.memref_slice %arg8[%dma_start3A_226, %dma_start3A_231] : memref<4x64xi32, #tpu.memory_space<vmem>> -> memref<1x64xi32, #tpu.memory_space<vmem>>
        %dma_start3A_233 = tpu.memref_squeeze %dma_start3A_232 : memref<1x64xi32, #tpu.memory_space<vmem>> -> memref<64xi32, #tpu.memory_space<vmem>>
        %dma_start3A_234 = tpu.memref_slice %arg4[%add3A_225] : memref<327680xi32, #tpu.memory_space<hbm>> -> memref<64xi32, #tpu.memory_space<hbm>>
        tpu.enqueue_dma source(%dma_start3A_234 : memref<64xi32, #tpu.memory_space<hbm>>) target(%dma_start3A_233 : memref<64xi32, #tpu.memory_space<vmem>>) target_semaphore(%arg11 : memref<!tpu.dma_semaphore, #tpu.memory_space<semaphore_mem>>)
      } else {
      }
    } else {
    }
    %gt3A_179 = arith.constant 157 : i32
    %gt3A_180 = arith.cmpi sgt, %add3A_11, %gt3A_179 : i32
    %convert_element_type3A_181 = arith.extui %gt3A_180 : i1 to i32
    %cond3A_182 = arith.constant 0 : i32
    %cond3A_183 = arith.cmpi ne, %convert_element_type3A_181, %cond3A_182 : i32
    scf.if %cond3A_183 {
      %gt3A_190 = arith.constant 159 : i32
      %gt3A_191 = arith.cmpi sgt, %add3A_11, %gt3A_190 : i32
      %convert_element_type3A_192 = arith.extui %gt3A_191 : i1 to i32
      %cond3A_193 = arith.constant 0 : i32
      %cond3A_194 = arith.cmpi ne, %convert_element_type3A_192, %cond3A_193 : i32
      scf.if %cond3A_194 {
        %add3A_213 = arith.constant 10176 : i32
        %add3A_214 = arith.addi %mul3A_6, %add3A_213 : i32
        %dma_wait3A_215 = arith.constant 3 : i32
        %dma_wait3A_216 = arith.constant 0 : i32
        %dma_wait3A_217 = tpu.memref_slice %arg7[%dma_wait3A_215, %dma_wait3A_216] : memref<4x64xi32, #tpu.memory_space<vmem>> -> memref<1x64xi32, #tpu.memory_space<vmem>>
        %dma_wait3A_218 = tpu.memref_squeeze %dma_wait3A_217 : memref<1x64xi32, #tpu.memory_space<vmem>> -> memref<64xi32, #tpu.memory_space<vmem>>
        %dma_wait3A_219 = tpu.memref_slice %arg3[%add3A_214] : memref<327680xi32, #tpu.memory_space<hbm>> -> memref<64xi32, #tpu.memory_space<hbm>>
        %dma_wait3A_220 = arith.constant 0 : i32
        %dma_wait3A_221 = tpu.memref_slice %arg7[%dma_wait3A_215, %dma_wait3A_220] : memref<4x64xi32, #tpu.memory_space<vmem>> -> memref<1x64xi32, #tpu.memory_space<vmem>>
        %dma_wait3A_222 = tpu.memref_squeeze %dma_wait3A_221 : memref<1x64xi32, #tpu.memory_space<vmem>> -> memref<64xi32, #tpu.memory_space<vmem>>
        %dma_wait3A_223 = tpu.memref_slice %arg3[%add3A_214] : memref<327680xi32, #tpu.memory_space<hbm>> -> memref<64xi32, #tpu.memory_space<hbm>>
        tpu.wait_dma2 semaphore(%arg14 : memref<!tpu.dma_semaphore, #tpu.memory_space<semaphore_mem>>) src(%dma_wait3A_223 : memref<64xi32, #tpu.memory_space<hbm>>) dst(%dma_wait3A_222 : memref<64xi32, #tpu.memory_space<vmem>>)
        %add3A_224 = arith.constant 10176 : i32
        %add3A_225 = arith.addi %mul3A_6, %add3A_224 : i32
        %dma_wait3A_226 = arith.constant 3 : i32
        %dma_wait3A_227 = arith.constant 0 : i32
        %dma_wait3A_228 = tpu.memref_slice %arg8[%dma_wait3A_226, %dma_wait3A_227] : memref<4x64xi32, #tpu.memory_space<vmem>> -> memref<1x64xi32, #tpu.memory_space<vmem>>
        %dma_wait3A_229 = tpu.memref_squeeze %dma_wait3A_228 : memref<1x64xi32, #tpu.memory_space<vmem>> -> memref<64xi32, #tpu.memory_space<vmem>>
        %dma_wait3A_230 = tpu.memref_slice %arg4[%add3A_225] : memref<327680xi32, #tpu.memory_space<hbm>> -> memref<64xi32, #tpu.memory_space<hbm>>
        %dma_wait3A_231 = arith.constant 0 : i32
        %dma_wait3A_232 = tpu.memref_slice %arg8[%dma_wait3A_226, %dma_wait3A_231] : memref<4x64xi32, #tpu.memory_space<vmem>> -> memref<1x64xi32, #tpu.memory_space<vmem>>
        %dma_wait3A_233 = tpu.memref_squeeze %dma_wait3A_232 : memref<1x64xi32, #tpu.memory_space<vmem>> -> memref<64xi32, #tpu.memory_space<vmem>>
        %dma_wait3A_234 = tpu.memref_slice %arg4[%add3A_225] : memref<327680xi32, #tpu.memory_space<hbm>> -> memref<64xi32, #tpu.memory_space<hbm>>
        tpu.wait_dma2 semaphore(%arg14 : memref<!tpu.dma_semaphore, #tpu.memory_space<semaphore_mem>>) src(%dma_wait3A_234 : memref<64xi32, #tpu.memory_space<hbm>>) dst(%dma_wait3A_233 : memref<64xi32, #tpu.memory_space<vmem>>)
        %dma_start3A_235 = arith.constant 3 : i32
        %dma_start3A_236 = arith.constant 3 : i32
        %dma_start3A_237 = arith.constant 0 : i32
        %dma_start3A_238 = arith.constant 0 : i32
        %dma_start3A_239 = tpu.memref_slice %arg9[%dma_start3A_236, %dma_start3A_237, %dma_start3A_238] : memref<4x64x128xf32, #tpu.memory_space<vmem>> -> memref<1x64x128xf32, #tpu.memory_space<vmem>>
        %dma_start3A_240 = tpu.memref_squeeze %dma_start3A_239 : memref<1x64x128xf32, #tpu.memory_space<vmem>> -> memref<64x128xf32, #tpu.memory_space<vmem>>
        %dma_start3A_241 = arith.constant 0 : i32
        %dma_start3A_242 = tpu.memref_slice %arg7[%dma_start3A_235, %dma_start3A_241] : memref<4x64xi32, #tpu.memory_space<vmem>> -> memref<1x64xi32, #tpu.memory_space<vmem>>
        %dma_start3A_243 = tpu.memref_squeeze %dma_start3A_242 : memref<1x64xi32, #tpu.memory_space<vmem>> -> memref<64xi32, #tpu.memory_space<vmem>>
        %dma_start3A_244 = arith.constant 0 : i32
        %dma_start3A_245 = arith.constant 0 : i32
        %dma_start3A_246 = tpu.memref_slice %arg2[%dma_start3A_244, %dma_start3A_245] : memref<10000x128xf32, #tpu.memory_space<hbm>> -> memref<10000x128xf32, #tpu.memory_space<hbm>>
        tpu.enqueue_indirect_dma source(%dma_start3A_246 : memref<10000x128xf32, #tpu.memory_space<hbm>>) target(%dma_start3A_240 : memref<64x128xf32, #tpu.memory_space<vmem>>) offsets(%dma_start3A_243 : memref<64xi32, #tpu.memory_space<vmem>>) semaphore(%arg18 : memref<!tpu.dma_semaphore, #tpu.memory_space<semaphore_mem>>)
      } else {
      }
      %dma_wait3A_195 = arith.constant 1 : i32
      %dma_wait3A_196 = arith.constant 1 : i32
      %dma_wait3A_197 = arith.constant 0 : i32
      %dma_wait3A_198 = arith.constant 0 : i32
      %dma_wait3A_199 = tpu.memref_slice %arg9[%dma_wait3A_196, %dma_wait3A_197, %dma_wait3A_198] : memref<4x64x128xf32, #tpu.memory_space<vmem>> -> memref<1x64x128xf32, #tpu.memory_space<vmem>>
      %dma_wait3A_200 = tpu.memref_squeeze %dma_wait3A_199 : memref<1x64x128xf32, #tpu.memory_space<vmem>> -> memref<64x128xf32, #tpu.memory_space<vmem>>
      %dma_wait3A_201 = arith.constant 0 : i32
      %dma_wait3A_202 = tpu.memref_slice %arg7[%dma_wait3A_195, %dma_wait3A_201] : memref<4x64xi32, #tpu.memory_space<vmem>> -> memref<1x64xi32, #tpu.memory_space<vmem>>
      %dma_wait3A_203 = tpu.memref_squeeze %dma_wait3A_202 : memref<1x64xi32, #tpu.memory_space<vmem>> -> memref<64xi32, #tpu.memory_space<vmem>>
      %dma_wait3A_204 = arith.constant 0 : i32
      %dma_wait3A_205 = arith.constant 0 : i32
      %dma_wait3A_206 = tpu.memref_slice %arg2[%dma_wait3A_204, %dma_wait3A_205] : memref<10000x128xf32, #tpu.memory_space<hbm>> -> memref<10000x128xf32, #tpu.memory_space<hbm>>
      tpu.wait_indirect_dma semaphore(%arg16 : memref<!tpu.dma_semaphore, #tpu.memory_space<semaphore_mem>>) src(%dma_wait3A_206 : memref<10000x128xf32, #tpu.memory_space<hbm>>) dst(%dma_wait3A_200 : memref<64x128xf32, #tpu.memory_space<vmem>>)
      %run_scoped3A = arith.constant 1 : i32
      %run_scoped3A_207 = arith.constant 1 : i32
      "tpu.region"() ({
        %run_scoped3A_213 = tpu.sem_alloc : memref<!tpu.dma_semaphore, #tpu.memory_space<semaphore_mem>>
        %dma_start3A_214 = arith.constant 0 : i32
        %dma_start3A_215 = arith.constant 0 : i32
        %dma_start3A_216 = tpu.memref_slice %arg9[%run_scoped3A, %dma_start3A_214, %dma_start3A_215] : memref<4x64x128xf32, #tpu.memory_space<vmem>> -> memref<1x64x128xf32, #tpu.memory_space<vmem>>
        %dma_start3A_217 = tpu.memref_squeeze %dma_start3A_216 : memref<1x64x128xf32, #tpu.memory_space<vmem>> -> memref<64x128xf32, #tpu.memory_space<vmem>>
        %dma_start3A_218 = arith.constant 0 : i32
        %dma_start3A_219 = tpu.memref_slice %arg8[%run_scoped3A_207, %dma_start3A_218] : memref<4x64xi32, #tpu.memory_space<vmem>> -> memref<1x64xi32, #tpu.memory_space<vmem>>
        %dma_start3A_220 = tpu.memref_squeeze %dma_start3A_219 : memref<1x64xi32, #tpu.memory_space<vmem>> -> memref<64xi32, #tpu.memory_space<vmem>>
        %dma_start3A_221 = arith.constant 0 : i32
        %dma_start3A_222 = arith.constant 0 : i32
        %dma_start3A_223 = tpu.memref_slice %arg10[%dma_start3A_221, %dma_start3A_222] : memref<10000x128xf32, #tpu.memory_space<vmem_shared>> -> memref<10000x128xf32, #tpu.memory_space<vmem_shared>>
        tpu.enqueue_indirect_dma source(%dma_start3A_217 : memref<64x128xf32, #tpu.memory_space<vmem>>) target(%dma_start3A_223 : memref<10000x128xf32, #tpu.memory_space<vmem_shared>>) offsets(%dma_start3A_220 : memref<64xi32, #tpu.memory_space<vmem>>) semaphore(%run_scoped3A_213 : memref<!tpu.dma_semaphore, #tpu.memory_space<semaphore_mem>>) {add = true}
        %dma_wait3A_224 = arith.constant 0 : i32
        %dma_wait3A_225 = arith.constant 0 : i32
        %dma_wait3A_226 = tpu.memref_slice %arg9[%run_scoped3A, %dma_wait3A_224, %dma_wait3A_225] : memref<4x64x128xf32, #tpu.memory_space<vmem>> -> memref<1x64x128xf32, #tpu.memory_space<vmem>>
        %dma_wait3A_227 = tpu.memref_squeeze %dma_wait3A_226 : memref<1x64x128xf32, #tpu.memory_space<vmem>> -> memref<64x128xf32, #tpu.memory_space<vmem>>
        %dma_wait3A_228 = arith.constant 0 : i32
        %dma_wait3A_229 = tpu.memref_slice %arg8[%run_scoped3A_207, %dma_wait3A_228] : memref<4x64xi32, #tpu.memory_space<vmem>> -> memref<1x64xi32, #tpu.memory_space<vmem>>
        %dma_wait3A_230 = tpu.memref_squeeze %dma_wait3A_229 : memref<1x64xi32, #tpu.memory_space<vmem>> -> memref<64xi32, #tpu.memory_space<vmem>>
        %dma_wait3A_231 = arith.constant 0 : i32
        %dma_wait3A_232 = arith.constant 0 : i32
        %dma_wait3A_233 = tpu.memref_slice %arg10[%dma_wait3A_231, %dma_wait3A_232] : memref<10000x128xf32, #tpu.memory_space<vmem_shared>> -> memref<10000x128xf32, #tpu.memory_space<vmem_shared>>
        tpu.wait_indirect_dma semaphore(%run_scoped3A_213 : memref<!tpu.dma_semaphore, #tpu.memory_space<semaphore_mem>>) src(%dma_wait3A_227 : memref<64x128xf32, #tpu.memory_space<vmem>>) dst(%dma_wait3A_233 : memref<10000x128xf32, #tpu.memory_space<vmem_shared>>)
        tpu.yield
      }) : () -> ()
      %gt3A_208 = arith.constant 161 : i32
      %gt3A_209 = arith.cmpi sgt, %add3A_11, %gt3A_208 : i32
      %convert_element_type3A_210 = arith.extui %gt3A_209 : i1 to i32
      %cond3A_211 = arith.constant 0 : i32
      %cond3A_212 = arith.cmpi ne, %convert_element_type3A_210, %cond3A_211 : i32
      scf.if %cond3A_212 {
        %add3A_213 = arith.constant 10304 : i32
        %add3A_214 = arith.addi %mul3A_6, %add3A_213 : i32
        %dma_start3A_215 = arith.constant 1 : i32
        %dma_start3A_216 = arith.constant 0 : i32
        %dma_start3A_217 = tpu.memref_slice %arg7[%dma_start3A_215, %dma_start3A_216] : memref<4x64xi32, #tpu.memory_space<vmem>> -> memref<1x64xi32, #tpu.memory_space<vmem>>
        %dma_start3A_218 = tpu.memref_squeeze %dma_start3A_217 : memref<1x64xi32, #tpu.memory_space<vmem>> -> memref<64xi32, #tpu.memory_space<vmem>>
        %dma_start3A_219 = tpu.memref_slice %arg3[%add3A_214] : memref<327680xi32, #tpu.memory_space<hbm>> -> memref<64xi32, #tpu.memory_space<hbm>>
        %dma_start3A_220 = arith.constant 0 : i32
        %dma_start3A_221 = tpu.memref_slice %arg7[%dma_start3A_215, %dma_start3A_220] : memref<4x64xi32, #tpu.memory_space<vmem>> -> memref<1x64xi32, #tpu.memory_space<vmem>>
        %dma_start3A_222 = tpu.memref_squeeze %dma_start3A_221 : memref<1x64xi32, #tpu.memory_space<vmem>> -> memref<64xi32, #tpu.memory_space<vmem>>
        %dma_start3A_223 = tpu.memref_slice %arg3[%add3A_214] : memref<327680xi32, #tpu.memory_space<hbm>> -> memref<64xi32, #tpu.memory_space<hbm>>
        tpu.enqueue_dma source(%dma_start3A_223 : memref<64xi32, #tpu.memory_space<hbm>>) target(%dma_start3A_222 : memref<64xi32, #tpu.memory_space<vmem>>) target_semaphore(%arg12 : memref<!tpu.dma_semaphore, #tpu.memory_space<semaphore_mem>>)
        %add3A_224 = arith.constant 10304 : i32
        %add3A_225 = arith.addi %mul3A_6, %add3A_224 : i32
        %dma_start3A_226 = arith.constant 1 : i32
        %dma_start3A_227 = arith.constant 0 : i32
        %dma_start3A_228 = tpu.memref_slice %arg8[%dma_start3A_226, %dma_start3A_227] : memref<4x64xi32, #tpu.memory_space<vmem>> -> memref<1x64xi32, #tpu.memory_space<vmem>>
        %dma_start3A_229 = tpu.memref_squeeze %dma_start3A_228 : memref<1x64xi32, #tpu.memory_space<vmem>> -> memref<64xi32, #tpu.memory_space<vmem>>
        %dma_start3A_230 = tpu.memref_slice %arg4[%add3A_225] : memref<327680xi32, #tpu.memory_space<hbm>> -> memref<64xi32, #tpu.memory_space<hbm>>
        %dma_start3A_231 = arith.constant 0 : i32
        %dma_start3A_232 = tpu.memref_slice %arg8[%dma_start3A_226, %dma_start3A_231] : memref<4x64xi32, #tpu.memory_space<vmem>> -> memref<1x64xi32, #tpu.memory_space<vmem>>
        %dma_start3A_233 = tpu.memref_squeeze %dma_start3A_232 : memref<1x64xi32, #tpu.memory_space<vmem>> -> memref<64xi32, #tpu.memory_space<vmem>>
        %dma_start3A_234 = tpu.memref_slice %arg4[%add3A_225] : memref<327680xi32, #tpu.memory_space<hbm>> -> memref<64xi32, #tpu.memory_space<hbm>>
        tpu.enqueue_dma source(%dma_start3A_234 : memref<64xi32, #tpu.memory_space<hbm>>) target(%dma_start3A_233 : memref<64xi32, #tpu.memory_space<vmem>>) target_semaphore(%arg12 : memref<!tpu.dma_semaphore, #tpu.memory_space<semaphore_mem>>)
      } else {
      }
    } else {
    }
    %barrier3A_184 = arith.constant 0 : index
    tpu.barrier barrier_id(%barrier3A_184)
    %lt3A_185 = arith.constant 10 : i32
    %lt3A_186 = arith.cmpi slt, %arg1, %lt3A_185 : i32
    %convert_element_type3A_187 = arith.extui %lt3A_186 : i1 to i32
    %cond3A_188 = arith.constant 0 : i32
    %cond3A_189 = arith.cmpi ne, %convert_element_type3A_187, %cond3A_188 : i32
    scf.if %cond3A_189 {
      %mul3A_190 = arith.constant 1000 : i32
      %mul3A_191 = arith.muli %arg1, %mul3A_190 : i32
      %mul3A_192 = arith.constant 1000 : i32
      %mul3A_193 = arith.muli %arg1, %mul3A_192 : i32
      "tpu.region"() ({
        %run_scoped3A = tpu.sem_alloc : memref<!tpu.dma_semaphore, #tpu.memory_space<semaphore_mem>>
        %dma_start3A_194 = arith.constant 0 : i32
        %dma_start3A_195 = tpu.memref_slice %arg6[%arg0, %mul3A_193, %dma_start3A_194] : memref<2x10000x128xf32, #tpu.memory_space<hbm>> -> memref<1x1000x128xf32, #tpu.memory_space<hbm>>
        %dma_start3A_196 = tpu.memref_squeeze %dma_start3A_195 : memref<1x1000x128xf32, #tpu.memory_space<hbm>> -> memref<1000x128xf32, #tpu.memory_space<hbm>>
        %dma_start3A_197 = arith.constant 0 : i32
        %dma_start3A_198 = tpu.memref_slice %arg10[%mul3A_191, %dma_start3A_197] : memref<10000x128xf32, #tpu.memory_space<vmem_shared>> -> memref<1000x128xf32, #tpu.memory_space<vmem_shared>>
        tpu.enqueue_dma source(%dma_start3A_198 : memref<1000x128xf32, #tpu.memory_space<vmem_shared>>) target(%dma_start3A_196 : memref<1000x128xf32, #tpu.memory_space<hbm>>) target_semaphore(%run_scoped3A : memref<!tpu.dma_semaphore, #tpu.memory_space<semaphore_mem>>)
        %dma_wait3A_199 = arith.constant 0 : i32
        %dma_wait3A_200 = tpu.memref_slice %arg6[%arg0, %mul3A_193, %dma_wait3A_199] : memref<2x10000x128xf32, #tpu.memory_space<hbm>> -> memref<1x1000x128xf32, #tpu.memory_space<hbm>>
        %dma_wait3A_201 = tpu.memref_squeeze %dma_wait3A_200 : memref<1x1000x128xf32, #tpu.memory_space<hbm>> -> memref<1000x128xf32, #tpu.memory_space<hbm>>
        %dma_wait3A_202 = arith.constant 0 : i32
        %dma_wait3A_203 = tpu.memref_slice %arg10[%mul3A_191, %dma_wait3A_202] : memref<10000x128xf32, #tpu.memory_space<vmem_shared>> -> memref<1000x128xf32, #tpu.memory_space<vmem_shared>>
        tpu.wait_dma2 semaphore(%run_scoped3A : memref<!tpu.dma_semaphore, #tpu.memory_space<semaphore_mem>>) src(%dma_wait3A_203 : memref<1000x128xf32, #tpu.memory_space<vmem_shared>>) dst(%dma_wait3A_201 : memref<1000x128xf32, #tpu.memory_space<hbm>>)
        tpu.yield
      }) : () -> ()
    } else {
    }
    return
  }
}

module attributes {stable_mosaic.version = 14 : i64} {
  func.func @_relay_body(%arg0: i32, %arg1: memref<2x16384xi32, #tpu.memory_space<vmem>>, %arg2: memref<128x128xi32, #tpu.memory_space<vmem>>, %arg3: memref<128x128xi32, #tpu.memory_space<vmem>>) attributes {dimension_semantics = [#tpu.dimension_semantics<arbitrary>], iteration_bounds = array<i64: 20>, scalar_prefetch = 0 : i64, scratch_operands = 0 : i64, tpu.core_type = #tpu.core_type<tc>, window_params = [{transform_indices = @transform_0, window_bounds = array<i64: 2, 16384>}, {transform_indices = @transform_1, window_bounds = array<i64: 128, 128>}, {transform_indices = @transform_2, window_bounds = array<i64: 128, 128>}]} {
    %get3A = arith.constant 0 : index
    %get3A_0 = arith.constant 0 : index
    %get3A_1 = vector.load %arg1[%get3A, %get3A_0] : memref<2x16384xi32, #tpu.memory_space<vmem>>, vector<2x16384xi32>
    %slice3A = vector.extract_strided_slice %get3A_1 {offsets = [0, 0], sizes = [1, 16384], strides = [1, 1]} : vector<2x16384xi32> to vector<1x16384xi32>
    %squeeze3A = vector.shape_cast %slice3A : vector<1x16384xi32> to vector<16384xi32>
    %reshape3A = vector.shape_cast %squeeze3A : vector<16384xi32> to vector<128x128xi32>
    %swap3A = arith.constant 0 : index
    %swap3A_2 = arith.constant 0 : index
    %swap3A_3 = vector.load %arg2[%swap3A, %swap3A_2] : memref<128x128xi32, #tpu.memory_space<vmem>>, vector<128x128xi32>
    tpu.vector_store %arg2[%swap3A, %swap3A_2], %reshape3A {strides = array<i32>} : memref<128x128xi32, #tpu.memory_space<vmem>>, vector<128x128xi32>,
    %slice3A_4 = vector.extract_strided_slice %get3A_1 {offsets = [1, 0], sizes = [1, 16384], strides = [1, 1]} : vector<2x16384xi32> to vector<1x16384xi32>
    %squeeze3A_5 = vector.shape_cast %slice3A_4 : vector<1x16384xi32> to vector<16384xi32>
    %reshape3A_6 = vector.shape_cast %squeeze3A_5 : vector<16384xi32> to vector<128x128xi32>
    %swap3A_7 = arith.constant 0 : index
    %swap3A_8 = arith.constant 0 : index
    %swap3A_9 = vector.load %arg3[%swap3A_7, %swap3A_8] : memref<128x128xi32, #tpu.memory_space<vmem>>, vector<128x128xi32>
    tpu.vector_store %arg3[%swap3A_7, %swap3A_8], %reshape3A_6 {strides = array<i32>} : memref<128x128xi32, #tpu.memory_space<vmem>>, vector<128x128xi32>,
    return
  }
  func.func @transform_0(%arg0: i32) -> (i32, i32) {
    %c0_i32 = arith.constant 0 : i32
    %c0_i32_0 = arith.constant 0 : i32
    return %c0_i32, %arg0 : i32, i32
  }
  func.func @transform_1(%arg0: i32) -> (i32, i32) {
    %c0_i32 = arith.constant 0 : i32
    %c0_i32_0 = arith.constant 0 : i32
    return %arg0, %c0_i32 : i32, i32
  }
  func.func @transform_2(%arg0: i32) -> (i32, i32) {
    %c0_i32 = arith.constant 0 : i32
    %c0_i32_0 = arith.constant 0 : i32
    return %arg0, %c0_i32 : i32, i32
  }
}

module attributes {stable_mosaic.version = 14 : i64} {
  func.func @_entry_body(%arg0: i32, %arg1: memref<2000x128xf32, #tpu.memory_space<vmem>>, %arg2: memref<128x128xbf16, #tpu.memory_space<vmem>>, %arg3: memref<1x128xf32, #tpu.memory_space<vmem>>, %arg4: memref<128x128xbf16, #tpu.memory_space<vmem>>, %arg5: memref<128x384xbf16, #tpu.memory_space<vmem>>, %arg6: memref<1x384xf32, #tpu.memory_space<vmem>>, %arg7: memref<2000x128xbf16, #tpu.memory_space<vmem>>, %arg8: memref<2000x128xf32, #tpu.memory_space<vmem>>, %arg9: memref<2000x384xbf16, #tpu.memory_space<vmem>>) attributes {dimension_semantics = [#tpu.dimension_semantics<arbitrary>], iteration_bounds = array<i64: 5>, scalar_prefetch = 0 : i64, scratch_operands = 0 : i64, tpu.core_type = #tpu.core_type<tc>, window_params = [{transform_indices = @transform_0, window_bounds = array<i64: 2000, 128>}, {pipeline_mode = #tpu.pipeline_mode<synchronous>, transform_indices = @transform_1, window_bounds = array<i64: 128, 128>}, {pipeline_mode = #tpu.pipeline_mode<synchronous>, transform_indices = @transform_2, window_bounds = array<i64: 1, 128>}, {pipeline_mode = #tpu.pipeline_mode<synchronous>, transform_indices = @transform_3, window_bounds = array<i64: 128, 128>}, {pipeline_mode = #tpu.pipeline_mode<synchronous>, transform_indices = @transform_4, window_bounds = array<i64: 128, 384>}, {pipeline_mode = #tpu.pipeline_mode<synchronous>, transform_indices = @transform_5, window_bounds = array<i64: 1, 384>}, {transform_indices = @transform_6, window_bounds = array<i64: 2000, 128>}, {transform_indices = @transform_7, window_bounds = array<i64: 2000, 128>}, {transform_indices = @transform_8, window_bounds = array<i64: 2000, 384>}]} {
    %get3A = arith.constant 0 : index
    %get3A_0 = arith.constant 0 : index
    %get3A_1 = vector.load %arg1[%get3A, %get3A_0] : memref<2000x128xf32, #tpu.memory_space<vmem>>, vector<2000x128xf32>
    %convert_element_type3A = arith.truncf %get3A_1 : vector<2000x128xf32> to vector<2000x128xbf16>
    %get3A_2 = arith.constant 0 : index
    %get3A_3 = arith.constant 0 : index
    %get3A_4 = vector.load %arg2[%get3A_2, %get3A_3] : memref<128x128xbf16, #tpu.memory_space<vmem>>, vector<128x128xbf16>
    %dot_general3A = arith.constant dense<0.000000e+00> : vector<2000x128xf32>
    %dot_general3A_5 = tpu.matmul %convert_element_type3A, %get3A_4, %dot_general3A {dimension_numbers = #tpu.dot_dimension_numbers<[1], [0], [0], [1], [0, 0, 1, 1], [], []>, transpose_lhs_hint = false} : vector<2000x128xbf16>, vector<128x128xbf16>, vector<2000x128xf32> -> vector<2000x128xf32>
    %get3A_6 = arith.constant 0 : index
    %get3A_7 = arith.constant 0 : index
    %get3A_8 = vector.load %arg3[%get3A_6, %get3A_7] : memref<1x128xf32, #tpu.memory_space<vmem>>, vector<1x128xf32>
    %add3A = vector.broadcast %get3A_8 : vector<1x128xf32> to vector<2000x128xf32>
    %add3A_9 = arith.addf %dot_general3A_5, %add3A : vector<2000x128xf32>
    %convert_element_type3A_10 = arith.truncf %add3A_9 : vector<2000x128xf32> to vector<2000x128xbf16>
    %swap3A = arith.constant 0 : index
    %swap3A_11 = arith.constant 0 : index
    %swap3A_12 = vector.load %arg7[%swap3A, %swap3A_11] : memref<2000x128xbf16, #tpu.memory_space<vmem>>, vector<2000x128xbf16>
    tpu.vector_store %arg7[%swap3A, %swap3A_11], %convert_element_type3A_10 {strides = array<i32>} : memref<2000x128xbf16, #tpu.memory_space<vmem>>, vector<2000x128xbf16>,
    %convert_element_type3A_13 = arith.truncf %add3A_9 : vector<2000x128xf32> to vector<2000x128xbf16>
    %get3A_14 = arith.constant 0 : index
    %get3A_15 = arith.constant 0 : index
    %get3A_16 = vector.load %arg4[%get3A_14, %get3A_15] : memref<128x128xbf16, #tpu.memory_space<vmem>>, vector<128x128xbf16>
    %dot_general3A_17 = arith.constant dense<0.000000e+00> : vector<2000x128xf32>
    %dot_general3A_18 = tpu.matmul %convert_element_type3A_13, %get3A_16, %dot_general3A_17 {dimension_numbers = #tpu.dot_dimension_numbers<[1], [0], [0], [1], [0, 0, 1, 1], [], []>, transpose_lhs_hint = false} : vector<2000x128xbf16>, vector<128x128xbf16>, vector<2000x128xf32> -> vector<2000x128xf32>
    %swap3A_19 = arith.constant 0 : index
    %swap3A_20 = arith.constant 0 : index
    %swap3A_21 = vector.load %arg8[%swap3A_19, %swap3A_20] : memref<2000x128xf32, #tpu.memory_space<vmem>>, vector<2000x128xf32>
    tpu.vector_store %arg8[%swap3A_19, %swap3A_20], %dot_general3A_18 {strides = array<i32>} : memref<2000x128xf32, #tpu.memory_space<vmem>>, vector<2000x128xf32>,
    %get3A_22 = arith.constant 0 : index
    %get3A_23 = arith.constant 0 : index
    %get3A_24 = vector.load %arg5[%get3A_22, %get3A_23] : memref<128x384xbf16, #tpu.memory_space<vmem>>, vector<128x384xbf16>
    %dot_general3A_25 = arith.constant dense<0.000000e+00> : vector<2000x384xf32>
    %dot_general3A_26 = tpu.matmul %convert_element_type3A_13, %get3A_24, %dot_general3A_25 {dimension_numbers = #tpu.dot_dimension_numbers<[1], [0], [0], [1], [0, 0, 1, 1], [], []>, transpose_lhs_hint = false} : vector<2000x128xbf16>, vector<128x384xbf16>, vector<2000x384xf32> -> vector<2000x384xf32>
    %get3A_27 = arith.constant 0 : index
    %get3A_28 = arith.constant 0 : index
    %get3A_29 = vector.load %arg6[%get3A_27, %get3A_28] : memref<1x384xf32, #tpu.memory_space<vmem>>, vector<1x384xf32>
    %add3A_30 = vector.broadcast %get3A_29 : vector<1x384xf32> to vector<2000x384xf32>
    %add3A_31 = arith.addf %dot_general3A_26, %add3A_30 : vector<2000x384xf32>
    %convert_element_type3A_32 = arith.truncf %add3A_31 : vector<2000x384xf32> to vector<2000x384xbf16>
    %swap3A_33 = arith.constant 0 : index
    %swap3A_34 = arith.constant 0 : index
    %swap3A_35 = vector.load %arg9[%swap3A_33, %swap3A_34] : memref<2000x384xbf16, #tpu.memory_space<vmem>>, vector<2000x384xbf16>
    tpu.vector_store %arg9[%swap3A_33, %swap3A_34], %convert_element_type3A_32 {strides = array<i32>} : memref<2000x384xbf16, #tpu.memory_space<vmem>>, vector<2000x384xbf16>,
    return
  }
  func.func @transform_0(%arg0: i32) -> (i32, i32) {
    %c0_i32 = arith.constant 0 : i32
    %c0_i32_0 = arith.constant 0 : i32
    return %arg0, %c0_i32 : i32, i32
  }
  func.func @transform_1(%arg0: i32) -> (i32, i32) {
    %c0_i32 = arith.constant 0 : i32
    %c0_i32_0 = arith.constant 0 : i32
    %c0_i32_1 = arith.constant 0 : i32
    return %c0_i32, %c0_i32_0 : i32, i32
  }
  func.func @transform_2(%arg0: i32) -> (i32, i32) {
    %c0_i32 = arith.constant 0 : i32
    %c0_i32_0 = arith.constant 0 : i32
    %c0_i32_1 = arith.constant 0 : i32
    return %c0_i32, %c0_i32_0 : i32, i32
  }
  func.func @transform_3(%arg0: i32) -> (i32, i32) {
    %c0_i32 = arith.constant 0 : i32
    %c0_i32_0 = arith.constant 0 : i32
    %c0_i32_1 = arith.constant 0 : i32
    return %c0_i32, %c0_i32_0 : i32, i32
  }
  func.func @transform_4(%arg0: i32) -> (i32, i32) {
    %c0_i32 = arith.constant 0 : i32
    %c0_i32_0 = arith.constant 0 : i32
    %c0_i32_1 = arith.constant 0 : i32
    return %c0_i32, %c0_i32_0 : i32, i32
  }
  func.func @transform_5(%arg0: i32) -> (i32, i32) {
    %c0_i32 = arith.constant 0 : i32
    %c0_i32_0 = arith.constant 0 : i32
    %c0_i32_1 = arith.constant 0 : i32
    return %c0_i32, %c0_i32_0 : i32, i32
  }
  func.func @transform_6(%arg0: i32) -> (i32, i32) {
    %c0_i32 = arith.constant 0 : i32
    %c0_i32_0 = arith.constant 0 : i32
    return %arg0, %c0_i32 : i32, i32
  }
  func.func @transform_7(%arg0: i32) -> (i32, i32) {
    %c0_i32 = arith.constant 0 : i32
    %c0_i32_0 = arith.constant 0 : i32
    return %arg0, %c0_i32 : i32, i32
  }
  func.func @transform_8(%arg0: i32) -> (i32, i32) {
    %c0_i32 = arith.constant 0 : i32
    %c0_i32_0 = arith.constant 0 : i32
    return %arg0, %c0_i32 : i32, i32
  }
}

module attributes {stable_mosaic.version = 14 : i64} {
  func.func @_final_body(%arg0: i32, %arg1: memref<2x2000x128xf32, #tpu.memory_space<vmem>>, %arg2: memref<2000x384xbf16, #tpu.memory_space<vmem>>, %arg3: memref<2000x128xbf16, #tpu.memory_space<vmem>>, %arg4: memref<128x384xbf16, #tpu.memory_space<vmem>>, %arg5: memref<1x384xf32, #tpu.memory_space<vmem>>, %arg6: memref<1x1x2000xi32, #tpu.memory_space<vmem>>, %arg7: memref<128x128xf32, #tpu.memory_space<vmem>>, %arg8: memref<1x128xf32, #tpu.memory_space<vmem>>, %arg9: memref<64x128xf32, #tpu.memory_space<vmem>>, %arg10: memref<64x128xf32, #tpu.memory_space<vmem>>, %arg11: memref<64x8xf32, #tpu.memory_space<vmem>>) attributes {dimension_semantics = [#tpu.dimension_semantics<arbitrary>], iteration_bounds = array<i64: 5>, scalar_prefetch = 0 : i64, scratch_operands = 2 : i64, tpu.core_type = #tpu.core_type<tc>, window_params = [{transform_indices = @transform_0, window_bounds = array<i64: 2, 2000, 128>}, {transform_indices = @transform_1, window_bounds = array<i64: 2000, 384>}, {transform_indices = @transform_2, window_bounds = array<i64: 2000, 128>}, {pipeline_mode = #tpu.pipeline_mode<synchronous>, transform_indices = @transform_3, window_bounds = array<i64: 128, 384>}, {pipeline_mode = #tpu.pipeline_mode<synchronous>, transform_indices = @transform_4, window_bounds = array<i64: 1, 384>}, {transform_indices = @transform_5, window_bounds = array<i64: 1, 1, 2000>}, {pipeline_mode = #tpu.pipeline_mode<synchronous>, transform_indices = @transform_6, window_bounds = array<i64: 128, 128>}, {pipeline_mode = #tpu.pipeline_mode<synchronous>, transform_indices = @transform_7, window_bounds = array<i64: 1, 128>}, {pipeline_mode = #tpu.pipeline_mode<synchronous>, transform_indices = @transform_8, window_bounds = array<i64: 64, 128>}]} {
    %eq3A = arith.constant 0 : i32
    %eq3A_0 = arith.cmpi eq, %arg0, %eq3A : i32
    %convert_element_type3A = arith.extui %eq3A_0 : i1 to i32
    %cond3A = arith.constant 0 : i32
    %cond3A_1 = arith.cmpi ne, %convert_element_type3A, %cond3A : i32
    scf.if %cond3A_1 {
      %broadcast_in_dim3A_86 = arith.constant 0.000000e+00 : f32
      %broadcast_in_dim3A_87 = vector.broadcast %broadcast_in_dim3A_86 : f32 to vector<64x128xf32>
      %swap3A_88 = arith.constant 0 : index
      %swap3A_89 = arith.constant 0 : index
      %swap3A_90 = vector.load %arg10[%swap3A_88, %swap3A_89] : memref<64x128xf32, #tpu.memory_space<vmem>>, vector<64x128xf32>
      tpu.vector_store %arg10[%swap3A_88, %swap3A_89], %broadcast_in_dim3A_87 {strides = array<i32>} : memref<64x128xf32, #tpu.memory_space<vmem>>, vector<64x128xf32>,
      %broadcast_in_dim3A_91 = arith.constant 0.000000e+00 : f32
      %broadcast_in_dim3A_92 = vector.broadcast %broadcast_in_dim3A_91 : f32 to vector<64x8xf32>
      %swap3A_93 = arith.constant 0 : index
      %swap3A_94 = arith.constant 0 : index
      %swap3A_95 = vector.load %arg11[%swap3A_93, %swap3A_94] : memref<64x8xf32, #tpu.memory_space<vmem>>, vector<64x8xf32>
      tpu.vector_store %arg11[%swap3A_93, %swap3A_94], %broadcast_in_dim3A_92 {strides = array<i32>} : memref<64x8xf32, #tpu.memory_space<vmem>>, vector<64x8xf32>,
    } else {
    }
    %get3A = arith.constant 0 : index
    %get3A_2 = arith.constant 0 : index
    %get3A_3 = arith.constant 0 : index
    %get3A_4 = vector.load %arg1[%get3A, %get3A_2, %get3A_3] : memref<2x2000x128xf32, #tpu.memory_space<vmem>>, vector<1x2000x128xf32>
    %get3A_5 = vector.shape_cast %get3A_4 : vector<1x2000x128xf32> to vector<2000x128xf32>
    %get3A_6 = arith.constant 1 : index
    %get3A_7 = arith.constant 0 : index
    %get3A_8 = arith.constant 0 : index
    %get3A_9 = vector.load %arg1[%get3A_6, %get3A_7, %get3A_8] : memref<2x2000x128xf32, #tpu.memory_space<vmem>>, vector<1x2000x128xf32>
    %get3A_10 = vector.shape_cast %get3A_9 : vector<1x2000x128xf32> to vector<2000x128xf32>
    %get3A_11 = arith.constant 0 : index
    %get3A_12 = arith.constant 0 : index
    %get3A_13 = vector.load %arg2[%get3A_11, %get3A_12] : memref<2000x384xbf16, #tpu.memory_space<vmem>>, vector<2000x384xbf16>
    %convert_element_type3A_14 = arith.extf %get3A_13 : vector<2000x384xbf16> to vector<2000x384xf32>
    %get3A_15 = arith.constant 0 : index
    %get3A_16 = arith.constant 0 : index
    %get3A_17 = vector.load %arg3[%get3A_15, %get3A_16] : memref<2000x128xbf16, #tpu.memory_space<vmem>>, vector<2000x128xbf16>
    %convert_element_type3A_18 = arith.extf %get3A_17 : vector<2000x128xbf16> to vector<2000x128xf32>
    %get3A_19 = arith.constant 0 : index
    %get3A_20 = arith.constant 0 : index
    %get3A_21 = vector.load %arg4[%get3A_19, %get3A_20] : memref<128x384xbf16, #tpu.memory_space<vmem>>, vector<128x384xbf16>
    %get3A_22 = arith.constant 0 : index
    %get3A_23 = arith.constant 0 : index
    %get3A_24 = vector.load %arg5[%get3A_22, %get3A_23] : memref<1x384xf32, #tpu.memory_space<vmem>>, vector<1x384xf32>
    %add3A = arith.addf %get3A_5, %get3A_10 : vector<2000x128xf32>
    %convert_element_type3A_25 = arith.truncf %add3A : vector<2000x128xf32> to vector<2000x128xbf16>
    %dot_general3A = arith.constant dense<0.000000e+00> : vector<2000x384xf32>
    %dot_general3A_26 = tpu.matmul %convert_element_type3A_25, %get3A_21, %dot_general3A {dimension_numbers = #tpu.dot_dimension_numbers<[1], [0], [0], [1], [0, 0, 1, 1], [], []>, transpose_lhs_hint = false} : vector<2000x128xbf16>, vector<128x384xbf16>, vector<2000x384xf32> -> vector<2000x384xf32>
    %add3A_27 = vector.broadcast %get3A_24 : vector<1x384xf32> to vector<2000x384xf32>
    %add3A_28 = arith.addf %dot_general3A_26, %add3A_27 : vector<2000x384xf32>
    %slice3A = vector.extract_strided_slice %add3A_28 {offsets = [0, 0], sizes = [2000, 128], strides = [1, 1]} : vector<2000x384xf32> to vector<2000x128xf32>
    %slice3A_29 = vector.extract_strided_slice %convert_element_type3A_14 {offsets = [0, 0], sizes = [2000, 128], strides = [1, 1]} : vector<2000x384xf32> to vector<2000x128xf32>
    %add3A_30 = arith.addf %slice3A, %slice3A_29 : vector<2000x128xf32>
    %logistic3A = arith.negf %add3A_30 : vector<2000x128xf32>
    %logistic3A_31 = math.exp %logistic3A : vector<2000x128xf32>
    %logistic3A_32 = arith.constant 1.000000e+00 : f32
    %logistic3A_33 = vector.broadcast %logistic3A_32 : f32 to vector<2000x128xf32>
    %logistic3A_34 = arith.addf %logistic3A_33, %logistic3A_31 : vector<2000x128xf32>
    %logistic3A_35 = arith.divf %logistic3A_33, %logistic3A_34 : vector<2000x128xf32>
    %slice3A_36 = vector.extract_strided_slice %add3A_28 {offsets = [0, 128], sizes = [2000, 128], strides = [1, 1]} : vector<2000x384xf32> to vector<2000x128xf32>
    %slice3A_37 = vector.extract_strided_slice %convert_element_type3A_14 {offsets = [0, 128], sizes = [2000, 128], strides = [1, 1]} : vector<2000x384xf32> to vector<2000x128xf32>
    %add3A_38 = arith.addf %slice3A_36, %slice3A_37 : vector<2000x128xf32>
    %logistic3A_39 = arith.negf %add3A_38 : vector<2000x128xf32>
    %logistic3A_40 = math.exp %logistic3A_39 : vector<2000x128xf32>
    %logistic3A_41 = arith.constant 1.000000e+00 : f32
    %logistic3A_42 = vector.broadcast %logistic3A_41 : f32 to vector<2000x128xf32>
    %logistic3A_43 = arith.addf %logistic3A_42, %logistic3A_40 : vector<2000x128xf32>
    %logistic3A_44 = arith.divf %logistic3A_42, %logistic3A_43 : vector<2000x128xf32>
    %slice3A_45 = vector.extract_strided_slice %add3A_28 {offsets = [0, 256], sizes = [2000, 128], strides = [1, 1]} : vector<2000x384xf32> to vector<2000x128xf32>
    %slice3A_46 = vector.extract_strided_slice %convert_element_type3A_14 {offsets = [0, 256], sizes = [2000, 128], strides = [1, 1]} : vector<2000x384xf32> to vector<2000x128xf32>
    %mul3A = arith.mulf %logistic3A_35, %slice3A_46 : vector<2000x128xf32>
    %add3A_47 = arith.addf %slice3A_45, %mul3A : vector<2000x128xf32>
    %tanh3A = math.tanh %add3A_47 : vector<2000x128xf32>
    %sub3A = arith.constant 1.000000e+00 : f32
    %sub3A_48 = vector.broadcast %sub3A : f32 to vector<2000x128xf32>
    %sub3A_49 = arith.subf %sub3A_48, %logistic3A_44 : vector<2000x128xf32>
    %mul3A_50 = arith.mulf %sub3A_49, %tanh3A : vector<2000x128xf32>
    %mul3A_51 = arith.mulf %logistic3A_44, %convert_element_type3A_18 : vector<2000x128xf32>
    %add3A_52 = arith.addf %mul3A_50, %mul3A_51 : vector<2000x128xf32>
    %get3A_53 = arith.constant 0 : index
    %get3A_54 = arith.constant 0 : index
    %get3A_55 = arith.constant 0 : index
    %get3A_56 = vector.load %arg6[%get3A_53, %get3A_54, %get3A_55] : memref<1x1x2000xi32, #tpu.memory_space<vmem>>, vector<1x1x2000xi32>
    %get3A_57 = vector.shape_cast %get3A_56 : vector<1x1x2000xi32> to vector<2000xi32>
    %broadcast_in_dim3A = vector.shape_cast %get3A_57 : vector<2000xi32> to vector<2000x1xi32>
    %iota3A = tpu.iota {dimensions = array<i32: 1>} : vector<2000x64xi32>
    %eq3A_58 = vector.broadcast %broadcast_in_dim3A : vector<2000x1xi32> to vector<2000x64xi32>
    %eq3A_59 = arith.cmpi eq, %eq3A_58, %iota3A : vector<2000x64xi32>
    %convert_element_type3A_60 = arith.extui %eq3A_59 : vector<2000x64xi1> to vector<2000x64xi32>
    %convert_element_type3A_61 = arith.sitofp %convert_element_type3A_60 : vector<2000x64xi32> to vector<2000x64xf32>
    %get3A_62 = arith.constant 0 : index
    %get3A_63 = arith.constant 0 : index
    %get3A_64 = vector.load %arg10[%get3A_62, %get3A_63] : memref<64x128xf32, #tpu.memory_space<vmem>>, vector<64x128xf32>
    %dot_general3A_65 = arith.constant dense<0.000000e+00> : vector<64x128xf32>
    %dot_general3A_66 = tpu.matmul %convert_element_type3A_61, %add3A_52, %dot_general3A_65 {dimension_numbers = #tpu.dot_dimension_numbers<[0], [0], [1], [1], [0, 1, 1, 1], [], []>, transpose_lhs_hint = false} : vector<2000x64xf32>, vector<2000x128xf32>, vector<64x128xf32> -> vector<64x128xf32>
    %add3A_67 = arith.addf %get3A_64, %dot_general3A_66 : vector<64x128xf32>
    %swap3A = arith.constant 0 : index
    %swap3A_68 = arith.constant 0 : index
    %swap3A_69 = vector.load %arg10[%swap3A, %swap3A_68] : memref<64x128xf32, #tpu.memory_space<vmem>>, vector<64x128xf32>
    tpu.vector_store %arg10[%swap3A, %swap3A_68], %add3A_67 {strides = array<i32>} : memref<64x128xf32, #tpu.memory_space<vmem>>, vector<64x128xf32>,
    %get3A_70 = arith.constant 0 : index
    %get3A_71 = arith.constant 0 : index
    %get3A_72 = vector.load %arg11[%get3A_70, %get3A_71] : memref<64x8xf32, #tpu.memory_space<vmem>>, vector<64x8xf32>
    %broadcast_in_dim3A_73 = arith.constant 1.000000e+00 : f32
    %broadcast_in_dim3A_74 = vector.broadcast %broadcast_in_dim3A_73 : f32 to vector<2000x8xf32>
    %dot_general3A_75 = arith.constant dense<0.000000e+00> : vector<64x8xf32>
    %dot_general3A_76 = tpu.matmul %convert_element_type3A_61, %broadcast_in_dim3A_74, %dot_general3A_75 {dimension_numbers = #tpu.dot_dimension_numbers<[0], [0], [1], [1], [0, 1, 1, 1], [], []>, transpose_lhs_hint = false} : vector<2000x64xf32>, vector<2000x8xf32>, vector<64x8xf32> -> vector<64x8xf32>
    %add3A_77 = arith.addf %get3A_72, %dot_general3A_76 : vector<64x8xf32>
    %swap3A_78 = arith.constant 0 : index
    %swap3A_79 = arith.constant 0 : index
    %swap3A_80 = vector.load %arg11[%swap3A_78, %swap3A_79] : memref<64x8xf32, #tpu.memory_space<vmem>>, vector<64x8xf32>
    tpu.vector_store %arg11[%swap3A_78, %swap3A_79], %add3A_77 {strides = array<i32>} : memref<64x8xf32, #tpu.memory_space<vmem>>, vector<64x8xf32>,
    %eq3A_81 = arith.constant 4 : i32
    %eq3A_82 = arith.cmpi eq, %arg0, %eq3A_81 : i32
    %convert_element_type3A_83 = arith.extui %eq3A_82 : i1 to i32
    %cond3A_84 = arith.constant 0 : i32
    %cond3A_85 = arith.cmpi ne, %convert_element_type3A_83, %cond3A_84 : i32
    scf.if %cond3A_85 {
      %get3A_86 = arith.constant 0 : index
      %get3A_87 = arith.constant 0 : index
      %get3A_88 = vector.load %arg10[%get3A_86, %get3A_87] : memref<64x128xf32, #tpu.memory_space<vmem>>, vector<64x128xf32>
      %get3A_89 = arith.constant 0 : index
      %get3A_90 = arith.constant 0 : index
      %get3A_91 = vector.load %arg11[%get3A_89, %get3A_90] : memref<64x8xf32, #tpu.memory_space<vmem>>, vector<64x8xf32>
      %slice3A_92 = vector.extract_strided_slice %get3A_91 {offsets = [0, 0], sizes = [64, 1], strides = [1, 1]} : vector<64x8xf32> to vector<64x1xf32>
      %max3A = arith.constant 1.000000e+00 : f32
      %max3A_93 = vector.broadcast %max3A : f32 to vector<64x1xf32>
      %max3A_94 = arith.maximumf %slice3A_92, %max3A_93 : vector<64x1xf32>
      %div3A = vector.broadcast %max3A_94 : vector<64x1xf32> to vector<64x128xf32>
      %div3A_95 = arith.divf %get3A_88, %div3A : vector<64x128xf32>
      %get3A_96 = arith.constant 0 : index
      %get3A_97 = arith.constant 0 : index
      %get3A_98 = vector.load %arg7[%get3A_96, %get3A_97] : memref<128x128xf32, #tpu.memory_space<vmem>>, vector<128x128xf32>
      %dot_general3A_99 = arith.constant dense<0.000000e+00> : vector<64x128xf32>
      %dot_general3A_100 = tpu.matmul %div3A_95, %get3A_98, %dot_general3A_99 {dimension_numbers = #tpu.dot_dimension_numbers<[1], [0], [0], [1], [0, 0, 1, 1], [], []>, transpose_lhs_hint = false} : vector<64x128xf32>, vector<128x128xf32>, vector<64x128xf32> -> vector<64x128xf32>
      %get3A_101 = arith.constant 0 : index
      %get3A_102 = arith.constant 0 : index
      %get3A_103 = vector.load %arg8[%get3A_101, %get3A_102] : memref<1x128xf32, #tpu.memory_space<vmem>>, vector<1x128xf32>
      %add3A_104 = vector.broadcast %get3A_103 : vector<1x128xf32> to vector<64x128xf32>
      %add3A_105 = arith.addf %dot_general3A_100, %add3A_104 : vector<64x128xf32>
      %swap3A_106 = arith.constant 0 : index
      %swap3A_107 = arith.constant 0 : index
      %swap3A_108 = vector.load %arg9[%swap3A_106, %swap3A_107] : memref<64x128xf32, #tpu.memory_space<vmem>>, vector<64x128xf32>
      tpu.vector_store %arg9[%swap3A_106, %swap3A_107], %add3A_105 {strides = array<i32>} : memref<64x128xf32, #tpu.memory_space<vmem>>, vector<64x128xf32>,
    } else {
    }
    return
  }
  func.func @transform_0(%arg0: i32) -> (i32, i32, i32) {
    %c0_i32 = arith.constant 0 : i32
    %c0_i32_0 = arith.constant 0 : i32
    %c0_i32_1 = arith.constant 0 : i32
    return %c0_i32, %arg0, %c0_i32_0 : i32, i32, i32
  }
  func.func @transform_1(%arg0: i32) -> (i32, i32) {
    %c0_i32 = arith.constant 0 : i32
    %c0_i32_0 = arith.constant 0 : i32
    return %arg0, %c0_i32 : i32, i32
  }
  func.func @transform_2(%arg0: i32) -> (i32, i32) {
    %c0_i32 = arith.constant 0 : i32
    %c0_i32_0 = arith.constant 0 : i32
    return %arg0, %c0_i32 : i32, i32
  }
  func.func @transform_3(%arg0: i32) -> (i32, i32) {
    %c0_i32 = arith.constant 0 : i32
    %c0_i32_0 = arith.constant 0 : i32
    %c0_i32_1 = arith.constant 0 : i32
    return %c0_i32, %c0_i32_0 : i32, i32
  }
  func.func @transform_4(%arg0: i32) -> (i32, i32) {
    %c0_i32 = arith.constant 0 : i32
    %c0_i32_0 = arith.constant 0 : i32
    %c0_i32_1 = arith.constant 0 : i32
    return %c0_i32, %c0_i32_0 : i32, i32
  }
  func.func @transform_5(%arg0: i32) -> (i32, i32, i32) {
    %c0_i32 = arith.constant 0 : i32
    %c0_i32_0 = arith.constant 0 : i32
    %c0_i32_1 = arith.constant 0 : i32
    return %arg0, %c0_i32, %c0_i32_0 : i32, i32, i32
  }
  func.func @transform_6(%arg0: i32) -> (i32, i32) {
    %c0_i32 = arith.constant 0 : i32
    %c0_i32_0 = arith.constant 0 : i32
    %c0_i32_1 = arith.constant 0 : i32
    return %c0_i32, %c0_i32_0 : i32, i32
  }
  func.func @transform_7(%arg0: i32) -> (i32, i32) {
    %c0_i32 = arith.constant 0 : i32
    %c0_i32_0 = arith.constant 0 : i32
    %c0_i32_1 = arith.constant 0 : i32
    return %c0_i32, %c0_i32_0 : i32, i32
  }
  func.func @transform_8(%arg0: i32) -> (i32, i32) {
    %c0_i32 = arith.constant 0 : i32
    %c0_i32_0 = arith.constant 0 : i32
    %c0_i32_1 = arith.constant 0 : i32
    return %c0_i32, %c0_i32_0 : i32, i32
  }
}

module attributes {stable_mosaic.version = 14 : i64} {
  func.func @_mid_body(%arg0: i32, %arg1: memref<2x2000x128xf32, #tpu.memory_space<vmem>>, %arg2: memref<2000x384xbf16, #tpu.memory_space<vmem>>, %arg3: memref<2000x128xbf16, #tpu.memory_space<vmem>>, %arg4: memref<128x384xbf16, #tpu.memory_space<vmem>>, %arg5: memref<1x384xf32, #tpu.memory_space<vmem>>, %arg6: memref<128x128xbf16, #tpu.memory_space<vmem>>, %arg7: memref<128x384xbf16, #tpu.memory_space<vmem>>, %arg8: memref<1x384xf32, #tpu.memory_space<vmem>>, %arg9: memref<2000x128xbf16, #tpu.memory_space<vmem>>, %arg10: memref<2000x128xf32, #tpu.memory_space<vmem>>, %arg11: memref<2000x384xbf16, #tpu.memory_space<vmem>>) attributes {dimension_semantics = [#tpu.dimension_semantics<arbitrary>], iteration_bounds = array<i64: 5>, scalar_prefetch = 0 : i64, scratch_operands = 0 : i64, tpu.core_type = #tpu.core_type<tc>, window_params = [{transform_indices = @transform_0, window_bounds = array<i64: 2, 2000, 128>}, {transform_indices = @transform_1, window_bounds = array<i64: 2000, 384>}, {transform_indices = @transform_2, window_bounds = array<i64: 2000, 128>}, {pipeline_mode = #tpu.pipeline_mode<synchronous>, transform_indices = @transform_3, window_bounds = array<i64: 128, 384>}, {pipeline_mode = #tpu.pipeline_mode<synchronous>, transform_indices = @transform_4, window_bounds = array<i64: 1, 384>}, {pipeline_mode = #tpu.pipeline_mode<synchronous>, transform_indices = @transform_5, window_bounds = array<i64: 128, 128>}, {pipeline_mode = #tpu.pipeline_mode<synchronous>, transform_indices = @transform_6, window_bounds = array<i64: 128, 384>}, {pipeline_mode = #tpu.pipeline_mode<synchronous>, transform_indices = @transform_7, window_bounds = array<i64: 1, 384>}, {transform_indices = @transform_8, window_bounds = array<i64: 2000, 128>}, {transform_indices = @transform_9, window_bounds = array<i64: 2000, 128>}, {transform_indices = @transform_10, window_bounds = array<i64: 2000, 384>}]} {
    %get3A = arith.constant 0 : index
    %get3A_0 = arith.constant 0 : index
    %get3A_1 = arith.constant 0 : index
    %get3A_2 = vector.load %arg1[%get3A, %get3A_0, %get3A_1] : memref<2x2000x128xf32, #tpu.memory_space<vmem>>, vector<1x2000x128xf32>
    %get3A_3 = vector.shape_cast %get3A_2 : vector<1x2000x128xf32> to vector<2000x128xf32>
    %get3A_4 = arith.constant 1 : index
    %get3A_5 = arith.constant 0 : index
    %get3A_6 = arith.constant 0 : index
    %get3A_7 = vector.load %arg1[%get3A_4, %get3A_5, %get3A_6] : memref<2x2000x128xf32, #tpu.memory_space<vmem>>, vector<1x2000x128xf32>
    %get3A_8 = vector.shape_cast %get3A_7 : vector<1x2000x128xf32> to vector<2000x128xf32>
    %get3A_9 = arith.constant 0 : index
    %get3A_10 = arith.constant 0 : index
    %get3A_11 = vector.load %arg2[%get3A_9, %get3A_10] : memref<2000x384xbf16, #tpu.memory_space<vmem>>, vector<2000x384xbf16>
    %convert_element_type3A = arith.extf %get3A_11 : vector<2000x384xbf16> to vector<2000x384xf32>
    %get3A_12 = arith.constant 0 : index
    %get3A_13 = arith.constant 0 : index
    %get3A_14 = vector.load %arg3[%get3A_12, %get3A_13] : memref<2000x128xbf16, #tpu.memory_space<vmem>>, vector<2000x128xbf16>
    %convert_element_type3A_15 = arith.extf %get3A_14 : vector<2000x128xbf16> to vector<2000x128xf32>
    %get3A_16 = arith.constant 0 : index
    %get3A_17 = arith.constant 0 : index
    %get3A_18 = vector.load %arg4[%get3A_16, %get3A_17] : memref<128x384xbf16, #tpu.memory_space<vmem>>, vector<128x384xbf16>
    %get3A_19 = arith.constant 0 : index
    %get3A_20 = arith.constant 0 : index
    %get3A_21 = vector.load %arg5[%get3A_19, %get3A_20] : memref<1x384xf32, #tpu.memory_space<vmem>>, vector<1x384xf32>
    %add3A = arith.addf %get3A_3, %get3A_8 : vector<2000x128xf32>
    %convert_element_type3A_22 = arith.truncf %add3A : vector<2000x128xf32> to vector<2000x128xbf16>
    %dot_general3A = arith.constant dense<0.000000e+00> : vector<2000x384xf32>
    %dot_general3A_23 = tpu.matmul %convert_element_type3A_22, %get3A_18, %dot_general3A {dimension_numbers = #tpu.dot_dimension_numbers<[1], [0], [0], [1], [0, 0, 1, 1], [], []>, transpose_lhs_hint = false} : vector<2000x128xbf16>, vector<128x384xbf16>, vector<2000x384xf32> -> vector<2000x384xf32>
    %add3A_24 = vector.broadcast %get3A_21 : vector<1x384xf32> to vector<2000x384xf32>
    %add3A_25 = arith.addf %dot_general3A_23, %add3A_24 : vector<2000x384xf32>
    %slice3A = vector.extract_strided_slice %add3A_25 {offsets = [0, 0], sizes = [2000, 128], strides = [1, 1]} : vector<2000x384xf32> to vector<2000x128xf32>
    %slice3A_26 = vector.extract_strided_slice %convert_element_type3A {offsets = [0, 0], sizes = [2000, 128], strides = [1, 1]} : vector<2000x384xf32> to vector<2000x128xf32>
    %add3A_27 = arith.addf %slice3A, %slice3A_26 : vector<2000x128xf32>
    %logistic3A = arith.negf %add3A_27 : vector<2000x128xf32>
    %logistic3A_28 = math.exp %logistic3A : vector<2000x128xf32>
    %logistic3A_29 = arith.constant 1.000000e+00 : f32
    %logistic3A_30 = vector.broadcast %logistic3A_29 : f32 to vector<2000x128xf32>
    %logistic3A_31 = arith.addf %logistic3A_30, %logistic3A_28 : vector<2000x128xf32>
    %logistic3A_32 = arith.divf %logistic3A_30, %logistic3A_31 : vector<2000x128xf32>
    %slice3A_33 = vector.extract_strided_slice %add3A_25 {offsets = [0, 128], sizes = [2000, 128], strides = [1, 1]} : vector<2000x384xf32> to vector<2000x128xf32>
    %slice3A_34 = vector.extract_strided_slice %convert_element_type3A {offsets = [0, 128], sizes = [2000, 128], strides = [1, 1]} : vector<2000x384xf32> to vector<2000x128xf32>
    %add3A_35 = arith.addf %slice3A_33, %slice3A_34 : vector<2000x128xf32>
    %logistic3A_36 = arith.negf %add3A_35 : vector<2000x128xf32>
    %logistic3A_37 = math.exp %logistic3A_36 : vector<2000x128xf32>
    %logistic3A_38 = arith.constant 1.000000e+00 : f32
    %logistic3A_39 = vector.broadcast %logistic3A_38 : f32 to vector<2000x128xf32>
    %logistic3A_40 = arith.addf %logistic3A_39, %logistic3A_37 : vector<2000x128xf32>
    %logistic3A_41 = arith.divf %logistic3A_39, %logistic3A_40 : vector<2000x128xf32>
    %slice3A_42 = vector.extract_strided_slice %add3A_25 {offsets = [0, 256], sizes = [2000, 128], strides = [1, 1]} : vector<2000x384xf32> to vector<2000x128xf32>
    %slice3A_43 = vector.extract_strided_slice %convert_element_type3A {offsets = [0, 256], sizes = [2000, 128], strides = [1, 1]} : vector<2000x384xf32> to vector<2000x128xf32>
    %mul3A = arith.mulf %logistic3A_32, %slice3A_43 : vector<2000x128xf32>
    %add3A_44 = arith.addf %slice3A_42, %mul3A : vector<2000x128xf32>
    %tanh3A = math.tanh %add3A_44 : vector<2000x128xf32>
    %sub3A = arith.constant 1.000000e+00 : f32
    %sub3A_45 = vector.broadcast %sub3A : f32 to vector<2000x128xf32>
    %sub3A_46 = arith.subf %sub3A_45, %logistic3A_41 : vector<2000x128xf32>
    %mul3A_47 = arith.mulf %sub3A_46, %tanh3A : vector<2000x128xf32>
    %mul3A_48 = arith.mulf %logistic3A_41, %convert_element_type3A_15 : vector<2000x128xf32>
    %add3A_49 = arith.addf %mul3A_47, %mul3A_48 : vector<2000x128xf32>
    %convert_element_type3A_50 = arith.truncf %add3A_49 : vector<2000x128xf32> to vector<2000x128xbf16>
    %swap3A = arith.constant 0 : index
    %swap3A_51 = arith.constant 0 : index
    %swap3A_52 = vector.load %arg9[%swap3A, %swap3A_51] : memref<2000x128xbf16, #tpu.memory_space<vmem>>, vector<2000x128xbf16>
    tpu.vector_store %arg9[%swap3A, %swap3A_51], %convert_element_type3A_50 {strides = array<i32>} : memref<2000x128xbf16, #tpu.memory_space<vmem>>, vector<2000x128xbf16>,
    %convert_element_type3A_53 = arith.truncf %add3A_49 : vector<2000x128xf32> to vector<2000x128xbf16>
    %get3A_54 = arith.constant 0 : index
    %get3A_55 = arith.constant 0 : index
    %get3A_56 = vector.load %arg6[%get3A_54, %get3A_55] : memref<128x128xbf16, #tpu.memory_space<vmem>>, vector<128x128xbf16>
    %dot_general3A_57 = arith.constant dense<0.000000e+00> : vector<2000x128xf32>
    %dot_general3A_58 = tpu.matmul %convert_element_type3A_53, %get3A_56, %dot_general3A_57 {dimension_numbers = #tpu.dot_dimension_numbers<[1], [0], [0], [1], [0, 0, 1, 1], [], []>, transpose_lhs_hint = false} : vector<2000x128xbf16>, vector<128x128xbf16>, vector<2000x128xf32> -> vector<2000x128xf32>
    %swap3A_59 = arith.constant 0 : index
    %swap3A_60 = arith.constant 0 : index
    %swap3A_61 = vector.load %arg10[%swap3A_59, %swap3A_60] : memref<2000x128xf32, #tpu.memory_space<vmem>>, vector<2000x128xf32>
    tpu.vector_store %arg10[%swap3A_59, %swap3A_60], %dot_general3A_58 {strides = array<i32>} : memref<2000x128xf32, #tpu.memory_space<vmem>>, vector<2000x128xf32>,
    %get3A_62 = arith.constant 0 : index
    %get3A_63 = arith.constant 0 : index
    %get3A_64 = vector.load %arg7[%get3A_62, %get3A_63] : memref<128x384xbf16, #tpu.memory_space<vmem>>, vector<128x384xbf16>
    %dot_general3A_65 = arith.constant dense<0.000000e+00> : vector<2000x384xf32>
    %dot_general3A_66 = tpu.matmul %convert_element_type3A_53, %get3A_64, %dot_general3A_65 {dimension_numbers = #tpu.dot_dimension_numbers<[1], [0], [0], [1], [0, 0, 1, 1], [], []>, transpose_lhs_hint = false} : vector<2000x128xbf16>, vector<128x384xbf16>, vector<2000x384xf32> -> vector<2000x384xf32>
    %get3A_67 = arith.constant 0 : index
    %get3A_68 = arith.constant 0 : index
    %get3A_69 = vector.load %arg8[%get3A_67, %get3A_68] : memref<1x384xf32, #tpu.memory_space<vmem>>, vector<1x384xf32>
    %add3A_70 = vector.broadcast %get3A_69 : vector<1x384xf32> to vector<2000x384xf32>
    %add3A_71 = arith.addf %dot_general3A_66, %add3A_70 : vector<2000x384xf32>
    %convert_element_type3A_72 = arith.truncf %add3A_71 : vector<2000x384xf32> to vector<2000x384xbf16>
    %swap3A_73 = arith.constant 0 : index
    %swap3A_74 = arith.constant 0 : index
    %swap3A_75 = vector.load %arg11[%swap3A_73, %swap3A_74] : memref<2000x384xbf16, #tpu.memory_space<vmem>>, vector<2000x384xbf16>
    tpu.vector_store %arg11[%swap3A_73, %swap3A_74], %convert_element_type3A_72 {strides = array<i32>} : memref<2000x384xbf16, #tpu.memory_space<vmem>>, vector<2000x384xbf16>,
    return
  }
  func.func @transform_0(%arg0: i32) -> (i32, i32, i32) {
    %c0_i32 = arith.constant 0 : i32
    %c0_i32_0 = arith.constant 0 : i32
    %c0_i32_1 = arith.constant 0 : i32
    return %c0_i32, %arg0, %c0_i32_0 : i32, i32, i32
  }
  func.func @transform_1(%arg0: i32) -> (i32, i32) {
    %c0_i32 = arith.constant 0 : i32
    %c0_i32_0 = arith.constant 0 : i32
    return %arg0, %c0_i32 : i32, i32
  }
  func.func @transform_2(%arg0: i32) -> (i32, i32) {
    %c0_i32 = arith.constant 0 : i32
    %c0_i32_0 = arith.constant 0 : i32
    return %arg0, %c0_i32 : i32, i32
  }
  func.func @transform_3(%arg0: i32) -> (i32, i32) {
    %c0_i32 = arith.constant 0 : i32
    %c0_i32_0 = arith.constant 0 : i32
    %c0_i32_1 = arith.constant 0 : i32
    return %c0_i32, %c0_i32_0 : i32, i32
  }
  func.func @transform_4(%arg0: i32) -> (i32, i32) {
    %c0_i32 = arith.constant 0 : i32
    %c0_i32_0 = arith.constant 0 : i32
    %c0_i32_1 = arith.constant 0 : i32
    return %c0_i32, %c0_i32_0 : i32, i32
  }
  func.func @transform_5(%arg0: i32) -> (i32, i32) {
    %c0_i32 = arith.constant 0 : i32
    %c0_i32_0 = arith.constant 0 : i32
    %c0_i32_1 = arith.constant 0 : i32
    return %c0_i32, %c0_i32_0 : i32, i32
  }
  func.func @transform_6(%arg0: i32) -> (i32, i32) {
    %c0_i32 = arith.constant 0 : i32
    %c0_i32_0 = arith.constant 0 : i32
    %c0_i32_1 = arith.constant 0 : i32
    return %c0_i32, %c0_i32_0 : i32, i32
  }
  func.func @transform_7(%arg0: i32) -> (i32, i32) {
    %c0_i32 = arith.constant 0 : i32
    %c0_i32_0 = arith.constant 0 : i32
    %c0_i32_1 = arith.constant 0 : i32
    return %c0_i32, %c0_i32_0 : i32, i32
  }
  func.func @transform_8(%arg0: i32) -> (i32, i32) {
    %c0_i32 = arith.constant 0 : i32
    %c0_i32_0 = arith.constant 0 : i32
    return %arg0, %c0_i32 : i32, i32
  }
  func.func @transform_9(%arg0: i32) -> (i32, i32) {
    %c0_i32 = arith.constant 0 : i32
    %c0_i32_0 = arith.constant 0 : i32
    return %arg0, %c0_i32 : i32, i32
  }
  func.func @transform_10(%arg0: i32) -> (i32, i32) {
    %c0_i32 = arith.constant 0 : i32
    %c0_i32_0 = arith.constant 0 : i32
    return %arg0, %c0_i32 : i32, i32
  }
}

</mosaic_0001>

<sc_bundles>
// kernel: kernel.10.cloned.1.call-start
scs
__scs_entry_jumppad:
0x0: {  	(pc) =	sbr.rel $0x88, $3  }
0x1: {  	(tag) =	ssettag $0x0;
	lr =	simm.s32 $0x1  }
0x2: {  	[smem:$0x3F95] =	sst lr;
	_ =	strace $0xD0000000  }
0x3: {  	_ = 	snop  }
0x4: {  	_ = 	snop  }
0x5: {  	_ = 	snop  }
0x6: {  	_ = 	snop  }
0x7: {  	_ = 	snop  }
__scs_overlays_trampoline_lowered:
0x8: {  	[smem:$0x3FA4] =	sst s0  }
0x9: {  	[smem:$0x3FA5] =	sst s1  }
0xa: {  	[smem:$0x3FA6] =	sst s2  }
0xb: {  	[smem:$0x3FA7] =	sst s3  }
0xc: {  	[smem:$0x3FA8] =	sst s4  }
0xd: {  	[smem:$0x3FA9] =	sst s5  }
0xe: {  	[smem:$0x3FAA] =	sst s6  }
0xf: {  	[smem:$0x3FAB] =	sst s7  }
0x10: {  	[smem:$0x3FAC] =	sst s8  }
0x11: {  	[smem:$0x3FAD] =	sst s9;
	s0 =	simm.s32 @!p0 $0x0  }
0x12: {  	s1 =	sld [smem:$0x3F93];
	s0 =	simm.s32 @p0 $0x1  }
0x13: {  	[smem:$0x3FAE] =	sst s0;
	s0 =	simm.s32 @!p1 $0x0  }
0x14: {  	s2 =	sld [smem:$0x3F92];
	s0 =	simm.s32 @p1 $0x1  }
0x15: {  	[smem:$0x3FAF] =	sst s0;
	s0 =	simm.s32 @!p2 $0x0  }
0x16: {  	s3 =	sld [smem:$0x3FDB];
	s0 =	simm.s32 @p2 $0x1  }
0x17: {  	s4 =	simm.s32 $0x1BF5;
	[smem:$0x3FB1] =	sst s0  }
0x18: {  	s0 =	sld [smem:$0x3F94];
	_ =	swait.ge [sflag:s4], $0x0  }
0x19: {  	s7 =	sld [smem:$0x3F95]  }
0x1a: {  	s8 =	sadd.s32 $0xFFFFE003, lr  }
0x1b: {  	s9 =	sadd.s32 $0xFFFFFEF7, lr;
	s5 =	simm.s32 $0xFFFFFFFF;
	p2 =	slt.u32 s8, $0xFFFFF086  }
0x1c: {  	p1 =	slt.u32 s9, $0xF7A;
	s5 =	simm.s32 @!p2 $0x0  }
0x1d: {  	s5 =	simm.s32 @p1 $0x1;
	p0 =	seq.s32 s7, s2  }
0x1e: {  	s7 =	smul.u32 @!p0 $0xF7A, s2;
	p2 =	seq.s32 @!p0 s5, $0x0  }
0x1f: {  	s9 =	smul.u32 $0xF7A, s1;
	s8 =	simm.s32 @!p0 $0x1BF5;
	p2 =	por !p2, p0  }
0x20: {  	[sflag:s8] =	ssyncset.s32 @!p0 $0xFFFFF086;
	s6 =	sadd.s32 @!p0 s3, s7;
	s7 =	simm.s32 @!p0 $0x108  }
0x21: {  	s3 =	sadd.s32 s3, s9;
	s6 =	sadd.s32 @!p0 $0x88, s6;
	s7 =	simm.s32 @p2 $0x1082  }
0x22: {  	[simem:s7], [sflag:s8] =	dma.local @!p0 [hbm:s6], $0xF7A  }
0x23: {  	s9 =	sor.u32 $0xD0000000, s2;
	s6 =	simm.s32 $0x108;
	_ =	swait.ge @!p0 [sflag:s8], $0x0  }
0x24: {  	s3 =	sadd.s32 $0x88, s3;
	s6 =	simm.s32 @!p1 $0x1082;
	[sflag:s4] =	ssyncset.s32 $0xFFFFF086  }
0x25: {  	[simem:s6], [sflag:s4] =	dma.local [hbm:s3], $0xF7A  }
0x26: {  	[smem:$0x3F95] =	sst s1;
	(tag) =	ssettag s2;
	_ =	strace s9  }
0x27: {  	s1 =	sld [smem:$0x3FA5]  }
0x28: {  	s2 =	sld [smem:$0x3FA6]  }
0x29: {  	s4 =	sld [smem:$0x3FA8]  }
0x2a: {  	p0 =	seq.s32 s5, $0x0;
	s5 =	sld [smem:$0x3FA9]  }
0x2b: {  	s6 =	sld [smem:$0x3FAA]  }
0x2c: {  	s7 =	sld [smem:$0x3FAB]  }
0x2d: {  	s3 =	simm.s32 $0x108;
	s8 =	sld [smem:$0x3FAC]  }
0x2e: {  	s3 =	simm.s32 @!p0 $0x1082;
	s9 =	sld [smem:$0x3FAD]  }
0x2f: {  	lr =	sadd.s32 s0, s3;
	s0 =	sld [smem:$0x3FA4]  }
0x30: {  	s3 =	sld [smem:$0x3FA7]  }
0x31: {  	[smem:$0x3FB0] =	sst s10  }
0x32: {  	s10 =	sld [smem:$0x3FAE];
	_ =	sdelay $0x3  }
0x33: {  	p0 =	seq.s32 s10, $0x1;
	s10 =	sld [smem:$0x3FB0];
	_ =	sdelay $0x3  }
0x34: {  	[smem:$0x3FB0] =	sst s10  }
0x35: {  	s10 =	sld [smem:$0x3FAF];
	_ =	sdelay $0x3  }
0x36: {  	p1 =	seq.s32 s10, $0x1;
	s10 =	sld [smem:$0x3FB0];
	_ =	sdelay $0x3  }
0x37: {  	[smem:$0x3FB0] =	sst s10  }
0x38: {  	s10 =	sld [smem:$0x3FB1]  }
0x39: {  	_ = 	snop;
	(pc) =	sbr.ind lr, $3  }
0x3a: {  	_ = 	snop  }
0x3b: {  	_ = 	snop  }
0x3c: {  	p2 =	seq.s32 s10, $0x1;
	s10 =	sld [smem:$0x3FB0]  }
0x3d: {  	_ =	shalt  }
0x3e: {  	_ =	shalt  }
0x3f: {  	_ =	shalt  }
0x40: {  	_ =	shalt  }
0x41: {  	_ =	shalt  }
0x42: {  	_ =	shalt  }
0x43: {  	_ =	shalt  }
0x44: {  	_ =	shalt  }
0x45: {  	_ =	shalt  }
0x46: {  	_ =	shalt  }
0x47: {  	_ =	shalt  }
0x48: {  	_ =	shalt  }
0x49: {  	_ =	shalt  }
0x4a: {  	_ =	shalt  }
0x4b: {  	_ =	shalt  }
0x4c: {  	_ =	shalt  }
0x4d: {  	_ =	shalt  }
0x4e: {  	_ =	shalt  }
0x4f: {  	_ =	shalt  }
0x50: {  	_ =	shalt  }
0x51: {  	_ =	shalt  }
0x52: {  	_ =	shalt  }
0x53: {  	_ =	shalt  }
0x54: {  	_ =	shalt  }
0x55: {  	_ =	shalt  }
0x56: {  	_ =	shalt  }
0x57: {  	_ =	shalt  }
0x58: {  	_ =	shalt  }
0x59: {  	_ =	shalt  }
0x5a: {  	_ =	shalt  }
0x5b: {  	_ =	shalt  }
0x5c: {  	_ =	shalt  }
0x5d: {  	_ =	shalt  }
0x5e: {  	_ =	shalt  }
0x5f: {  	_ =	shalt  }
0x60: {  	_ =	shalt  }
0x61: {  	_ =	shalt  }
0x62: {  	_ =	shalt  }
0x63: {  	_ =	shalt  }
0x64: {  	_ =	shalt  }
0x65: {  	_ =	shalt  }
0x66: {  	_ =	shalt  }
0x67: {  	_ =	shalt  }
0x68: {  	_ =	shalt  }
0x69: {  	_ =	shalt  }
0x6a: {  	_ =	shalt  }
0x6b: {  	_ =	shalt  }
0x6c: {  	_ =	shalt  }
0x6d: {  	_ =	shalt  }
0x6e: {  	_ =	shalt  }
0x6f: {  	_ =	shalt  }
0x70: {  	_ =	shalt  }
0x71: {  	_ =	shalt  }
0x72: {  	_ =	shalt  }
0x73: {  	_ =	shalt  }
0x74: {  	_ =	shalt  }
0x75: {  	_ =	shalt  }
0x76: {  	_ =	shalt  }
0x77: {  	_ =	shalt  }
0x78: {  	_ =	shalt  }
0x79: {  	_ =	shalt  }
0x7a: {  	_ =	shalt  }
0x7b: {  	_ =	shalt  }
0x7c: {  	_ =	shalt  }
0x7d: {  	_ =	shalt  }
0x7e: {  	_ =	shalt  }
0x7f: {  	_ =	shalt  }
0x80: {  	_ =	shalt  }
0x81: {  	_ =	shalt  }
0x82: {  	_ =	shalt  }
0x83: {  	_ =	shalt  }
0x84: {  	_ =	shalt  }
0x85: {  	_ =	shalt  }
0x86: {  	_ =	shalt  }
0x87: {  	_ =	shalt  }
.Lfunc_end0:
.L_simem_size_0:
called_computation_lowered:
.L_overlay_start_0:
0x88: {  	s2 =	sld [smem:$0x3FD9]  }
0x89: {  	s3 =	sld [smem:$0x3FFE];
	_ =	sdelay $0x1  }
0x8a: {  	s1 =	srdreg.scid  }
0x8b: {  	s0 =	sand.u32 $0x1, s1  }
0x8c: {  	s16 =	sshll.u32 s0, $0xA;
	s2 =	sadd.s32 s3, s2  }
0x8d: {  	s2 =	sadd.s32 s2, s16  }
0x8e: {  	[smem:$0x3FBC] =	sst s2  }
0x8f: {  	_ = 	snop  }
0x90: {  	(tm) =	ssettm $0x1  }
0x91: {  	s17 =	sld [smem:$0x3FFB];
	_ =	sdelay $0x3  }
0x92: {  	_ =	strace s17  }
0x93: {  	s2 =	sld [smem:$0x3FFC];
	_ =	sdelay $0x3  }
0x94: {  	_ =	strace s2  }
0x95: {  	s2 =	sld [smem:$0x3FFD];
	_ =	sdelay $0x3  }
0x96: {  	_ =	strace s2  }
0x97: {  	_ =	strace $0x8FFFFFFF  }
0x98: {  	s18 =	sld [smem:$0x3FDB];
	_ =	sdelay $0x1  }
0x99: {  	s19 =	simm.s32 $_scs_section_size  }
0x9a: {  	s4 =	simm.s32 $_size__tile_overlayer_lowered;
	s5 =	simm.s32 $_tile_overlayer_lowered  }
0x9b: {  	s22 =	simm.s32 $0x1BFF;
	s21 =	sshll.u32 s5, $0x1;
	s2 =	sadd.s32 s19, s18  }
0x9c: {  	s6 =	simm.s32 $0x0;
	s20 =	sshll.u32 s4, $0x1;
	s4 =	sadd.s32 s21, s2  }
0x9d: {  	[timem:s6], [sflag:s22] =	dma.local [hbm:s4], s20  }
0x9e: {  	_ =	swait.ge [sflag:s22], s20  }
0x9f: {  	s3 =	ssub.s32 $0x0, s20;
	[sflag:s22] =	ssyncset.done $0x0  }
0xa0: {  	[sflag:s22] =	ssyncadd.s32 s3;
	_ =	sdelay $0x1  }
0xa1: {  	s23 =	simm.s32 $0x1B8B  }
0xa2: {  	_ =	swait.ge [sflag:s23], $0x1  }
0xa3: {  	[sflag:s23] =	ssyncset.done $0x0  }
0xa4: {  	s25 =	simm.s32 $0x1B8E;
	s24 =	sld [smem:$0x3FFE];
	[sflag:s23] =	ssyncadd.s32 $0xFFFFFFFF  }
0xa5: {  	s26 =	simm.s32 $execute0_lowered;
	[smem:$0x3FD2] =	sst s25  }
0xa6: {  	s4 =	sshll.u32 s26, $0x1;
	_ =	strace $0x80000046;
	[dreg:$0x1] =	wrdreg $0xFFFFFFFF  }
0xa7: {  	s28 =	simm.s32 $_size_execute0_lowered;
	s2 =	sadd.s32 s2, s4;
	[dreg:$0x0] =	wrdreg $0x0  }
0xa8: {  	s4 =	sshll.u32 s28, $0x1;
	[dreg:$0x2] =	wrdreg s2  }
0xa9: {  	[dreg:$0x3] =	wrdreg s4  }
0xaa: {  	[dreg:$0x4] =	wrdreg $0xC0  }
0xab: {  	_ =	task [dreg:s6], $0x5FFFF  }
0xac: {  	[dreg:$0x1] =	wrdreg $0xFFFFFFFF  }
0xad: {  	[dreg:$0x0] =	wrdreg $0x60  }
0xae: {  	[dreg:$0x2] =	wrdreg s24  }
0xaf: {  	[dreg:$0x3] =	wrdreg $0x84000  }
0xb0: {  	[dreg:$0x4] =	wrdreg $0x9  }
0xb1: {  	_ =	task.clear_ibuf [dreg:s6], $0x5FFFF;
	_ =	strace $0x90000046  }
0xb2: {  	s29 =	simm.s32 $0x9;
	_ =	strace $0x80000048  }
0xb3: {  	_ =	swait.ge [sflag:s29], $0x1  }
0xb4: {  	[sflag:s29] =	ssyncadd.s32 $0xFFFFFFFF  }
0xb5: {  	_ =	strace $0x90000048  }
0xb6: {  	_ =	sfence  }
0xb7: {  	s30 =	sld [smem:$0x0];
	_ =	sdelay $0x2  }
0xb8: {  	s31 =	sshll.u32 s1, $0xD;
	s1 =	sshrl.u32 s1, $0x2  }
0xb9: {  	s3 =	sand.u32 $0x4000, s31;
	s1 =	sadd.s32 s1, s30  }
0xba: {  	s0 =	sor.u32 s3, s0;
	s1 =	sshll.u32 s1, $0x11  }
0xbb: {  	s0 =	sor.u32 s1, s0  }
0xbc: {  	s0 =	sadd.s32 $0x8F2B, s0  }
0xbd: {  	[sflag:s0] =	ssyncadd.remote.s32 $0x1  }
0xbe: {  	_ =	sfence.sel $0xFFFF  }
0xbf: {  	[dreg:$0x0] =	wrdreg $0xFFFFFFFF;
	(pc) =	sbr.abs _section_cstart, $3  }
0xc0: {  	[dreg:$0x1] =	wrdreg $0xFFFFFFFF  }
0xc1: {  	_ =	task.clear_ibuf [dreg:s6], $0x2FFFF;
	_ =	strace $0x9FFFFFFF  }
0xc2: {  	(tm) =	ssettm $0x7FFFFFFF  }
0xc3: {  	_ =	shalt  }
tec
execute0_lowered:
.L_overlay_start_1:
0x0: {  	(tag) =	ssettag $0x1  }
0x1: {  	s0 =	rddreg [dreg:$0x0]  }
0x2: {  	s1 =	rddreg [dreg:$0x1]  }
0x3: {  	s2 =	simm.s32 $0x0;
	s15 =	srdreg.scid;
	s13 =	stileid.u32  }
0x4: {  	s29 =	simm.s32 $0x40;
	s30 =	simm.s32 $0x400;
	[smem:$0x7FF] =	sst s2  }
0x5: {  	s2 =	sand.u32 $0x1, s15;
	s4 =	sadd.s32 $0x17600, s0;
	s5 =	sadd.s32 $0x3600, s0  }
0x6: {  	s6 =	smul.u32 $0x1F400, s13;
	s7 =	sshll.u32 s13, $0x1;
	s8 =	sadd.s32 $0xD600, s0  }
0x7: {  	s9 =	sadd.s32 $0x79200, s0;
	p0 =	slt.u32 s13, $0x2;
	s22 =	smul.u32 $0x7D000, s13  }
0x8: {  	s12 =	smul.u32 $0x9C, s13;
	p1 =	sgt.u32 s13, $0x1;
	s15 =	simm.s32 $0x0  }
0x9: {  	_ =	strace $0x80000047;
	s3 =	smul.u32 $0x138800, s2;
	[dreg:$0x3] =	wrdreg s9  }
0xa: {  	s7 =	sor.u32 s2, s7;
	s16 =	ssub.s32 $0x2, s2;
	s2 =	smul.u32 $0x4E, s2  }
0xb: {  	s17 =	smul.u32 $0x4E, s7;
	s10 =	sshrl.u32 s16, $0x1;
	s7 =	smin.u32 s7, $0x4  }
0xc: {  	s25 =	sshrl.u32 s22, $0x2;
	s22 =	simm.s32 $0x280;
	s3 =	sadd.s32 s6, s3  }
0xd: {  	s18 =	ssub.s32 s16, s10;
	s6 =	simm.s32 $0x9E;
	s26 =	sadd.s32 s25, s1  }
0xe: {  	s25 =	simm.s32 $0x180;
	s16 =	simm.s32 $0x3;
	s3 =	sshrl.u32 s3, $0x3  }
0xf: {  	s9 =	sadd.s32 s7, s17;
	s6 =	simm.s32 @!p0 $0x9C;
	s7 =	sadd.s32 s12, s7  }
0x10: {  	[dreg:$0xc] =	wrdreg s26;
	s31 =	smax.u32 s18, $0x1;
	p0 =	sgt.u32 s13, $0x9  }
0x11: {  	s26 =	simm.s32 $0x380;
	s12 =	simm.s32 $0x8;
	s0 =	sadd.s32 s3, s0  }
0x12: {  	s9 =	sshll.u32 s9, $0x4;
	s2 =	sadd.s32 s2, s7;
	[dreg:$0xe] =	wrdreg s31  }
0x13: {  	s3 =	simm.s32 $0x4400;
	s7 =	simm.s32 $0x9;
	s19 =	sadd.s32 s5, s9  }
0x14: {  	s20 =	sor.u32 $0x8, s9;
	s11 =	sadd.s32 s8, s9;
	s23 =	sadd.s32 $0x10, s9  }
0x15: {  	s9 =	sadd.s32 $0x18, s9;
	s0 =	sadd.s32 $0x7D200, s0;
	[dreg:$0x4] =	wrdreg s19  }
0x16: {  	s28 =	sshll.u32 s2, $0x4;
	[dreg:$0x5] =	wrdreg s11;
	s21 =	sadd.s32 s5, s20  }
0x17: {  	s10 =	sadd.s32 s8, s20;
	s14 =	sadd.s32 s5, s23;
	[dreg:$0xd] =	wrdreg s0  }
0x18: {  	s24 =	sadd.s32 s5, s9;
	s9 =	sadd.s32 s8, s9;
	[dreg:$0x6] =	wrdreg s21  }
0x19: {  	s18 =	sadd.s32 s28, s8;
	s19 =	sadd.s32 s28, s5;
	[dreg:$0x7] =	wrdreg s10  }
.Ltmp0:
0x1a: {  	s20 =	simm.s32 $0x200;
	[dreg:$0x8] =	wrdreg s14;
	(pc) =	sbr.rel .LBB2_1-.Ltmp0, $4  }
0x1b: {  	s0 =	simm.s32 $0x2400;
	s5 =	simm.s32 $0x5;
	[dreg:$0xa] =	wrdreg s24  }
0x1c: {  	s11 =	simm.s32 $0x7;
	s10 =	sadd.s32 s8, s23;
	[dreg:$0xb] =	wrdreg s9  }
0x1d: {  	s23 =	simm.s32 $0x100;
	s24 =	simm.s32 $0x300;
	s8 =	simm.s32 $0x4  }
0x1e: {  	s9 =	simm.s32 $0x6400;
	[dreg:$0x9] =	wrdreg s10;
	s10 =	simm.s32 $0x6  }
.LBB2_4:
0x1f: {  	_ =	swait.ge [sflag:s5], $0x2000  }
0x20: {  	[sflag:s5] =	ssyncset.done $0x0  }
0x21: {  	[sflag:s5] =	ssyncadd.s32 $0xFFFFE000  }
0x22: {  	[spmem:s1] =	stream.indirect.scatter.add.f32 [tilespmem:s30], [sflag:$0x9], $0x80, s20, s29, $0xb8;
	[tilespmem:$0x1BC80] =	vst v63  }
0x23: {  	_ =	swait.ge [sflag:s7], $0x2000  }
0x24: {  	[sflag:s7] =	ssyncset.done $0x0  }
0x25: {  	[sflag:s7] =	ssyncadd.s32 $0xFFFFE000  }
0x26: {  	_ =	swait.ge [sflag:s10], $0x2000  }
0x27: {  	[sflag:s10] =	ssyncset.done $0x0  }
0x28: {  	[sflag:s10] =	ssyncadd.s32 $0xFFFFE000  }
0x29: {  	[spmem:s1] =	stream.indirect.scatter.add.f32 [tilespmem:s0], [sflag:$0x9], $0x80, s22, s29, $0xb8;
	[tilespmem:$0x1BC80] =	vst v63  }
0x2a: {  	_ =	swait.ge [sflag:s7], $0x2000  }
0x2b: {  	[sflag:s7] =	ssyncset.done $0x0  }
0x2c: {  	[sflag:s7] =	ssyncadd.s32 $0xFFFFE000  }
0x2d: {  	[bflag:$0x0] =	sbarrier.arrive $0xFFFF  }
0x2e: {  	s15 =	rddreg [dreg:$0xf]  }
.LBB2_6:
0x2f: {  	s2 =	stileid.u32  }
0x30: {  	s13 =	rddreg [dreg:$0xc];
	s2 =	sshll.u32 s2, $0x6  }
0x31: {  	s14 =	rddreg [dreg:$0xd];
	s13 =	sshrl.u32 s13, $0x3;
	s2 =	sor.u32 $0x1C09, s2  }
0x32: {  	[hbm:s14], [sflag:s2] =	dma.local [spmem:s13], $0x3E80  }
0x33: {  	_ =	swait.ge [sflag:s7], $0x3E80  }
0x34: {  	[sflag:s7] =	ssyncset.done $0x0  }
0x35: {  	[sflag:s7] =	ssyncadd.s32 $0xFFFFC180  }
.LBB2_7:
0x36: {  	s15 =	sadd.s32 $0x1, s15;
	s2 =	rddreg [dreg:$0xe]  }
0x37: {  	p2 =	sne.s32 s15, s2  }
.Ltmp1:
0x38: {  	_ = 	snop;
	(pc) =	sbr.rel @!p2 .LBB2_8-.Ltmp1, $1  }
0x39: {  	_ =	sdelay $0x3  }
.LBB2_1:
0x3a: {  	[dreg:$0xf] =	wrdreg s15  }
0x3b: {  	s2 =	simm.s32 $0x0;
	s13 =	rddreg [dreg:$0x4]  }
0x3c: {  	[tilespmem:s2], [sflag:$0x1] =	stream.linear.gather [hbm4b:s13+s2], $0x40, $0x38;
	[tilespmem:$0x1BC80] =	vst v63  }
0x3d: {  	s15 =	rddreg [dreg:$0x5]  }
0x3e: {  	[tilespmem:s20], [sflag:$0x1] =	stream.linear.gather [hbm4b:s15+s2], $0x40, $0x38;
	[tilespmem:$0x1BC80] =	vst v63  }
0x3f: {  	s17 =	rddreg [dreg:$0x6];
	s14 =	simm.s32 $0x80  }
0x40: {  	[tilespmem:s14], [sflag:$0x2] =	stream.linear.gather [hbm4b:s17+s2], $0x40, $0x38;
	[tilespmem:$0x1BC80] =	vst v63  }
0x41: {  	s21 =	rddreg [dreg:$0x7]  }
0x42: {  	[tilespmem:s22], [sflag:$0x2] =	stream.linear.gather [hbm4b:s21+s2], $0x40, $0x38;
	[tilespmem:$0x1BC80] =	vst v63  }
0x43: {  	s15 =	rddreg [dreg:$0x8]  }
0x44: {  	[tilespmem:s23], [sflag:$0x3] =	stream.linear.gather [hbm4b:s15+s2], $0x40, $0x38;
	[tilespmem:$0x1BC80] =	vst v63  }
0x45: {  	s17 =	rddreg [dreg:$0x9]  }
0x46: {  	[tilespmem:s24], [sflag:$0x3] =	stream.linear.gather [hbm4b:s17+s2], $0x40, $0x38;
	[tilespmem:$0x1BC80] =	vst v63  }
0x47: {  	s21 =	rddreg [dreg:$0xa]  }
0x48: {  	[tilespmem:s25], [sflag:$0x4] =	stream.linear.gather [hbm4b:s21+s2], $0x40, $0x38;
	[tilespmem:$0x1BC80] =	vst v63  }
0x49: {  	s15 =	rddreg [dreg:$0xb];
	s17 =	simm.s32 $0x1  }
0x4a: {  	[tilespmem:s26], [sflag:$0x4] =	stream.linear.gather [hbm4b:s15+s2], $0x40, $0x38;
	[tilespmem:$0x1BC80] =	vst v63  }
0x4b: {  	_ =	swait.ge [sflag:s17], $0x40  }
0x4c: {  	[sflag:s17] =	ssyncset.done $0x0  }
0x4d: {  	[sflag:s17] =	ssyncadd.s32 $0xFFFFFFC0  }
0x4e: {  	_ =	swait.ge [sflag:s17], $0x40  }
0x4f: {  	[sflag:s17] =	ssyncset.done $0x0  }
0x50: {  	s21 =	simm.s32 $0x2;
	[sflag:s17] =	ssyncadd.s32 $0xFFFFFFC0  }
0x51: {  	[tilespmem:s30], [sflag:$0x5] =	stream.indirect.gather [hbm4b:s4+s29], $0x80, s2, s29, $0xb8;
	[tilespmem:$0x1BC80] =	vst v63  }
0x52: {  	_ =	swait.ge [sflag:s21], $0x40  }
0x53: {  	[sflag:s21] =	ssyncset.done $0x0  }
0x54: {  	[sflag:s21] =	ssyncadd.s32 $0xFFFFFFC0  }
0x55: {  	_ =	swait.ge [sflag:s21], $0x40  }
0x56: {  	s2 =	stileid.u32;
	[sflag:s21] =	ssyncset.done $0x0  }
0x57: {  	s2 =	sshll.u32 @!p0 s2, $0x6;
	s13 =	rddreg [dreg:$0xc];
	[sflag:s21] =	ssyncadd.s32 $0xFFFFFFC0  }
0x58: {  	[tilespmem:s0], [sflag:$0x6] =	stream.indirect.gather [hbm4b:s4+s29], $0x80, s14, s29, $0xb8;
	[tilespmem:$0x1BC80] =	vst v63  }
0x59: {  	s2 =	sor.u32 @!p0 $0x1C09, s2;
	s14 =	sshrl.u32 @!p0 s13, $0x3;
	s13 =	rddreg [dreg:$0x3]  }
0x5a: {  	[spmem:s14], [sflag:s2] =	dma.local @!p0 [hbm:s13], $0x3E80  }
0x5b: {  	s2 =	simm.s32 @!p0 $0x9  }
0x5c: {  	_ =	swait.ge @!p0 [sflag:s2], $0x3E80  }
0x5d: {  	[sflag:s2] =	ssyncset.done @!p0 $0x0  }
0x5e: {  	[sflag:s2] =	ssyncadd.s32 @!p0 $0xFFFFC180  }
0x5f: {  	[bflag:$0x0] =	sbarrier.arrive $0xFFFF  }
0x60: {  	_ =	swait.ge [sflag:s16], $0x40  }
0x61: {  	[sflag:s16] =	ssyncset.done $0x0  }
0x62: {  	[sflag:s16] =	ssyncadd.s32 $0xFFFFFFC0  }
0x63: {  	_ =	swait.ge [sflag:s16], $0x40  }
0x64: {  	[sflag:s16] =	ssyncset.done $0x0  }
0x65: {  	[sflag:s16] =	ssyncadd.s32 $0xFFFFFFC0  }
0x66: {  	[tilespmem:s3], [sflag:$0x7] =	stream.indirect.gather [hbm4b:s4+s29], $0x80, s23, s29, $0xb8;
	[tilespmem:$0x1BC80] =	vst v63  }
0x67: {  	_ =	swait.ge [sflag:s5], $0x2000  }
0x68: {  	[sflag:s5] =	ssyncset.done $0x0  }
0x69: {  	[sflag:s5] =	ssyncadd.s32 $0xFFFFE000  }
0x6a: {  	[spmem:s1] =	stream.indirect.scatter.add.f32 [tilespmem:s30], [sflag:$0x9], $0x80, s20, s29, $0xb8;
	[tilespmem:$0x1BC80] =	vst v63  }
0x6b: {  	p3 =	sle.u32 s6, $0x4;
	_ =	swait.ge [sflag:s7], $0x2000  }
0x6c: {  	s15 =	simm.s32 @!p3 $0x0;
	s2 =	sadd.s32 @!p3 $0x0, s19;
	[sflag:s7] =	ssyncset.done $0x0  }
0x6d: {  	s14 =	sadd.s32 @!p3 $0x0, s18;
	s2 =	sadd.s32 @!p3 $0x20, s2;
	[sflag:s7] =	ssyncadd.s32 $0xFFFFE000  }
0x6e: {  	[tilespmem:s15], [sflag:$0x1] =	stream.linear.gather @!p3 [hbm4b:s2+s15], $0x40, $0x38;
	[tilespmem:$0x1BC80] =	vst v63  }
0x6f: {  	s2 =	sadd.s32 @!p3 $0x20, s14;
	s14 =	simm.s32 @!p3 $0x200  }
0x70: {  	[tilespmem:s14], [sflag:$0x1] =	stream.linear.gather @!p3 [hbm4b:s2+s15], $0x40, $0x38;
	[tilespmem:$0x1BC80] =	vst v63  }
0x71: {  	_ =	swait.ge [sflag:s8], $0x40  }
0x72: {  	[sflag:s8] =	ssyncset.done $0x0  }
0x73: {  	[sflag:s8] =	ssyncadd.s32 $0xFFFFFFC0  }
0x74: {  	_ =	swait.ge [sflag:s8], $0x40  }
0x75: {  	[sflag:s8] =	ssyncset.done $0x0  }
0x76: {  	[sflag:s8] =	ssyncadd.s32 $0xFFFFFFC0  }
0x77: {  	[tilespmem:s9], [sflag:$0x8] =	stream.indirect.gather [hbm4b:s4+s29], $0x80, s25, s29, $0xb8;
	[tilespmem:$0x1BC80] =	vst v63  }
0x78: {  	_ =	swait.ge [sflag:s10], $0x2000  }
0x79: {  	[sflag:s10] =	ssyncset.done $0x0  }
0x7a: {  	p2 =	sle.u32 s6, $0x5;
	[sflag:s10] =	ssyncadd.s32 $0xFFFFE000  }
0x7b: {  	[spmem:s1] =	stream.indirect.scatter.add.f32 [tilespmem:s0], [sflag:$0x9], $0x80, s22, s29, $0xb8;
	[tilespmem:$0x1BC80] =	vst v63  }
0x7c: {  	s17 =	simm.s32 @!p2 $0x0;
	_ =	swait.ge [sflag:s7], $0x2000  }
0x7d: {  	s21 =	sadd.s32 @!p2 $0x0, s18;
	s2 =	sadd.s32 @!p2 $0x0, s19;
	[sflag:s7] =	ssyncset.done $0x0  }
0x7e: {  	s14 =	simm.s32 @!p2 $0x80;
	s2 =	sadd.s32 @!p2 $0x28, s2;
	[sflag:s7] =	ssyncadd.s32 $0xFFFFE000  }
0x7f: {  	[tilespmem:s14], [sflag:$0x2] =	stream.linear.gather @!p2 [hbm4b:s2+s17], $0x40, $0x38;
	[tilespmem:$0x1BC80] =	vst v63  }
0x80: {  	s28 =	simm.s32 @!p3 $0x1;
	s2 =	sadd.s32 @!p2 $0x28, s21;
	s21 =	simm.s32 @!p2 $0x280  }
0x81: {  	[tilespmem:s21], [sflag:$0x2] =	stream.linear.gather @!p2 [hbm4b:s2+s17], $0x40, $0x38;
	[tilespmem:$0x1BC80] =	vst v63  }
0x82: {  	_ =	swait.ge @!p3 [sflag:s28], $0x40  }
0x83: {  	[sflag:s28] =	ssyncset.done @!p3 $0x0  }
0x84: {  	[sflag:s28] =	ssyncadd.s32 @!p3 $0xFFFFFFC0  }
0x85: {  	_ =	swait.ge @!p3 [sflag:s28], $0x40  }
0x86: {  	[sflag:s28] =	ssyncset.done @!p3 $0x0  }
0x87: {  	s2 =	simm.s32 @!p3 $0x40;
	s17 =	simm.s32 @!p3 $0x400;
	[sflag:s28] =	ssyncadd.s32 @!p3 $0xFFFFFFC0  }
0x88: {  	[tilespmem:s17], [sflag:$0x5] =	stream.indirect.gather @!p3 [hbm4b:s4+s2], $0x80, s15, s2, $0xb8;
	[tilespmem:$0x1BC80] =	vst v63  }
0x89: {  	_ =	swait.ge [sflag:s11], $0x2000  }
0x8a: {  	[sflag:s11] =	ssyncset.done $0x0  }
0x8b: {  	p3 =	sle.u32 s6, $0x6;
	[sflag:s11] =	ssyncadd.s32 $0xFFFFE000  }
0x8c: {  	[spmem:s1] =	stream.indirect.scatter.add.f32 [tilespmem:s3], [sflag:$0x9], $0x80, s24, s29, $0xb8;
	[tilespmem:$0x1BC80] =	vst v63  }
0x8d: {  	s2 =	sadd.s32 @!p3 $0x0, s19;
	_ =	swait.ge [sflag:s7], $0x2000  }
0x8e: {  	s15 =	simm.s32 @!p3 $0x0;
	s17 =	sadd.s32 @!p3 $0x0, s18;
	[sflag:s7] =	ssyncset.done $0x0  }
0x8f: {  	s21 =	simm.s32 @!p3 $0x100;
	s2 =	sadd.s32 @!p3 $0x30, s2;
	[sflag:s7] =	ssyncadd.s32 $0xFFFFE000  }
0x90: {  	[tilespmem:s21], [sflag:$0x3] =	stream.linear.gather @!p3 [hbm4b:s2+s15], $0x40, $0x38;
	[tilespmem:$0x1BC80] =	vst v63  }
0x91: {  	s2 =	sadd.s32 @!p3 $0x30, s17;
	s17 =	simm.s32 @!p3 $0x300;
	s21 =	simm.s32 @!p2 $0x2  }
0x92: {  	[tilespmem:s17], [sflag:$0x3] =	stream.linear.gather @!p3 [hbm4b:s2+s15], $0x40, $0x38;
	[tilespmem:$0x1BC80] =	vst v63  }
0x93: {  	_ =	swait.ge @!p2 [sflag:s21], $0x40  }
0x94: {  	[sflag:s21] =	ssyncset.done @!p2 $0x0  }
0x95: {  	[sflag:s21] =	ssyncadd.s32 @!p2 $0xFFFFFFC0  }
0x96: {  	_ =	swait.ge @!p2 [sflag:s21], $0x40  }
0x97: {  	[sflag:s21] =	ssyncset.done @!p2 $0x0  }
0x98: {  	s2 =	simm.s32 @!p2 $0x40;
	s15 =	simm.s32 @!p2 $0x2400;
	[sflag:s21] =	ssyncadd.s32 @!p2 $0xFFFFFFC0  }
0x99: {  	[tilespmem:s15], [sflag:$0x6] =	stream.indirect.gather @!p2 [hbm4b:s4+s2], $0x80, s14, s2, $0xb8;
	[tilespmem:$0x1BC80] =	vst v63  }
0x9a: {  	_ =	swait.ge [sflag:s12], $0x2000  }
0x9b: {  	p3 =	sle.u32 s6, $0x7;
	[sflag:s12] =	ssyncset.done $0x0  }
0x9c: {  	s28 =	simm.s32 @!p3 $0x180;
	s17 =	sadd.s32 @!p3 $0x0, s18;
	[sflag:s12] =	ssyncadd.s32 $0xFFFFE000  }
0x9d: {  	[spmem:s1] =	stream.indirect.scatter.add.f32 [tilespmem:s9], [sflag:$0x9], $0x80, s26, s29, $0xb8;
	[tilespmem:$0x1BC80] =	vst v63  }
0x9e: {  	s21 =	simm.s32 $0xB;
	s14 =	simm.s32 $0x20;
	_ =	swait.ge [sflag:s7], $0x2000  }
0x9f: {  	s2 =	sadd.s32 @!p3 $0x0, s19;
	s15 =	simm.s32 @!p3 $0x0;
	[sflag:s7] =	ssyncset.done $0x0  }
0xa0: {  	s31 =	sadd.s32 @!p3 $0x38, s2;
	s2 =	simm.s32 @!p3 $0x380;
	[sflag:s7] =	ssyncadd.s32 $0xFFFFE000  }
.LBB2_2:
0xa1: {  	[tilespmem:s28], [sflag:$0x4] =	stream.linear.gather @!p3 [hbm4b:s31+s15], $0x40, $0x38;
	[tilespmem:$0x1BC80] =	vst v63  }
0xa2: {  	s28 =	sadd.s32 @!p3 $0x38, s17;
	s17 =	smov.u32 s14;
	s14 =	sadd.s32 $0x20, s14  }
0xa3: {  	[tilespmem:s2], [sflag:$0x4] =	stream.linear.gather @!p3 [hbm4b:s28+s15], $0x40, $0x38;
	[tilespmem:$0x1BC80] =	vst v63  }
0xa4: {  	p2 =	sne.s32 s14, $0x4E0;
	_ =	swait.ge [sflag:s16], $0x40  }
0xa5: {  	[sflag:s16] =	ssyncset.done $0x0  }
0xa6: {  	[sflag:s16] =	ssyncadd.s32 $0xFFFFFFC0  }
0xa7: {  	_ =	swait.ge [sflag:s16], $0x40  }
0xa8: {  	[sflag:s16] =	ssyncset.done $0x0  }
0xa9: {  	[sflag:s16] =	ssyncadd.s32 $0xFFFFFFC0  }
0xaa: {  	[tilespmem:s3], [sflag:$0x7] =	stream.indirect.gather [hbm4b:s4+s29], $0x80, s23, s29, $0xb8;
	[tilespmem:$0x1BC80] =	vst v63  }
0xab: {  	_ =	swait.ge [sflag:s5], $0x2000  }
0xac: {  	s2 =	sadd.s32 $0xFFFFFFFD, s21;
	[sflag:s5] =	ssyncset.done $0x0  }
0xad: {  	p4 =	sge.u32 s2, s6;
	[sflag:s5] =	ssyncadd.s32 $0xFFFFE000  }
0xae: {  	[spmem:s1] =	stream.indirect.scatter.add.f32 [tilespmem:s30], [sflag:$0x9], $0x80, s20, s29, $0xb8;
	[tilespmem:$0x1BC80] =	vst v63  }
0xaf: {  	s2 =	sadd.s32 @!p4 s17, s19;
	s15 =	sadd.s32 @!p4 s17, s18;
	_ =	swait.ge [sflag:s7], $0x2000  }
0xb0: {  	s28 =	simm.s32 @!p4 $0x0;
	s2 =	sadd.s32 @!p4 $0x20, s2;
	[sflag:s7] =	ssyncset.done $0x0  }
0xb1: {  	s15 =	sadd.s32 @!p4 $0x20, s15;
	[sflag:s7] =	ssyncadd.s32 $0xFFFFE000  }
0xb2: {  	[tilespmem:s28], [sflag:$0x1] =	stream.linear.gather @!p4 [hbm4b:s2+s28], $0x40, $0x38;
	[tilespmem:$0x1BC80] =	vst v63  }
0xb3: {  	s2 =	simm.s32 @!p4 $0x200  }
0xb4: {  	[tilespmem:s2], [sflag:$0x1] =	stream.linear.gather @!p4 [hbm4b:s15+s28], $0x40, $0x38;
	[tilespmem:$0x1BC80] =	vst v63  }
0xb5: {  	_ =	swait.ge [sflag:s8], $0x40  }
0xb6: {  	[sflag:s8] =	ssyncset.done $0x0  }
0xb7: {  	[sflag:s8] =	ssyncadd.s32 $0xFFFFFFC0  }
0xb8: {  	_ =	swait.ge [sflag:s8], $0x40  }
0xb9: {  	[sflag:s8] =	ssyncset.done $0x0  }
0xba: {  	[sflag:s8] =	ssyncadd.s32 $0xFFFFFFC0  }
0xbb: {  	[tilespmem:s9], [sflag:$0x8] =	stream.indirect.gather [hbm4b:s4+s29], $0x80, s25, s29, $0xb8;
	[tilespmem:$0x1BC80] =	vst v63  }
0xbc: {  	_ =	swait.ge [sflag:s10], $0x2000  }
0xbd: {  	s2 =	sadd.s32 $0xFFFFFFFE, s21;
	[sflag:s10] =	ssyncset.done $0x0  }
0xbe: {  	p3 =	sge.u32 s2, s6;
	[sflag:s10] =	ssyncadd.s32 $0xFFFFE000  }
0xbf: {  	[spmem:s1] =	stream.indirect.scatter.add.f32 [tilespmem:s0], [sflag:$0x9], $0x80, s22, s29, $0xb8;
	[tilespmem:$0x1BC80] =	vst v63  }
0xc0: {  	s2 =	sadd.s32 @!p3 s17, s19;
	s15 =	simm.s32 @!p3 $0x80;
	_ =	swait.ge [sflag:s7], $0x2000  }
0xc1: {  	s31 =	simm.s32 @!p3 $0x0;
	s2 =	sadd.s32 @!p3 $0x28, s2;
	[sflag:s7] =	ssyncset.done $0x0  }
0xc2: {  	s13 =	sadd.s32 @!p3 s17, s18;
	[sflag:s7] =	ssyncadd.s32 $0xFFFFE000  }
0xc3: {  	[tilespmem:s15], [sflag:$0x2] =	stream.linear.gather @!p3 [hbm4b:s2+s31], $0x40, $0x38;
	[tilespmem:$0x1BC80] =	vst v63  }
0xc4: {  	s20 =	simm.s32 @!p4 $0x1;
	s2 =	sadd.s32 @!p3 $0x28, s13;
	s13 =	simm.s32 @!p3 $0x280  }
0xc5: {  	[tilespmem:s13], [sflag:$0x2] =	stream.linear.gather @!p3 [hbm4b:s2+s31], $0x40, $0x38;
	[tilespmem:$0x1BC80] =	vst v63  }
0xc6: {  	_ =	swait.ge @!p4 [sflag:s20], $0x40  }
0xc7: {  	[sflag:s20] =	ssyncset.done @!p4 $0x0  }
0xc8: {  	[sflag:s20] =	ssyncadd.s32 @!p4 $0xFFFFFFC0  }
0xc9: {  	_ =	swait.ge @!p4 [sflag:s20], $0x40  }
0xca: {  	s2 =	simm.s32 @!p4 $0x40;
	s13 =	simm.s32 @!p4 $0x400;
	[sflag:s20] =	ssyncset.done @!p4 $0x0  }
0xcb: {  	[sflag:s20] =	ssyncadd.s32 @!p4 $0xFFFFFFC0  }
0xcc: {  	[tilespmem:s13], [sflag:$0x5] =	stream.indirect.gather @!p4 [hbm4b:s4+s2], $0x80, s28, s2, $0xb8;
	[tilespmem:$0x1BC80] =	vst v63  }
0xcd: {  	_ =	swait.ge [sflag:s11], $0x2000  }
0xce: {  	[sflag:s11] =	ssyncset.done $0x0  }
0xcf: {  	s2 =	sadd.s32 $0xFFFFFFFF, s21;
	[sflag:s11] =	ssyncadd.s32 $0xFFFFE000  }
0xd0: {  	[spmem:s1] =	stream.indirect.scatter.add.f32 [tilespmem:s3], [sflag:$0x9], $0x80, s24, s29, $0xb8;
	[tilespmem:$0x1BC80] =	vst v63  }
0xd1: {  	p4 =	sge.u32 s2, s6;
	_ =	swait.ge [sflag:s7], $0x2000  }
0xd2: {  	s2 =	sadd.s32 @!p4 s17, s19;
	s13 =	simm.s32 @!p4 $0x0;
	[sflag:s7] =	ssyncset.done $0x0  }
0xd3: {  	s20 =	sadd.s32 @!p4 s17, s18;
	s2 =	sadd.s32 @!p4 $0x30, s2;
	[sflag:s7] =	ssyncadd.s32 $0xFFFFE000  }
0xd4: {  	s28 =	simm.s32 @!p4 $0x100;
	s31 =	simm.s32 @!p4 $0x300;
	s20 =	sadd.s32 @!p4 $0x30, s20  }
0xd5: {  	[tilespmem:s28], [sflag:$0x3] =	stream.linear.gather @!p4 [hbm4b:s2+s13], $0x40, $0x38;
	[tilespmem:$0x1BC80] =	vst v63  }
0xd6: {  	s2 =	simm.s32 @!p3 $0x2  }
0xd7: {  	[tilespmem:s31], [sflag:$0x3] =	stream.linear.gather @!p4 [hbm4b:s20+s13], $0x40, $0x38;
	[tilespmem:$0x1BC80] =	vst v63  }
0xd8: {  	_ =	swait.ge @!p3 [sflag:s2], $0x40  }
0xd9: {  	[sflag:s2] =	ssyncset.done @!p3 $0x0  }
0xda: {  	[sflag:s2] =	ssyncadd.s32 @!p3 $0xFFFFFFC0  }
0xdb: {  	s13 =	simm.s32 @!p3 $0x40;
	s20 =	simm.s32 @!p3 $0x2400;
	_ =	swait.ge @!p3 [sflag:s2], $0x40  }
0xdc: {  	[sflag:s2] =	ssyncset.done @!p3 $0x0  }
0xdd: {  	[sflag:s2] =	ssyncadd.s32 @!p3 $0xFFFFFFC0  }
0xde: {  	[tilespmem:s20], [sflag:$0x6] =	stream.indirect.gather @!p3 [hbm4b:s4+s13], $0x80, s15, s13, $0xb8;
	[tilespmem:$0x1BC80] =	vst v63  }
0xdf: {  	s20 =	simm.s32 $0x200  }
0xe0: {  	_ =	swait.ge [sflag:s12], $0x2000  }
0xe1: {  	p3 =	sge.u32 s21, s6;
	[sflag:s12] =	ssyncset.done $0x0  }
.Ltmp2:
0xe2: {  	s21 =	sadd.s32 $0x4, s21;
	[sflag:s12] =	ssyncadd.s32 $0xFFFFE000;
	(pc) =	sbr.rel @p2 .LBB2_2-.Ltmp2, $4  }
0xe3: {  	[spmem:s1] =	stream.indirect.scatter.add.f32 [tilespmem:s9], [sflag:$0x9], $0x80, s26, s29, $0xb8;
	[tilespmem:$0x1BC80] =	vst v63  }
0xe4: {  	s2 =	sadd.s32 @!p3 s17, s19;
	s28 =	simm.s32 @!p3 $0x180;
	_ =	swait.ge [sflag:s7], $0x2000  }
0xe5: {  	s15 =	simm.s32 @!p3 $0x0;
	s31 =	sadd.s32 @!p3 $0x38, s2;
	[sflag:s7] =	ssyncset.done $0x0  }
0xe6: {  	s17 =	sadd.s32 @!p3 s17, s18;
	s2 =	simm.s32 @!p3 $0x380;
	[sflag:s7] =	ssyncadd.s32 $0xFFFFE000  }
.Ltmp3:
0xe7: {  	(pc) =	sbr.rel @!p1 .LBB2_4-.Ltmp3, $4  }
0xe8: {  	_ = 	snop  }
0xe9: {  	[tilespmem:s28], [sflag:$0x4] =	stream.linear.gather @!p3 [hbm4b:s31+s15], $0x40, $0x38;
	[tilespmem:$0x1BC80] =	vst v63  }
0xea: {  	s13 =	sadd.s32 @!p3 $0x38, s17  }
0xeb: {  	[tilespmem:s2], [sflag:$0x4] =	stream.linear.gather @!p3 [hbm4b:s13+s15], $0x40, $0x38;
	[tilespmem:$0x1BC80] =	vst v63  }
.Ltmp4:
0xec: {  	(pc) =	sbr.rel @p0 .LBB2_7-.Ltmp4, $4  }
.Ltmp5:
0xed: {  	(pc) =	sbr.rel @!p0 .LBB2_6-.Ltmp5, $4  }
0xee: {  	_ = 	snop  }
0xef: {  	[bflag:$0x0] =	sbarrier.arrive $0xFFFF  }
0xf0: {  	s15 =	rddreg [dreg:$0xf]  }
0xf1: {  	_ = 	snop  }
.LBB2_8:
0xf2: {  	_ =	sfence.sel $0x180000  }
0xf3: {  	[bflag:$0x0] =	sbarrier.arrive $0xFFFF  }
0xf4: {  	_ =	strace $0x90000047  }
0xf5: {  	s0 =	stileid.u32;
	[bflag:$0x2] =	sbarrier.arrive $0xFFFF  }
0xf6: {  	p0 =	sne.s32 s0, $0x0;
	s0 =	rddreg [dreg:$0x2]  }
0xf7: {  	s0 =	sadd.s32 @!p0 $0x100000, s0  }
0xf8: {  	[sflag:s0] =	ssyncadd.tile.s32 @!p0 $0x1;
	_ =	shalt  }
.Lfunc_end2:
_tile_overlayer_lowered:
.L_overlay_start_2:
0xf9: {  	(tag) =	ssettag $0x2  }
0xfa: {  	s0 =	rddreg [dreg:$0x0];
	s2 =	stileid.u32  }
0xfb: {  	s1 =	rddreg [dreg:$0x1];
	p0 =	sne.s32 s2, $0x0  }
0xfc: {  	s3 =	rddreg [dreg:$0x2];
	[bflag:$0x3] =	sbarrier.arrive $0xFFFF;
	s2 =	simm.s32 @!p0 $0x1C09  }
0xfd: {  	[timem:s3], [sflag:s2] =	dma.local @!p0 [hbm:s0], s1  }
0xfe: {  	s0 =	simm.s32 @!p0 $0x9  }
0xff: {  	_ =	swait.ge @!p0 [sflag:s0], s1  }
0x100: {  	s1 =	ssub.s32 @!p0 $0x0, s1;
	[sflag:s0] =	ssyncset.done @!p0 $0x0  }
0x101: {  	[sflag:s0] =	ssyncadd.s32 @!p0 s1  }
0x102: {  	[bflag:$0x3] =	sbarrier.arrive $0xFFFF  }
0x103: {  	_ =	shalt  }

// kernel: kernel.13.cloned.1.call-start
scs
__scs_entry_jumppad:
0x0: {  	(pc) =	sbr.rel $0x88, $3  }
0x1: {  	(tag) =	ssettag $0x0;
	lr =	simm.s32 $0x1  }
0x2: {  	[smem:$0x3F95] =	sst lr;
	_ =	strace $0xD0000000  }
0x3: {  	_ = 	snop  }
0x4: {  	_ = 	snop  }
0x5: {  	_ = 	snop  }
0x6: {  	_ = 	snop  }
0x7: {  	_ = 	snop  }
__scs_overlays_trampoline_lowered:
0x8: {  	[smem:$0x3FA4] =	sst s0  }
0x9: {  	[smem:$0x3FA5] =	sst s1  }
0xa: {  	[smem:$0x3FA6] =	sst s2  }
0xb: {  	[smem:$0x3FA7] =	sst s3  }
0xc: {  	[smem:$0x3FA8] =	sst s4  }
0xd: {  	[smem:$0x3FA9] =	sst s5  }
0xe: {  	[smem:$0x3FAA] =	sst s6  }
0xf: {  	[smem:$0x3FAB] =	sst s7  }
0x10: {  	[smem:$0x3FAC] =	sst s8  }
0x11: {  	[smem:$0x3FAD] =	sst s9;
	s0 =	simm.s32 @!p0 $0x0  }
0x12: {  	s1 =	sld [smem:$0x3F93];
	s0 =	simm.s32 @p0 $0x1  }
0x13: {  	[smem:$0x3FAE] =	sst s0;
	s0 =	simm.s32 @!p1 $0x0  }
0x14: {  	s2 =	sld [smem:$0x3F92];
	s0 =	simm.s32 @p1 $0x1  }
0x15: {  	[smem:$0x3FAF] =	sst s0;
	s0 =	simm.s32 @!p2 $0x0  }
0x16: {  	s3 =	sld [smem:$0x3FDB];
	s0 =	simm.s32 @p2 $0x1  }
0x17: {  	s4 =	simm.s32 $0x1BF5;
	[smem:$0x3FB1] =	sst s0  }
0x18: {  	s0 =	sld [smem:$0x3F94];
	_ =	swait.ge [sflag:s4], $0x0  }
0x19: {  	s7 =	sld [smem:$0x3F95]  }
0x1a: {  	s8 =	sadd.s32 $0xFFFFE003, lr  }
0x1b: {  	s9 =	sadd.s32 $0xFFFFFEF7, lr;
	s5 =	simm.s32 $0xFFFFFFFF;
	p2 =	slt.u32 s8, $0xFFFFF086  }
0x1c: {  	p1 =	slt.u32 s9, $0xF7A;
	s5 =	simm.s32 @!p2 $0x0  }
0x1d: {  	s5 =	simm.s32 @p1 $0x1;
	p0 =	seq.s32 s7, s2  }
0x1e: {  	s7 =	smul.u32 @!p0 $0xF7A, s2;
	p2 =	seq.s32 @!p0 s5, $0x0  }
0x1f: {  	s9 =	smul.u32 $0xF7A, s1;
	s8 =	simm.s32 @!p0 $0x1BF5;
	p2 =	por !p2, p0  }
0x20: {  	[sflag:s8] =	ssyncset.s32 @!p0 $0xFFFFF086;
	s6 =	sadd.s32 @!p0 s3, s7;
	s7 =	simm.s32 @!p0 $0x108  }
0x21: {  	s3 =	sadd.s32 s3, s9;
	s6 =	sadd.s32 @!p0 $0x88, s6;
	s7 =	simm.s32 @p2 $0x1082  }
0x22: {  	[simem:s7], [sflag:s8] =	dma.local @!p0 [hbm:s6], $0xF7A  }
0x23: {  	s9 =	sor.u32 $0xD0000000, s2;
	s6 =	simm.s32 $0x108;
	_ =	swait.ge @!p0 [sflag:s8], $0x0  }
0x24: {  	s3 =	sadd.s32 $0x88, s3;
	s6 =	simm.s32 @!p1 $0x1082;
	[sflag:s4] =	ssyncset.s32 $0xFFFFF086  }
0x25: {  	[simem:s6], [sflag:s4] =	dma.local [hbm:s3], $0xF7A  }
0x26: {  	[smem:$0x3F95] =	sst s1;
	(tag) =	ssettag s2;
	_ =	strace s9  }
0x27: {  	s1 =	sld [smem:$0x3FA5]  }
0x28: {  	s2 =	sld [smem:$0x3FA6]  }
0x29: {  	s4 =	sld [smem:$0x3FA8]  }
0x2a: {  	p0 =	seq.s32 s5, $0x0;
	s5 =	sld [smem:$0x3FA9]  }
0x2b: {  	s6 =	sld [smem:$0x3FAA]  }
0x2c: {  	s7 =	sld [smem:$0x3FAB]  }
0x2d: {  	s3 =	simm.s32 $0x108;
	s8 =	sld [smem:$0x3FAC]  }
0x2e: {  	s3 =	simm.s32 @!p0 $0x1082;
	s9 =	sld [smem:$0x3FAD]  }
0x2f: {  	lr =	sadd.s32 s0, s3;
	s0 =	sld [smem:$0x3FA4]  }
0x30: {  	s3 =	sld [smem:$0x3FA7]  }
0x31: {  	[smem:$0x3FB0] =	sst s10  }
0x32: {  	s10 =	sld [smem:$0x3FAE];
	_ =	sdelay $0x3  }
0x33: {  	p0 =	seq.s32 s10, $0x1;
	s10 =	sld [smem:$0x3FB0];
	_ =	sdelay $0x3  }
0x34: {  	[smem:$0x3FB0] =	sst s10  }
0x35: {  	s10 =	sld [smem:$0x3FAF];
	_ =	sdelay $0x3  }
0x36: {  	p1 =	seq.s32 s10, $0x1;
	s10 =	sld [smem:$0x3FB0];
	_ =	sdelay $0x3  }
0x37: {  	[smem:$0x3FB0] =	sst s10  }
0x38: {  	s10 =	sld [smem:$0x3FB1]  }
0x39: {  	_ = 	snop;
	(pc) =	sbr.ind lr, $3  }
0x3a: {  	_ = 	snop  }
0x3b: {  	_ = 	snop  }
0x3c: {  	p2 =	seq.s32 s10, $0x1;
	s10 =	sld [smem:$0x3FB0]  }
0x3d: {  	_ =	shalt  }
0x3e: {  	_ =	shalt  }
0x3f: {  	_ =	shalt  }
0x40: {  	_ =	shalt  }
0x41: {  	_ =	shalt  }
0x42: {  	_ =	shalt  }
0x43: {  	_ =	shalt  }
0x44: {  	_ =	shalt  }
0x45: {  	_ =	shalt  }
0x46: {  	_ =	shalt  }
0x47: {  	_ =	shalt  }
0x48: {  	_ =	shalt  }
0x49: {  	_ =	shalt  }
0x4a: {  	_ =	shalt  }
0x4b: {  	_ =	shalt  }
0x4c: {  	_ =	shalt  }
0x4d: {  	_ =	shalt  }
0x4e: {  	_ =	shalt  }
0x4f: {  	_ =	shalt  }
0x50: {  	_ =	shalt  }
0x51: {  	_ =	shalt  }
0x52: {  	_ =	shalt  }
0x53: {  	_ =	shalt  }
0x54: {  	_ =	shalt  }
0x55: {  	_ =	shalt  }
0x56: {  	_ =	shalt  }
0x57: {  	_ =	shalt  }
0x58: {  	_ =	shalt  }
0x59: {  	_ =	shalt  }
0x5a: {  	_ =	shalt  }
0x5b: {  	_ =	shalt  }
0x5c: {  	_ =	shalt  }
0x5d: {  	_ =	shalt  }
0x5e: {  	_ =	shalt  }
0x5f: {  	_ =	shalt  }
0x60: {  	_ =	shalt  }
0x61: {  	_ =	shalt  }
0x62: {  	_ =	shalt  }
0x63: {  	_ =	shalt  }
0x64: {  	_ =	shalt  }
0x65: {  	_ =	shalt  }
0x66: {  	_ =	shalt  }
0x67: {  	_ =	shalt  }
0x68: {  	_ =	shalt  }
0x69: {  	_ =	shalt  }
0x6a: {  	_ =	shalt  }
0x6b: {  	_ =	shalt  }
0x6c: {  	_ =	shalt  }
0x6d: {  	_ =	shalt  }
0x6e: {  	_ =	shalt  }
0x6f: {  	_ =	shalt  }
0x70: {  	_ =	shalt  }
0x71: {  	_ =	shalt  }
0x72: {  	_ =	shalt  }
0x73: {  	_ =	shalt  }
0x74: {  	_ =	shalt  }
0x75: {  	_ =	shalt  }
0x76: {  	_ =	shalt  }
0x77: {  	_ =	shalt  }
0x78: {  	_ =	shalt  }
0x79: {  	_ =	shalt  }
0x7a: {  	_ =	shalt  }
0x7b: {  	_ =	shalt  }
0x7c: {  	_ =	shalt  }
0x7d: {  	_ =	shalt  }
0x7e: {  	_ =	shalt  }
0x7f: {  	_ =	shalt  }
0x80: {  	_ =	shalt  }
0x81: {  	_ =	shalt  }
0x82: {  	_ =	shalt  }
0x83: {  	_ =	shalt  }
0x84: {  	_ =	shalt  }
0x85: {  	_ =	shalt  }
0x86: {  	_ =	shalt  }
0x87: {  	_ =	shalt  }
.Lfunc_end0:
.L_simem_size_0:
called_computation.1_lowered:
.L_overlay_start_0:
0x88: {  	s2 =	sld [smem:$0x3FD9]  }
0x89: {  	s3 =	sld [smem:$0x3FFE];
	_ =	sdelay $0x1  }
0x8a: {  	s1 =	srdreg.scid  }
0x8b: {  	s0 =	sand.u32 $0x1, s1  }
0x8c: {  	s16 =	sshll.u32 s0, $0xA;
	s2 =	sadd.s32 s3, s2  }
0x8d: {  	s2 =	sadd.s32 s2, s16  }
0x8e: {  	[smem:$0x3FBC] =	sst s2  }
0x8f: {  	_ = 	snop  }
0x90: {  	(tm) =	ssettm $0x1  }
0x91: {  	s17 =	sld [smem:$0x3FFB];
	_ =	sdelay $0x3  }
0x92: {  	_ =	strace s17  }
0x93: {  	s2 =	sld [smem:$0x3FFC];
	_ =	sdelay $0x3  }
0x94: {  	_ =	strace s2  }
0x95: {  	s2 =	sld [smem:$0x3FFD];
	_ =	sdelay $0x3  }
0x96: {  	_ =	strace s2  }
0x97: {  	_ =	strace $0x8FFFFFFF  }
0x98: {  	s18 =	sld [smem:$0x3FDB];
	_ =	sdelay $0x1  }
0x99: {  	s19 =	simm.s32 $_scs_section_size  }
0x9a: {  	s4 =	simm.s32 $_size__tile_overlayer_lowered;
	s5 =	simm.s32 $_tile_overlayer_lowered  }
0x9b: {  	s22 =	simm.s32 $0x1BFF;
	s21 =	sshll.u32 s5, $0x1;
	s2 =	sadd.s32 s19, s18  }
0x9c: {  	s6 =	simm.s32 $0x0;
	s20 =	sshll.u32 s4, $0x1;
	s4 =	sadd.s32 s21, s2  }
0x9d: {  	[timem:s6], [sflag:s22] =	dma.local [hbm:s4], s20  }
0x9e: {  	_ =	swait.ge [sflag:s22], s20  }
0x9f: {  	s3 =	ssub.s32 $0x0, s20;
	[sflag:s22] =	ssyncset.done $0x0  }
0xa0: {  	[sflag:s22] =	ssyncadd.s32 s3;
	_ =	sdelay $0x1  }
0xa1: {  	s23 =	simm.s32 $0x1B8B  }
0xa2: {  	_ =	swait.ge [sflag:s23], $0x1  }
0xa3: {  	[sflag:s23] =	ssyncset.done $0x0  }
0xa4: {  	s25 =	simm.s32 $0x1B8E;
	s24 =	sld [smem:$0x3FFE];
	[sflag:s23] =	ssyncadd.s32 $0xFFFFFFFF  }
0xa5: {  	s26 =	simm.s32 $execute0_lowered;
	[smem:$0x3FD2] =	sst s25  }
0xa6: {  	s4 =	sshll.u32 s26, $0x1;
	_ =	strace $0x80000049;
	[dreg:$0x1] =	wrdreg $0xFFFFFFFF  }
0xa7: {  	s28 =	simm.s32 $_size_execute0_lowered;
	s2 =	sadd.s32 s2, s4;
	[dreg:$0x0] =	wrdreg $0x0  }
0xa8: {  	s4 =	sshll.u32 s28, $0x1;
	[dreg:$0x2] =	wrdreg s2  }
0xa9: {  	[dreg:$0x3] =	wrdreg s4  }
0xaa: {  	[dreg:$0x4] =	wrdreg $0xC0  }
0xab: {  	_ =	task [dreg:s6], $0x5FFFF  }
0xac: {  	[dreg:$0x1] =	wrdreg $0xFFFFFFFF  }
0xad: {  	[dreg:$0x0] =	wrdreg $0x60  }
0xae: {  	[dreg:$0x2] =	wrdreg s24  }
0xaf: {  	[dreg:$0x3] =	wrdreg $0x84000  }
0xb0: {  	[dreg:$0x4] =	wrdreg $0x9  }
0xb1: {  	_ =	task.clear_ibuf [dreg:s6], $0x5FFFF;
	_ =	strace $0x90000049  }
0xb2: {  	s29 =	simm.s32 $0x9;
	_ =	strace $0x8000004B  }
0xb3: {  	_ =	swait.ge [sflag:s29], $0x1  }
0xb4: {  	[sflag:s29] =	ssyncadd.s32 $0xFFFFFFFF  }
0xb5: {  	_ =	strace $0x9000004B  }
0xb6: {  	_ =	sfence  }
0xb7: {  	s30 =	sld [smem:$0x0];
	_ =	sdelay $0x2  }
0xb8: {  	s31 =	sshll.u32 s1, $0xD;
	s1 =	sshrl.u32 s1, $0x2  }
0xb9: {  	s3 =	sand.u32 $0x4000, s31;
	s1 =	sadd.s32 s1, s30  }
0xba: {  	s0 =	sor.u32 s3, s0;
	s1 =	sshll.u32 s1, $0x11  }
0xbb: {  	s0 =	sor.u32 s1, s0  }
0xbc: {  	s0 =	sadd.s32 $0x8F2B, s0  }
0xbd: {  	[sflag:s0] =	ssyncadd.remote.s32 $0x1  }
0xbe: {  	_ =	sfence.sel $0xFFFF  }
0xbf: {  	[dreg:$0x0] =	wrdreg $0xFFFFFFFF;
	(pc) =	sbr.abs _section_cstart, $3  }
0xc0: {  	[dreg:$0x1] =	wrdreg $0xFFFFFFFF  }
0xc1: {  	_ =	task.clear_ibuf [dreg:s6], $0x2FFFF;
	_ =	strace $0x9FFFFFFF  }
0xc2: {  	(tm) =	ssettm $0x7FFFFFFF  }
0xc3: {  	_ =	shalt  }
tec
execute0_lowered:
.L_overlay_start_1:
0x0: {  	(tag) =	ssettag $0x1  }
0x1: {  	s0 =	rddreg [dreg:$0x0]  }
0x2: {  	s1 =	rddreg [dreg:$0x1]  }
0x3: {  	s2 =	simm.s32 $0x0;
	s15 =	srdreg.scid;
	s13 =	stileid.u32  }
0x4: {  	s29 =	simm.s32 $0x40;
	s30 =	simm.s32 $0x400;
	[smem:$0x7FF] =	sst s2  }
0x5: {  	s2 =	sand.u32 $0x1, s15;
	s4 =	sadd.s32 $0x17600, s0;
	s5 =	sadd.s32 $0x3600, s0  }
0x6: {  	s6 =	smul.u32 $0x1F400, s13;
	s7 =	sshll.u32 s13, $0x1;
	s8 =	sadd.s32 $0xD600, s0  }
0x7: {  	s9 =	sadd.s32 $0x79200, s0;
	p0 =	slt.u32 s13, $0x2;
	s22 =	smul.u32 $0x7D000, s13  }
0x8: {  	s12 =	smul.u32 $0x9C, s13;
	p1 =	sgt.u32 s13, $0x1;
	s15 =	simm.s32 $0x0  }
0x9: {  	_ =	strace $0x8000004A;
	s3 =	smul.u32 $0x138800, s2;
	[dreg:$0x3] =	wrdreg s9  }
0xa: {  	s7 =	sor.u32 s2, s7;
	s16 =	ssub.s32 $0x2, s2;
	s2 =	smul.u32 $0x4E, s2  }
0xb: {  	s17 =	smul.u32 $0x4E, s7;
	s10 =	sshrl.u32 s16, $0x1;
	s7 =	smin.u32 s7, $0x4  }
0xc: {  	s25 =	sshrl.u32 s22, $0x2;
	s22 =	simm.s32 $0x280;
	s3 =	sadd.s32 s6, s3  }
0xd: {  	s18 =	ssub.s32 s16, s10;
	s6 =	simm.s32 $0x9E;
	s26 =	sadd.s32 s25, s1  }
0xe: {  	s25 =	simm.s32 $0x180;
	s16 =	simm.s32 $0x3;
	s3 =	sshrl.u32 s3, $0x3  }
0xf: {  	s9 =	sadd.s32 s7, s17;
	s6 =	simm.s32 @!p0 $0x9C;
	s7 =	sadd.s32 s12, s7  }
0x10: {  	[dreg:$0xc] =	wrdreg s26;
	s31 =	smax.u32 s18, $0x1;
	p0 =	sgt.u32 s13, $0x9  }
0x11: {  	s26 =	simm.s32 $0x380;
	s12 =	simm.s32 $0x8;
	s0 =	sadd.s32 s3, s0  }
0x12: {  	s9 =	sshll.u32 s9, $0x4;
	s2 =	sadd.s32 s2, s7;
	[dreg:$0xe] =	wrdreg s31  }
0x13: {  	s3 =	simm.s32 $0x4400;
	s7 =	simm.s32 $0x9;
	s19 =	sadd.s32 s5, s9  }
0x14: {  	s20 =	sor.u32 $0x8, s9;
	s11 =	sadd.s32 s8, s9;
	s23 =	sadd.s32 $0x10, s9  }
0x15: {  	s9 =	sadd.s32 $0x18, s9;
	s0 =	sadd.s32 $0x7D200, s0;
	[dreg:$0x4] =	wrdreg s19  }
0x16: {  	s28 =	sshll.u32 s2, $0x4;
	[dreg:$0x5] =	wrdreg s11;
	s21 =	sadd.s32 s5, s20  }
0x17: {  	s10 =	sadd.s32 s8, s20;
	s14 =	sadd.s32 s5, s23;
	[dreg:$0xd] =	wrdreg s0  }
0x18: {  	s24 =	sadd.s32 s5, s9;
	s9 =	sadd.s32 s8, s9;
	[dreg:$0x6] =	wrdreg s21  }
0x19: {  	s18 =	sadd.s32 s28, s8;
	s19 =	sadd.s32 s28, s5;
	[dreg:$0x7] =	wrdreg s10  }
.Ltmp0:
0x1a: {  	s20 =	simm.s32 $0x200;
	[dreg:$0x8] =	wrdreg s14;
	(pc) =	sbr.rel .LBB2_1-.Ltmp0, $4  }
0x1b: {  	s0 =	simm.s32 $0x2400;
	s5 =	simm.s32 $0x5;
	[dreg:$0xa] =	wrdreg s24  }
0x1c: {  	s11 =	simm.s32 $0x7;
	s10 =	sadd.s32 s8, s23;
	[dreg:$0xb] =	wrdreg s9  }
0x1d: {  	s23 =	simm.s32 $0x100;
	s24 =	simm.s32 $0x300;
	s8 =	simm.s32 $0x4  }
0x1e: {  	s9 =	simm.s32 $0x6400;
	[dreg:$0x9] =	wrdreg s10;
	s10 =	simm.s32 $0x6  }
.LBB2_4:
0x1f: {  	_ =	swait.ge [sflag:s5], $0x2000  }
0x20: {  	[sflag:s5] =	ssyncset.done $0x0  }
0x21: {  	[sflag:s5] =	ssyncadd.s32 $0xFFFFE000  }
0x22: {  	[spmem:s1] =	stream.indirect.scatter.add.f32 [tilespmem:s30], [sflag:$0x9], $0x80, s20, s29, $0xb8;
	[tilespmem:$0x1BC80] =	vst v63  }
0x23: {  	_ =	swait.ge [sflag:s7], $0x2000  }
0x24: {  	[sflag:s7] =	ssyncset.done $0x0  }
0x25: {  	[sflag:s7] =	ssyncadd.s32 $0xFFFFE000  }
0x26: {  	_ =	swait.ge [sflag:s10], $0x2000  }
0x27: {  	[sflag:s10] =	ssyncset.done $0x0  }
0x28: {  	[sflag:s10] =	ssyncadd.s32 $0xFFFFE000  }
0x29: {  	[spmem:s1] =	stream.indirect.scatter.add.f32 [tilespmem:s0], [sflag:$0x9], $0x80, s22, s29, $0xb8;
	[tilespmem:$0x1BC80] =	vst v63  }
0x2a: {  	_ =	swait.ge [sflag:s7], $0x2000  }
0x2b: {  	[sflag:s7] =	ssyncset.done $0x0  }
0x2c: {  	[sflag:s7] =	ssyncadd.s32 $0xFFFFE000  }
0x2d: {  	[bflag:$0x0] =	sbarrier.arrive $0xFFFF  }
0x2e: {  	s15 =	rddreg [dreg:$0xf]  }
.LBB2_6:
0x2f: {  	s2 =	stileid.u32  }
0x30: {  	s13 =	rddreg [dreg:$0xc];
	s2 =	sshll.u32 s2, $0x6  }
0x31: {  	s14 =	rddreg [dreg:$0xd];
	s13 =	sshrl.u32 s13, $0x3;
	s2 =	sor.u32 $0x1C09, s2  }
0x32: {  	[hbm:s14], [sflag:s2] =	dma.local [spmem:s13], $0x3E80  }
0x33: {  	_ =	swait.ge [sflag:s7], $0x3E80  }
0x34: {  	[sflag:s7] =	ssyncset.done $0x0  }
0x35: {  	[sflag:s7] =	ssyncadd.s32 $0xFFFFC180  }
.LBB2_7:
0x36: {  	s15 =	sadd.s32 $0x1, s15;
	s2 =	rddreg [dreg:$0xe]  }
0x37: {  	p2 =	sne.s32 s15, s2  }
.Ltmp1:
0x38: {  	_ = 	snop;
	(pc) =	sbr.rel @!p2 .LBB2_8-.Ltmp1, $1  }
0x39: {  	_ =	sdelay $0x3  }
.LBB2_1:
0x3a: {  	[dreg:$0xf] =	wrdreg s15  }
0x3b: {  	s2 =	simm.s32 $0x0;
	s13 =	rddreg [dreg:$0x4]  }
0x3c: {  	[tilespmem:s2], [sflag:$0x1] =	stream.linear.gather [hbm4b:s13+s2], $0x40, $0x38;
	[tilespmem:$0x1BC80] =	vst v63  }
0x3d: {  	s15 =	rddreg [dreg:$0x5]  }
0x3e: {  	[tilespmem:s20], [sflag:$0x1] =	stream.linear.gather [hbm4b:s15+s2], $0x40, $0x38;
	[tilespmem:$0x1BC80] =	vst v63  }
0x3f: {  	s17 =	rddreg [dreg:$0x6];
	s14 =	simm.s32 $0x80  }
0x40: {  	[tilespmem:s14], [sflag:$0x2] =	stream.linear.gather [hbm4b:s17+s2], $0x40, $0x38;
	[tilespmem:$0x1BC80] =	vst v63  }
0x41: {  	s21 =	rddreg [dreg:$0x7]  }
0x42: {  	[tilespmem:s22], [sflag:$0x2] =	stream.linear.gather [hbm4b:s21+s2], $0x40, $0x38;
	[tilespmem:$0x1BC80] =	vst v63  }
0x43: {  	s15 =	rddreg [dreg:$0x8]  }
0x44: {  	[tilespmem:s23], [sflag:$0x3] =	stream.linear.gather [hbm4b:s15+s2], $0x40, $0x38;
	[tilespmem:$0x1BC80] =	vst v63  }
0x45: {  	s17 =	rddreg [dreg:$0x9]  }
0x46: {  	[tilespmem:s24], [sflag:$0x3] =	stream.linear.gather [hbm4b:s17+s2], $0x40, $0x38;
	[tilespmem:$0x1BC80] =	vst v63  }
0x47: {  	s21 =	rddreg [dreg:$0xa]  }
0x48: {  	[tilespmem:s25], [sflag:$0x4] =	stream.linear.gather [hbm4b:s21+s2], $0x40, $0x38;
	[tilespmem:$0x1BC80] =	vst v63  }
0x49: {  	s15 =	rddreg [dreg:$0xb];
	s17 =	simm.s32 $0x1  }
0x4a: {  	[tilespmem:s26], [sflag:$0x4] =	stream.linear.gather [hbm4b:s15+s2], $0x40, $0x38;
	[tilespmem:$0x1BC80] =	vst v63  }
0x4b: {  	_ =	swait.ge [sflag:s17], $0x40  }
0x4c: {  	[sflag:s17] =	ssyncset.done $0x0  }
0x4d: {  	[sflag:s17] =	ssyncadd.s32 $0xFFFFFFC0  }
0x4e: {  	_ =	swait.ge [sflag:s17], $0x40  }
0x4f: {  	[sflag:s17] =	ssyncset.done $0x0  }
0x50: {  	s21 =	simm.s32 $0x2;
	[sflag:s17] =	ssyncadd.s32 $0xFFFFFFC0  }
0x51: {  	[tilespmem:s30], [sflag:$0x5] =	stream.indirect.gather [hbm4b:s4+s29], $0x80, s2, s29, $0xb8;
	[tilespmem:$0x1BC80] =	vst v63  }
0x52: {  	_ =	swait.ge [sflag:s21], $0x40  }
0x53: {  	[sflag:s21] =	ssyncset.done $0x0  }
0x54: {  	[sflag:s21] =	ssyncadd.s32 $0xFFFFFFC0  }
0x55: {  	_ =	swait.ge [sflag:s21], $0x40  }
0x56: {  	s2 =	stileid.u32;
	[sflag:s21] =	ssyncset.done $0x0  }
0x57: {  	s2 =	sshll.u32 @!p0 s2, $0x6;
	s13 =	rddreg [dreg:$0xc];
	[sflag:s21] =	ssyncadd.s32 $0xFFFFFFC0  }
0x58: {  	[tilespmem:s0], [sflag:$0x6] =	stream.indirect.gather [hbm4b:s4+s29], $0x80, s14, s29, $0xb8;
	[tilespmem:$0x1BC80] =	vst v63  }
0x59: {  	s2 =	sor.u32 @!p0 $0x1C09, s2;
	s14 =	sshrl.u32 @!p0 s13, $0x3;
	s13 =	rddreg [dreg:$0x3]  }
0x5a: {  	[spmem:s14], [sflag:s2] =	dma.local @!p0 [hbm:s13], $0x3E80  }
0x5b: {  	s2 =	simm.s32 @!p0 $0x9  }
0x5c: {  	_ =	swait.ge @!p0 [sflag:s2], $0x3E80  }
0x5d: {  	[sflag:s2] =	ssyncset.done @!p0 $0x0  }
0x5e: {  	[sflag:s2] =	ssyncadd.s32 @!p0 $0xFFFFC180  }
0x5f: {  	[bflag:$0x0] =	sbarrier.arrive $0xFFFF  }
0x60: {  	_ =	swait.ge [sflag:s16], $0x40  }
0x61: {  	[sflag:s16] =	ssyncset.done $0x0  }
0x62: {  	[sflag:s16] =	ssyncadd.s32 $0xFFFFFFC0  }
0x63: {  	_ =	swait.ge [sflag:s16], $0x40  }
0x64: {  	[sflag:s16] =	ssyncset.done $0x0  }
0x65: {  	[sflag:s16] =	ssyncadd.s32 $0xFFFFFFC0  }
0x66: {  	[tilespmem:s3], [sflag:$0x7] =	stream.indirect.gather [hbm4b:s4+s29], $0x80, s23, s29, $0xb8;
	[tilespmem:$0x1BC80] =	vst v63  }
0x67: {  	_ =	swait.ge [sflag:s5], $0x2000  }
0x68: {  	[sflag:s5] =	ssyncset.done $0x0  }
0x69: {  	[sflag:s5] =	ssyncadd.s32 $0xFFFFE000  }
0x6a: {  	[spmem:s1] =	stream.indirect.scatter.add.f32 [tilespmem:s30], [sflag:$0x9], $0x80, s20, s29, $0xb8;
	[tilespmem:$0x1BC80] =	vst v63  }
0x6b: {  	p3 =	sle.u32 s6, $0x4;
	_ =	swait.ge [sflag:s7], $0x2000  }
0x6c: {  	s15 =	simm.s32 @!p3 $0x0;
	s2 =	sadd.s32 @!p3 $0x0, s19;
	[sflag:s7] =	ssyncset.done $0x0  }
0x6d: {  	s14 =	sadd.s32 @!p3 $0x0, s18;
	s2 =	sadd.s32 @!p3 $0x20, s2;
	[sflag:s7] =	ssyncadd.s32 $0xFFFFE000  }
0x6e: {  	[tilespmem:s15], [sflag:$0x1] =	stream.linear.gather @!p3 [hbm4b:s2+s15], $0x40, $0x38;
	[tilespmem:$0x1BC80] =	vst v63  }
0x6f: {  	s2 =	sadd.s32 @!p3 $0x20, s14;
	s14 =	simm.s32 @!p3 $0x200  }
0x70: {  	[tilespmem:s14], [sflag:$0x1] =	stream.linear.gather @!p3 [hbm4b:s2+s15], $0x40, $0x38;
	[tilespmem:$0x1BC80] =	vst v63  }
0x71: {  	_ =	swait.ge [sflag:s8], $0x40  }
0x72: {  	[sflag:s8] =	ssyncset.done $0x0  }
0x73: {  	[sflag:s8] =	ssyncadd.s32 $0xFFFFFFC0  }
0x74: {  	_ =	swait.ge [sflag:s8], $0x40  }
0x75: {  	[sflag:s8] =	ssyncset.done $0x0  }
0x76: {  	[sflag:s8] =	ssyncadd.s32 $0xFFFFFFC0  }
0x77: {  	[tilespmem:s9], [sflag:$0x8] =	stream.indirect.gather [hbm4b:s4+s29], $0x80, s25, s29, $0xb8;
	[tilespmem:$0x1BC80] =	vst v63  }
0x78: {  	_ =	swait.ge [sflag:s10], $0x2000  }
0x79: {  	[sflag:s10] =	ssyncset.done $0x0  }
0x7a: {  	p2 =	sle.u32 s6, $0x5;
	[sflag:s10] =	ssyncadd.s32 $0xFFFFE000  }
0x7b: {  	[spmem:s1] =	stream.indirect.scatter.add.f32 [tilespmem:s0], [sflag:$0x9], $0x80, s22, s29, $0xb8;
	[tilespmem:$0x1BC80] =	vst v63  }
0x7c: {  	s17 =	simm.s32 @!p2 $0x0;
	_ =	swait.ge [sflag:s7], $0x2000  }
0x7d: {  	s21 =	sadd.s32 @!p2 $0x0, s18;
	s2 =	sadd.s32 @!p2 $0x0, s19;
	[sflag:s7] =	ssyncset.done $0x0  }
0x7e: {  	s14 =	simm.s32 @!p2 $0x80;
	s2 =	sadd.s32 @!p2 $0x28, s2;
	[sflag:s7] =	ssyncadd.s32 $0xFFFFE000  }
0x7f: {  	[tilespmem:s14], [sflag:$0x2] =	stream.linear.gather @!p2 [hbm4b:s2+s17], $0x40, $0x38;
	[tilespmem:$0x1BC80] =	vst v63  }
0x80: {  	s28 =	simm.s32 @!p3 $0x1;
	s2 =	sadd.s32 @!p2 $0x28, s21;
	s21 =	simm.s32 @!p2 $0x280  }
0x81: {  	[tilespmem:s21], [sflag:$0x2] =	stream.linear.gather @!p2 [hbm4b:s2+s17], $0x40, $0x38;
	[tilespmem:$0x1BC80] =	vst v63  }
0x82: {  	_ =	swait.ge @!p3 [sflag:s28], $0x40  }
0x83: {  	[sflag:s28] =	ssyncset.done @!p3 $0x0  }
0x84: {  	[sflag:s28] =	ssyncadd.s32 @!p3 $0xFFFFFFC0  }
0x85: {  	_ =	swait.ge @!p3 [sflag:s28], $0x40  }
0x86: {  	[sflag:s28] =	ssyncset.done @!p3 $0x0  }
0x87: {  	s2 =	simm.s32 @!p3 $0x40;
	s17 =	simm.s32 @!p3 $0x400;
	[sflag:s28] =	ssyncadd.s32 @!p3 $0xFFFFFFC0  }
0x88: {  	[tilespmem:s17], [sflag:$0x5] =	stream.indirect.gather @!p3 [hbm4b:s4+s2], $0x80, s15, s2, $0xb8;
	[tilespmem:$0x1BC80] =	vst v63  }
0x89: {  	_ =	swait.ge [sflag:s11], $0x2000  }
0x8a: {  	[sflag:s11] =	ssyncset.done $0x0  }
0x8b: {  	p3 =	sle.u32 s6, $0x6;
	[sflag:s11] =	ssyncadd.s32 $0xFFFFE000  }
0x8c: {  	[spmem:s1] =	stream.indirect.scatter.add.f32 [tilespmem:s3], [sflag:$0x9], $0x80, s24, s29, $0xb8;
	[tilespmem:$0x1BC80] =	vst v63  }
0x8d: {  	s2 =	sadd.s32 @!p3 $0x0, s19;
	_ =	swait.ge [sflag:s7], $0x2000  }
0x8e: {  	s15 =	simm.s32 @!p3 $0x0;
	s17 =	sadd.s32 @!p3 $0x0, s18;
	[sflag:s7] =	ssyncset.done $0x0  }
0x8f: {  	s21 =	simm.s32 @!p3 $0x100;
	s2 =	sadd.s32 @!p3 $0x30, s2;
	[sflag:s7] =	ssyncadd.s32 $0xFFFFE000  }
0x90: {  	[tilespmem:s21], [sflag:$0x3] =	stream.linear.gather @!p3 [hbm4b:s2+s15], $0x40, $0x38;
	[tilespmem:$0x1BC80] =	vst v63  }
0x91: {  	s2 =	sadd.s32 @!p3 $0x30, s17;
	s17 =	simm.s32 @!p3 $0x300;
	s21 =	simm.s32 @!p2 $0x2  }
0x92: {  	[tilespmem:s17], [sflag:$0x3] =	stream.linear.gather @!p3 [hbm4b:s2+s15], $0x40, $0x38;
	[tilespmem:$0x1BC80] =	vst v63  }
0x93: {  	_ =	swait.ge @!p2 [sflag:s21], $0x40  }
0x94: {  	[sflag:s21] =	ssyncset.done @!p2 $0x0  }
0x95: {  	[sflag:s21] =	ssyncadd.s32 @!p2 $0xFFFFFFC0  }
0x96: {  	_ =	swait.ge @!p2 [sflag:s21], $0x40  }
0x97: {  	[sflag:s21] =	ssyncset.done @!p2 $0x0  }
0x98: {  	s2 =	simm.s32 @!p2 $0x40;
	s15 =	simm.s32 @!p2 $0x2400;
	[sflag:s21] =	ssyncadd.s32 @!p2 $0xFFFFFFC0  }
0x99: {  	[tilespmem:s15], [sflag:$0x6] =	stream.indirect.gather @!p2 [hbm4b:s4+s2], $0x80, s14, s2, $0xb8;
	[tilespmem:$0x1BC80] =	vst v63  }
0x9a: {  	_ =	swait.ge [sflag:s12], $0x2000  }
0x9b: {  	p3 =	sle.u32 s6, $0x7;
	[sflag:s12] =	ssyncset.done $0x0  }
0x9c: {  	s28 =	simm.s32 @!p3 $0x180;
	s17 =	sadd.s32 @!p3 $0x0, s18;
	[sflag:s12] =	ssyncadd.s32 $0xFFFFE000  }
0x9d: {  	[spmem:s1] =	stream.indirect.scatter.add.f32 [tilespmem:s9], [sflag:$0x9], $0x80, s26, s29, $0xb8;
	[tilespmem:$0x1BC80] =	vst v63  }
0x9e: {  	s21 =	simm.s32 $0xB;
	s14 =	simm.s32 $0x20;
	_ =	swait.ge [sflag:s7], $0x2000  }
0x9f: {  	s2 =	sadd.s32 @!p3 $0x0, s19;
	s15 =	simm.s32 @!p3 $0x0;
	[sflag:s7] =	ssyncset.done $0x0  }
0xa0: {  	s31 =	sadd.s32 @!p3 $0x38, s2;
	s2 =	simm.s32 @!p3 $0x380;
	[sflag:s7] =	ssyncadd.s32 $0xFFFFE000  }
.LBB2_2:
0xa1: {  	[tilespmem:s28], [sflag:$0x4] =	stream.linear.gather @!p3 [hbm4b:s31+s15], $0x40, $0x38;
	[tilespmem:$0x1BC80] =	vst v63  }
0xa2: {  	s28 =	sadd.s32 @!p3 $0x38, s17;
	s17 =	smov.u32 s14;
	s14 =	sadd.s32 $0x20, s14  }
0xa3: {  	[tilespmem:s2], [sflag:$0x4] =	stream.linear.gather @!p3 [hbm4b:s28+s15], $0x40, $0x38;
	[tilespmem:$0x1BC80] =	vst v63  }
0xa4: {  	p2 =	sne.s32 s14, $0x4E0;
	_ =	swait.ge [sflag:s16], $0x40  }
0xa5: {  	[sflag:s16] =	ssyncset.done $0x0  }
0xa6: {  	[sflag:s16] =	ssyncadd.s32 $0xFFFFFFC0  }
0xa7: {  	_ =	swait.ge [sflag:s16], $0x40  }
0xa8: {  	[sflag:s16] =	ssyncset.done $0x0  }
0xa9: {  	[sflag:s16] =	ssyncadd.s32 $0xFFFFFFC0  }
0xaa: {  	[tilespmem:s3], [sflag:$0x7] =	stream.indirect.gather [hbm4b:s4+s29], $0x80, s23, s29, $0xb8;
	[tilespmem:$0x1BC80] =	vst v63  }
0xab: {  	_ =	swait.ge [sflag:s5], $0x2000  }
0xac: {  	s2 =	sadd.s32 $0xFFFFFFFD, s21;
	[sflag:s5] =	ssyncset.done $0x0  }
0xad: {  	p4 =	sge.u32 s2, s6;
	[sflag:s5] =	ssyncadd.s32 $0xFFFFE000  }
0xae: {  	[spmem:s1] =	stream.indirect.scatter.add.f32 [tilespmem:s30], [sflag:$0x9], $0x80, s20, s29, $0xb8;
	[tilespmem:$0x1BC80] =	vst v63  }
0xaf: {  	s2 =	sadd.s32 @!p4 s17, s19;
	s15 =	sadd.s32 @!p4 s17, s18;
	_ =	swait.ge [sflag:s7], $0x2000  }
0xb0: {  	s28 =	simm.s32 @!p4 $0x0;
	s2 =	sadd.s32 @!p4 $0x20, s2;
	[sflag:s7] =	ssyncset.done $0x0  }
0xb1: {  	s15 =	sadd.s32 @!p4 $0x20, s15;
	[sflag:s7] =	ssyncadd.s32 $0xFFFFE000  }
0xb2: {  	[tilespmem:s28], [sflag:$0x1] =	stream.linear.gather @!p4 [hbm4b:s2+s28], $0x40, $0x38;
	[tilespmem:$0x1BC80] =	vst v63  }
0xb3: {  	s2 =	simm.s32 @!p4 $0x200  }
0xb4: {  	[tilespmem:s2], [sflag:$0x1] =	stream.linear.gather @!p4 [hbm4b:s15+s28], $0x40, $0x38;
	[tilespmem:$0x1BC80] =	vst v63  }
0xb5: {  	_ =	swait.ge [sflag:s8], $0x40  }
0xb6: {  	[sflag:s8] =	ssyncset.done $0x0  }
0xb7: {  	[sflag:s8] =	ssyncadd.s32 $0xFFFFFFC0  }
0xb8: {  	_ =	swait.ge [sflag:s8], $0x40  }
0xb9: {  	[sflag:s8] =	ssyncset.done $0x0  }
0xba: {  	[sflag:s8] =	ssyncadd.s32 $0xFFFFFFC0  }
0xbb: {  	[tilespmem:s9], [sflag:$0x8] =	stream.indirect.gather [hbm4b:s4+s29], $0x80, s25, s29, $0xb8;
	[tilespmem:$0x1BC80] =	vst v63  }
0xbc: {  	_ =	swait.ge [sflag:s10], $0x2000  }
0xbd: {  	s2 =	sadd.s32 $0xFFFFFFFE, s21;
	[sflag:s10] =	ssyncset.done $0x0  }
0xbe: {  	p3 =	sge.u32 s2, s6;
	[sflag:s10] =	ssyncadd.s32 $0xFFFFE000  }
0xbf: {  	[spmem:s1] =	stream.indirect.scatter.add.f32 [tilespmem:s0], [sflag:$0x9], $0x80, s22, s29, $0xb8;
	[tilespmem:$0x1BC80] =	vst v63  }
0xc0: {  	s2 =	sadd.s32 @!p3 s17, s19;
	s15 =	simm.s32 @!p3 $0x80;
	_ =	swait.ge [sflag:s7], $0x2000  }
0xc1: {  	s31 =	simm.s32 @!p3 $0x0;
	s2 =	sadd.s32 @!p3 $0x28, s2;
	[sflag:s7] =	ssyncset.done $0x0  }
0xc2: {  	s13 =	sadd.s32 @!p3 s17, s18;
	[sflag:s7] =	ssyncadd.s32 $0xFFFFE000  }
0xc3: {  	[tilespmem:s15], [sflag:$0x2] =	stream.linear.gather @!p3 [hbm4b:s2+s31], $0x40, $0x38;
	[tilespmem:$0x1BC80] =	vst v63  }
0xc4: {  	s20 =	simm.s32 @!p4 $0x1;
	s2 =	sadd.s32 @!p3 $0x28, s13;
	s13 =	simm.s32 @!p3 $0x280  }
0xc5: {  	[tilespmem:s13], [sflag:$0x2] =	stream.linear.gather @!p3 [hbm4b:s2+s31], $0x40, $0x38;
	[tilespmem:$0x1BC80] =	vst v63  }
0xc6: {  	_ =	swait.ge @!p4 [sflag:s20], $0x40  }
0xc7: {  	[sflag:s20] =	ssyncset.done @!p4 $0x0  }
0xc8: {  	[sflag:s20] =	ssyncadd.s32 @!p4 $0xFFFFFFC0  }
0xc9: {  	_ =	swait.ge @!p4 [sflag:s20], $0x40  }
0xca: {  	s2 =	simm.s32 @!p4 $0x40;
	s13 =	simm.s32 @!p4 $0x400;
	[sflag:s20] =	ssyncset.done @!p4 $0x0  }
0xcb: {  	[sflag:s20] =	ssyncadd.s32 @!p4 $0xFFFFFFC0  }
0xcc: {  	[tilespmem:s13], [sflag:$0x5] =	stream.indirect.gather @!p4 [hbm4b:s4+s2], $0x80, s28, s2, $0xb8;
	[tilespmem:$0x1BC80] =	vst v63  }
0xcd: {  	_ =	swait.ge [sflag:s11], $0x2000  }
0xce: {  	[sflag:s11] =	ssyncset.done $0x0  }
0xcf: {  	s2 =	sadd.s32 $0xFFFFFFFF, s21;
	[sflag:s11] =	ssyncadd.s32 $0xFFFFE000  }
0xd0: {  	[spmem:s1] =	stream.indirect.scatter.add.f32 [tilespmem:s3], [sflag:$0x9], $0x80, s24, s29, $0xb8;
	[tilespmem:$0x1BC80] =	vst v63  }
0xd1: {  	p4 =	sge.u32 s2, s6;
	_ =	swait.ge [sflag:s7], $0x2000  }
0xd2: {  	s2 =	sadd.s32 @!p4 s17, s19;
	s13 =	simm.s32 @!p4 $0x0;
	[sflag:s7] =	ssyncset.done $0x0  }
0xd3: {  	s20 =	sadd.s32 @!p4 s17, s18;
	s2 =	sadd.s32 @!p4 $0x30, s2;
	[sflag:s7] =	ssyncadd.s32 $0xFFFFE000  }
0xd4: {  	s28 =	simm.s32 @!p4 $0x100;
	s31 =	simm.s32 @!p4 $0x300;
	s20 =	sadd.s32 @!p4 $0x30, s20  }
0xd5: {  	[tilespmem:s28], [sflag:$0x3] =	stream.linear.gather @!p4 [hbm4b:s2+s13], $0x40, $0x38;
	[tilespmem:$0x1BC80] =	vst v63  }
0xd6: {  	s2 =	simm.s32 @!p3 $0x2  }
0xd7: {  	[tilespmem:s31], [sflag:$0x3] =	stream.linear.gather @!p4 [hbm4b:s20+s13], $0x40, $0x38;
	[tilespmem:$0x1BC80] =	vst v63  }
0xd8: {  	_ =	swait.ge @!p3 [sflag:s2], $0x40  }
0xd9: {  	[sflag:s2] =	ssyncset.done @!p3 $0x0  }
0xda: {  	[sflag:s2] =	ssyncadd.s32 @!p3 $0xFFFFFFC0  }
0xdb: {  	s13 =	simm.s32 @!p3 $0x40;
	s20 =	simm.s32 @!p3 $0x2400;
	_ =	swait.ge @!p3 [sflag:s2], $0x40  }
0xdc: {  	[sflag:s2] =	ssyncset.done @!p3 $0x0  }
0xdd: {  	[sflag:s2] =	ssyncadd.s32 @!p3 $0xFFFFFFC0  }
0xde: {  	[tilespmem:s20], [sflag:$0x6] =	stream.indirect.gather @!p3 [hbm4b:s4+s13], $0x80, s15, s13, $0xb8;
	[tilespmem:$0x1BC80] =	vst v63  }
0xdf: {  	s20 =	simm.s32 $0x200  }
0xe0: {  	_ =	swait.ge [sflag:s12], $0x2000  }
0xe1: {  	p3 =	sge.u32 s21, s6;
	[sflag:s12] =	ssyncset.done $0x0  }
.Ltmp2:
0xe2: {  	s21 =	sadd.s32 $0x4, s21;
	[sflag:s12] =	ssyncadd.s32 $0xFFFFE000;
	(pc) =	sbr.rel @p2 .LBB2_2-.Ltmp2, $4  }
0xe3: {  	[spmem:s1] =	stream.indirect.scatter.add.f32 [tilespmem:s9], [sflag:$0x9], $0x80, s26, s29, $0xb8;
	[tilespmem:$0x1BC80] =	vst v63  }
0xe4: {  	s2 =	sadd.s32 @!p3 s17, s19;
	s28 =	simm.s32 @!p3 $0x180;
	_ =	swait.ge [sflag:s7], $0x2000  }
0xe5: {  	s15 =	simm.s32 @!p3 $0x0;
	s31 =	sadd.s32 @!p3 $0x38, s2;
	[sflag:s7] =	ssyncset.done $0x0  }
0xe6: {  	s17 =	sadd.s32 @!p3 s17, s18;
	s2 =	simm.s32 @!p3 $0x380;
	[sflag:s7] =	ssyncadd.s32 $0xFFFFE000  }
.Ltmp3:
0xe7: {  	(pc) =	sbr.rel @!p1 .LBB2_4-.Ltmp3, $4  }
0xe8: {  	_ = 	snop  }
0xe9: {  	[tilespmem:s28], [sflag:$0x4] =	stream.linear.gather @!p3 [hbm4b:s31+s15], $0x40, $0x38;
	[tilespmem:$0x1BC80] =	vst v63  }
0xea: {  	s13 =	sadd.s32 @!p3 $0x38, s17  }
0xeb: {  	[tilespmem:s2], [sflag:$0x4] =	stream.linear.gather @!p3 [hbm4b:s13+s15], $0x40, $0x38;
	[tilespmem:$0x1BC80] =	vst v63  }
.Ltmp4:
0xec: {  	(pc) =	sbr.rel @p0 .LBB2_7-.Ltmp4, $4  }
.Ltmp5:
0xed: {  	(pc) =	sbr.rel @!p0 .LBB2_6-.Ltmp5, $4  }
0xee: {  	_ = 	snop  }
0xef: {  	[bflag:$0x0] =	sbarrier.arrive $0xFFFF  }
0xf0: {  	s15 =	rddreg [dreg:$0xf]  }
0xf1: {  	_ = 	snop  }
.LBB2_8:
0xf2: {  	_ =	sfence.sel $0x180000  }
0xf3: {  	[bflag:$0x0] =	sbarrier.arrive $0xFFFF  }
0xf4: {  	_ =	strace $0x9000004A  }
0xf5: {  	s0 =	stileid.u32;
	[bflag:$0x2] =	sbarrier.arrive $0xFFFF  }
0xf6: {  	p0 =	sne.s32 s0, $0x0;
	s0 =	rddreg [dreg:$0x2]  }
0xf7: {  	s0 =	sadd.s32 @!p0 $0x100000, s0  }
0xf8: {  	[sflag:s0] =	ssyncadd.tile.s32 @!p0 $0x1;
	_ =	shalt  }
.Lfunc_end2:
_tile_overlayer_lowered:
.L_overlay_start_2:
0xf9: {  	(tag) =	ssettag $0x2  }
0xfa: {  	s0 =	rddreg [dreg:$0x0];
	s2 =	stileid.u32  }
0xfb: {  	s1 =	rddreg [dreg:$0x1];
	p0 =	sne.s32 s2, $0x0  }
0xfc: {  	s3 =	rddreg [dreg:$0x2];
	[bflag:$0x3] =	sbarrier.arrive $0xFFFF;
	s2 =	simm.s32 @!p0 $0x1C09  }
0xfd: {  	[timem:s3], [sflag:s2] =	dma.local @!p0 [hbm:s0], s1  }
0xfe: {  	s0 =	simm.s32 @!p0 $0x9  }
0xff: {  	_ =	swait.ge @!p0 [sflag:s0], s1  }
0x100: {  	s1 =	ssub.s32 @!p0 $0x0, s1;
	[sflag:s0] =	ssyncset.done @!p0 $0x0  }
0x101: {  	[sflag:s0] =	ssyncadd.s32 @!p0 s1  }
0x102: {  	[bflag:$0x3] =	sbarrier.arrive $0xFFFF  }
0x103: {  	_ =	shalt  }

// kernel: kernel.16.cloned.1.call-start
scs
__scs_entry_jumppad:
0x0: {  	(pc) =	sbr.rel $0x88, $3  }
0x1: {  	(tag) =	ssettag $0x0;
	lr =	simm.s32 $0x1  }
0x2: {  	[smem:$0x3F95] =	sst lr;
	_ =	strace $0xD0000000  }
0x3: {  	_ = 	snop  }
0x4: {  	_ = 	snop  }
0x5: {  	_ = 	snop  }
0x6: {  	_ = 	snop  }
0x7: {  	_ = 	snop  }
__scs_overlays_trampoline_lowered:
0x8: {  	[smem:$0x3FA4] =	sst s0  }
0x9: {  	[smem:$0x3FA5] =	sst s1  }
0xa: {  	[smem:$0x3FA6] =	sst s2  }
0xb: {  	[smem:$0x3FA7] =	sst s3  }
0xc: {  	[smem:$0x3FA8] =	sst s4  }
0xd: {  	[smem:$0x3FA9] =	sst s5  }
0xe: {  	[smem:$0x3FAA] =	sst s6  }
0xf: {  	[smem:$0x3FAB] =	sst s7  }
0x10: {  	[smem:$0x3FAC] =	sst s8  }
0x11: {  	[smem:$0x3FAD] =	sst s9;
	s0 =	simm.s32 @!p0 $0x0  }
0x12: {  	s1 =	sld [smem:$0x3F93];
	s0 =	simm.s32 @p0 $0x1  }
0x13: {  	[smem:$0x3FAE] =	sst s0;
	s0 =	simm.s32 @!p1 $0x0  }
0x14: {  	s2 =	sld [smem:$0x3F92];
	s0 =	simm.s32 @p1 $0x1  }
0x15: {  	[smem:$0x3FAF] =	sst s0;
	s0 =	simm.s32 @!p2 $0x0  }
0x16: {  	s3 =	sld [smem:$0x3FDB];
	s0 =	simm.s32 @p2 $0x1  }
0x17: {  	s4 =	simm.s32 $0x1BF5;
	[smem:$0x3FB1] =	sst s0  }
0x18: {  	s0 =	sld [smem:$0x3F94];
	_ =	swait.ge [sflag:s4], $0x0  }
0x19: {  	s7 =	sld [smem:$0x3F95]  }
0x1a: {  	s8 =	sadd.s32 $0xFFFFE003, lr  }
0x1b: {  	s9 =	sadd.s32 $0xFFFFFEF7, lr;
	s5 =	simm.s32 $0xFFFFFFFF;
	p2 =	slt.u32 s8, $0xFFFFF086  }
0x1c: {  	p1 =	slt.u32 s9, $0xF7A;
	s5 =	simm.s32 @!p2 $0x0  }
0x1d: {  	s5 =	simm.s32 @p1 $0x1;
	p0 =	seq.s32 s7, s2  }
0x1e: {  	s7 =	smul.u32 @!p0 $0xF7A, s2;
	p2 =	seq.s32 @!p0 s5, $0x0  }
0x1f: {  	s9 =	smul.u32 $0xF7A, s1;
	s8 =	simm.s32 @!p0 $0x1BF5;
	p2 =	por !p2, p0  }
0x20: {  	[sflag:s8] =	ssyncset.s32 @!p0 $0xFFFFF086;
	s6 =	sadd.s32 @!p0 s3, s7;
	s7 =	simm.s32 @!p0 $0x108  }
0x21: {  	s3 =	sadd.s32 s3, s9;
	s6 =	sadd.s32 @!p0 $0x88, s6;
	s7 =	simm.s32 @p2 $0x1082  }
0x22: {  	[simem:s7], [sflag:s8] =	dma.local @!p0 [hbm:s6], $0xF7A  }
0x23: {  	s9 =	sor.u32 $0xD0000000, s2;
	s6 =	simm.s32 $0x108;
	_ =	swait.ge @!p0 [sflag:s8], $0x0  }
0x24: {  	s3 =	sadd.s32 $0x88, s3;
	s6 =	simm.s32 @!p1 $0x1082;
	[sflag:s4] =	ssyncset.s32 $0xFFFFF086  }
0x25: {  	[simem:s6], [sflag:s4] =	dma.local [hbm:s3], $0xF7A  }
0x26: {  	[smem:$0x3F95] =	sst s1;
	(tag) =	ssettag s2;
	_ =	strace s9  }
0x27: {  	s1 =	sld [smem:$0x3FA5]  }
0x28: {  	s2 =	sld [smem:$0x3FA6]  }
0x29: {  	s4 =	sld [smem:$0x3FA8]  }
0x2a: {  	p0 =	seq.s32 s5, $0x0;
	s5 =	sld [smem:$0x3FA9]  }
0x2b: {  	s6 =	sld [smem:$0x3FAA]  }
0x2c: {  	s7 =	sld [smem:$0x3FAB]  }
0x2d: {  	s3 =	simm.s32 $0x108;
	s8 =	sld [smem:$0x3FAC]  }
0x2e: {  	s3 =	simm.s32 @!p0 $0x1082;
	s9 =	sld [smem:$0x3FAD]  }
0x2f: {  	lr =	sadd.s32 s0, s3;
	s0 =	sld [smem:$0x3FA4]  }
0x30: {  	s3 =	sld [smem:$0x3FA7]  }
0x31: {  	[smem:$0x3FB0] =	sst s10  }
0x32: {  	s10 =	sld [smem:$0x3FAE];
	_ =	sdelay $0x3  }
0x33: {  	p0 =	seq.s32 s10, $0x1;
	s10 =	sld [smem:$0x3FB0];
	_ =	sdelay $0x3  }
0x34: {  	[smem:$0x3FB0] =	sst s10  }
0x35: {  	s10 =	sld [smem:$0x3FAF];
	_ =	sdelay $0x3  }
0x36: {  	p1 =	seq.s32 s10, $0x1;
	s10 =	sld [smem:$0x3FB0];
	_ =	sdelay $0x3  }
0x37: {  	[smem:$0x3FB0] =	sst s10  }
0x38: {  	s10 =	sld [smem:$0x3FB1]  }
0x39: {  	_ = 	snop;
	(pc) =	sbr.ind lr, $3  }
0x3a: {  	_ = 	snop  }
0x3b: {  	_ = 	snop  }
0x3c: {  	p2 =	seq.s32 s10, $0x1;
	s10 =	sld [smem:$0x3FB0]  }
0x3d: {  	_ =	shalt  }
0x3e: {  	_ =	shalt  }
0x3f: {  	_ =	shalt  }
0x40: {  	_ =	shalt  }
0x41: {  	_ =	shalt  }
0x42: {  	_ =	shalt  }
0x43: {  	_ =	shalt  }
0x44: {  	_ =	shalt  }
0x45: {  	_ =	shalt  }
0x46: {  	_ =	shalt  }
0x47: {  	_ =	shalt  }
0x48: {  	_ =	shalt  }
0x49: {  	_ =	shalt  }
0x4a: {  	_ =	shalt  }
0x4b: {  	_ =	shalt  }
0x4c: {  	_ =	shalt  }
0x4d: {  	_ =	shalt  }
0x4e: {  	_ =	shalt  }
0x4f: {  	_ =	shalt  }
0x50: {  	_ =	shalt  }
0x51: {  	_ =	shalt  }
0x52: {  	_ =	shalt  }
0x53: {  	_ =	shalt  }
0x54: {  	_ =	shalt  }
0x55: {  	_ =	shalt  }
0x56: {  	_ =	shalt  }
0x57: {  	_ =	shalt  }
0x58: {  	_ =	shalt  }
0x59: {  	_ =	shalt  }
0x5a: {  	_ =	shalt  }
0x5b: {  	_ =	shalt  }
0x5c: {  	_ =	shalt  }
0x5d: {  	_ =	shalt  }
0x5e: {  	_ =	shalt  }
0x5f: {  	_ =	shalt  }
0x60: {  	_ =	shalt  }
0x61: {  	_ =	shalt  }
0x62: {  	_ =	shalt  }
0x63: {  	_ =	shalt  }
0x64: {  	_ =	shalt  }
0x65: {  	_ =	shalt  }
0x66: {  	_ =	shalt  }
0x67: {  	_ =	shalt  }
0x68: {  	_ =	shalt  }
0x69: {  	_ =	shalt  }
0x6a: {  	_ =	shalt  }
0x6b: {  	_ =	shalt  }
0x6c: {  	_ =	shalt  }
0x6d: {  	_ =	shalt  }
0x6e: {  	_ =	shalt  }
0x6f: {  	_ =	shalt  }
0x70: {  	_ =	shalt  }
0x71: {  	_ =	shalt  }
0x72: {  	_ =	shalt  }
0x73: {  	_ =	shalt  }
0x74: {  	_ =	shalt  }
0x75: {  	_ =	shalt  }
0x76: {  	_ =	shalt  }
0x77: {  	_ =	shalt  }
0x78: {  	_ =	shalt  }
0x79: {  	_ =	shalt  }
0x7a: {  	_ =	shalt  }
0x7b: {  	_ =	shalt  }
0x7c: {  	_ =	shalt  }
0x7d: {  	_ =	shalt  }
0x7e: {  	_ =	shalt  }
0x7f: {  	_ =	shalt  }
0x80: {  	_ =	shalt  }
0x81: {  	_ =	shalt  }
0x82: {  	_ =	shalt  }
0x83: {  	_ =	shalt  }
0x84: {  	_ =	shalt  }
0x85: {  	_ =	shalt  }
0x86: {  	_ =	shalt  }
0x87: {  	_ =	shalt  }
.Lfunc_end0:
.L_simem_size_0:
called_computation.2_lowered:
.L_overlay_start_0:
0x88: {  	s2 =	sld [smem:$0x3FD9]  }
0x89: {  	s3 =	sld [smem:$0x3FFE];
	_ =	sdelay $0x1  }
0x8a: {  	s1 =	srdreg.scid  }
0x8b: {  	s0 =	sand.u32 $0x1, s1  }
0x8c: {  	s16 =	sshll.u32 s0, $0xA;
	s2 =	sadd.s32 s3, s2  }
0x8d: {  	s2 =	sadd.s32 s2, s16  }
0x8e: {  	[smem:$0x3FBC] =	sst s2  }
0x8f: {  	_ = 	snop  }
0x90: {  	(tm) =	ssettm $0x1  }
0x91: {  	s17 =	sld [smem:$0x3FFB];
	_ =	sdelay $0x3  }
0x92: {  	_ =	strace s17  }
0x93: {  	s2 =	sld [smem:$0x3FFC];
	_ =	sdelay $0x3  }
0x94: {  	_ =	strace s2  }
0x95: {  	s2 =	sld [smem:$0x3FFD];
	_ =	sdelay $0x3  }
0x96: {  	_ =	strace s2  }
0x97: {  	_ =	strace $0x8FFFFFFF  }
0x98: {  	s18 =	sld [smem:$0x3FDB];
	_ =	sdelay $0x1  }
0x99: {  	s19 =	simm.s32 $_scs_section_size  }
0x9a: {  	s4 =	simm.s32 $_size__tile_overlayer_lowered;
	s5 =	simm.s32 $_tile_overlayer_lowered  }
0x9b: {  	s22 =	simm.s32 $0x1BFF;
	s21 =	sshll.u32 s5, $0x1;
	s2 =	sadd.s32 s19, s18  }
0x9c: {  	s6 =	simm.s32 $0x0;
	s20 =	sshll.u32 s4, $0x1;
	s4 =	sadd.s32 s21, s2  }
0x9d: {  	[timem:s6], [sflag:s22] =	dma.local [hbm:s4], s20  }
0x9e: {  	_ =	swait.ge [sflag:s22], s20  }
0x9f: {  	s3 =	ssub.s32 $0x0, s20;
	[sflag:s22] =	ssyncset.done $0x0  }
0xa0: {  	[sflag:s22] =	ssyncadd.s32 s3;
	_ =	sdelay $0x1  }
0xa1: {  	s23 =	simm.s32 $0x1B8B  }
0xa2: {  	_ =	swait.ge [sflag:s23], $0x1  }
0xa3: {  	[sflag:s23] =	ssyncset.done $0x0  }
0xa4: {  	s25 =	simm.s32 $0x1B8E;
	s24 =	sld [smem:$0x3FFE];
	[sflag:s23] =	ssyncadd.s32 $0xFFFFFFFF  }
0xa5: {  	s26 =	simm.s32 $execute0_lowered;
	[smem:$0x3FD2] =	sst s25  }
0xa6: {  	s4 =	sshll.u32 s26, $0x1;
	_ =	strace $0x8000004C;
	[dreg:$0x1] =	wrdreg $0xFFFFFFFF  }
0xa7: {  	s28 =	simm.s32 $_size_execute0_lowered;
	s2 =	sadd.s32 s2, s4;
	[dreg:$0x0] =	wrdreg $0x0  }
0xa8: {  	s4 =	sshll.u32 s28, $0x1;
	[dreg:$0x2] =	wrdreg s2  }
0xa9: {  	[dreg:$0x3] =	wrdreg s4  }
0xaa: {  	[dreg:$0x4] =	wrdreg $0xC0  }
0xab: {  	_ =	task [dreg:s6], $0x5FFFF  }
0xac: {  	[dreg:$0x1] =	wrdreg $0xFFFFFFFF  }
0xad: {  	[dreg:$0x0] =	wrdreg $0x60  }
0xae: {  	[dreg:$0x2] =	wrdreg s24  }
0xaf: {  	[dreg:$0x3] =	wrdreg $0x84000  }
0xb0: {  	[dreg:$0x4] =	wrdreg $0x9  }
0xb1: {  	_ =	task.clear_ibuf [dreg:s6], $0x5FFFF;
	_ =	strace $0x9000004C  }
0xb2: {  	s29 =	simm.s32 $0x9;
	_ =	strace $0x8000004E  }
0xb3: {  	_ =	swait.ge [sflag:s29], $0x1  }
0xb4: {  	[sflag:s29] =	ssyncadd.s32 $0xFFFFFFFF  }
0xb5: {  	_ =	strace $0x9000004E  }
0xb6: {  	_ =	sfence  }
0xb7: {  	s30 =	sld [smem:$0x0];
	_ =	sdelay $0x2  }
0xb8: {  	s31 =	sshll.u32 s1, $0xD;
	s1 =	sshrl.u32 s1, $0x2  }
0xb9: {  	s3 =	sand.u32 $0x4000, s31;
	s1 =	sadd.s32 s1, s30  }
0xba: {  	s0 =	sor.u32 s3, s0;
	s1 =	sshll.u32 s1, $0x11  }
0xbb: {  	s0 =	sor.u32 s1, s0  }
0xbc: {  	s0 =	sadd.s32 $0x8F2B, s0  }
0xbd: {  	[sflag:s0] =	ssyncadd.remote.s32 $0x1  }
0xbe: {  	_ =	sfence.sel $0xFFFF  }
0xbf: {  	[dreg:$0x0] =	wrdreg $0xFFFFFFFF;
	(pc) =	sbr.abs _section_cstart, $3  }
0xc0: {  	[dreg:$0x1] =	wrdreg $0xFFFFFFFF  }
0xc1: {  	_ =	task.clear_ibuf [dreg:s6], $0x2FFFF;
	_ =	strace $0x9FFFFFFF  }
0xc2: {  	(tm) =	ssettm $0x7FFFFFFF  }
0xc3: {  	_ =	shalt  }
tec
execute0_lowered:
.L_overlay_start_1:
0x0: {  	(tag) =	ssettag $0x1  }
0x1: {  	s0 =	rddreg [dreg:$0x0]  }
0x2: {  	s1 =	rddreg [dreg:$0x1]  }
0x3: {  	s2 =	simm.s32 $0x0;
	s15 =	srdreg.scid;
	s13 =	stileid.u32  }
0x4: {  	s29 =	simm.s32 $0x40;
	s30 =	simm.s32 $0x400;
	[smem:$0x7FF] =	sst s2  }
0x5: {  	s2 =	sand.u32 $0x1, s15;
	s4 =	sadd.s32 $0x17600, s0;
	s5 =	sadd.s32 $0x3600, s0  }
0x6: {  	s6 =	smul.u32 $0x1F400, s13;
	s7 =	sshll.u32 s13, $0x1;
	s8 =	sadd.s32 $0xD600, s0  }
0x7: {  	s9 =	sadd.s32 $0x79200, s0;
	p0 =	slt.u32 s13, $0x2;
	s22 =	smul.u32 $0x7D000, s13  }
0x8: {  	s12 =	smul.u32 $0x9C, s13;
	p1 =	sgt.u32 s13, $0x1;
	s15 =	simm.s32 $0x0  }
0x9: {  	_ =	strace $0x8000004D;
	s3 =	smul.u32 $0x138800, s2;
	[dreg:$0x3] =	wrdreg s9  }
0xa: {  	s7 =	sor.u32 s2, s7;
	s16 =	ssub.s32 $0x2, s2;
	s2 =	smul.u32 $0x4E, s2  }
0xb: {  	s17 =	smul.u32 $0x4E, s7;
	s10 =	sshrl.u32 s16, $0x1;
	s7 =	smin.u32 s7, $0x4  }
0xc: {  	s25 =	sshrl.u32 s22, $0x2;
	s22 =	simm.s32 $0x280;
	s3 =	sadd.s32 s6, s3  }
0xd: {  	s18 =	ssub.s32 s16, s10;
	s6 =	simm.s32 $0x9E;
	s26 =	sadd.s32 s25, s1  }
0xe: {  	s25 =	simm.s32 $0x180;
	s16 =	simm.s32 $0x3;
	s3 =	sshrl.u32 s3, $0x3  }
0xf: {  	s9 =	sadd.s32 s7, s17;
	s6 =	simm.s32 @!p0 $0x9C;
	s7 =	sadd.s32 s12, s7  }
0x10: {  	[dreg:$0xc] =	wrdreg s26;
	s31 =	smax.u32 s18, $0x1;
	p0 =	sgt.u32 s13, $0x9  }
0x11: {  	s26 =	simm.s32 $0x380;
	s12 =	simm.s32 $0x8;
	s0 =	sadd.s32 s3, s0  }
0x12: {  	s9 =	sshll.u32 s9, $0x4;
	s2 =	sadd.s32 s2, s7;
	[dreg:$0xe] =	wrdreg s31  }
0x13: {  	s3 =	simm.s32 $0x4400;
	s7 =	simm.s32 $0x9;
	s19 =	sadd.s32 s5, s9  }
0x14: {  	s20 =	sor.u32 $0x8, s9;
	s11 =	sadd.s32 s8, s9;
	s23 =	sadd.s32 $0x10, s9  }
0x15: {  	s9 =	sadd.s32 $0x18, s9;
	s0 =	sadd.s32 $0x7D200, s0;
	[dreg:$0x4] =	wrdreg s19  }
0x16: {  	s28 =	sshll.u32 s2, $0x4;
	[dreg:$0x5] =	wrdreg s11;
	s21 =	sadd.s32 s5, s20  }
0x17: {  	s10 =	sadd.s32 s8, s20;
	s14 =	sadd.s32 s5, s23;
	[dreg:$0xd] =	wrdreg s0  }
0x18: {  	s24 =	sadd.s32 s5, s9;
	s9 =	sadd.s32 s8, s9;
	[dreg:$0x6] =	wrdreg s21  }
0x19: {  	s18 =	sadd.s32 s28, s8;
	s19 =	sadd.s32 s28, s5;
	[dreg:$0x7] =	wrdreg s10  }
.Ltmp0:
0x1a: {  	s20 =	simm.s32 $0x200;
	[dreg:$0x8] =	wrdreg s14;
	(pc) =	sbr.rel .LBB2_1-.Ltmp0, $4  }
0x1b: {  	s0 =	simm.s32 $0x2400;
	s5 =	simm.s32 $0x5;
	[dreg:$0xa] =	wrdreg s24  }
0x1c: {  	s11 =	simm.s32 $0x7;
	s10 =	sadd.s32 s8, s23;
	[dreg:$0xb] =	wrdreg s9  }
0x1d: {  	s23 =	simm.s32 $0x100;
	s24 =	simm.s32 $0x300;
	s8 =	simm.s32 $0x4  }
0x1e: {  	s9 =	simm.s32 $0x6400;
	[dreg:$0x9] =	wrdreg s10;
	s10 =	simm.s32 $0x6  }
.LBB2_4:
0x1f: {  	_ =	swait.ge [sflag:s5], $0x2000  }
0x20: {  	[sflag:s5] =	ssyncset.done $0x0  }
0x21: {  	[sflag:s5] =	ssyncadd.s32 $0xFFFFE000  }
0x22: {  	[spmem:s1] =	stream.indirect.scatter.add.f32 [tilespmem:s30], [sflag:$0x9], $0x80, s20, s29, $0xb8;
	[tilespmem:$0x1BC80] =	vst v63  }
0x23: {  	_ =	swait.ge [sflag:s7], $0x2000  }
0x24: {  	[sflag:s7] =	ssyncset.done $0x0  }
0x25: {  	[sflag:s7] =	ssyncadd.s32 $0xFFFFE000  }
0x26: {  	_ =	swait.ge [sflag:s10], $0x2000  }
0x27: {  	[sflag:s10] =	ssyncset.done $0x0  }
0x28: {  	[sflag:s10] =	ssyncadd.s32 $0xFFFFE000  }
0x29: {  	[spmem:s1] =	stream.indirect.scatter.add.f32 [tilespmem:s0], [sflag:$0x9], $0x80, s22, s29, $0xb8;
	[tilespmem:$0x1BC80] =	vst v63  }
0x2a: {  	_ =	swait.ge [sflag:s7], $0x2000  }
0x2b: {  	[sflag:s7] =	ssyncset.done $0x0  }
0x2c: {  	[sflag:s7] =	ssyncadd.s32 $0xFFFFE000  }
0x2d: {  	[bflag:$0x0] =	sbarrier.arrive $0xFFFF  }
0x2e: {  	s15 =	rddreg [dreg:$0xf]  }
.LBB2_6:
0x2f: {  	s2 =	stileid.u32  }
0x30: {  	s13 =	rddreg [dreg:$0xc];
	s2 =	sshll.u32 s2, $0x6  }
0x31: {  	s14 =	rddreg [dreg:$0xd];
	s13 =	sshrl.u32 s13, $0x3;
	s2 =	sor.u32 $0x1C09, s2  }
0x32: {  	[hbm:s14], [sflag:s2] =	dma.local [spmem:s13], $0x3E80  }
0x33: {  	_ =	swait.ge [sflag:s7], $0x3E80  }
0x34: {  	[sflag:s7] =	ssyncset.done $0x0  }
0x35: {  	[sflag:s7] =	ssyncadd.s32 $0xFFFFC180  }
.LBB2_7:
0x36: {  	s15 =	sadd.s32 $0x1, s15;
	s2 =	rddreg [dreg:$0xe]  }
0x37: {  	p2 =	sne.s32 s15, s2  }
.Ltmp1:
0x38: {  	_ = 	snop;
	(pc) =	sbr.rel @!p2 .LBB2_8-.Ltmp1, $1  }
0x39: {  	_ =	sdelay $0x3  }
.LBB2_1:
0x3a: {  	[dreg:$0xf] =	wrdreg s15  }
0x3b: {  	s2 =	simm.s32 $0x0;
	s13 =	rddreg [dreg:$0x4]  }
0x3c: {  	[tilespmem:s2], [sflag:$0x1] =	stream.linear.gather [hbm4b:s13+s2], $0x40, $0x38;
	[tilespmem:$0x1BC80] =	vst v63  }
0x3d: {  	s15 =	rddreg [dreg:$0x5]  }
0x3e: {  	[tilespmem:s20], [sflag:$0x1] =	stream.linear.gather [hbm4b:s15+s2], $0x40, $0x38;
	[tilespmem:$0x1BC80] =	vst v63  }
0x3f: {  	s17 =	rddreg [dreg:$0x6];
	s14 =	simm.s32 $0x80  }
0x40: {  	[tilespmem:s14], [sflag:$0x2] =	stream.linear.gather [hbm4b:s17+s2], $0x40, $0x38;
	[tilespmem:$0x1BC80] =	vst v63  }
0x41: {  	s21 =	rddreg [dreg:$0x7]  }
0x42: {  	[tilespmem:s22], [sflag:$0x2] =	stream.linear.gather [hbm4b:s21+s2], $0x40, $0x38;
	[tilespmem:$0x1BC80] =	vst v63  }
0x43: {  	s15 =	rddreg [dreg:$0x8]  }
0x44: {  	[tilespmem:s23], [sflag:$0x3] =	stream.linear.gather [hbm4b:s15+s2], $0x40, $0x38;
	[tilespmem:$0x1BC80] =	vst v63  }
0x45: {  	s17 =	rddreg [dreg:$0x9]  }
0x46: {  	[tilespmem:s24], [sflag:$0x3] =	stream.linear.gather [hbm4b:s17+s2], $0x40, $0x38;
	[tilespmem:$0x1BC80] =	vst v63  }
0x47: {  	s21 =	rddreg [dreg:$0xa]  }
0x48: {  	[tilespmem:s25], [sflag:$0x4] =	stream.linear.gather [hbm4b:s21+s2], $0x40, $0x38;
	[tilespmem:$0x1BC80] =	vst v63  }
0x49: {  	s15 =	rddreg [dreg:$0xb];
	s17 =	simm.s32 $0x1  }
0x4a: {  	[tilespmem:s26], [sflag:$0x4] =	stream.linear.gather [hbm4b:s15+s2], $0x40, $0x38;
	[tilespmem:$0x1BC80] =	vst v63  }
0x4b: {  	_ =	swait.ge [sflag:s17], $0x40  }
0x4c: {  	[sflag:s17] =	ssyncset.done $0x0  }
0x4d: {  	[sflag:s17] =	ssyncadd.s32 $0xFFFFFFC0  }
0x4e: {  	_ =	swait.ge [sflag:s17], $0x40  }
0x4f: {  	[sflag:s17] =	ssyncset.done $0x0  }
0x50: {  	s21 =	simm.s32 $0x2;
	[sflag:s17] =	ssyncadd.s32 $0xFFFFFFC0  }
0x51: {  	[tilespmem:s30], [sflag:$0x5] =	stream.indirect.gather [hbm4b:s4+s29], $0x80, s2, s29, $0xb8;
	[tilespmem:$0x1BC80] =	vst v63  }
0x52: {  	_ =	swait.ge [sflag:s21], $0x40  }
0x53: {  	[sflag:s21] =	ssyncset.done $0x0  }
0x54: {  	[sflag:s21] =	ssyncadd.s32 $0xFFFFFFC0  }
0x55: {  	_ =	swait.ge [sflag:s21], $0x40  }
0x56: {  	s2 =	stileid.u32;
	[sflag:s21] =	ssyncset.done $0x0  }
0x57: {  	s2 =	sshll.u32 @!p0 s2, $0x6;
	s13 =	rddreg [dreg:$0xc];
	[sflag:s21] =	ssyncadd.s32 $0xFFFFFFC0  }
0x58: {  	[tilespmem:s0], [sflag:$0x6] =	stream.indirect.gather [hbm4b:s4+s29], $0x80, s14, s29, $0xb8;
	[tilespmem:$0x1BC80] =	vst v63  }
0x59: {  	s2 =	sor.u32 @!p0 $0x1C09, s2;
	s14 =	sshrl.u32 @!p0 s13, $0x3;
	s13 =	rddreg [dreg:$0x3]  }
0x5a: {  	[spmem:s14], [sflag:s2] =	dma.local @!p0 [hbm:s13], $0x3E80  }
0x5b: {  	s2 =	simm.s32 @!p0 $0x9  }
0x5c: {  	_ =	swait.ge @!p0 [sflag:s2], $0x3E80  }
0x5d: {  	[sflag:s2] =	ssyncset.done @!p0 $0x0  }
0x5e: {  	[sflag:s2] =	ssyncadd.s32 @!p0 $0xFFFFC180  }
0x5f: {  	[bflag:$0x0] =	sbarrier.arrive $0xFFFF  }
0x60: {  	_ =	swait.ge [sflag:s16], $0x40  }
0x61: {  	[sflag:s16] =	ssyncset.done $0x0  }
0x62: {  	[sflag:s16] =	ssyncadd.s32 $0xFFFFFFC0  }
0x63: {  	_ =	swait.ge [sflag:s16], $0x40  }
0x64: {  	[sflag:s16] =	ssyncset.done $0x0  }
0x65: {  	[sflag:s16] =	ssyncadd.s32 $0xFFFFFFC0  }
0x66: {  	[tilespmem:s3], [sflag:$0x7] =	stream.indirect.gather [hbm4b:s4+s29], $0x80, s23, s29, $0xb8;
	[tilespmem:$0x1BC80] =	vst v63  }
0x67: {  	_ =	swait.ge [sflag:s5], $0x2000  }
0x68: {  	[sflag:s5] =	ssyncset.done $0x0  }
0x69: {  	[sflag:s5] =	ssyncadd.s32 $0xFFFFE000  }
0x6a: {  	[spmem:s1] =	stream.indirect.scatter.add.f32 [tilespmem:s30], [sflag:$0x9], $0x80, s20, s29, $0xb8;
	[tilespmem:$0x1BC80] =	vst v63  }
0x6b: {  	p3 =	sle.u32 s6, $0x4;
	_ =	swait.ge [sflag:s7], $0x2000  }
0x6c: {  	s15 =	simm.s32 @!p3 $0x0;
	s2 =	sadd.s32 @!p3 $0x0, s19;
	[sflag:s7] =	ssyncset.done $0x0  }
0x6d: {  	s14 =	sadd.s32 @!p3 $0x0, s18;
	s2 =	sadd.s32 @!p3 $0x20, s2;
	[sflag:s7] =	ssyncadd.s32 $0xFFFFE000  }
0x6e: {  	[tilespmem:s15], [sflag:$0x1] =	stream.linear.gather @!p3 [hbm4b:s2+s15], $0x40, $0x38;
	[tilespmem:$0x1BC80] =	vst v63  }
0x6f: {  	s2 =	sadd.s32 @!p3 $0x20, s14;
	s14 =	simm.s32 @!p3 $0x200  }
0x70: {  	[tilespmem:s14], [sflag:$0x1] =	stream.linear.gather @!p3 [hbm4b:s2+s15], $0x40, $0x38;
	[tilespmem:$0x1BC80] =	vst v63  }
0x71: {  	_ =	swait.ge [sflag:s8], $0x40  }
0x72: {  	[sflag:s8] =	ssyncset.done $0x0  }
0x73: {  	[sflag:s8] =	ssyncadd.s32 $0xFFFFFFC0  }
0x74: {  	_ =	swait.ge [sflag:s8], $0x40  }
0x75: {  	[sflag:s8] =	ssyncset.done $0x0  }
0x76: {  	[sflag:s8] =	ssyncadd.s32 $0xFFFFFFC0  }
0x77: {  	[tilespmem:s9], [sflag:$0x8] =	stream.indirect.gather [hbm4b:s4+s29], $0x80, s25, s29, $0xb8;
	[tilespmem:$0x1BC80] =	vst v63  }
0x78: {  	_ =	swait.ge [sflag:s10], $0x2000  }
0x79: {  	[sflag:s10] =	ssyncset.done $0x0  }
0x7a: {  	p2 =	sle.u32 s6, $0x5;
	[sflag:s10] =	ssyncadd.s32 $0xFFFFE000  }
0x7b: {  	[spmem:s1] =	stream.indirect.scatter.add.f32 [tilespmem:s0], [sflag:$0x9], $0x80, s22, s29, $0xb8;
	[tilespmem:$0x1BC80] =	vst v63  }
0x7c: {  	s17 =	simm.s32 @!p2 $0x0;
	_ =	swait.ge [sflag:s7], $0x2000  }
0x7d: {  	s21 =	sadd.s32 @!p2 $0x0, s18;
	s2 =	sadd.s32 @!p2 $0x0, s19;
	[sflag:s7] =	ssyncset.done $0x0  }
0x7e: {  	s14 =	simm.s32 @!p2 $0x80;
	s2 =	sadd.s32 @!p2 $0x28, s2;
	[sflag:s7] =	ssyncadd.s32 $0xFFFFE000  }
0x7f: {  	[tilespmem:s14], [sflag:$0x2] =	stream.linear.gather @!p2 [hbm4b:s2+s17], $0x40, $0x38;
	[tilespmem:$0x1BC80] =	vst v63  }
0x80: {  	s28 =	simm.s32 @!p3 $0x1;
	s2 =	sadd.s32 @!p2 $0x28, s21;
	s21 =	simm.s32 @!p2 $0x280  }
0x81: {  	[tilespmem:s21], [sflag:$0x2] =	stream.linear.gather @!p2 [hbm4b:s2+s17], $0x40, $0x38;
	[tilespmem:$0x1BC80] =	vst v63  }
0x82: {  	_ =	swait.ge @!p3 [sflag:s28], $0x40  }
0x83: {  	[sflag:s28] =	ssyncset.done @!p3 $0x0  }
0x84: {  	[sflag:s28] =	ssyncadd.s32 @!p3 $0xFFFFFFC0  }
0x85: {  	_ =	swait.ge @!p3 [sflag:s28], $0x40  }
0x86: {  	[sflag:s28] =	ssyncset.done @!p3 $0x0  }
0x87: {  	s2 =	simm.s32 @!p3 $0x40;
	s17 =	simm.s32 @!p3 $0x400;
	[sflag:s28] =	ssyncadd.s32 @!p3 $0xFFFFFFC0  }
0x88: {  	[tilespmem:s17], [sflag:$0x5] =	stream.indirect.gather @!p3 [hbm4b:s4+s2], $0x80, s15, s2, $0xb8;
	[tilespmem:$0x1BC80] =	vst v63  }
0x89: {  	_ =	swait.ge [sflag:s11], $0x2000  }
0x8a: {  	[sflag:s11] =	ssyncset.done $0x0  }
0x8b: {  	p3 =	sle.u32 s6, $0x6;
	[sflag:s11] =	ssyncadd.s32 $0xFFFFE000  }
0x8c: {  	[spmem:s1] =	stream.indirect.scatter.add.f32 [tilespmem:s3], [sflag:$0x9], $0x80, s24, s29, $0xb8;
	[tilespmem:$0x1BC80] =	vst v63  }
0x8d: {  	s2 =	sadd.s32 @!p3 $0x0, s19;
	_ =	swait.ge [sflag:s7], $0x2000  }
0x8e: {  	s15 =	simm.s32 @!p3 $0x0;
	s17 =	sadd.s32 @!p3 $0x0, s18;
	[sflag:s7] =	ssyncset.done $0x0  }
0x8f: {  	s21 =	simm.s32 @!p3 $0x100;
	s2 =	sadd.s32 @!p3 $0x30, s2;
	[sflag:s7] =	ssyncadd.s32 $0xFFFFE000  }
0x90: {  	[tilespmem:s21], [sflag:$0x3] =	stream.linear.gather @!p3 [hbm4b:s2+s15], $0x40, $0x38;
	[tilespmem:$0x1BC80] =	vst v63  }
0x91: {  	s2 =	sadd.s32 @!p3 $0x30, s17;
	s17 =	simm.s32 @!p3 $0x300;
	s21 =	simm.s32 @!p2 $0x2  }
0x92: {  	[tilespmem:s17], [sflag:$0x3] =	stream.linear.gather @!p3 [hbm4b:s2+s15], $0x40, $0x38;
	[tilespmem:$0x1BC80] =	vst v63  }
0x93: {  	_ =	swait.ge @!p2 [sflag:s21], $0x40  }
0x94: {  	[sflag:s21] =	ssyncset.done @!p2 $0x0  }
0x95: {  	[sflag:s21] =	ssyncadd.s32 @!p2 $0xFFFFFFC0  }
0x96: {  	_ =	swait.ge @!p2 [sflag:s21], $0x40  }
0x97: {  	[sflag:s21] =	ssyncset.done @!p2 $0x0  }
0x98: {  	s2 =	simm.s32 @!p2 $0x40;
	s15 =	simm.s32 @!p2 $0x2400;
	[sflag:s21] =	ssyncadd.s32 @!p2 $0xFFFFFFC0  }
0x99: {  	[tilespmem:s15], [sflag:$0x6] =	stream.indirect.gather @!p2 [hbm4b:s4+s2], $0x80, s14, s2, $0xb8;
	[tilespmem:$0x1BC80] =	vst v63  }
0x9a: {  	_ =	swait.ge [sflag:s12], $0x2000  }
0x9b: {  	p3 =	sle.u32 s6, $0x7;
	[sflag:s12] =	ssyncset.done $0x0  }
0x9c: {  	s28 =	simm.s32 @!p3 $0x180;
	s17 =	sadd.s32 @!p3 $0x0, s18;
	[sflag:s12] =	ssyncadd.s32 $0xFFFFE000  }
0x9d: {  	[spmem:s1] =	stream.indirect.scatter.add.f32 [tilespmem:s9], [sflag:$0x9], $0x80, s26, s29, $0xb8;
	[tilespmem:$0x1BC80] =	vst v63  }
0x9e: {  	s21 =	simm.s32 $0xB;
	s14 =	simm.s32 $0x20;
	_ =	swait.ge [sflag:s7], $0x2000  }
0x9f: {  	s2 =	sadd.s32 @!p3 $0x0, s19;
	s15 =	simm.s32 @!p3 $0x0;
	[sflag:s7] =	ssyncset.done $0x0  }
0xa0: {  	s31 =	sadd.s32 @!p3 $0x38, s2;
	s2 =	simm.s32 @!p3 $0x380;
	[sflag:s7] =	ssyncadd.s32 $0xFFFFE000  }
.LBB2_2:
0xa1: {  	[tilespmem:s28], [sflag:$0x4] =	stream.linear.gather @!p3 [hbm4b:s31+s15], $0x40, $0x38;
	[tilespmem:$0x1BC80] =	vst v63  }
0xa2: {  	s28 =	sadd.s32 @!p3 $0x38, s17;
	s17 =	smov.u32 s14;
	s14 =	sadd.s32 $0x20, s14  }
0xa3: {  	[tilespmem:s2], [sflag:$0x4] =	stream.linear.gather @!p3 [hbm4b:s28+s15], $0x40, $0x38;
	[tilespmem:$0x1BC80] =	vst v63  }
0xa4: {  	p2 =	sne.s32 s14, $0x4E0;
	_ =	swait.ge [sflag:s16], $0x40  }
0xa5: {  	[sflag:s16] =	ssyncset.done $0x0  }
0xa6: {  	[sflag:s16] =	ssyncadd.s32 $0xFFFFFFC0  }
0xa7: {  	_ =	swait.ge [sflag:s16], $0x40  }
0xa8: {  	[sflag:s16] =	ssyncset.done $0x0  }
0xa9: {  	[sflag:s16] =	ssyncadd.s32 $0xFFFFFFC0  }
0xaa: {  	[tilespmem:s3], [sflag:$0x7] =	stream.indirect.gather [hbm4b:s4+s29], $0x80, s23, s29, $0xb8;
	[tilespmem:$0x1BC80] =	vst v63  }
0xab: {  	_ =	swait.ge [sflag:s5], $0x2000  }
0xac: {  	s2 =	sadd.s32 $0xFFFFFFFD, s21;
	[sflag:s5] =	ssyncset.done $0x0  }
0xad: {  	p4 =	sge.u32 s2, s6;
	[sflag:s5] =	ssyncadd.s32 $0xFFFFE000  }
0xae: {  	[spmem:s1] =	stream.indirect.scatter.add.f32 [tilespmem:s30], [sflag:$0x9], $0x80, s20, s29, $0xb8;
	[tilespmem:$0x1BC80] =	vst v63  }
0xaf: {  	s2 =	sadd.s32 @!p4 s17, s19;
	s15 =	sadd.s32 @!p4 s17, s18;
	_ =	swait.ge [sflag:s7], $0x2000  }
0xb0: {  	s28 =	simm.s32 @!p4 $0x0;
	s2 =	sadd.s32 @!p4 $0x20, s2;
	[sflag:s7] =	ssyncset.done $0x0  }
0xb1: {  	s15 =	sadd.s32 @!p4 $0x20, s15;
	[sflag:s7] =	ssyncadd.s32 $0xFFFFE000  }
0xb2: {  	[tilespmem:s28], [sflag:$0x1] =	stream.linear.gather @!p4 [hbm4b:s2+s28], $0x40, $0x38;
	[tilespmem:$0x1BC80] =	vst v63  }
0xb3: {  	s2 =	simm.s32 @!p4 $0x200  }
0xb4: {  	[tilespmem:s2], [sflag:$0x1] =	stream.linear.gather @!p4 [hbm4b:s15+s28], $0x40, $0x38;
	[tilespmem:$0x1BC80] =	vst v63  }
0xb5: {  	_ =	swait.ge [sflag:s8], $0x40  }
0xb6: {  	[sflag:s8] =	ssyncset.done $0x0  }
0xb7: {  	[sflag:s8] =	ssyncadd.s32 $0xFFFFFFC0  }
0xb8: {  	_ =	swait.ge [sflag:s8], $0x40  }
0xb9: {  	[sflag:s8] =	ssyncset.done $0x0  }
0xba: {  	[sflag:s8] =	ssyncadd.s32 $0xFFFFFFC0  }
0xbb: {  	[tilespmem:s9], [sflag:$0x8] =	stream.indirect.gather [hbm4b:s4+s29], $0x80, s25, s29, $0xb8;
	[tilespmem:$0x1BC80] =	vst v63  }
0xbc: {  	_ =	swait.ge [sflag:s10], $0x2000  }
0xbd: {  	s2 =	sadd.s32 $0xFFFFFFFE, s21;
	[sflag:s10] =	ssyncset.done $0x0  }
0xbe: {  	p3 =	sge.u32 s2, s6;
	[sflag:s10] =	ssyncadd.s32 $0xFFFFE000  }
0xbf: {  	[spmem:s1] =	stream.indirect.scatter.add.f32 [tilespmem:s0], [sflag:$0x9], $0x80, s22, s29, $0xb8;
	[tilespmem:$0x1BC80] =	vst v63  }
0xc0: {  	s2 =	sadd.s32 @!p3 s17, s19;
	s15 =	simm.s32 @!p3 $0x80;
	_ =	swait.ge [sflag:s7], $0x2000  }
0xc1: {  	s31 =	simm.s32 @!p3 $0x0;
	s2 =	sadd.s32 @!p3 $0x28, s2;
	[sflag:s7] =	ssyncset.done $0x0  }
0xc2: {  	s13 =	sadd.s32 @!p3 s17, s18;
	[sflag:s7] =	ssyncadd.s32 $0xFFFFE000  }
0xc3: {  	[tilespmem:s15], [sflag:$0x2] =	stream.linear.gather @!p3 [hbm4b:s2+s31], $0x40, $0x38;
	[tilespmem:$0x1BC80] =	vst v63  }
0xc4: {  	s20 =	simm.s32 @!p4 $0x1;
	s2 =	sadd.s32 @!p3 $0x28, s13;
	s13 =	simm.s32 @!p3 $0x280  }
0xc5: {  	[tilespmem:s13], [sflag:$0x2] =	stream.linear.gather @!p3 [hbm4b:s2+s31], $0x40, $0x38;
	[tilespmem:$0x1BC80] =	vst v63  }
0xc6: {  	_ =	swait.ge @!p4 [sflag:s20], $0x40  }
0xc7: {  	[sflag:s20] =	ssyncset.done @!p4 $0x0  }
0xc8: {  	[sflag:s20] =	ssyncadd.s32 @!p4 $0xFFFFFFC0  }
0xc9: {  	_ =	swait.ge @!p4 [sflag:s20], $0x40  }
0xca: {  	s2 =	simm.s32 @!p4 $0x40;
	s13 =	simm.s32 @!p4 $0x400;
	[sflag:s20] =	ssyncset.done @!p4 $0x0  }
0xcb: {  	[sflag:s20] =	ssyncadd.s32 @!p4 $0xFFFFFFC0  }
0xcc: {  	[tilespmem:s13], [sflag:$0x5] =	stream.indirect.gather @!p4 [hbm4b:s4+s2], $0x80, s28, s2, $0xb8;
	[tilespmem:$0x1BC80] =	vst v63  }
0xcd: {  	_ =	swait.ge [sflag:s11], $0x2000  }
0xce: {  	[sflag:s11] =	ssyncset.done $0x0  }
0xcf: {  	s2 =	sadd.s32 $0xFFFFFFFF, s21;
	[sflag:s11] =	ssyncadd.s32 $0xFFFFE000  }
0xd0: {  	[spmem:s1] =	stream.indirect.scatter.add.f32 [tilespmem:s3], [sflag:$0x9], $0x80, s24, s29, $0xb8;
	[tilespmem:$0x1BC80] =	vst v63  }
0xd1: {  	p4 =	sge.u32 s2, s6;
	_ =	swait.ge [sflag:s7], $0x2000  }
0xd2: {  	s2 =	sadd.s32 @!p4 s17, s19;
	s13 =	simm.s32 @!p4 $0x0;
	[sflag:s7] =	ssyncset.done $0x0  }
0xd3: {  	s20 =	sadd.s32 @!p4 s17, s18;
	s2 =	sadd.s32 @!p4 $0x30, s2;
	[sflag:s7] =	ssyncadd.s32 $0xFFFFE000  }
0xd4: {  	s28 =	simm.s32 @!p4 $0x100;
	s31 =	simm.s32 @!p4 $0x300;
	s20 =	sadd.s32 @!p4 $0x30, s20  }
0xd5: {  	[tilespmem:s28], [sflag:$0x3] =	stream.linear.gather @!p4 [hbm4b:s2+s13], $0x40, $0x38;
	[tilespmem:$0x1BC80] =	vst v63  }
0xd6: {  	s2 =	simm.s32 @!p3 $0x2  }
0xd7: {  	[tilespmem:s31], [sflag:$0x3] =	stream.linear.gather @!p4 [hbm4b:s20+s13], $0x40, $0x38;
	[tilespmem:$0x1BC80] =	vst v63  }
0xd8: {  	_ =	swait.ge @!p3 [sflag:s2], $0x40  }
0xd9: {  	[sflag:s2] =	ssyncset.done @!p3 $0x0  }
0xda: {  	[sflag:s2] =	ssyncadd.s32 @!p3 $0xFFFFFFC0  }
0xdb: {  	s13 =	simm.s32 @!p3 $0x40;
	s20 =	simm.s32 @!p3 $0x2400;
	_ =	swait.ge @!p3 [sflag:s2], $0x40  }
0xdc: {  	[sflag:s2] =	ssyncset.done @!p3 $0x0  }
0xdd: {  	[sflag:s2] =	ssyncadd.s32 @!p3 $0xFFFFFFC0  }
0xde: {  	[tilespmem:s20], [sflag:$0x6] =	stream.indirect.gather @!p3 [hbm4b:s4+s13], $0x80, s15, s13, $0xb8;
	[tilespmem:$0x1BC80] =	vst v63  }
0xdf: {  	s20 =	simm.s32 $0x200  }
0xe0: {  	_ =	swait.ge [sflag:s12], $0x2000  }
0xe1: {  	p3 =	sge.u32 s21, s6;
	[sflag:s12] =	ssyncset.done $0x0  }
.Ltmp2:
0xe2: {  	s21 =	sadd.s32 $0x4, s21;
	[sflag:s12] =	ssyncadd.s32 $0xFFFFE000;
	(pc) =	sbr.rel @p2 .LBB2_2-.Ltmp2, $4  }
0xe3: {  	[spmem:s1] =	stream.indirect.scatter.add.f32 [tilespmem:s9], [sflag:$0x9], $0x80, s26, s29, $0xb8;
	[tilespmem:$0x1BC80] =	vst v63  }
0xe4: {  	s2 =	sadd.s32 @!p3 s17, s19;
	s28 =	simm.s32 @!p3 $0x180;
	_ =	swait.ge [sflag:s7], $0x2000  }
0xe5: {  	s15 =	simm.s32 @!p3 $0x0;
	s31 =	sadd.s32 @!p3 $0x38, s2;
	[sflag:s7] =	ssyncset.done $0x0  }
0xe6: {  	s17 =	sadd.s32 @!p3 s17, s18;
	s2 =	simm.s32 @!p3 $0x380;
	[sflag:s7] =	ssyncadd.s32 $0xFFFFE000  }
.Ltmp3:
0xe7: {  	(pc) =	sbr.rel @!p1 .LBB2_4-.Ltmp3, $4  }
0xe8: {  	_ = 	snop  }
0xe9: {  	[tilespmem:s28], [sflag:$0x4] =	stream.linear.gather @!p3 [hbm4b:s31+s15], $0x40, $0x38;
	[tilespmem:$0x1BC80] =	vst v63  }
0xea: {  	s13 =	sadd.s32 @!p3 $0x38, s17  }
0xeb: {  	[tilespmem:s2], [sflag:$0x4] =	stream.linear.gather @!p3 [hbm4b:s13+s15], $0x40, $0x38;
	[tilespmem:$0x1BC80] =	vst v63  }
.Ltmp4:
0xec: {  	(pc) =	sbr.rel @p0 .LBB2_7-.Ltmp4, $4  }
.Ltmp5:
0xed: {  	(pc) =	sbr.rel @!p0 .LBB2_6-.Ltmp5, $4  }
0xee: {  	_ = 	snop  }
0xef: {  	[bflag:$0x0] =	sbarrier.arrive $0xFFFF  }
0xf0: {  	s15 =	rddreg [dreg:$0xf]  }
0xf1: {  	_ = 	snop  }
.LBB2_8:
0xf2: {  	_ =	sfence.sel $0x180000  }
0xf3: {  	[bflag:$0x0] =	sbarrier.arrive $0xFFFF  }
0xf4: {  	_ =	strace $0x9000004D  }
0xf5: {  	s0 =	stileid.u32;
	[bflag:$0x2] =	sbarrier.arrive $0xFFFF  }
0xf6: {  	p0 =	sne.s32 s0, $0x0;
	s0 =	rddreg [dreg:$0x2]  }
0xf7: {  	s0 =	sadd.s32 @!p0 $0x100000, s0  }
0xf8: {  	[sflag:s0] =	ssyncadd.tile.s32 @!p0 $0x1;
	_ =	shalt  }
.Lfunc_end2:
_tile_overlayer_lowered:
.L_overlay_start_2:
0xf9: {  	(tag) =	ssettag $0x2  }
0xfa: {  	s0 =	rddreg [dreg:$0x0];
	s2 =	stileid.u32  }
0xfb: {  	s1 =	rddreg [dreg:$0x1];
	p0 =	sne.s32 s2, $0x0  }
0xfc: {  	s3 =	rddreg [dreg:$0x2];
	[bflag:$0x3] =	sbarrier.arrive $0xFFFF;
	s2 =	simm.s32 @!p0 $0x1C09  }
0xfd: {  	[timem:s3], [sflag:s2] =	dma.local @!p0 [hbm:s0], s1  }
0xfe: {  	s0 =	simm.s32 @!p0 $0x9  }
0xff: {  	_ =	swait.ge @!p0 [sflag:s0], s1  }
0x100: {  	s1 =	ssub.s32 @!p0 $0x0, s1;
	[sflag:s0] =	ssyncset.done @!p0 $0x0  }
0x101: {  	[sflag:s0] =	ssyncadd.s32 @!p0 s1  }
0x102: {  	[bflag:$0x3] =	sbarrier.arrive $0xFFFF  }
0x103: {  	_ =	shalt  }

</sc_bundles>
